<compile_context>
chip_gen: v7x
topology: tpu7x:2x2x1
jax: 0.10.2.dev20260603
libtpu: 0.0.44.dev20260713+nightly
codegen_flags: <defaults>
</compile_context>

<pallas_src>
import functools

import jax
import jax.numpy as jnp
from jax import lax
from jax.experimental import pallas as pl
from jax.experimental.pallas import tpu as pltpu
from jax.experimental.pallas import tpu_sc as plsc

NUM_PL = 4000
NUM_TR = 4000
NUM_AR = 2000
HID = 128
N = NUM_PL + NUM_TR + NUM_AR
NPAD = 10240
NC, NS = 2, 16
TILES = NC * NS
BATCH = 128
CHUNK = 16
NBUF = 4
RROWS = 6144
RDUMMY = 6000
ROWS_PER_TILE = RROWS // NS
SRC_DUMMY = N



def _sc_body(compute_deg, x_hbm, src_hbm, dst_hbm, *refs):
    nb = src_hbm.shape[1]
    if compute_deg:
        (agg_out, deg_out, src_v, dst_v, b0, b1, b2, b3, zbuf, agg_s,
         g0, g1, g2, g3, s0, s1, s2, s3, deg_local) = refs
    else:
        (agg_out, src_v, dst_v, b0, b1, b2, b3, zbuf, agg_s,
         g0, g1, g2, g3, s0, s1, s2, s3) = refs
    bufs = (b0, b1, b2, b3)
    gsems = (g0, g1, g2, g3)
    ssems = (s0, s1, s2, s3)
    cid = lax.axis_index("c")
    sid = lax.axis_index("s")
    wid = cid * NS + sid

    z16 = jnp.zeros((16,), jnp.float32)
    for i in range(8):
        for j in range(HID // 16):
            zbuf[i, pl.ds(j * 16, 16)] = z16

    @pl.loop(0, ROWS_PER_TILE // 8)
    def zero_agg(k):
        pltpu.sync_copy(zbuf, agg_s.at[pl.ds(sid * ROWS_PER_TILE + k * 8, 8)])

    if compute_deg:
        @pl.loop(0, RROWS // 16)
        def zero_deg(k):
            deg_local[pl.ds(k * 16, 16)] = z16

    plsc.subcore_barrier()

    @pl.loop(0, nb // CHUNK)
    def chunk_step(ch):
        pltpu.sync_copy(src_hbm.at[wid, pl.ds(ch * CHUNK, CHUNK)], src_v)
        pltpu.sync_copy(dst_hbm.at[wid, pl.ds(ch * CHUNK, CHUNK)], dst_v)

        copies = [None] * CHUNK
        scats = [None] * CHUNK
        for g in range(NBUF):
            copies[g] = pltpu.async_copy(
                x_hbm.at[src_v.at[g]], bufs[g], gsems[g])
        for g in range(CHUNK):
            copies[g].wait()
            scats[g] = pltpu.async_copy(
                bufs[g % NBUF], agg_s.at[dst_v.at[g]], ssems[g % NBUF],
                add=True)
            ng = g + NBUF
            if ng < CHUNK:
                scats[g].wait()
                copies[ng] = pltpu.async_copy(
                    x_hbm.at[src_v.at[ng]], bufs[g % NBUF], gsems[g % NBUF])
            if compute_deg:
                for j in range(BATCH // 16):
                    idx16 = dst_v[g, pl.ds(j * 16, 16)]
                    cnt, last = plsc.scan_count(idx16)
                    plsc.addupdate_scatter(
                        deg_local, [idx16], cnt.astype(jnp.float32),
                        mask=last)
        for g in range(CHUNK - NBUF, CHUNK):
            scats[g].wait()

    plsc.subcore_barrier()

    for blk in range(ROWS_PER_TILE // BATCH):
        sl = pl.ds(sid * ROWS_PER_TILE + blk * BATCH, BATCH)
        pltpu.sync_copy(agg_s.at[sl], bufs[blk % NBUF])
        pltpu.sync_copy(bufs[blk % NBUF], agg_out.at[cid, sl])
    if compute_deg:
        pltpu.sync_copy(deg_local, deg_out.at[cid, sid])


def _make_sc_segsum(nb, compute_deg):
    mesh = plsc.VectorSubcoreMesh(core_axis_name="c", subcore_axis_name="s",
                                  num_cores=NC, num_subcores=NS)
    out_type = [jax.ShapeDtypeStruct((NC, RROWS, HID), jnp.float32)]
    scratch = [
        pltpu.VMEM((CHUNK, BATCH), jnp.int32),
        pltpu.VMEM((CHUNK, BATCH), jnp.int32),
        pltpu.VMEM((BATCH, HID), jnp.float32),
        pltpu.VMEM((BATCH, HID), jnp.float32),
        pltpu.VMEM((BATCH, HID), jnp.float32),
        pltpu.VMEM((BATCH, HID), jnp.float32),
        pltpu.VMEM((8, HID), jnp.float32),
        pltpu.VMEM_SHARED((RROWS, HID), jnp.float32),
    ] + [pltpu.SemaphoreType.DMA] * 8
    if compute_deg:
        out_type.append(jax.ShapeDtypeStruct((NC, NS, RROWS), jnp.float32))
        scratch.append(pltpu.VMEM((RROWS,), jnp.float32))
    return pl.kernel(
        functools.partial(_sc_body, compute_deg),
        out_type=tuple(out_type),
        mesh=mesh,
        compiler_params=pltpu.CompilerParams(needs_layout_passes=False),
        scratch_types=scratch,
    )



def _x0_body(track_x, pl_emb, ar_emb, te, W, b, out):
    xtr = lax.dot_general(track_x[...], W[...], (((1,), (1,)), ((), ())),
                          preferred_element_type=jnp.float32)
    out[0:NUM_PL, :] = pl_emb[...] + te[0, :][None, :]
    out[NUM_PL:NUM_PL + NUM_TR, :] = xtr + b[0, :][None, :] + te[1, :][None, :]
    out[NUM_PL + NUM_TR:N, :] = ar_emb[...] + te[2, :][None, :]
    out[N:NPAD, :] = jnp.zeros((NPAD - N, HID), jnp.float32)


_x0_call = pl.pallas_call(
    _x0_body,
    out_shape=jax.ShapeDtypeStruct((NPAD, HID), jnp.float32),
)


def _layer_body(aggp, degp, x, Wl, bl, Wr, out):
    agg = jnp.concatenate([
        aggp[0, 0:NUM_PL],
        aggp[1, 0:NUM_TR],
        aggp[0, NUM_PL:NUM_PL + NUM_AR],
        jnp.zeros((NPAD - N, HID), jnp.float32),
    ], axis=0)
    deg0 = jnp.sum(degp[0], axis=0)
    deg1 = jnp.sum(degp[1], axis=0)
    deg = jnp.concatenate([
        deg0[0:NUM_PL],
        deg1[0:NUM_TR],
        deg0[NUM_PL:NUM_PL + NUM_AR],
        jnp.ones((NPAD - N,), jnp.float32),
    ])[:, None]
    inv = 1.0 / jnp.maximum(deg, 1.0)
    h = lax.dot_general(agg * inv, Wl[...], (((1,), (1,)), ((), ())),
                        preferred_element_type=jnp.float32)
    h = h + bl[0, :][None, :]
    h = h + lax.dot_general(x[...], Wr[...], (((1,), (1,)), ((), ())),
                            preferred_element_type=jnp.float32)
    out[...] = jnp.maximum(h, 0.0)


_layer_call = pl.pallas_call(
    _layer_body,
    out_shape=jax.ShapeDtypeStruct((NPAD, HID), jnp.float32),
)



def kernel(track_x, edge_pl_tr, edge_tr_ar, playlist_emb, artist_emb,
           type_emb, track_W, track_b, Wl0, bl0, Wr0, Wl1, bl1, Wr1):
    e1p = edge_pl_tr[0].astype(jnp.int32)
    e1t = edge_pl_tr[1].astype(jnp.int32)
    e2t = edge_tr_ar[0].astype(jnp.int32)
    e2a = edge_tr_ar[1].astype(jnp.int32)
    n_half = e1p.shape[0] + e2a.shape[0]
    nb = -(-n_half // (NS * BATCH * CHUNK)) * CHUNK
    n_pad = NS * nb * BATCH - n_half
    sfill = jnp.full((n_pad,), SRC_DUMMY, jnp.int32)
    dfill = jnp.full((n_pad,), RDUMMY, jnp.int32)
    src0 = jnp.concatenate([e1t + NUM_PL, e2t + NUM_PL, sfill])
    dst0 = jnp.concatenate([e1p, e2a + NUM_PL, dfill])
    src1 = jnp.concatenate([e1p, e2a + NUM_PL + NUM_TR, sfill])
    dst1 = jnp.concatenate([e1t, e2t, dfill])
    src = jnp.concatenate([src0, src1]).reshape(TILES, nb, BATCH)
    dst = jnp.concatenate([dst0, dst1]).reshape(TILES, nb, BATCH)

    te = jnp.zeros((8, HID), jnp.float32).at[0:3].set(type_emb)
    tb = jnp.zeros((8, HID), jnp.float32).at[0].set(track_b)
    b0 = jnp.zeros((8, HID), jnp.float32).at[0].set(bl0)
    b1 = jnp.zeros((8, HID), jnp.float32).at[0].set(bl1)

    x0 = _x0_call(track_x, playlist_emb, artist_emb, te, track_W, tb)

    seg_deg = _make_sc_segsum(nb, True)
    seg = _make_sc_segsum(nb, False)

    agg0, degp = seg_deg(x0, src, dst)
    x1 = _layer_call(agg0, degp, x0, Wl0, b0, Wr0)
    agg1 = seg(x1, src, dst)
    if isinstance(agg1, (tuple, list)):
        agg1 = agg1[0]
    x2 = _layer_call(agg1, degp, x1, Wl1, b1, Wr1)

    return (x2[0:NUM_PL], x2[NUM_PL:NUM_PL + NUM_TR],
            x2[NUM_PL + NUM_TR:N])

# --- scband reference (transcript-rebuilt; emitter-appended) ---
"""Pipeline reference for scband-exphormer-model-16853451669980 (READ-ONLY COPY).

The authoritative reference and input builder live on the scoring server;
editing this copy changes nothing except your own understanding.
"""

import jax, jax.numpy as jnp
import numpy as np

NUM_PL = 4000
NUM_TR = 4000
NUM_AR = 2000
HID = 128
FEAT = 128
N = NUM_PL + NUM_TR + NUM_AR


def setup_inputs(seed: int = 0) -> dict:
    key = jax.random.key(seed)
    ks = jax.random.split(key, 16)
    s = 0.05
    inp = {}
    inp["track_x"] = jax.random.normal(ks[0], (NUM_TR, FEAT), dtype=jnp.float32)
    inp["edge_pl_tr"] = jax.random.randint(ks[1], (2, 120000), 0, 4000)
    inp["edge_tr_ar"] = jax.random.randint(ks[2], (2, 40000), 0, 2000)
    inp["playlist_emb"] = jax.random.normal(ks[3], (NUM_PL, HID), dtype=jnp.float32) * s
    inp["artist_emb"] = jax.random.normal(ks[4], (NUM_AR, HID), dtype=jnp.float32) * s
    inp["type_emb"] = jax.random.normal(ks[5], (3, HID), dtype=jnp.float32) * s
    inp["track_W"] = jax.random.normal(ks[6], (HID, FEAT), dtype=jnp.float32) * s
    inp["track_b"] = jnp.zeros((HID,), jnp.float32)
    inp["Wl0"] = jax.random.normal(ks[7], (HID, HID), dtype=jnp.float32) * s
    inp["bl0"] = jnp.zeros((HID,), jnp.float32)
    inp["Wr0"] = jax.random.normal(ks[8], (HID, HID), dtype=jnp.float32) * s
    inp["Wl1"] = jax.random.normal(ks[9], (HID, HID), dtype=jnp.float32) * s
    inp["bl1"] = jnp.zeros((HID,), jnp.float32)
    inp["Wr1"] = jax.random.normal(ks[10], (HID, HID), dtype=jnp.float32) * s
    return inp


def _sage_conv(x, edge_index, Wl, bl, Wr):
    # PyG SAGEConv with mean aggregation: lin_l(mean_agg(x_src -> dst)) + lin_r(x)
    src = edge_index[0]
    dst = edge_index[1]
    msgs = jnp.take(x, src, axis=0)
    agg = jax.ops.segment_sum(msgs, dst, num_segments=x.shape[0])
    deg = jax.ops.segment_sum(jnp.ones((edge_index.shape[1],), x.dtype), dst, num_segments=x.shape[0])
    agg = agg / jnp.clip(deg, 1.0)[:, None]
    return agg @ Wl.T + bl + x @ Wr.T


def reference(track_x, edge_pl_tr, edge_tr_ar, playlist_emb, artist_emb, type_emb, track_W, track_b, Wl0, bl0, Wr0, Wl1, bl1, Wr1):
    off_pl = 0
    off_tr = off_pl + NUM_PL
    off_ar = off_tr + NUM_TR
    x_pl = playlist_emb  # playlist_emb(arange(num_pl)) == full table
    x_tr = track_x @ track_W.T + track_b
    x_ar = artist_emb
    x = jnp.concatenate([x_pl, x_tr, x_ar], axis=0)
    type_ids = jnp.concatenate([
        jnp.zeros((NUM_PL,), jnp.int32),
        jnp.ones((NUM_TR,), jnp.int32),
        jnp.full((NUM_AR,), 2, jnp.int32),
    ])
    x = x + jnp.take(type_emb, type_ids, axis=0)
    e1 = jnp.stack([edge_pl_tr[0] + off_pl, edge_pl_tr[1] + off_tr])
    e2 = jnp.stack([edge_tr_ar[0] + off_tr, edge_tr_ar[1] + off_ar])
    edge_index = jnp.concatenate([e1, jnp.flip(e1, axis=0), e2, jnp.flip(e2, axis=0)], axis=1)
    for (Wl, bl, Wr) in [(Wl0, bl0, Wr0), (Wl1, bl1, Wr1)]:
        x = jax.nn.relu(_sage_conv(x, edge_index, Wl, bl, Wr))
    return (x[off_pl:off_tr], x[off_tr:off_ar], x[off_ar:off_ar + NUM_AR])

if __name__ == "__main__":
    import jax
    _d = setup_inputs()
    print(jax.jit(kernel)(*tuple(_d.values())))

</pallas_src>

<mosaic_0001>
#map = affine_map<(d0, d1) -> (0, 0)>
#map1 = affine_map<(d0, d1) -> (0, 0, 0)>
module attributes {stable_mosaic.version = 14 : i64} {
  func.func @_sc_body(%arg0: i32, %arg1: i32, %arg2: memref<10240x128xf32, #tpu.memory_space<hbm>>, %arg3: memref<32x80x128xi32, #tpu.memory_space<hbm>>, %arg4: memref<32x80x128xi32, #tpu.memory_space<hbm>>, %arg5: memref<2x6144x128xf32, #tpu.memory_space<hbm>>, %arg6: memref<2x16x6144xf32, #tpu.memory_space<hbm>>, %arg7: memref<16x128xi32, #tpu.memory_space<vmem>>, %arg8: memref<16x128xi32, #tpu.memory_space<vmem>>, %arg9: memref<128x128xf32, #tpu.memory_space<vmem>>, %arg10: memref<128x128xf32, #tpu.memory_space<vmem>>, %arg11: memref<128x128xf32, #tpu.memory_space<vmem>>, %arg12: memref<128x128xf32, #tpu.memory_space<vmem>>, %arg13: memref<8x128xf32, #tpu.memory_space<vmem>>, %arg14: memref<6144x128xf32, #tpu.memory_space<vmem_shared>>, %arg15: memref<!tpu.dma_semaphore, #tpu.memory_space<semaphore_mem>>, %arg16: memref<!tpu.dma_semaphore, #tpu.memory_space<semaphore_mem>>, %arg17: memref<!tpu.dma_semaphore, #tpu.memory_space<semaphore_mem>>, %arg18: memref<!tpu.dma_semaphore, #tpu.memory_space<semaphore_mem>>, %arg19: memref<!tpu.dma_semaphore, #tpu.memory_space<semaphore_mem>>, %arg20: memref<!tpu.dma_semaphore, #tpu.memory_space<semaphore_mem>>, %arg21: memref<!tpu.dma_semaphore, #tpu.memory_space<semaphore_mem>>, %arg22: memref<!tpu.dma_semaphore, #tpu.memory_space<semaphore_mem>>, %arg23: memref<6144xf32, #tpu.memory_space<vmem>>) attributes {dimension_semantics = [#tpu.dimension_semantics<core_parallel>, #tpu.dimension_semantics<subcore_parallel>], iteration_bounds = array<i64: 2, 16>, scalar_prefetch = 0 : i64, scratch_operands = 17 : i64, tpu.core_type = #tpu.core_type<sc_vector_subcore>, window_params = [{transform_indices = #map}, {transform_indices = #map1}, {transform_indices = #map1}, {transform_indices = #map1}, {transform_indices = #map1}]} {
    %mul3A = arith.constant 16 : i32
    %mul3A_0 = arith.muli %arg0, %mul3A : i32
    %add3A = arith.addi %mul3A_0, %arg1 : i32
    %broadcast_in_dim3A = arith.constant 0.000000e+00 : f32
    %broadcast_in_dim3A_1 = vector.broadcast %broadcast_in_dim3A : f32 to vector<16xf32>
    %swap3A = arith.constant 0 : i32
    %swap3A_2 = arith.index_cast %swap3A : i32 to index
    %swap3A_3 = arith.constant 0 : index
    %swap3A_4 = tpu.vector_load %arg13[%swap3A_2, %swap3A_3] {strides = array<i32>} : memref<8x128xf32, #tpu.memory_space<vmem>>, vector<16xf32>,
    tpu.vector_store %arg13[%swap3A_2, %swap3A_3], %broadcast_in_dim3A_1 {strides = array<i32>} : memref<8x128xf32, #tpu.memory_space<vmem>>, vector<16xf32>,
    %swap3A_5 = arith.constant 0 : i32
    %swap3A_6 = arith.index_cast %swap3A_5 : i32 to index
    %swap3A_7 = arith.constant 16 : index
    %swap3A_8 = tpu.vector_load %arg13[%swap3A_6, %swap3A_7] {strides = array<i32>} : memref<8x128xf32, #tpu.memory_space<vmem>>, vector<16xf32>,
    tpu.vector_store %arg13[%swap3A_6, %swap3A_7], %broadcast_in_dim3A_1 {strides = array<i32>} : memref<8x128xf32, #tpu.memory_space<vmem>>, vector<16xf32>,
    %swap3A_9 = arith.constant 0 : i32
    %swap3A_10 = arith.index_cast %swap3A_9 : i32 to index
    %swap3A_11 = arith.constant 32 : index
    %swap3A_12 = tpu.vector_load %arg13[%swap3A_10, %swap3A_11] {strides = array<i32>} : memref<8x128xf32, #tpu.memory_space<vmem>>, vector<16xf32>,
    tpu.vector_store %arg13[%swap3A_10, %swap3A_11], %broadcast_in_dim3A_1 {strides = array<i32>} : memref<8x128xf32, #tpu.memory_space<vmem>>, vector<16xf32>,
    %swap3A_13 = arith.constant 0 : i32
    %swap3A_14 = arith.index_cast %swap3A_13 : i32 to index
    %swap3A_15 = arith.constant 48 : index
    %swap3A_16 = tpu.vector_load %arg13[%swap3A_14, %swap3A_15] {strides = array<i32>} : memref<8x128xf32, #tpu.memory_space<vmem>>, vector<16xf32>,
    tpu.vector_store %arg13[%swap3A_14, %swap3A_15], %broadcast_in_dim3A_1 {strides = array<i32>} : memref<8x128xf32, #tpu.memory_space<vmem>>, vector<16xf32>,
    %swap3A_17 = arith.constant 0 : i32
    %swap3A_18 = arith.index_cast %swap3A_17 : i32 to index
    %swap3A_19 = arith.constant 64 : index
    %swap3A_20 = tpu.vector_load %arg13[%swap3A_18, %swap3A_19] {strides = array<i32>} : memref<8x128xf32, #tpu.memory_space<vmem>>, vector<16xf32>,
    tpu.vector_store %arg13[%swap3A_18, %swap3A_19], %broadcast_in_dim3A_1 {strides = array<i32>} : memref<8x128xf32, #tpu.memory_space<vmem>>, vector<16xf32>,
    %swap3A_21 = arith.constant 0 : i32
    %swap3A_22 = arith.index_cast %swap3A_21 : i32 to index
    %swap3A_23 = arith.constant 80 : index
    %swap3A_24 = tpu.vector_load %arg13[%swap3A_22, %swap3A_23] {strides = array<i32>} : memref<8x128xf32, #tpu.memory_space<vmem>>, vector<16xf32>,
    tpu.vector_store %arg13[%swap3A_22, %swap3A_23], %broadcast_in_dim3A_1 {strides = array<i32>} : memref<8x128xf32, #tpu.memory_space<vmem>>, vector<16xf32>,
    %swap3A_25 = arith.constant 0 : i32
    %swap3A_26 = arith.index_cast %swap3A_25 : i32 to index
    %swap3A_27 = arith.constant 96 : index
    %swap3A_28 = tpu.vector_load %arg13[%swap3A_26, %swap3A_27] {strides = array<i32>} : memref<8x128xf32, #tpu.memory_space<vmem>>, vector<16xf32>,
    tpu.vector_store %arg13[%swap3A_26, %swap3A_27], %broadcast_in_dim3A_1 {strides = array<i32>} : memref<8x128xf32, #tpu.memory_space<vmem>>, vector<16xf32>,
    %swap3A_29 = arith.constant 0 : i32
    %swap3A_30 = arith.index_cast %swap3A_29 : i32 to index
    %swap3A_31 = arith.constant 112 : index
    %swap3A_32 = tpu.vector_load %arg13[%swap3A_30, %swap3A_31] {strides = array<i32>} : memref<8x128xf32, #tpu.memory_space<vmem>>, vector<16xf32>,
    tpu.vector_store %arg13[%swap3A_30, %swap3A_31], %broadcast_in_dim3A_1 {strides = array<i32>} : memref<8x128xf32, #tpu.memory_space<vmem>>, vector<16xf32>,
    %swap3A_33 = arith.constant 1 : i32
    %swap3A_34 = arith.index_cast %swap3A_33 : i32 to index
    %swap3A_35 = arith.constant 0 : index
    %swap3A_36 = tpu.vector_load %arg13[%swap3A_34, %swap3A_35] {strides = array<i32>} : memref<8x128xf32, #tpu.memory_space<vmem>>, vector<16xf32>,
    tpu.vector_store %arg13[%swap3A_34, %swap3A_35], %broadcast_in_dim3A_1 {strides = array<i32>} : memref<8x128xf32, #tpu.memory_space<vmem>>, vector<16xf32>,
    %swap3A_37 = arith.constant 1 : i32
    %swap3A_38 = arith.index_cast %swap3A_37 : i32 to index
    %swap3A_39 = arith.constant 16 : index
    %swap3A_40 = tpu.vector_load %arg13[%swap3A_38, %swap3A_39] {strides = array<i32>} : memref<8x128xf32, #tpu.memory_space<vmem>>, vector<16xf32>,
    tpu.vector_store %arg13[%swap3A_38, %swap3A_39], %broadcast_in_dim3A_1 {strides = array<i32>} : memref<8x128xf32, #tpu.memory_space<vmem>>, vector<16xf32>,
    %swap3A_41 = arith.constant 1 : i32
    %swap3A_42 = arith.index_cast %swap3A_41 : i32 to index
    %swap3A_43 = arith.constant 32 : index
    %swap3A_44 = tpu.vector_load %arg13[%swap3A_42, %swap3A_43] {strides = array<i32>} : memref<8x128xf32, #tpu.memory_space<vmem>>, vector<16xf32>,
    tpu.vector_store %arg13[%swap3A_42, %swap3A_43], %broadcast_in_dim3A_1 {strides = array<i32>} : memref<8x128xf32, #tpu.memory_space<vmem>>, vector<16xf32>,
    %swap3A_45 = arith.constant 1 : i32
    %swap3A_46 = arith.index_cast %swap3A_45 : i32 to index
    %swap3A_47 = arith.constant 48 : index
    %swap3A_48 = tpu.vector_load %arg13[%swap3A_46, %swap3A_47] {strides = array<i32>} : memref<8x128xf32, #tpu.memory_space<vmem>>, vector<16xf32>,
    tpu.vector_store %arg13[%swap3A_46, %swap3A_47], %broadcast_in_dim3A_1 {strides = array<i32>} : memref<8x128xf32, #tpu.memory_space<vmem>>, vector<16xf32>,
    %swap3A_49 = arith.constant 1 : i32
    %swap3A_50 = arith.index_cast %swap3A_49 : i32 to index
    %swap3A_51 = arith.constant 64 : index
    %swap3A_52 = tpu.vector_load %arg13[%swap3A_50, %swap3A_51] {strides = array<i32>} : memref<8x128xf32, #tpu.memory_space<vmem>>, vector<16xf32>,
    tpu.vector_store %arg13[%swap3A_50, %swap3A_51], %broadcast_in_dim3A_1 {strides = array<i32>} : memref<8x128xf32, #tpu.memory_space<vmem>>, vector<16xf32>,
    %swap3A_53 = arith.constant 1 : i32
    %swap3A_54 = arith.index_cast %swap3A_53 : i32 to index
    %swap3A_55 = arith.constant 80 : index
    %swap3A_56 = tpu.vector_load %arg13[%swap3A_54, %swap3A_55] {strides = array<i32>} : memref<8x128xf32, #tpu.memory_space<vmem>>, vector<16xf32>,
    tpu.vector_store %arg13[%swap3A_54, %swap3A_55], %broadcast_in_dim3A_1 {strides = array<i32>} : memref<8x128xf32, #tpu.memory_space<vmem>>, vector<16xf32>,
    %swap3A_57 = arith.constant 1 : i32
    %swap3A_58 = arith.index_cast %swap3A_57 : i32 to index
    %swap3A_59 = arith.constant 96 : index
    %swap3A_60 = tpu.vector_load %arg13[%swap3A_58, %swap3A_59] {strides = array<i32>} : memref<8x128xf32, #tpu.memory_space<vmem>>, vector<16xf32>,
    tpu.vector_store %arg13[%swap3A_58, %swap3A_59], %broadcast_in_dim3A_1 {strides = array<i32>} : memref<8x128xf32, #tpu.memory_space<vmem>>, vector<16xf32>,
    %swap3A_61 = arith.constant 1 : i32
    %swap3A_62 = arith.index_cast %swap3A_61 : i32 to index
    %swap3A_63 = arith.constant 112 : index
    %swap3A_64 = tpu.vector_load %arg13[%swap3A_62, %swap3A_63] {strides = array<i32>} : memref<8x128xf32, #tpu.memory_space<vmem>>, vector<16xf32>,
    tpu.vector_store %arg13[%swap3A_62, %swap3A_63], %broadcast_in_dim3A_1 {strides = array<i32>} : memref<8x128xf32, #tpu.memory_space<vmem>>, vector<16xf32>,
    %swap3A_65 = arith.constant 2 : i32
    %swap3A_66 = arith.index_cast %swap3A_65 : i32 to index
    %swap3A_67 = arith.constant 0 : index
    %swap3A_68 = tpu.vector_load %arg13[%swap3A_66, %swap3A_67] {strides = array<i32>} : memref<8x128xf32, #tpu.memory_space<vmem>>, vector<16xf32>,
    tpu.vector_store %arg13[%swap3A_66, %swap3A_67], %broadcast_in_dim3A_1 {strides = array<i32>} : memref<8x128xf32, #tpu.memory_space<vmem>>, vector<16xf32>,
    %swap3A_69 = arith.constant 2 : i32
    %swap3A_70 = arith.index_cast %swap3A_69 : i32 to index
    %swap3A_71 = arith.constant 16 : index
    %swap3A_72 = tpu.vector_load %arg13[%swap3A_70, %swap3A_71] {strides = array<i32>} : memref<8x128xf32, #tpu.memory_space<vmem>>, vector<16xf32>,
    tpu.vector_store %arg13[%swap3A_70, %swap3A_71], %broadcast_in_dim3A_1 {strides = array<i32>} : memref<8x128xf32, #tpu.memory_space<vmem>>, vector<16xf32>,
    %swap3A_73 = arith.constant 2 : i32
    %swap3A_74 = arith.index_cast %swap3A_73 : i32 to index
    %swap3A_75 = arith.constant 32 : index
    %swap3A_76 = tpu.vector_load %arg13[%swap3A_74, %swap3A_75] {strides = array<i32>} : memref<8x128xf32, #tpu.memory_space<vmem>>, vector<16xf32>,
    tpu.vector_store %arg13[%swap3A_74, %swap3A_75], %broadcast_in_dim3A_1 {strides = array<i32>} : memref<8x128xf32, #tpu.memory_space<vmem>>, vector<16xf32>,
    %swap3A_77 = arith.constant 2 : i32
    %swap3A_78 = arith.index_cast %swap3A_77 : i32 to index
    %swap3A_79 = arith.constant 48 : index
    %swap3A_80 = tpu.vector_load %arg13[%swap3A_78, %swap3A_79] {strides = array<i32>} : memref<8x128xf32, #tpu.memory_space<vmem>>, vector<16xf32>,
    tpu.vector_store %arg13[%swap3A_78, %swap3A_79], %broadcast_in_dim3A_1 {strides = array<i32>} : memref<8x128xf32, #tpu.memory_space<vmem>>, vector<16xf32>,
    %swap3A_81 = arith.constant 2 : i32
    %swap3A_82 = arith.index_cast %swap3A_81 : i32 to index
    %swap3A_83 = arith.constant 64 : index
    %swap3A_84 = tpu.vector_load %arg13[%swap3A_82, %swap3A_83] {strides = array<i32>} : memref<8x128xf32, #tpu.memory_space<vmem>>, vector<16xf32>,
    tpu.vector_store %arg13[%swap3A_82, %swap3A_83], %broadcast_in_dim3A_1 {strides = array<i32>} : memref<8x128xf32, #tpu.memory_space<vmem>>, vector<16xf32>,
    %swap3A_85 = arith.constant 2 : i32
    %swap3A_86 = arith.index_cast %swap3A_85 : i32 to index
    %swap3A_87 = arith.constant 80 : index
    %swap3A_88 = tpu.vector_load %arg13[%swap3A_86, %swap3A_87] {strides = array<i32>} : memref<8x128xf32, #tpu.memory_space<vmem>>, vector<16xf32>,
    tpu.vector_store %arg13[%swap3A_86, %swap3A_87], %broadcast_in_dim3A_1 {strides = array<i32>} : memref<8x128xf32, #tpu.memory_space<vmem>>, vector<16xf32>,
    %swap3A_89 = arith.constant 2 : i32
    %swap3A_90 = arith.index_cast %swap3A_89 : i32 to index
    %swap3A_91 = arith.constant 96 : index
    %swap3A_92 = tpu.vector_load %arg13[%swap3A_90, %swap3A_91] {strides = array<i32>} : memref<8x128xf32, #tpu.memory_space<vmem>>, vector<16xf32>,
    tpu.vector_store %arg13[%swap3A_90, %swap3A_91], %broadcast_in_dim3A_1 {strides = array<i32>} : memref<8x128xf32, #tpu.memory_space<vmem>>, vector<16xf32>,
    %swap3A_93 = arith.constant 2 : i32
    %swap3A_94 = arith.index_cast %swap3A_93 : i32 to index
    %swap3A_95 = arith.constant 112 : index
    %swap3A_96 = tpu.vector_load %arg13[%swap3A_94, %swap3A_95] {strides = array<i32>} : memref<8x128xf32, #tpu.memory_space<vmem>>, vector<16xf32>,
    tpu.vector_store %arg13[%swap3A_94, %swap3A_95], %broadcast_in_dim3A_1 {strides = array<i32>} : memref<8x128xf32, #tpu.memory_space<vmem>>, vector<16xf32>,
    %swap3A_97 = arith.constant 3 : i32
    %swap3A_98 = arith.index_cast %swap3A_97 : i32 to index
    %swap3A_99 = arith.constant 0 : index
    %swap3A_100 = tpu.vector_load %arg13[%swap3A_98, %swap3A_99] {strides = array<i32>} : memref<8x128xf32, #tpu.memory_space<vmem>>, vector<16xf32>,
    tpu.vector_store %arg13[%swap3A_98, %swap3A_99], %broadcast_in_dim3A_1 {strides = array<i32>} : memref<8x128xf32, #tpu.memory_space<vmem>>, vector<16xf32>,
    %swap3A_101 = arith.constant 3 : i32
    %swap3A_102 = arith.index_cast %swap3A_101 : i32 to index
    %swap3A_103 = arith.constant 16 : index
    %swap3A_104 = tpu.vector_load %arg13[%swap3A_102, %swap3A_103] {strides = array<i32>} : memref<8x128xf32, #tpu.memory_space<vmem>>, vector<16xf32>,
    tpu.vector_store %arg13[%swap3A_102, %swap3A_103], %broadcast_in_dim3A_1 {strides = array<i32>} : memref<8x128xf32, #tpu.memory_space<vmem>>, vector<16xf32>,
    %swap3A_105 = arith.constant 3 : i32
    %swap3A_106 = arith.index_cast %swap3A_105 : i32 to index
    %swap3A_107 = arith.constant 32 : index
    %swap3A_108 = tpu.vector_load %arg13[%swap3A_106, %swap3A_107] {strides = array<i32>} : memref<8x128xf32, #tpu.memory_space<vmem>>, vector<16xf32>,
    tpu.vector_store %arg13[%swap3A_106, %swap3A_107], %broadcast_in_dim3A_1 {strides = array<i32>} : memref<8x128xf32, #tpu.memory_space<vmem>>, vector<16xf32>,
    %swap3A_109 = arith.constant 3 : i32
    %swap3A_110 = arith.index_cast %swap3A_109 : i32 to index
    %swap3A_111 = arith.constant 48 : index
    %swap3A_112 = tpu.vector_load %arg13[%swap3A_110, %swap3A_111] {strides = array<i32>} : memref<8x128xf32, #tpu.memory_space<vmem>>, vector<16xf32>,
    tpu.vector_store %arg13[%swap3A_110, %swap3A_111], %broadcast_in_dim3A_1 {strides = array<i32>} : memref<8x128xf32, #tpu.memory_space<vmem>>, vector<16xf32>,
    %swap3A_113 = arith.constant 3 : i32
    %swap3A_114 = arith.index_cast %swap3A_113 : i32 to index
    %swap3A_115 = arith.constant 64 : index
    %swap3A_116 = tpu.vector_load %arg13[%swap3A_114, %swap3A_115] {strides = array<i32>} : memref<8x128xf32, #tpu.memory_space<vmem>>, vector<16xf32>,
    tpu.vector_store %arg13[%swap3A_114, %swap3A_115], %broadcast_in_dim3A_1 {strides = array<i32>} : memref<8x128xf32, #tpu.memory_space<vmem>>, vector<16xf32>,
    %swap3A_117 = arith.constant 3 : i32
    %swap3A_118 = arith.index_cast %swap3A_117 : i32 to index
    %swap3A_119 = arith.constant 80 : index
    %swap3A_120 = tpu.vector_load %arg13[%swap3A_118, %swap3A_119] {strides = array<i32>} : memref<8x128xf32, #tpu.memory_space<vmem>>, vector<16xf32>,
    tpu.vector_store %arg13[%swap3A_118, %swap3A_119], %broadcast_in_dim3A_1 {strides = array<i32>} : memref<8x128xf32, #tpu.memory_space<vmem>>, vector<16xf32>,
    %swap3A_121 = arith.constant 3 : i32
    %swap3A_122 = arith.index_cast %swap3A_121 : i32 to index
    %swap3A_123 = arith.constant 96 : index
    %swap3A_124 = tpu.vector_load %arg13[%swap3A_122, %swap3A_123] {strides = array<i32>} : memref<8x128xf32, #tpu.memory_space<vmem>>, vector<16xf32>,
    tpu.vector_store %arg13[%swap3A_122, %swap3A_123], %broadcast_in_dim3A_1 {strides = array<i32>} : memref<8x128xf32, #tpu.memory_space<vmem>>, vector<16xf32>,
    %swap3A_125 = arith.constant 3 : i32
    %swap3A_126 = arith.index_cast %swap3A_125 : i32 to index
    %swap3A_127 = arith.constant 112 : index
    %swap3A_128 = tpu.vector_load %arg13[%swap3A_126, %swap3A_127] {strides = array<i32>} : memref<8x128xf32, #tpu.memory_space<vmem>>, vector<16xf32>,
    tpu.vector_store %arg13[%swap3A_126, %swap3A_127], %broadcast_in_dim3A_1 {strides = array<i32>} : memref<8x128xf32, #tpu.memory_space<vmem>>, vector<16xf32>,
    %swap3A_129 = arith.constant 4 : i32
    %swap3A_130 = arith.index_cast %swap3A_129 : i32 to index
    %swap3A_131 = arith.constant 0 : index
    %swap3A_132 = tpu.vector_load %arg13[%swap3A_130, %swap3A_131] {strides = array<i32>} : memref<8x128xf32, #tpu.memory_space<vmem>>, vector<16xf32>,
    tpu.vector_store %arg13[%swap3A_130, %swap3A_131], %broadcast_in_dim3A_1 {strides = array<i32>} : memref<8x128xf32, #tpu.memory_space<vmem>>, vector<16xf32>,
    %swap3A_133 = arith.constant 4 : i32
    %swap3A_134 = arith.index_cast %swap3A_133 : i32 to index
    %swap3A_135 = arith.constant 16 : index
    %swap3A_136 = tpu.vector_load %arg13[%swap3A_134, %swap3A_135] {strides = array<i32>} : memref<8x128xf32, #tpu.memory_space<vmem>>, vector<16xf32>,
    tpu.vector_store %arg13[%swap3A_134, %swap3A_135], %broadcast_in_dim3A_1 {strides = array<i32>} : memref<8x128xf32, #tpu.memory_space<vmem>>, vector<16xf32>,
    %swap3A_137 = arith.constant 4 : i32
    %swap3A_138 = arith.index_cast %swap3A_137 : i32 to index
    %swap3A_139 = arith.constant 32 : index
    %swap3A_140 = tpu.vector_load %arg13[%swap3A_138, %swap3A_139] {strides = array<i32>} : memref<8x128xf32, #tpu.memory_space<vmem>>, vector<16xf32>,
    tpu.vector_store %arg13[%swap3A_138, %swap3A_139], %broadcast_in_dim3A_1 {strides = array<i32>} : memref<8x128xf32, #tpu.memory_space<vmem>>, vector<16xf32>,
    %swap3A_141 = arith.constant 4 : i32
    %swap3A_142 = arith.index_cast %swap3A_141 : i32 to index
    %swap3A_143 = arith.constant 48 : index
    %swap3A_144 = tpu.vector_load %arg13[%swap3A_142, %swap3A_143] {strides = array<i32>} : memref<8x128xf32, #tpu.memory_space<vmem>>, vector<16xf32>,
    tpu.vector_store %arg13[%swap3A_142, %swap3A_143], %broadcast_in_dim3A_1 {strides = array<i32>} : memref<8x128xf32, #tpu.memory_space<vmem>>, vector<16xf32>,
    %swap3A_145 = arith.constant 4 : i32
    %swap3A_146 = arith.index_cast %swap3A_145 : i32 to index
    %swap3A_147 = arith.constant 64 : index
    %swap3A_148 = tpu.vector_load %arg13[%swap3A_146, %swap3A_147] {strides = array<i32>} : memref<8x128xf32, #tpu.memory_space<vmem>>, vector<16xf32>,
    tpu.vector_store %arg13[%swap3A_146, %swap3A_147], %broadcast_in_dim3A_1 {strides = array<i32>} : memref<8x128xf32, #tpu.memory_space<vmem>>, vector<16xf32>,
    %swap3A_149 = arith.constant 4 : i32
    %swap3A_150 = arith.index_cast %swap3A_149 : i32 to index
    %swap3A_151 = arith.constant 80 : index
    %swap3A_152 = tpu.vector_load %arg13[%swap3A_150, %swap3A_151] {strides = array<i32>} : memref<8x128xf32, #tpu.memory_space<vmem>>, vector<16xf32>,
    tpu.vector_store %arg13[%swap3A_150, %swap3A_151], %broadcast_in_dim3A_1 {strides = array<i32>} : memref<8x128xf32, #tpu.memory_space<vmem>>, vector<16xf32>,
    %swap3A_153 = arith.constant 4 : i32
    %swap3A_154 = arith.index_cast %swap3A_153 : i32 to index
    %swap3A_155 = arith.constant 96 : index
    %swap3A_156 = tpu.vector_load %arg13[%swap3A_154, %swap3A_155] {strides = array<i32>} : memref<8x128xf32, #tpu.memory_space<vmem>>, vector<16xf32>,
    tpu.vector_store %arg13[%swap3A_154, %swap3A_155], %broadcast_in_dim3A_1 {strides = array<i32>} : memref<8x128xf32, #tpu.memory_space<vmem>>, vector<16xf32>,
    %swap3A_157 = arith.constant 4 : i32
    %swap3A_158 = arith.index_cast %swap3A_157 : i32 to index
    %swap3A_159 = arith.constant 112 : index
    %swap3A_160 = tpu.vector_load %arg13[%swap3A_158, %swap3A_159] {strides = array<i32>} : memref<8x128xf32, #tpu.memory_space<vmem>>, vector<16xf32>,
    tpu.vector_store %arg13[%swap3A_158, %swap3A_159], %broadcast_in_dim3A_1 {strides = array<i32>} : memref<8x128xf32, #tpu.memory_space<vmem>>, vector<16xf32>,
    %swap3A_161 = arith.constant 5 : i32
    %swap3A_162 = arith.index_cast %swap3A_161 : i32 to index
    %swap3A_163 = arith.constant 0 : index
    %swap3A_164 = tpu.vector_load %arg13[%swap3A_162, %swap3A_163] {strides = array<i32>} : memref<8x128xf32, #tpu.memory_space<vmem>>, vector<16xf32>,
    tpu.vector_store %arg13[%swap3A_162, %swap3A_163], %broadcast_in_dim3A_1 {strides = array<i32>} : memref<8x128xf32, #tpu.memory_space<vmem>>, vector<16xf32>,
    %swap3A_165 = arith.constant 5 : i32
    %swap3A_166 = arith.index_cast %swap3A_165 : i32 to index
    %swap3A_167 = arith.constant 16 : index
    %swap3A_168 = tpu.vector_load %arg13[%swap3A_166, %swap3A_167] {strides = array<i32>} : memref<8x128xf32, #tpu.memory_space<vmem>>, vector<16xf32>,
    tpu.vector_store %arg13[%swap3A_166, %swap3A_167], %broadcast_in_dim3A_1 {strides = array<i32>} : memref<8x128xf32, #tpu.memory_space<vmem>>, vector<16xf32>,
    %swap3A_169 = arith.constant 5 : i32
    %swap3A_170 = arith.index_cast %swap3A_169 : i32 to index
    %swap3A_171 = arith.constant 32 : index
    %swap3A_172 = tpu.vector_load %arg13[%swap3A_170, %swap3A_171] {strides = array<i32>} : memref<8x128xf32, #tpu.memory_space<vmem>>, vector<16xf32>,
    tpu.vector_store %arg13[%swap3A_170, %swap3A_171], %broadcast_in_dim3A_1 {strides = array<i32>} : memref<8x128xf32, #tpu.memory_space<vmem>>, vector<16xf32>,
    %swap3A_173 = arith.constant 5 : i32
    %swap3A_174 = arith.index_cast %swap3A_173 : i32 to index
    %swap3A_175 = arith.constant 48 : index
    %swap3A_176 = tpu.vector_load %arg13[%swap3A_174, %swap3A_175] {strides = array<i32>} : memref<8x128xf32, #tpu.memory_space<vmem>>, vector<16xf32>,
    tpu.vector_store %arg13[%swap3A_174, %swap3A_175], %broadcast_in_dim3A_1 {strides = array<i32>} : memref<8x128xf32, #tpu.memory_space<vmem>>, vector<16xf32>,
    %swap3A_177 = arith.constant 5 : i32
    %swap3A_178 = arith.index_cast %swap3A_177 : i32 to index
    %swap3A_179 = arith.constant 64 : index
    %swap3A_180 = tpu.vector_load %arg13[%swap3A_178, %swap3A_179] {strides = array<i32>} : memref<8x128xf32, #tpu.memory_space<vmem>>, vector<16xf32>,
    tpu.vector_store %arg13[%swap3A_178, %swap3A_179], %broadcast_in_dim3A_1 {strides = array<i32>} : memref<8x128xf32, #tpu.memory_space<vmem>>, vector<16xf32>,
    %swap3A_181 = arith.constant 5 : i32
    %swap3A_182 = arith.index_cast %swap3A_181 : i32 to index
    %swap3A_183 = arith.constant 80 : index
    %swap3A_184 = tpu.vector_load %arg13[%swap3A_182, %swap3A_183] {strides = array<i32>} : memref<8x128xf32, #tpu.memory_space<vmem>>, vector<16xf32>,
    tpu.vector_store %arg13[%swap3A_182, %swap3A_183], %broadcast_in_dim3A_1 {strides = array<i32>} : memref<8x128xf32, #tpu.memory_space<vmem>>, vector<16xf32>,
    %swap3A_185 = arith.constant 5 : i32
    %swap3A_186 = arith.index_cast %swap3A_185 : i32 to index
    %swap3A_187 = arith.constant 96 : index
    %swap3A_188 = tpu.vector_load %arg13[%swap3A_186, %swap3A_187] {strides = array<i32>} : memref<8x128xf32, #tpu.memory_space<vmem>>, vector<16xf32>,
    tpu.vector_store %arg13[%swap3A_186, %swap3A_187], %broadcast_in_dim3A_1 {strides = array<i32>} : memref<8x128xf32, #tpu.memory_space<vmem>>, vector<16xf32>,
    %swap3A_189 = arith.constant 5 : i32
    %swap3A_190 = arith.index_cast %swap3A_189 : i32 to index
    %swap3A_191 = arith.constant 112 : index
    %swap3A_192 = tpu.vector_load %arg13[%swap3A_190, %swap3A_191] {strides = array<i32>} : memref<8x128xf32, #tpu.memory_space<vmem>>, vector<16xf32>,
    tpu.vector_store %arg13[%swap3A_190, %swap3A_191], %broadcast_in_dim3A_1 {strides = array<i32>} : memref<8x128xf32, #tpu.memory_space<vmem>>, vector<16xf32>,
    %swap3A_193 = arith.constant 6 : i32
    %swap3A_194 = arith.index_cast %swap3A_193 : i32 to index
    %swap3A_195 = arith.constant 0 : index
    %swap3A_196 = tpu.vector_load %arg13[%swap3A_194, %swap3A_195] {strides = array<i32>} : memref<8x128xf32, #tpu.memory_space<vmem>>, vector<16xf32>,
    tpu.vector_store %arg13[%swap3A_194, %swap3A_195], %broadcast_in_dim3A_1 {strides = array<i32>} : memref<8x128xf32, #tpu.memory_space<vmem>>, vector<16xf32>,
    %swap3A_197 = arith.constant 6 : i32
    %swap3A_198 = arith.index_cast %swap3A_197 : i32 to index
    %swap3A_199 = arith.constant 16 : index
    %swap3A_200 = tpu.vector_load %arg13[%swap3A_198, %swap3A_199] {strides = array<i32>} : memref<8x128xf32, #tpu.memory_space<vmem>>, vector<16xf32>,
    tpu.vector_store %arg13[%swap3A_198, %swap3A_199], %broadcast_in_dim3A_1 {strides = array<i32>} : memref<8x128xf32, #tpu.memory_space<vmem>>, vector<16xf32>,
    %swap3A_201 = arith.constant 6 : i32
    %swap3A_202 = arith.index_cast %swap3A_201 : i32 to index
    %swap3A_203 = arith.constant 32 : index
    %swap3A_204 = tpu.vector_load %arg13[%swap3A_202, %swap3A_203] {strides = array<i32>} : memref<8x128xf32, #tpu.memory_space<vmem>>, vector<16xf32>,
    tpu.vector_store %arg13[%swap3A_202, %swap3A_203], %broadcast_in_dim3A_1 {strides = array<i32>} : memref<8x128xf32, #tpu.memory_space<vmem>>, vector<16xf32>,
    %swap3A_205 = arith.constant 6 : i32
    %swap3A_206 = arith.index_cast %swap3A_205 : i32 to index
    %swap3A_207 = arith.constant 48 : index
    %swap3A_208 = tpu.vector_load %arg13[%swap3A_206, %swap3A_207] {strides = array<i32>} : memref<8x128xf32, #tpu.memory_space<vmem>>, vector<16xf32>,
    tpu.vector_store %arg13[%swap3A_206, %swap3A_207], %broadcast_in_dim3A_1 {strides = array<i32>} : memref<8x128xf32, #tpu.memory_space<vmem>>, vector<16xf32>,
    %swap3A_209 = arith.constant 6 : i32
    %swap3A_210 = arith.index_cast %swap3A_209 : i32 to index
    %swap3A_211 = arith.constant 64 : index
    %swap3A_212 = tpu.vector_load %arg13[%swap3A_210, %swap3A_211] {strides = array<i32>} : memref<8x128xf32, #tpu.memory_space<vmem>>, vector<16xf32>,
    tpu.vector_store %arg13[%swap3A_210, %swap3A_211], %broadcast_in_dim3A_1 {strides = array<i32>} : memref<8x128xf32, #tpu.memory_space<vmem>>, vector<16xf32>,
    %swap3A_213 = arith.constant 6 : i32
    %swap3A_214 = arith.index_cast %swap3A_213 : i32 to index
    %swap3A_215 = arith.constant 80 : index
    %swap3A_216 = tpu.vector_load %arg13[%swap3A_214, %swap3A_215] {strides = array<i32>} : memref<8x128xf32, #tpu.memory_space<vmem>>, vector<16xf32>,
    tpu.vector_store %arg13[%swap3A_214, %swap3A_215], %broadcast_in_dim3A_1 {strides = array<i32>} : memref<8x128xf32, #tpu.memory_space<vmem>>, vector<16xf32>,
    %swap3A_217 = arith.constant 6 : i32
    %swap3A_218 = arith.index_cast %swap3A_217 : i32 to index
    %swap3A_219 = arith.constant 96 : index
    %swap3A_220 = tpu.vector_load %arg13[%swap3A_218, %swap3A_219] {strides = array<i32>} : memref<8x128xf32, #tpu.memory_space<vmem>>, vector<16xf32>,
    tpu.vector_store %arg13[%swap3A_218, %swap3A_219], %broadcast_in_dim3A_1 {strides = array<i32>} : memref<8x128xf32, #tpu.memory_space<vmem>>, vector<16xf32>,
    %swap3A_221 = arith.constant 6 : i32
    %swap3A_222 = arith.index_cast %swap3A_221 : i32 to index
    %swap3A_223 = arith.constant 112 : index
    %swap3A_224 = tpu.vector_load %arg13[%swap3A_222, %swap3A_223] {strides = array<i32>} : memref<8x128xf32, #tpu.memory_space<vmem>>, vector<16xf32>,
    tpu.vector_store %arg13[%swap3A_222, %swap3A_223], %broadcast_in_dim3A_1 {strides = array<i32>} : memref<8x128xf32, #tpu.memory_space<vmem>>, vector<16xf32>,
    %swap3A_225 = arith.constant 7 : i32
    %swap3A_226 = arith.index_cast %swap3A_225 : i32 to index
    %swap3A_227 = arith.constant 0 : index
    %swap3A_228 = tpu.vector_load %arg13[%swap3A_226, %swap3A_227] {strides = array<i32>} : memref<8x128xf32, #tpu.memory_space<vmem>>, vector<16xf32>,
    tpu.vector_store %arg13[%swap3A_226, %swap3A_227], %broadcast_in_dim3A_1 {strides = array<i32>} : memref<8x128xf32, #tpu.memory_space<vmem>>, vector<16xf32>,
    %swap3A_229 = arith.constant 7 : i32
    %swap3A_230 = arith.index_cast %swap3A_229 : i32 to index
    %swap3A_231 = arith.constant 16 : index
    %swap3A_232 = tpu.vector_load %arg13[%swap3A_230, %swap3A_231] {strides = array<i32>} : memref<8x128xf32, #tpu.memory_space<vmem>>, vector<16xf32>,
    tpu.vector_store %arg13[%swap3A_230, %swap3A_231], %broadcast_in_dim3A_1 {strides = array<i32>} : memref<8x128xf32, #tpu.memory_space<vmem>>, vector<16xf32>,
    %swap3A_233 = arith.constant 7 : i32
    %swap3A_234 = arith.index_cast %swap3A_233 : i32 to index
    %swap3A_235 = arith.constant 32 : index
    %swap3A_236 = tpu.vector_load %arg13[%swap3A_234, %swap3A_235] {strides = array<i32>} : memref<8x128xf32, #tpu.memory_space<vmem>>, vector<16xf32>,
    tpu.vector_store %arg13[%swap3A_234, %swap3A_235], %broadcast_in_dim3A_1 {strides = array<i32>} : memref<8x128xf32, #tpu.memory_space<vmem>>, vector<16xf32>,
    %swap3A_237 = arith.constant 7 : i32
    %swap3A_238 = arith.index_cast %swap3A_237 : i32 to index
    %swap3A_239 = arith.constant 48 : index
    %swap3A_240 = tpu.vector_load %arg13[%swap3A_238, %swap3A_239] {strides = array<i32>} : memref<8x128xf32, #tpu.memory_space<vmem>>, vector<16xf32>,
    tpu.vector_store %arg13[%swap3A_238, %swap3A_239], %broadcast_in_dim3A_1 {strides = array<i32>} : memref<8x128xf32, #tpu.memory_space<vmem>>, vector<16xf32>,
    %swap3A_241 = arith.constant 7 : i32
    %swap3A_242 = arith.index_cast %swap3A_241 : i32 to index
    %swap3A_243 = arith.constant 64 : index
    %swap3A_244 = tpu.vector_load %arg13[%swap3A_242, %swap3A_243] {strides = array<i32>} : memref<8x128xf32, #tpu.memory_space<vmem>>, vector<16xf32>,
    tpu.vector_store %arg13[%swap3A_242, %swap3A_243], %broadcast_in_dim3A_1 {strides = array<i32>} : memref<8x128xf32, #tpu.memory_space<vmem>>, vector<16xf32>,
    %swap3A_245 = arith.constant 7 : i32
    %swap3A_246 = arith.index_cast %swap3A_245 : i32 to index
    %swap3A_247 = arith.constant 80 : index
    %swap3A_248 = tpu.vector_load %arg13[%swap3A_246, %swap3A_247] {strides = array<i32>} : memref<8x128xf32, #tpu.memory_space<vmem>>, vector<16xf32>,
    tpu.vector_store %arg13[%swap3A_246, %swap3A_247], %broadcast_in_dim3A_1 {strides = array<i32>} : memref<8x128xf32, #tpu.memory_space<vmem>>, vector<16xf32>,
    %swap3A_249 = arith.constant 7 : i32
    %swap3A_250 = arith.index_cast %swap3A_249 : i32 to index
    %swap3A_251 = arith.constant 96 : index
    %swap3A_252 = tpu.vector_load %arg13[%swap3A_250, %swap3A_251] {strides = array<i32>} : memref<8x128xf32, #tpu.memory_space<vmem>>, vector<16xf32>,
    tpu.vector_store %arg13[%swap3A_250, %swap3A_251], %broadcast_in_dim3A_1 {strides = array<i32>} : memref<8x128xf32, #tpu.memory_space<vmem>>, vector<16xf32>,
    %swap3A_253 = arith.constant 7 : i32
    %swap3A_254 = arith.index_cast %swap3A_253 : i32 to index
    %swap3A_255 = arith.constant 112 : index
    %swap3A_256 = tpu.vector_load %arg13[%swap3A_254, %swap3A_255] {strides = array<i32>} : memref<8x128xf32, #tpu.memory_space<vmem>>, vector<16xf32>,
    tpu.vector_store %arg13[%swap3A_254, %swap3A_255], %broadcast_in_dim3A_1 {strides = array<i32>} : memref<8x128xf32, #tpu.memory_space<vmem>>, vector<16xf32>,
    %scan3A = arith.constant 0 : i32
    %scan3A_257 = arith.constant 48 : i32
    %scan3A_258 = arith.addi %scan3A, %scan3A_257 : i32
    %scan3A_259 = arith.constant 1 : i32
    scf.for %scan3A_284 = %scan3A to %scan3A_258 step %scan3A_259  : i32 {
      %mul3A_285 = arith.constant 1 : i32
      %mul3A_286 = arith.muli %scan3A_284, %mul3A_285 : i32
      %add3A_287 = arith.constant 0 : i32
      %add3A_288 = arith.addi %add3A_287, %mul3A_286 : i32
      %mul3A_289 = arith.constant 384 : i32
      %mul3A_290 = arith.muli %arg1, %mul3A_289 : i32
      %mul3A_291 = arith.constant 8 : i32
      %mul3A_292 = arith.muli %add3A_288, %mul3A_291 : i32
      %add3A_293 = arith.addi %mul3A_290, %mul3A_292 : i32
      "tpu.region"() ({
        %run_scoped3A = tpu.sem_alloc : memref<!tpu.dma_semaphore, #tpu.memory_space<semaphore_mem>>
        %dma_start3A = arith.constant 0 : i32
        %dma_start3A_294 = tpu.memref_slice %arg14[%add3A_293, %dma_start3A] : memref<6144x128xf32, #tpu.memory_space<vmem_shared>> -> memref<8x128xf32, #tpu.memory_space<vmem_shared>>
        %dma_start3A_295 = arith.constant 0 : i32
        %dma_start3A_296 = tpu.memref_slice %arg14[%add3A_293, %dma_start3A_295] : memref<6144x128xf32, #tpu.memory_space<vmem_shared>> -> memref<8x128xf32, #tpu.memory_space<vmem_shared>>
        tpu.enqueue_dma source(%arg13 : memref<8x128xf32, #tpu.memory_space<vmem>>) target(%dma_start3A_296 : memref<8x128xf32, #tpu.memory_space<vmem_shared>>) target_semaphore(%run_scoped3A : memref<!tpu.dma_semaphore, #tpu.memory_space<semaphore_mem>>)
        %dma_wait3A = arith.constant 0 : i32
        %dma_wait3A_297 = tpu.memref_slice %arg14[%add3A_293, %dma_wait3A] : memref<6144x128xf32, #tpu.memory_space<vmem_shared>> -> memref<8x128xf32, #tpu.memory_space<vmem_shared>>
        %dma_wait3A_298 = arith.constant 0 : i32
        %dma_wait3A_299 = tpu.memref_slice %arg14[%add3A_293, %dma_wait3A_298] : memref<6144x128xf32, #tpu.memory_space<vmem_shared>> -> memref<8x128xf32, #tpu.memory_space<vmem_shared>>
        tpu.wait_dma2 semaphore(%run_scoped3A : memref<!tpu.dma_semaphore, #tpu.memory_space<semaphore_mem>>) src(%arg13 : memref<8x128xf32, #tpu.memory_space<vmem>>) dst(%dma_wait3A_299 : memref<8x128xf32, #tpu.memory_space<vmem_shared>>)
        tpu.yield
      }) : () -> ()
    }
    %scan3A_260 = arith.constant 48 : i32
    %scan3A_261 = arith.constant 0 : i32
    %scan3A_262 = arith.constant 384 : i32
    %scan3A_263 = arith.addi %scan3A_261, %scan3A_262 : i32
    %scan3A_264 = arith.constant 1 : i32
    scf.for %scan3A_284 = %scan3A_261 to %scan3A_263 step %scan3A_264  : i32 {
      %mul3A_285 = arith.constant 1 : i32
      %mul3A_286 = arith.muli %scan3A_284, %mul3A_285 : i32
      %add3A_287 = arith.constant 0 : i32
      %add3A_288 = arith.addi %add3A_287, %mul3A_286 : i32
      %mul3A_289 = arith.constant 16 : i32
      %mul3A_290 = arith.muli %add3A_288, %mul3A_289 : i32
      %swap3A_291 = arith.index_cast %mul3A_290 : i32 to index
      %swap3A_292 = tpu.vector_load %arg23[%swap3A_291] {strides = array<i32>} : memref<6144xf32, #tpu.memory_space<vmem>>, vector<16xf32>,
      tpu.vector_store %arg23[%swap3A_291], %broadcast_in_dim3A_1 {strides = array<i32>} : memref<6144xf32, #tpu.memory_space<vmem>>, vector<16xf32>,
    }
    %scan3A_265 = arith.constant 384 : i32
    %barrier3A = arith.constant 0 : index
    tpu.barrier barrier_id(%barrier3A)
    %scan3A_266 = arith.constant 0 : i32
    %scan3A_267 = arith.constant 5 : i32
    %scan3A_268 = arith.addi %scan3A_266, %scan3A_267 : i32
    %scan3A_269 = arith.constant 1 : i32
    scf.for %scan3A_284 = %scan3A_266 to %scan3A_268 step %scan3A_269  : i32 {
      %mul3A_285 = arith.constant 1 : i32
      %mul3A_286 = arith.muli %scan3A_284, %mul3A_285 : i32
      %add3A_287 = arith.constant 0 : i32
      %add3A_288 = arith.addi %add3A_287, %mul3A_286 : i32
      %mul3A_289 = arith.constant 16 : i32
      %mul3A_290 = arith.muli %add3A_288, %mul3A_289 : i32
      "tpu.region"() ({
        %run_scoped3A = tpu.sem_alloc : memref<!tpu.dma_semaphore, #tpu.memory_space<semaphore_mem>>
        %dma_start3A_1888 = arith.constant 0 : i32
        %dma_start3A_1889 = tpu.memref_slice %arg3[%add3A, %mul3A_290, %dma_start3A_1888] : memref<32x80x128xi32, #tpu.memory_space<hbm>> -> memref<1x16x128xi32, #tpu.memory_space<hbm>>
        %dma_start3A_1890 = tpu.memref_squeeze %dma_start3A_1889 : memref<1x16x128xi32, #tpu.memory_space<hbm>> -> memref<16x128xi32, #tpu.memory_space<hbm>>
        %dma_start3A_1891 = arith.constant 0 : i32
        %dma_start3A_1892 = tpu.memref_slice %arg3[%add3A, %mul3A_290, %dma_start3A_1891] : memref<32x80x128xi32, #tpu.memory_space<hbm>> -> memref<1x16x128xi32, #tpu.memory_space<hbm>>
        %dma_start3A_1893 = tpu.memref_squeeze %dma_start3A_1892 : memref<1x16x128xi32, #tpu.memory_space<hbm>> -> memref<16x128xi32, #tpu.memory_space<hbm>>
        tpu.enqueue_dma source(%dma_start3A_1893 : memref<16x128xi32, #tpu.memory_space<hbm>>) target(%arg7 : memref<16x128xi32, #tpu.memory_space<vmem>>) target_semaphore(%run_scoped3A : memref<!tpu.dma_semaphore, #tpu.memory_space<semaphore_mem>>)
        %dma_wait3A_1894 = arith.constant 0 : i32
        %dma_wait3A_1895 = tpu.memref_slice %arg3[%add3A, %mul3A_290, %dma_wait3A_1894] : memref<32x80x128xi32, #tpu.memory_space<hbm>> -> memref<1x16x128xi32, #tpu.memory_space<hbm>>
        %dma_wait3A_1896 = tpu.memref_squeeze %dma_wait3A_1895 : memref<1x16x128xi32, #tpu.memory_space<hbm>> -> memref<16x128xi32, #tpu.memory_space<hbm>>
        %dma_wait3A_1897 = arith.constant 0 : i32
        %dma_wait3A_1898 = tpu.memref_slice %arg3[%add3A, %mul3A_290, %dma_wait3A_1897] : memref<32x80x128xi32, #tpu.memory_space<hbm>> -> memref<1x16x128xi32, #tpu.memory_space<hbm>>
        %dma_wait3A_1899 = tpu.memref_squeeze %dma_wait3A_1898 : memref<1x16x128xi32, #tpu.memory_space<hbm>> -> memref<16x128xi32, #tpu.memory_space<hbm>>
        tpu.wait_dma2 semaphore(%run_scoped3A : memref<!tpu.dma_semaphore, #tpu.memory_space<semaphore_mem>>) src(%dma_wait3A_1899 : memref<16x128xi32, #tpu.memory_space<hbm>>) dst(%arg7 : memref<16x128xi32, #tpu.memory_space<vmem>>)
        tpu.yield
      }) : () -> ()
      %mul3A_291 = arith.constant 16 : i32
      %mul3A_292 = arith.muli %add3A_288, %mul3A_291 : i32
      "tpu.region"() ({
        %run_scoped3A = tpu.sem_alloc : memref<!tpu.dma_semaphore, #tpu.memory_space<semaphore_mem>>
        %dma_start3A_1888 = arith.constant 0 : i32
        %dma_start3A_1889 = tpu.memref_slice %arg4[%add3A, %mul3A_292, %dma_start3A_1888] : memref<32x80x128xi32, #tpu.memory_space<hbm>> -> memref<1x16x128xi32, #tpu.memory_space<hbm>>
        %dma_start3A_1890 = tpu.memref_squeeze %dma_start3A_1889 : memref<1x16x128xi32, #tpu.memory_space<hbm>> -> memref<16x128xi32, #tpu.memory_space<hbm>>
        %dma_start3A_1891 = arith.constant 0 : i32
        %dma_start3A_1892 = tpu.memref_slice %arg4[%add3A, %mul3A_292, %dma_start3A_1891] : memref<32x80x128xi32, #tpu.memory_space<hbm>> -> memref<1x16x128xi32, #tpu.memory_space<hbm>>
        %dma_start3A_1893 = tpu.memref_squeeze %dma_start3A_1892 : memref<1x16x128xi32, #tpu.memory_space<hbm>> -> memref<16x128xi32, #tpu.memory_space<hbm>>
        tpu.enqueue_dma source(%dma_start3A_1893 : memref<16x128xi32, #tpu.memory_space<hbm>>) target(%arg8 : memref<16x128xi32, #tpu.memory_space<vmem>>) target_semaphore(%run_scoped3A : memref<!tpu.dma_semaphore, #tpu.memory_space<semaphore_mem>>)
        %dma_wait3A_1894 = arith.constant 0 : i32
        %dma_wait3A_1895 = tpu.memref_slice %arg4[%add3A, %mul3A_292, %dma_wait3A_1894] : memref<32x80x128xi32, #tpu.memory_space<hbm>> -> memref<1x16x128xi32, #tpu.memory_space<hbm>>
        %dma_wait3A_1896 = tpu.memref_squeeze %dma_wait3A_1895 : memref<1x16x128xi32, #tpu.memory_space<hbm>> -> memref<16x128xi32, #tpu.memory_space<hbm>>
        %dma_wait3A_1897 = arith.constant 0 : i32
        %dma_wait3A_1898 = tpu.memref_slice %arg4[%add3A, %mul3A_292, %dma_wait3A_1897] : memref<32x80x128xi32, #tpu.memory_space<hbm>> -> memref<1x16x128xi32, #tpu.memory_space<hbm>>
        %dma_wait3A_1899 = tpu.memref_squeeze %dma_wait3A_1898 : memref<1x16x128xi32, #tpu.memory_space<hbm>> -> memref<16x128xi32, #tpu.memory_space<hbm>>
        tpu.wait_dma2 semaphore(%run_scoped3A : memref<!tpu.dma_semaphore, #tpu.memory_space<semaphore_mem>>) src(%dma_wait3A_1899 : memref<16x128xi32, #tpu.memory_space<hbm>>) dst(%arg8 : memref<16x128xi32, #tpu.memory_space<vmem>>)
        tpu.yield
      }) : () -> ()
      %dma_start3A = arith.constant 0 : i32
      %dma_start3A_293 = arith.constant 0 : i32
      %dma_start3A_294 = tpu.memref_slice %arg7[%dma_start3A, %dma_start3A_293] : memref<16x128xi32, #tpu.memory_space<vmem>> -> memref<1x128xi32, #tpu.memory_space<vmem>>
      %dma_start3A_295 = tpu.memref_squeeze %dma_start3A_294 : memref<1x128xi32, #tpu.memory_space<vmem>> -> memref<128xi32, #tpu.memory_space<vmem>>
      %dma_start3A_296 = arith.constant 0 : i32
      %dma_start3A_297 = arith.constant 0 : i32
      %dma_start3A_298 = tpu.memref_slice %arg2[%dma_start3A_296, %dma_start3A_297] : memref<10240x128xf32, #tpu.memory_space<hbm>> -> memref<10240x128xf32, #tpu.memory_space<hbm>>
      tpu.enqueue_indirect_dma source(%dma_start3A_298 : memref<10240x128xf32, #tpu.memory_space<hbm>>) target(%arg9 : memref<128x128xf32, #tpu.memory_space<vmem>>) offsets(%dma_start3A_295 : memref<128xi32, #tpu.memory_space<vmem>>) semaphore(%arg15 : memref<!tpu.dma_semaphore, #tpu.memory_space<semaphore_mem>>)
      %dma_start3A_299 = arith.constant 1 : i32
      %dma_start3A_300 = arith.constant 0 : i32
      %dma_start3A_301 = tpu.memref_slice %arg7[%dma_start3A_299, %dma_start3A_300] : memref<16x128xi32, #tpu.memory_space<vmem>> -> memref<1x128xi32, #tpu.memory_space<vmem>>
      %dma_start3A_302 = tpu.memref_squeeze %dma_start3A_301 : memref<1x128xi32, #tpu.memory_space<vmem>> -> memref<128xi32, #tpu.memory_space<vmem>>
      %dma_start3A_303 = arith.constant 0 : i32
      %dma_start3A_304 = arith.constant 0 : i32
      %dma_start3A_305 = tpu.memref_slice %arg2[%dma_start3A_303, %dma_start3A_304] : memref<10240x128xf32, #tpu.memory_space<hbm>> -> memref<10240x128xf32, #tpu.memory_space<hbm>>
      tpu.enqueue_indirect_dma source(%dma_start3A_305 : memref<10240x128xf32, #tpu.memory_space<hbm>>) target(%arg10 : memref<128x128xf32, #tpu.memory_space<vmem>>) offsets(%dma_start3A_302 : memref<128xi32, #tpu.memory_space<vmem>>) semaphore(%arg16 : memref<!tpu.dma_semaphore, #tpu.memory_space<semaphore_mem>>)
      %dma_start3A_306 = arith.constant 2 : i32
      %dma_start3A_307 = arith.constant 0 : i32
      %dma_start3A_308 = tpu.memref_slice %arg7[%dma_start3A_306, %dma_start3A_307] : memref<16x128xi32, #tpu.memory_space<vmem>> -> memref<1x128xi32, #tpu.memory_space<vmem>>
      %dma_start3A_309 = tpu.memref_squeeze %dma_start3A_308 : memref<1x128xi32, #tpu.memory_space<vmem>> -> memref<128xi32, #tpu.memory_space<vmem>>
      %dma_start3A_310 = arith.constant 0 : i32
      %dma_start3A_311 = arith.constant 0 : i32
      %dma_start3A_312 = tpu.memref_slice %arg2[%dma_start3A_310, %dma_start3A_311] : memref<10240x128xf32, #tpu.memory_space<hbm>> -> memref<10240x128xf32, #tpu.memory_space<hbm>>
      tpu.enqueue_indirect_dma source(%dma_start3A_312 : memref<10240x128xf32, #tpu.memory_space<hbm>>) target(%arg11 : memref<128x128xf32, #tpu.memory_space<vmem>>) offsets(%dma_start3A_309 : memref<128xi32, #tpu.memory_space<vmem>>) semaphore(%arg17 : memref<!tpu.dma_semaphore, #tpu.memory_space<semaphore_mem>>)
      %dma_start3A_313 = arith.constant 3 : i32
      %dma_start3A_314 = arith.constant 0 : i32
      %dma_start3A_315 = tpu.memref_slice %arg7[%dma_start3A_313, %dma_start3A_314] : memref<16x128xi32, #tpu.memory_space<vmem>> -> memref<1x128xi32, #tpu.memory_space<vmem>>
      %dma_start3A_316 = tpu.memref_squeeze %dma_start3A_315 : memref<1x128xi32, #tpu.memory_space<vmem>> -> memref<128xi32, #tpu.memory_space<vmem>>
      %dma_start3A_317 = arith.constant 0 : i32
      %dma_start3A_318 = arith.constant 0 : i32
      %dma_start3A_319 = tpu.memref_slice %arg2[%dma_start3A_317, %dma_start3A_318] : memref<10240x128xf32, #tpu.memory_space<hbm>> -> memref<10240x128xf32, #tpu.memory_space<hbm>>
      tpu.enqueue_indirect_dma source(%dma_start3A_319 : memref<10240x128xf32, #tpu.memory_space<hbm>>) target(%arg12 : memref<128x128xf32, #tpu.memory_space<vmem>>) offsets(%dma_start3A_316 : memref<128xi32, #tpu.memory_space<vmem>>) semaphore(%arg18 : memref<!tpu.dma_semaphore, #tpu.memory_space<semaphore_mem>>)
      %dma_wait3A = arith.constant 0 : i32
      %dma_wait3A_320 = arith.constant 0 : i32
      %dma_wait3A_321 = tpu.memref_slice %arg7[%dma_wait3A, %dma_wait3A_320] : memref<16x128xi32, #tpu.memory_space<vmem>> -> memref<1x128xi32, #tpu.memory_space<vmem>>
      %dma_wait3A_322 = tpu.memref_squeeze %dma_wait3A_321 : memref<1x128xi32, #tpu.memory_space<vmem>> -> memref<128xi32, #tpu.memory_space<vmem>>
      %dma_wait3A_323 = arith.constant 0 : i32
      %dma_wait3A_324 = arith.constant 0 : i32
      %dma_wait3A_325 = tpu.memref_slice %arg2[%dma_wait3A_323, %dma_wait3A_324] : memref<10240x128xf32, #tpu.memory_space<hbm>> -> memref<10240x128xf32, #tpu.memory_space<hbm>>
      tpu.wait_indirect_dma semaphore(%arg15 : memref<!tpu.dma_semaphore, #tpu.memory_space<semaphore_mem>>) src(%dma_wait3A_325 : memref<10240x128xf32, #tpu.memory_space<hbm>>) dst(%arg9 : memref<128x128xf32, #tpu.memory_space<vmem>>)
      %dma_start3A_326 = arith.constant 0 : i32
      %dma_start3A_327 = arith.constant 0 : i32
      %dma_start3A_328 = tpu.memref_slice %arg8[%dma_start3A_326, %dma_start3A_327] : memref<16x128xi32, #tpu.memory_space<vmem>> -> memref<1x128xi32, #tpu.memory_space<vmem>>
      %dma_start3A_329 = tpu.memref_squeeze %dma_start3A_328 : memref<1x128xi32, #tpu.memory_space<vmem>> -> memref<128xi32, #tpu.memory_space<vmem>>
      %dma_start3A_330 = arith.constant 0 : i32
      %dma_start3A_331 = arith.constant 0 : i32
      %dma_start3A_332 = tpu.memref_slice %arg14[%dma_start3A_330, %dma_start3A_331] : memref<6144x128xf32, #tpu.memory_space<vmem_shared>> -> memref<6144x128xf32, #tpu.memory_space<vmem_shared>>
      tpu.enqueue_indirect_dma source(%arg9 : memref<128x128xf32, #tpu.memory_space<vmem>>) target(%dma_start3A_332 : memref<6144x128xf32, #tpu.memory_space<vmem_shared>>) offsets(%dma_start3A_329 : memref<128xi32, #tpu.memory_space<vmem>>) semaphore(%arg19 : memref<!tpu.dma_semaphore, #tpu.memory_space<semaphore_mem>>) {add = true}
      %dma_wait3A_333 = arith.constant 0 : i32
      %dma_wait3A_334 = arith.constant 0 : i32
      %dma_wait3A_335 = tpu.memref_slice %arg8[%dma_wait3A_333, %dma_wait3A_334] : memref<16x128xi32, #tpu.memory_space<vmem>> -> memref<1x128xi32, #tpu.memory_space<vmem>>
      %dma_wait3A_336 = tpu.memref_squeeze %dma_wait3A_335 : memref<1x128xi32, #tpu.memory_space<vmem>> -> memref<128xi32, #tpu.memory_space<vmem>>
      %dma_wait3A_337 = arith.constant 0 : i32
      %dma_wait3A_338 = arith.constant 0 : i32
      %dma_wait3A_339 = tpu.memref_slice %arg14[%dma_wait3A_337, %dma_wait3A_338] : memref<6144x128xf32, #tpu.memory_space<vmem_shared>> -> memref<6144x128xf32, #tpu.memory_space<vmem_shared>>
      tpu.wait_indirect_dma semaphore(%arg19 : memref<!tpu.dma_semaphore, #tpu.memory_space<semaphore_mem>>) src(%arg9 : memref<128x128xf32, #tpu.memory_space<vmem>>) dst(%dma_wait3A_339 : memref<6144x128xf32, #tpu.memory_space<vmem_shared>>)
      %dma_start3A_340 = arith.constant 4 : i32
      %dma_start3A_341 = arith.constant 0 : i32
      %dma_start3A_342 = tpu.memref_slice %arg7[%dma_start3A_340, %dma_start3A_341] : memref<16x128xi32, #tpu.memory_space<vmem>> -> memref<1x128xi32, #tpu.memory_space<vmem>>
      %dma_start3A_343 = tpu.memref_squeeze %dma_start3A_342 : memref<1x128xi32, #tpu.memory_space<vmem>> -> memref<128xi32, #tpu.memory_space<vmem>>
      %dma_start3A_344 = arith.constant 0 : i32
      %dma_start3A_345 = arith.constant 0 : i32
      %dma_start3A_346 = tpu.memref_slice %arg2[%dma_start3A_344, %dma_start3A_345] : memref<10240x128xf32, #tpu.memory_space<hbm>> -> memref<10240x128xf32, #tpu.memory_space<hbm>>
      tpu.enqueue_indirect_dma source(%dma_start3A_346 : memref<10240x128xf32, #tpu.memory_space<hbm>>) target(%arg9 : memref<128x128xf32, #tpu.memory_space<vmem>>) offsets(%dma_start3A_343 : memref<128xi32, #tpu.memory_space<vmem>>) semaphore(%arg15 : memref<!tpu.dma_semaphore, #tpu.memory_space<semaphore_mem>>)
      %get3A = arith.constant 0 : i32
      %get3A_347 = arith.index_cast %get3A : i32 to index
      %get3A_348 = arith.constant 0 : index
      %get3A_349 = tpu.vector_load %arg8[%get3A_347, %get3A_348] {strides = array<i32>} : memref<16x128xi32, #tpu.memory_space<vmem>>, vector<16xi32>,
      %broadcast_in_dim3A_350 = arith.constant true
      %broadcast_in_dim3A_351 = vector.broadcast %broadcast_in_dim3A_350 : i1 to vector<16xi1>
      %unique3A, %unique3A_352 = tpu.scan_count mask(%broadcast_in_dim3A_351 : vector<16xi1>) value(%get3A_349 : vector<16xi32>) : vector<16xi1>, vector<16xi32>
      %convert_element_type3A = arith.sitofp %unique3A_352 : vector<16xi32> to vector<16xf32>
      tpu.vector_store_idx %arg23[%get3A_349], %convert_element_type3A masked %unique3A {add = true} : memref<6144xf32, #tpu.memory_space<vmem>>[vector<16xi32>], vector<16xf32>, vector<16xi1>
      %get3A_353 = arith.constant 0 : i32
      %get3A_354 = arith.index_cast %get3A_353 : i32 to index
      %get3A_355 = arith.constant 16 : index
      %get3A_356 = tpu.vector_load %arg8[%get3A_354, %get3A_355] {strides = array<i32>} : memref<16x128xi32, #tpu.memory_space<vmem>>, vector<16xi32>,
      %broadcast_in_dim3A_357 = arith.constant true
      %broadcast_in_dim3A_358 = vector.broadcast %broadcast_in_dim3A_357 : i1 to vector<16xi1>
      %unique3A_359, %unique3A_360 = tpu.scan_count mask(%broadcast_in_dim3A_358 : vector<16xi1>) value(%get3A_356 : vector<16xi32>) : vector<16xi1>, vector<16xi32>
      %convert_element_type3A_361 = arith.sitofp %unique3A_360 : vector<16xi32> to vector<16xf32>
      tpu.vector_store_idx %arg23[%get3A_356], %convert_element_type3A_361 masked %unique3A_359 {add = true} : memref<6144xf32, #tpu.memory_space<vmem>>[vector<16xi32>], vector<16xf32>, vector<16xi1>
      %get3A_362 = arith.constant 0 : i32
      %get3A_363 = arith.index_cast %get3A_362 : i32 to index
      %get3A_364 = arith.constant 32 : index
      %get3A_365 = tpu.vector_load %arg8[%get3A_363, %get3A_364] {strides = array<i32>} : memref<16x128xi32, #tpu.memory_space<vmem>>, vector<16xi32>,
      %broadcast_in_dim3A_366 = arith.constant true
      %broadcast_in_dim3A_367 = vector.broadcast %broadcast_in_dim3A_366 : i1 to vector<16xi1>
      %unique3A_368, %unique3A_369 = tpu.scan_count mask(%broadcast_in_dim3A_367 : vector<16xi1>) value(%get3A_365 : vector<16xi32>) : vector<16xi1>, vector<16xi32>
      %convert_element_type3A_370 = arith.sitofp %unique3A_369 : vector<16xi32> to vector<16xf32>
      tpu.vector_store_idx %arg23[%get3A_365], %convert_element_type3A_370 masked %unique3A_368 {add = true} : memref<6144xf32, #tpu.memory_space<vmem>>[vector<16xi32>], vector<16xf32>, vector<16xi1>
      %get3A_371 = arith.constant 0 : i32
      %get3A_372 = arith.index_cast %get3A_371 : i32 to index
      %get3A_373 = arith.constant 48 : index
      %get3A_374 = tpu.vector_load %arg8[%get3A_372, %get3A_373] {strides = array<i32>} : memref<16x128xi32, #tpu.memory_space<vmem>>, vector<16xi32>,
      %broadcast_in_dim3A_375 = arith.constant true
      %broadcast_in_dim3A_376 = vector.broadcast %broadcast_in_dim3A_375 : i1 to vector<16xi1>
      %unique3A_377, %unique3A_378 = tpu.scan_count mask(%broadcast_in_dim3A_376 : vector<16xi1>) value(%get3A_374 : vector<16xi32>) : vector<16xi1>, vector<16xi32>
      %convert_element_type3A_379 = arith.sitofp %unique3A_378 : vector<16xi32> to vector<16xf32>
      tpu.vector_store_idx %arg23[%get3A_374], %convert_element_type3A_379 masked %unique3A_377 {add = true} : memref<6144xf32, #tpu.memory_space<vmem>>[vector<16xi32>], vector<16xf32>, vector<16xi1>
      %get3A_380 = arith.constant 0 : i32
      %get3A_381 = arith.index_cast %get3A_380 : i32 to index
      %get3A_382 = arith.constant 64 : index
      %get3A_383 = tpu.vector_load %arg8[%get3A_381, %get3A_382] {strides = array<i32>} : memref<16x128xi32, #tpu.memory_space<vmem>>, vector<16xi32>,
      %broadcast_in_dim3A_384 = arith.constant true
      %broadcast_in_dim3A_385 = vector.broadcast %broadcast_in_dim3A_384 : i1 to vector<16xi1>
      %unique3A_386, %unique3A_387 = tpu.scan_count mask(%broadcast_in_dim3A_385 : vector<16xi1>) value(%get3A_383 : vector<16xi32>) : vector<16xi1>, vector<16xi32>
      %convert_element_type3A_388 = arith.sitofp %unique3A_387 : vector<16xi32> to vector<16xf32>
      tpu.vector_store_idx %arg23[%get3A_383], %convert_element_type3A_388 masked %unique3A_386 {add = true} : memref<6144xf32, #tpu.memory_space<vmem>>[vector<16xi32>], vector<16xf32>, vector<16xi1>
      %get3A_389 = arith.constant 0 : i32
      %get3A_390 = arith.index_cast %get3A_389 : i32 to index
      %get3A_391 = arith.constant 80 : index
      %get3A_392 = tpu.vector_load %arg8[%get3A_390, %get3A_391] {strides = array<i32>} : memref<16x128xi32, #tpu.memory_space<vmem>>, vector<16xi32>,
      %broadcast_in_dim3A_393 = arith.constant true
      %broadcast_in_dim3A_394 = vector.broadcast %broadcast_in_dim3A_393 : i1 to vector<16xi1>
      %unique3A_395, %unique3A_396 = tpu.scan_count mask(%broadcast_in_dim3A_394 : vector<16xi1>) value(%get3A_392 : vector<16xi32>) : vector<16xi1>, vector<16xi32>
      %convert_element_type3A_397 = arith.sitofp %unique3A_396 : vector<16xi32> to vector<16xf32>
      tpu.vector_store_idx %arg23[%get3A_392], %convert_element_type3A_397 masked %unique3A_395 {add = true} : memref<6144xf32, #tpu.memory_space<vmem>>[vector<16xi32>], vector<16xf32>, vector<16xi1>
      %get3A_398 = arith.constant 0 : i32
      %get3A_399 = arith.index_cast %get3A_398 : i32 to index
      %get3A_400 = arith.constant 96 : index
      %get3A_401 = tpu.vector_load %arg8[%get3A_399, %get3A_400] {strides = array<i32>} : memref<16x128xi32, #tpu.memory_space<vmem>>, vector<16xi32>,
      %broadcast_in_dim3A_402 = arith.constant true
      %broadcast_in_dim3A_403 = vector.broadcast %broadcast_in_dim3A_402 : i1 to vector<16xi1>
      %unique3A_404, %unique3A_405 = tpu.scan_count mask(%broadcast_in_dim3A_403 : vector<16xi1>) value(%get3A_401 : vector<16xi32>) : vector<16xi1>, vector<16xi32>
      %convert_element_type3A_406 = arith.sitofp %unique3A_405 : vector<16xi32> to vector<16xf32>
      tpu.vector_store_idx %arg23[%get3A_401], %convert_element_type3A_406 masked %unique3A_404 {add = true} : memref<6144xf32, #tpu.memory_space<vmem>>[vector<16xi32>], vector<16xf32>, vector<16xi1>
      %get3A_407 = arith.constant 0 : i32
      %get3A_408 = arith.index_cast %get3A_407 : i32 to index
      %get3A_409 = arith.constant 112 : index
      %get3A_410 = tpu.vector_load %arg8[%get3A_408, %get3A_409] {strides = array<i32>} : memref<16x128xi32, #tpu.memory_space<vmem>>, vector<16xi32>,
      %broadcast_in_dim3A_411 = arith.constant true
      %broadcast_in_dim3A_412 = vector.broadcast %broadcast_in_dim3A_411 : i1 to vector<16xi1>
      %unique3A_413, %unique3A_414 = tpu.scan_count mask(%broadcast_in_dim3A_412 : vector<16xi1>) value(%get3A_410 : vector<16xi32>) : vector<16xi1>, vector<16xi32>
      %convert_element_type3A_415 = arith.sitofp %unique3A_414 : vector<16xi32> to vector<16xf32>
      tpu.vector_store_idx %arg23[%get3A_410], %convert_element_type3A_415 masked %unique3A_413 {add = true} : memref<6144xf32, #tpu.memory_space<vmem>>[vector<16xi32>], vector<16xf32>, vector<16xi1>
      %dma_wait3A_416 = arith.constant 1 : i32
      %dma_wait3A_417 = arith.constant 0 : i32
      %dma_wait3A_418 = tpu.memref_slice %arg7[%dma_wait3A_416, %dma_wait3A_417] : memref<16x128xi32, #tpu.memory_space<vmem>> -> memref<1x128xi32, #tpu.memory_space<vmem>>
      %dma_wait3A_419 = tpu.memref_squeeze %dma_wait3A_418 : memref<1x128xi32, #tpu.memory_space<vmem>> -> memref<128xi32, #tpu.memory_space<vmem>>
      %dma_wait3A_420 = arith.constant 0 : i32
      %dma_wait3A_421 = arith.constant 0 : i32
      %dma_wait3A_422 = tpu.memref_slice %arg2[%dma_wait3A_420, %dma_wait3A_421] : memref<10240x128xf32, #tpu.memory_space<hbm>> -> memref<10240x128xf32, #tpu.memory_space<hbm>>
      tpu.wait_indirect_dma semaphore(%arg16 : memref<!tpu.dma_semaphore, #tpu.memory_space<semaphore_mem>>) src(%dma_wait3A_422 : memref<10240x128xf32, #tpu.memory_space<hbm>>) dst(%arg10 : memref<128x128xf32, #tpu.memory_space<vmem>>)
      %dma_start3A_423 = arith.constant 1 : i32
      %dma_start3A_424 = arith.constant 0 : i32
      %dma_start3A_425 = tpu.memref_slice %arg8[%dma_start3A_423, %dma_start3A_424] : memref<16x128xi32, #tpu.memory_space<vmem>> -> memref<1x128xi32, #tpu.memory_space<vmem>>
      %dma_start3A_426 = tpu.memref_squeeze %dma_start3A_425 : memref<1x128xi32, #tpu.memory_space<vmem>> -> memref<128xi32, #tpu.memory_space<vmem>>
      %dma_start3A_427 = arith.constant 0 : i32
      %dma_start3A_428 = arith.constant 0 : i32
      %dma_start3A_429 = tpu.memref_slice %arg14[%dma_start3A_427, %dma_start3A_428] : memref<6144x128xf32, #tpu.memory_space<vmem_shared>> -> memref<6144x128xf32, #tpu.memory_space<vmem_shared>>
      tpu.enqueue_indirect_dma source(%arg10 : memref<128x128xf32, #tpu.memory_space<vmem>>) target(%dma_start3A_429 : memref<6144x128xf32, #tpu.memory_space<vmem_shared>>) offsets(%dma_start3A_426 : memref<128xi32, #tpu.memory_space<vmem>>) semaphore(%arg20 : memref<!tpu.dma_semaphore, #tpu.memory_space<semaphore_mem>>) {add = true}
      %dma_wait3A_430 = arith.constant 1 : i32
      %dma_wait3A_431 = arith.constant 0 : i32
      %dma_wait3A_432 = tpu.memref_slice %arg8[%dma_wait3A_430, %dma_wait3A_431] : memref<16x128xi32, #tpu.memory_space<vmem>> -> memref<1x128xi32, #tpu.memory_space<vmem>>
      %dma_wait3A_433 = tpu.memref_squeeze %dma_wait3A_432 : memref<1x128xi32, #tpu.memory_space<vmem>> -> memref<128xi32, #tpu.memory_space<vmem>>
      %dma_wait3A_434 = arith.constant 0 : i32
      %dma_wait3A_435 = arith.constant 0 : i32
      %dma_wait3A_436 = tpu.memref_slice %arg14[%dma_wait3A_434, %dma_wait3A_435] : memref<6144x128xf32, #tpu.memory_space<vmem_shared>> -> memref<6144x128xf32, #tpu.memory_space<vmem_shared>>
      tpu.wait_indirect_dma semaphore(%arg20 : memref<!tpu.dma_semaphore, #tpu.memory_space<semaphore_mem>>) src(%arg10 : memref<128x128xf32, #tpu.memory_space<vmem>>) dst(%dma_wait3A_436 : memref<6144x128xf32, #tpu.memory_space<vmem_shared>>)
      %dma_start3A_437 = arith.constant 5 : i32
      %dma_start3A_438 = arith.constant 0 : i32
      %dma_start3A_439 = tpu.memref_slice %arg7[%dma_start3A_437, %dma_start3A_438] : memref<16x128xi32, #tpu.memory_space<vmem>> -> memref<1x128xi32, #tpu.memory_space<vmem>>
      %dma_start3A_440 = tpu.memref_squeeze %dma_start3A_439 : memref<1x128xi32, #tpu.memory_space<vmem>> -> memref<128xi32, #tpu.memory_space<vmem>>
      %dma_start3A_441 = arith.constant 0 : i32
      %dma_start3A_442 = arith.constant 0 : i32
      %dma_start3A_443 = tpu.memref_slice %arg2[%dma_start3A_441, %dma_start3A_442] : memref<10240x128xf32, #tpu.memory_space<hbm>> -> memref<10240x128xf32, #tpu.memory_space<hbm>>
      tpu.enqueue_indirect_dma source(%dma_start3A_443 : memref<10240x128xf32, #tpu.memory_space<hbm>>) target(%arg10 : memref<128x128xf32, #tpu.memory_space<vmem>>) offsets(%dma_start3A_440 : memref<128xi32, #tpu.memory_space<vmem>>) semaphore(%arg16 : memref<!tpu.dma_semaphore, #tpu.memory_space<semaphore_mem>>)
      %get3A_444 = arith.constant 1 : i32
      %get3A_445 = arith.index_cast %get3A_444 : i32 to index
      %get3A_446 = arith.constant 0 : index
      %get3A_447 = tpu.vector_load %arg8[%get3A_445, %get3A_446] {strides = array<i32>} : memref<16x128xi32, #tpu.memory_space<vmem>>, vector<16xi32>,
      %broadcast_in_dim3A_448 = arith.constant true
      %broadcast_in_dim3A_449 = vector.broadcast %broadcast_in_dim3A_448 : i1 to vector<16xi1>
      %unique3A_450, %unique3A_451 = tpu.scan_count mask(%broadcast_in_dim3A_449 : vector<16xi1>) value(%get3A_447 : vector<16xi32>) : vector<16xi1>, vector<16xi32>
      %convert_element_type3A_452 = arith.sitofp %unique3A_451 : vector<16xi32> to vector<16xf32>
      tpu.vector_store_idx %arg23[%get3A_447], %convert_element_type3A_452 masked %unique3A_450 {add = true} : memref<6144xf32, #tpu.memory_space<vmem>>[vector<16xi32>], vector<16xf32>, vector<16xi1>
      %get3A_453 = arith.constant 1 : i32
      %get3A_454 = arith.index_cast %get3A_453 : i32 to index
      %get3A_455 = arith.constant 16 : index
      %get3A_456 = tpu.vector_load %arg8[%get3A_454, %get3A_455] {strides = array<i32>} : memref<16x128xi32, #tpu.memory_space<vmem>>, vector<16xi32>,
      %broadcast_in_dim3A_457 = arith.constant true
      %broadcast_in_dim3A_458 = vector.broadcast %broadcast_in_dim3A_457 : i1 to vector<16xi1>
      %unique3A_459, %unique3A_460 = tpu.scan_count mask(%broadcast_in_dim3A_458 : vector<16xi1>) value(%get3A_456 : vector<16xi32>) : vector<16xi1>, vector<16xi32>
      %convert_element_type3A_461 = arith.sitofp %unique3A_460 : vector<16xi32> to vector<16xf32>
      tpu.vector_store_idx %arg23[%get3A_456], %convert_element_type3A_461 masked %unique3A_459 {add = true} : memref<6144xf32, #tpu.memory_space<vmem>>[vector<16xi32>], vector<16xf32>, vector<16xi1>
      %get3A_462 = arith.constant 1 : i32
      %get3A_463 = arith.index_cast %get3A_462 : i32 to index
      %get3A_464 = arith.constant 32 : index
      %get3A_465 = tpu.vector_load %arg8[%get3A_463, %get3A_464] {strides = array<i32>} : memref<16x128xi32, #tpu.memory_space<vmem>>, vector<16xi32>,
      %broadcast_in_dim3A_466 = arith.constant true
      %broadcast_in_dim3A_467 = vector.broadcast %broadcast_in_dim3A_466 : i1 to vector<16xi1>
      %unique3A_468, %unique3A_469 = tpu.scan_count mask(%broadcast_in_dim3A_467 : vector<16xi1>) value(%get3A_465 : vector<16xi32>) : vector<16xi1>, vector<16xi32>
      %convert_element_type3A_470 = arith.sitofp %unique3A_469 : vector<16xi32> to vector<16xf32>
      tpu.vector_store_idx %arg23[%get3A_465], %convert_element_type3A_470 masked %unique3A_468 {add = true} : memref<6144xf32, #tpu.memory_space<vmem>>[vector<16xi32>], vector<16xf32>, vector<16xi1>
      %get3A_471 = arith.constant 1 : i32
      %get3A_472 = arith.index_cast %get3A_471 : i32 to index
      %get3A_473 = arith.constant 48 : index
      %get3A_474 = tpu.vector_load %arg8[%get3A_472, %get3A_473] {strides = array<i32>} : memref<16x128xi32, #tpu.memory_space<vmem>>, vector<16xi32>,
      %broadcast_in_dim3A_475 = arith.constant true
      %broadcast_in_dim3A_476 = vector.broadcast %broadcast_in_dim3A_475 : i1 to vector<16xi1>
      %unique3A_477, %unique3A_478 = tpu.scan_count mask(%broadcast_in_dim3A_476 : vector<16xi1>) value(%get3A_474 : vector<16xi32>) : vector<16xi1>, vector<16xi32>
      %convert_element_type3A_479 = arith.sitofp %unique3A_478 : vector<16xi32> to vector<16xf32>
      tpu.vector_store_idx %arg23[%get3A_474], %convert_element_type3A_479 masked %unique3A_477 {add = true} : memref<6144xf32, #tpu.memory_space<vmem>>[vector<16xi32>], vector<16xf32>, vector<16xi1>
      %get3A_480 = arith.constant 1 : i32
      %get3A_481 = arith.index_cast %get3A_480 : i32 to index
      %get3A_482 = arith.constant 64 : index
      %get3A_483 = tpu.vector_load %arg8[%get3A_481, %get3A_482] {strides = array<i32>} : memref<16x128xi32, #tpu.memory_space<vmem>>, vector<16xi32>,
      %broadcast_in_dim3A_484 = arith.constant true
      %broadcast_in_dim3A_485 = vector.broadcast %broadcast_in_dim3A_484 : i1 to vector<16xi1>
      %unique3A_486, %unique3A_487 = tpu.scan_count mask(%broadcast_in_dim3A_485 : vector<16xi1>) value(%get3A_483 : vector<16xi32>) : vector<16xi1>, vector<16xi32>
      %convert_element_type3A_488 = arith.sitofp %unique3A_487 : vector<16xi32> to vector<16xf32>
      tpu.vector_store_idx %arg23[%get3A_483], %convert_element_type3A_488 masked %unique3A_486 {add = true} : memref<6144xf32, #tpu.memory_space<vmem>>[vector<16xi32>], vector<16xf32>, vector<16xi1>
      %get3A_489 = arith.constant 1 : i32
      %get3A_490 = arith.index_cast %get3A_489 : i32 to index
      %get3A_491 = arith.constant 80 : index
      %get3A_492 = tpu.vector_load %arg8[%get3A_490, %get3A_491] {strides = array<i32>} : memref<16x128xi32, #tpu.memory_space<vmem>>, vector<16xi32>,
      %broadcast_in_dim3A_493 = arith.constant true
      %broadcast_in_dim3A_494 = vector.broadcast %broadcast_in_dim3A_493 : i1 to vector<16xi1>
      %unique3A_495, %unique3A_496 = tpu.scan_count mask(%broadcast_in_dim3A_494 : vector<16xi1>) value(%get3A_492 : vector<16xi32>) : vector<16xi1>, vector<16xi32>
      %convert_element_type3A_497 = arith.sitofp %unique3A_496 : vector<16xi32> to vector<16xf32>
      tpu.vector_store_idx %arg23[%get3A_492], %convert_element_type3A_497 masked %unique3A_495 {add = true} : memref<6144xf32, #tpu.memory_space<vmem>>[vector<16xi32>], vector<16xf32>, vector<16xi1>
      %get3A_498 = arith.constant 1 : i32
      %get3A_499 = arith.index_cast %get3A_498 : i32 to index
      %get3A_500 = arith.constant 96 : index
      %get3A_501 = tpu.vector_load %arg8[%get3A_499, %get3A_500] {strides = array<i32>} : memref<16x128xi32, #tpu.memory_space<vmem>>, vector<16xi32>,
      %broadcast_in_dim3A_502 = arith.constant true
      %broadcast_in_dim3A_503 = vector.broadcast %broadcast_in_dim3A_502 : i1 to vector<16xi1>
      %unique3A_504, %unique3A_505 = tpu.scan_count mask(%broadcast_in_dim3A_503 : vector<16xi1>) value(%get3A_501 : vector<16xi32>) : vector<16xi1>, vector<16xi32>
      %convert_element_type3A_506 = arith.sitofp %unique3A_505 : vector<16xi32> to vector<16xf32>
      tpu.vector_store_idx %arg23[%get3A_501], %convert_element_type3A_506 masked %unique3A_504 {add = true} : memref<6144xf32, #tpu.memory_space<vmem>>[vector<16xi32>], vector<16xf32>, vector<16xi1>
      %get3A_507 = arith.constant 1 : i32
      %get3A_508 = arith.index_cast %get3A_507 : i32 to index
      %get3A_509 = arith.constant 112 : index
      %get3A_510 = tpu.vector_load %arg8[%get3A_508, %get3A_509] {strides = array<i32>} : memref<16x128xi32, #tpu.memory_space<vmem>>, vector<16xi32>,
      %broadcast_in_dim3A_511 = arith.constant true
      %broadcast_in_dim3A_512 = vector.broadcast %broadcast_in_dim3A_511 : i1 to vector<16xi1>
      %unique3A_513, %unique3A_514 = tpu.scan_count mask(%broadcast_in_dim3A_512 : vector<16xi1>) value(%get3A_510 : vector<16xi32>) : vector<16xi1>, vector<16xi32>
      %convert_element_type3A_515 = arith.sitofp %unique3A_514 : vector<16xi32> to vector<16xf32>
      tpu.vector_store_idx %arg23[%get3A_510], %convert_element_type3A_515 masked %unique3A_513 {add = true} : memref<6144xf32, #tpu.memory_space<vmem>>[vector<16xi32>], vector<16xf32>, vector<16xi1>
      %dma_wait3A_516 = arith.constant 2 : i32
      %dma_wait3A_517 = arith.constant 0 : i32
      %dma_wait3A_518 = tpu.memref_slice %arg7[%dma_wait3A_516, %dma_wait3A_517] : memref<16x128xi32, #tpu.memory_space<vmem>> -> memref<1x128xi32, #tpu.memory_space<vmem>>
      %dma_wait3A_519 = tpu.memref_squeeze %dma_wait3A_518 : memref<1x128xi32, #tpu.memory_space<vmem>> -> memref<128xi32, #tpu.memory_space<vmem>>
      %dma_wait3A_520 = arith.constant 0 : i32
      %dma_wait3A_521 = arith.constant 0 : i32
      %dma_wait3A_522 = tpu.memref_slice %arg2[%dma_wait3A_520, %dma_wait3A_521] : memref<10240x128xf32, #tpu.memory_space<hbm>> -> memref<10240x128xf32, #tpu.memory_space<hbm>>
      tpu.wait_indirect_dma semaphore(%arg17 : memref<!tpu.dma_semaphore, #tpu.memory_space<semaphore_mem>>) src(%dma_wait3A_522 : memref<10240x128xf32, #tpu.memory_space<hbm>>) dst(%arg11 : memref<128x128xf32, #tpu.memory_space<vmem>>)
      %dma_start3A_523 = arith.constant 2 : i32
      %dma_start3A_524 = arith.constant 0 : i32
      %dma_start3A_525 = tpu.memref_slice %arg8[%dma_start3A_523, %dma_start3A_524] : memref<16x128xi32, #tpu.memory_space<vmem>> -> memref<1x128xi32, #tpu.memory_space<vmem>>
      %dma_start3A_526 = tpu.memref_squeeze %dma_start3A_525 : memref<1x128xi32, #tpu.memory_space<vmem>> -> memref<128xi32, #tpu.memory_space<vmem>>
      %dma_start3A_527 = arith.constant 0 : i32
      %dma_start3A_528 = arith.constant 0 : i32
      %dma_start3A_529 = tpu.memref_slice %arg14[%dma_start3A_527, %dma_start3A_528] : memref<6144x128xf32, #tpu.memory_space<vmem_shared>> -> memref<6144x128xf32, #tpu.memory_space<vmem_shared>>
      tpu.enqueue_indirect_dma source(%arg11 : memref<128x128xf32, #tpu.memory_space<vmem>>) target(%dma_start3A_529 : memref<6144x128xf32, #tpu.memory_space<vmem_shared>>) offsets(%dma_start3A_526 : memref<128xi32, #tpu.memory_space<vmem>>) semaphore(%arg21 : memref<!tpu.dma_semaphore, #tpu.memory_space<semaphore_mem>>) {add = true}
      %dma_wait3A_530 = arith.constant 2 : i32
      %dma_wait3A_531 = arith.constant 0 : i32
      %dma_wait3A_532 = tpu.memref_slice %arg8[%dma_wait3A_530, %dma_wait3A_531] : memref<16x128xi32, #tpu.memory_space<vmem>> -> memref<1x128xi32, #tpu.memory_space<vmem>>
      %dma_wait3A_533 = tpu.memref_squeeze %dma_wait3A_532 : memref<1x128xi32, #tpu.memory_space<vmem>> -> memref<128xi32, #tpu.memory_space<vmem>>
      %dma_wait3A_534 = arith.constant 0 : i32
      %dma_wait3A_535 = arith.constant 0 : i32
      %dma_wait3A_536 = tpu.memref_slice %arg14[%dma_wait3A_534, %dma_wait3A_535] : memref<6144x128xf32, #tpu.memory_space<vmem_shared>> -> memref<6144x128xf32, #tpu.memory_space<vmem_shared>>
      tpu.wait_indirect_dma semaphore(%arg21 : memref<!tpu.dma_semaphore, #tpu.memory_space<semaphore_mem>>) src(%arg11 : memref<128x128xf32, #tpu.memory_space<vmem>>) dst(%dma_wait3A_536 : memref<6144x128xf32, #tpu.memory_space<vmem_shared>>)
      %dma_start3A_537 = arith.constant 6 : i32
      %dma_start3A_538 = arith.constant 0 : i32
      %dma_start3A_539 = tpu.memref_slice %arg7[%dma_start3A_537, %dma_start3A_538] : memref<16x128xi32, #tpu.memory_space<vmem>> -> memref<1x128xi32, #tpu.memory_space<vmem>>
      %dma_start3A_540 = tpu.memref_squeeze %dma_start3A_539 : memref<1x128xi32, #tpu.memory_space<vmem>> -> memref<128xi32, #tpu.memory_space<vmem>>
      %dma_start3A_541 = arith.constant 0 : i32
      %dma_start3A_542 = arith.constant 0 : i32
      %dma_start3A_543 = tpu.memref_slice %arg2[%dma_start3A_541, %dma_start3A_542] : memref<10240x128xf32, #tpu.memory_space<hbm>> -> memref<10240x128xf32, #tpu.memory_space<hbm>>
      tpu.enqueue_indirect_dma source(%dma_start3A_543 : memref<10240x128xf32, #tpu.memory_space<hbm>>) target(%arg11 : memref<128x128xf32, #tpu.memory_space<vmem>>) offsets(%dma_start3A_540 : memref<128xi32, #tpu.memory_space<vmem>>) semaphore(%arg17 : memref<!tpu.dma_semaphore, #tpu.memory_space<semaphore_mem>>)
      %get3A_544 = arith.constant 2 : i32
      %get3A_545 = arith.index_cast %get3A_544 : i32 to index
      %get3A_546 = arith.constant 0 : index
      %get3A_547 = tpu.vector_load %arg8[%get3A_545, %get3A_546] {strides = array<i32>} : memref<16x128xi32, #tpu.memory_space<vmem>>, vector<16xi32>,
      %broadcast_in_dim3A_548 = arith.constant true
      %broadcast_in_dim3A_549 = vector.broadcast %broadcast_in_dim3A_548 : i1 to vector<16xi1>
      %unique3A_550, %unique3A_551 = tpu.scan_count mask(%broadcast_in_dim3A_549 : vector<16xi1>) value(%get3A_547 : vector<16xi32>) : vector<16xi1>, vector<16xi32>
      %convert_element_type3A_552 = arith.sitofp %unique3A_551 : vector<16xi32> to vector<16xf32>
      tpu.vector_store_idx %arg23[%get3A_547], %convert_element_type3A_552 masked %unique3A_550 {add = true} : memref<6144xf32, #tpu.memory_space<vmem>>[vector<16xi32>], vector<16xf32>, vector<16xi1>
      %get3A_553 = arith.constant 2 : i32
      %get3A_554 = arith.index_cast %get3A_553 : i32 to index
      %get3A_555 = arith.constant 16 : index
      %get3A_556 = tpu.vector_load %arg8[%get3A_554, %get3A_555] {strides = array<i32>} : memref<16x128xi32, #tpu.memory_space<vmem>>, vector<16xi32>,
      %broadcast_in_dim3A_557 = arith.constant true
      %broadcast_in_dim3A_558 = vector.broadcast %broadcast_in_dim3A_557 : i1 to vector<16xi1>
      %unique3A_559, %unique3A_560 = tpu.scan_count mask(%broadcast_in_dim3A_558 : vector<16xi1>) value(%get3A_556 : vector<16xi32>) : vector<16xi1>, vector<16xi32>
      %convert_element_type3A_561 = arith.sitofp %unique3A_560 : vector<16xi32> to vector<16xf32>
      tpu.vector_store_idx %arg23[%get3A_556], %convert_element_type3A_561 masked %unique3A_559 {add = true} : memref<6144xf32, #tpu.memory_space<vmem>>[vector<16xi32>], vector<16xf32>, vector<16xi1>
      %get3A_562 = arith.constant 2 : i32
      %get3A_563 = arith.index_cast %get3A_562 : i32 to index
      %get3A_564 = arith.constant 32 : index
      %get3A_565 = tpu.vector_load %arg8[%get3A_563, %get3A_564] {strides = array<i32>} : memref<16x128xi32, #tpu.memory_space<vmem>>, vector<16xi32>,
      %broadcast_in_dim3A_566 = arith.constant true
      %broadcast_in_dim3A_567 = vector.broadcast %broadcast_in_dim3A_566 : i1 to vector<16xi1>
      %unique3A_568, %unique3A_569 = tpu.scan_count mask(%broadcast_in_dim3A_567 : vector<16xi1>) value(%get3A_565 : vector<16xi32>) : vector<16xi1>, vector<16xi32>
      %convert_element_type3A_570 = arith.sitofp %unique3A_569 : vector<16xi32> to vector<16xf32>
      tpu.vector_store_idx %arg23[%get3A_565], %convert_element_type3A_570 masked %unique3A_568 {add = true} : memref<6144xf32, #tpu.memory_space<vmem>>[vector<16xi32>], vector<16xf32>, vector<16xi1>
      %get3A_571 = arith.constant 2 : i32
      %get3A_572 = arith.index_cast %get3A_571 : i32 to index
      %get3A_573 = arith.constant 48 : index
      %get3A_574 = tpu.vector_load %arg8[%get3A_572, %get3A_573] {strides = array<i32>} : memref<16x128xi32, #tpu.memory_space<vmem>>, vector<16xi32>,
      %broadcast_in_dim3A_575 = arith.constant true
      %broadcast_in_dim3A_576 = vector.broadcast %broadcast_in_dim3A_575 : i1 to vector<16xi1>
      %unique3A_577, %unique3A_578 = tpu.scan_count mask(%broadcast_in_dim3A_576 : vector<16xi1>) value(%get3A_574 : vector<16xi32>) : vector<16xi1>, vector<16xi32>
      %convert_element_type3A_579 = arith.sitofp %unique3A_578 : vector<16xi32> to vector<16xf32>
      tpu.vector_store_idx %arg23[%get3A_574], %convert_element_type3A_579 masked %unique3A_577 {add = true} : memref<6144xf32, #tpu.memory_space<vmem>>[vector<16xi32>], vector<16xf32>, vector<16xi1>
      %get3A_580 = arith.constant 2 : i32
      %get3A_581 = arith.index_cast %get3A_580 : i32 to index
      %get3A_582 = arith.constant 64 : index
      %get3A_583 = tpu.vector_load %arg8[%get3A_581, %get3A_582] {strides = array<i32>} : memref<16x128xi32, #tpu.memory_space<vmem>>, vector<16xi32>,
      %broadcast_in_dim3A_584 = arith.constant true
      %broadcast_in_dim3A_585 = vector.broadcast %broadcast_in_dim3A_584 : i1 to vector<16xi1>
      %unique3A_586, %unique3A_587 = tpu.scan_count mask(%broadcast_in_dim3A_585 : vector<16xi1>) value(%get3A_583 : vector<16xi32>) : vector<16xi1>, vector<16xi32>
      %convert_element_type3A_588 = arith.sitofp %unique3A_587 : vector<16xi32> to vector<16xf32>
      tpu.vector_store_idx %arg23[%get3A_583], %convert_element_type3A_588 masked %unique3A_586 {add = true} : memref<6144xf32, #tpu.memory_space<vmem>>[vector<16xi32>], vector<16xf32>, vector<16xi1>
      %get3A_589 = arith.constant 2 : i32
      %get3A_590 = arith.index_cast %get3A_589 : i32 to index
      %get3A_591 = arith.constant 80 : index
      %get3A_592 = tpu.vector_load %arg8[%get3A_590, %get3A_591] {strides = array<i32>} : memref<16x128xi32, #tpu.memory_space<vmem>>, vector<16xi32>,
      %broadcast_in_dim3A_593 = arith.constant true
      %broadcast_in_dim3A_594 = vector.broadcast %broadcast_in_dim3A_593 : i1 to vector<16xi1>
      %unique3A_595, %unique3A_596 = tpu.scan_count mask(%broadcast_in_dim3A_594 : vector<16xi1>) value(%get3A_592 : vector<16xi32>) : vector<16xi1>, vector<16xi32>
      %convert_element_type3A_597 = arith.sitofp %unique3A_596 : vector<16xi32> to vector<16xf32>
      tpu.vector_store_idx %arg23[%get3A_592], %convert_element_type3A_597 masked %unique3A_595 {add = true} : memref<6144xf32, #tpu.memory_space<vmem>>[vector<16xi32>], vector<16xf32>, vector<16xi1>
      %get3A_598 = arith.constant 2 : i32
      %get3A_599 = arith.index_cast %get3A_598 : i32 to index
      %get3A_600 = arith.constant 96 : index
      %get3A_601 = tpu.vector_load %arg8[%get3A_599, %get3A_600] {strides = array<i32>} : memref<16x128xi32, #tpu.memory_space<vmem>>, vector<16xi32>,
      %broadcast_in_dim3A_602 = arith.constant true
      %broadcast_in_dim3A_603 = vector.broadcast %broadcast_in_dim3A_602 : i1 to vector<16xi1>
      %unique3A_604, %unique3A_605 = tpu.scan_count mask(%broadcast_in_dim3A_603 : vector<16xi1>) value(%get3A_601 : vector<16xi32>) : vector<16xi1>, vector<16xi32>
      %convert_element_type3A_606 = arith.sitofp %unique3A_605 : vector<16xi32> to vector<16xf32>
      tpu.vector_store_idx %arg23[%get3A_601], %convert_element_type3A_606 masked %unique3A_604 {add = true} : memref<6144xf32, #tpu.memory_space<vmem>>[vector<16xi32>], vector<16xf32>, vector<16xi1>
      %get3A_607 = arith.constant 2 : i32
      %get3A_608 = arith.index_cast %get3A_607 : i32 to index
      %get3A_609 = arith.constant 112 : index
      %get3A_610 = tpu.vector_load %arg8[%get3A_608, %get3A_609] {strides = array<i32>} : memref<16x128xi32, #tpu.memory_space<vmem>>, vector<16xi32>,
      %broadcast_in_dim3A_611 = arith.constant true
      %broadcast_in_dim3A_612 = vector.broadcast %broadcast_in_dim3A_611 : i1 to vector<16xi1>
      %unique3A_613, %unique3A_614 = tpu.scan_count mask(%broadcast_in_dim3A_612 : vector<16xi1>) value(%get3A_610 : vector<16xi32>) : vector<16xi1>, vector<16xi32>
      %convert_element_type3A_615 = arith.sitofp %unique3A_614 : vector<16xi32> to vector<16xf32>
      tpu.vector_store_idx %arg23[%get3A_610], %convert_element_type3A_615 masked %unique3A_613 {add = true} : memref<6144xf32, #tpu.memory_space<vmem>>[vector<16xi32>], vector<16xf32>, vector<16xi1>
      %dma_wait3A_616 = arith.constant 3 : i32
      %dma_wait3A_617 = arith.constant 0 : i32
      %dma_wait3A_618 = tpu.memref_slice %arg7[%dma_wait3A_616, %dma_wait3A_617] : memref<16x128xi32, #tpu.memory_space<vmem>> -> memref<1x128xi32, #tpu.memory_space<vmem>>
      %dma_wait3A_619 = tpu.memref_squeeze %dma_wait3A_618 : memref<1x128xi32, #tpu.memory_space<vmem>> -> memref<128xi32, #tpu.memory_space<vmem>>
      %dma_wait3A_620 = arith.constant 0 : i32
      %dma_wait3A_621 = arith.constant 0 : i32
      %dma_wait3A_622 = tpu.memref_slice %arg2[%dma_wait3A_620, %dma_wait3A_621] : memref<10240x128xf32, #tpu.memory_space<hbm>> -> memref<10240x128xf32, #tpu.memory_space<hbm>>
      tpu.wait_indirect_dma semaphore(%arg18 : memref<!tpu.dma_semaphore, #tpu.memory_space<semaphore_mem>>) src(%dma_wait3A_622 : memref<10240x128xf32, #tpu.memory_space<hbm>>) dst(%arg12 : memref<128x128xf32, #tpu.memory_space<vmem>>)
      %dma_start3A_623 = arith.constant 3 : i32
      %dma_start3A_624 = arith.constant 0 : i32
      %dma_start3A_625 = tpu.memref_slice %arg8[%dma_start3A_623, %dma_start3A_624] : memref<16x128xi32, #tpu.memory_space<vmem>> -> memref<1x128xi32, #tpu.memory_space<vmem>>
      %dma_start3A_626 = tpu.memref_squeeze %dma_start3A_625 : memref<1x128xi32, #tpu.memory_space<vmem>> -> memref<128xi32, #tpu.memory_space<vmem>>
      %dma_start3A_627 = arith.constant 0 : i32
      %dma_start3A_628 = arith.constant 0 : i32
      %dma_start3A_629 = tpu.memref_slice %arg14[%dma_start3A_627, %dma_start3A_628] : memref<6144x128xf32, #tpu.memory_space<vmem_shared>> -> memref<6144x128xf32, #tpu.memory_space<vmem_shared>>
      tpu.enqueue_indirect_dma source(%arg12 : memref<128x128xf32, #tpu.memory_space<vmem>>) target(%dma_start3A_629 : memref<6144x128xf32, #tpu.memory_space<vmem_shared>>) offsets(%dma_start3A_626 : memref<128xi32, #tpu.memory_space<vmem>>) semaphore(%arg22 : memref<!tpu.dma_semaphore, #tpu.memory_space<semaphore_mem>>) {add = true}
      %dma_wait3A_630 = arith.constant 3 : i32
      %dma_wait3A_631 = arith.constant 0 : i32
      %dma_wait3A_632 = tpu.memref_slice %arg8[%dma_wait3A_630, %dma_wait3A_631] : memref<16x128xi32, #tpu.memory_space<vmem>> -> memref<1x128xi32, #tpu.memory_space<vmem>>
      %dma_wait3A_633 = tpu.memref_squeeze %dma_wait3A_632 : memref<1x128xi32, #tpu.memory_space<vmem>> -> memref<128xi32, #tpu.memory_space<vmem>>
      %dma_wait3A_634 = arith.constant 0 : i32
      %dma_wait3A_635 = arith.constant 0 : i32
      %dma_wait3A_636 = tpu.memref_slice %arg14[%dma_wait3A_634, %dma_wait3A_635] : memref<6144x128xf32, #tpu.memory_space<vmem_shared>> -> memref<6144x128xf32, #tpu.memory_space<vmem_shared>>
      tpu.wait_indirect_dma semaphore(%arg22 : memref<!tpu.dma_semaphore, #tpu.memory_space<semaphore_mem>>) src(%arg12 : memref<128x128xf32, #tpu.memory_space<vmem>>) dst(%dma_wait3A_636 : memref<6144x128xf32, #tpu.memory_space<vmem_shared>>)
      %dma_start3A_637 = arith.constant 7 : i32
      %dma_start3A_638 = arith.constant 0 : i32
      %dma_start3A_639 = tpu.memref_slice %arg7[%dma_start3A_637, %dma_start3A_638] : memref<16x128xi32, #tpu.memory_space<vmem>> -> memref<1x128xi32, #tpu.memory_space<vmem>>
      %dma_start3A_640 = tpu.memref_squeeze %dma_start3A_639 : memref<1x128xi32, #tpu.memory_space<vmem>> -> memref<128xi32, #tpu.memory_space<vmem>>
      %dma_start3A_641 = arith.constant 0 : i32
      %dma_start3A_642 = arith.constant 0 : i32
      %dma_start3A_643 = tpu.memref_slice %arg2[%dma_start3A_641, %dma_start3A_642] : memref<10240x128xf32, #tpu.memory_space<hbm>> -> memref<10240x128xf32, #tpu.memory_space<hbm>>
      tpu.enqueue_indirect_dma source(%dma_start3A_643 : memref<10240x128xf32, #tpu.memory_space<hbm>>) target(%arg12 : memref<128x128xf32, #tpu.memory_space<vmem>>) offsets(%dma_start3A_640 : memref<128xi32, #tpu.memory_space<vmem>>) semaphore(%arg18 : memref<!tpu.dma_semaphore, #tpu.memory_space<semaphore_mem>>)
      %get3A_644 = arith.constant 3 : i32
      %get3A_645 = arith.index_cast %get3A_644 : i32 to index
      %get3A_646 = arith.constant 0 : index
      %get3A_647 = tpu.vector_load %arg8[%get3A_645, %get3A_646] {strides = array<i32>} : memref<16x128xi32, #tpu.memory_space<vmem>>, vector<16xi32>,
      %broadcast_in_dim3A_648 = arith.constant true
      %broadcast_in_dim3A_649 = vector.broadcast %broadcast_in_dim3A_648 : i1 to vector<16xi1>
      %unique3A_650, %unique3A_651 = tpu.scan_count mask(%broadcast_in_dim3A_649 : vector<16xi1>) value(%get3A_647 : vector<16xi32>) : vector<16xi1>, vector<16xi32>
      %convert_element_type3A_652 = arith.sitofp %unique3A_651 : vector<16xi32> to vector<16xf32>
      tpu.vector_store_idx %arg23[%get3A_647], %convert_element_type3A_652 masked %unique3A_650 {add = true} : memref<6144xf32, #tpu.memory_space<vmem>>[vector<16xi32>], vector<16xf32>, vector<16xi1>
      %get3A_653 = arith.constant 3 : i32
      %get3A_654 = arith.index_cast %get3A_653 : i32 to index
      %get3A_655 = arith.constant 16 : index
      %get3A_656 = tpu.vector_load %arg8[%get3A_654, %get3A_655] {strides = array<i32>} : memref<16x128xi32, #tpu.memory_space<vmem>>, vector<16xi32>,
      %broadcast_in_dim3A_657 = arith.constant true
      %broadcast_in_dim3A_658 = vector.broadcast %broadcast_in_dim3A_657 : i1 to vector<16xi1>
      %unique3A_659, %unique3A_660 = tpu.scan_count mask(%broadcast_in_dim3A_658 : vector<16xi1>) value(%get3A_656 : vector<16xi32>) : vector<16xi1>, vector<16xi32>
      %convert_element_type3A_661 = arith.sitofp %unique3A_660 : vector<16xi32> to vector<16xf32>
      tpu.vector_store_idx %arg23[%get3A_656], %convert_element_type3A_661 masked %unique3A_659 {add = true} : memref<6144xf32, #tpu.memory_space<vmem>>[vector<16xi32>], vector<16xf32>, vector<16xi1>
      %get3A_662 = arith.constant 3 : i32
      %get3A_663 = arith.index_cast %get3A_662 : i32 to index
      %get3A_664 = arith.constant 32 : index
      %get3A_665 = tpu.vector_load %arg8[%get3A_663, %get3A_664] {strides = array<i32>} : memref<16x128xi32, #tpu.memory_space<vmem>>, vector<16xi32>,
      %broadcast_in_dim3A_666 = arith.constant true
      %broadcast_in_dim3A_667 = vector.broadcast %broadcast_in_dim3A_666 : i1 to vector<16xi1>
      %unique3A_668, %unique3A_669 = tpu.scan_count mask(%broadcast_in_dim3A_667 : vector<16xi1>) value(%get3A_665 : vector<16xi32>) : vector<16xi1>, vector<16xi32>
      %convert_element_type3A_670 = arith.sitofp %unique3A_669 : vector<16xi32> to vector<16xf32>
      tpu.vector_store_idx %arg23[%get3A_665], %convert_element_type3A_670 masked %unique3A_668 {add = true} : memref<6144xf32, #tpu.memory_space<vmem>>[vector<16xi32>], vector<16xf32>, vector<16xi1>
      %get3A_671 = arith.constant 3 : i32
      %get3A_672 = arith.index_cast %get3A_671 : i32 to index
      %get3A_673 = arith.constant 48 : index
      %get3A_674 = tpu.vector_load %arg8[%get3A_672, %get3A_673] {strides = array<i32>} : memref<16x128xi32, #tpu.memory_space<vmem>>, vector<16xi32>,
      %broadcast_in_dim3A_675 = arith.constant true
      %broadcast_in_dim3A_676 = vector.broadcast %broadcast_in_dim3A_675 : i1 to vector<16xi1>
      %unique3A_677, %unique3A_678 = tpu.scan_count mask(%broadcast_in_dim3A_676 : vector<16xi1>) value(%get3A_674 : vector<16xi32>) : vector<16xi1>, vector<16xi32>
      %convert_element_type3A_679 = arith.sitofp %unique3A_678 : vector<16xi32> to vector<16xf32>
      tpu.vector_store_idx %arg23[%get3A_674], %convert_element_type3A_679 masked %unique3A_677 {add = true} : memref<6144xf32, #tpu.memory_space<vmem>>[vector<16xi32>], vector<16xf32>, vector<16xi1>
      %get3A_680 = arith.constant 3 : i32
      %get3A_681 = arith.index_cast %get3A_680 : i32 to index
      %get3A_682 = arith.constant 64 : index
      %get3A_683 = tpu.vector_load %arg8[%get3A_681, %get3A_682] {strides = array<i32>} : memref<16x128xi32, #tpu.memory_space<vmem>>, vector<16xi32>,
      %broadcast_in_dim3A_684 = arith.constant true
      %broadcast_in_dim3A_685 = vector.broadcast %broadcast_in_dim3A_684 : i1 to vector<16xi1>
      %unique3A_686, %unique3A_687 = tpu.scan_count mask(%broadcast_in_dim3A_685 : vector<16xi1>) value(%get3A_683 : vector<16xi32>) : vector<16xi1>, vector<16xi32>
      %convert_element_type3A_688 = arith.sitofp %unique3A_687 : vector<16xi32> to vector<16xf32>
      tpu.vector_store_idx %arg23[%get3A_683], %convert_element_type3A_688 masked %unique3A_686 {add = true} : memref<6144xf32, #tpu.memory_space<vmem>>[vector<16xi32>], vector<16xf32>, vector<16xi1>
      %get3A_689 = arith.constant 3 : i32
      %get3A_690 = arith.index_cast %get3A_689 : i32 to index
      %get3A_691 = arith.constant 80 : index
      %get3A_692 = tpu.vector_load %arg8[%get3A_690, %get3A_691] {strides = array<i32>} : memref<16x128xi32, #tpu.memory_space<vmem>>, vector<16xi32>,
      %broadcast_in_dim3A_693 = arith.constant true
      %broadcast_in_dim3A_694 = vector.broadcast %broadcast_in_dim3A_693 : i1 to vector<16xi1>
      %unique3A_695, %unique3A_696 = tpu.scan_count mask(%broadcast_in_dim3A_694 : vector<16xi1>) value(%get3A_692 : vector<16xi32>) : vector<16xi1>, vector<16xi32>
      %convert_element_type3A_697 = arith.sitofp %unique3A_696 : vector<16xi32> to vector<16xf32>
      tpu.vector_store_idx %arg23[%get3A_692], %convert_element_type3A_697 masked %unique3A_695 {add = true} : memref<6144xf32, #tpu.memory_space<vmem>>[vector<16xi32>], vector<16xf32>, vector<16xi1>
      %get3A_698 = arith.constant 3 : i32
      %get3A_699 = arith.index_cast %get3A_698 : i32 to index
      %get3A_700 = arith.constant 96 : index
      %get3A_701 = tpu.vector_load %arg8[%get3A_699, %get3A_700] {strides = array<i32>} : memref<16x128xi32, #tpu.memory_space<vmem>>, vector<16xi32>,
      %broadcast_in_dim3A_702 = arith.constant true
      %broadcast_in_dim3A_703 = vector.broadcast %broadcast_in_dim3A_702 : i1 to vector<16xi1>
      %unique3A_704, %unique3A_705 = tpu.scan_count mask(%broadcast_in_dim3A_703 : vector<16xi1>) value(%get3A_701 : vector<16xi32>) : vector<16xi1>, vector<16xi32>
      %convert_element_type3A_706 = arith.sitofp %unique3A_705 : vector<16xi32> to vector<16xf32>
      tpu.vector_store_idx %arg23[%get3A_701], %convert_element_type3A_706 masked %unique3A_704 {add = true} : memref<6144xf32, #tpu.memory_space<vmem>>[vector<16xi32>], vector<16xf32>, vector<16xi1>
      %get3A_707 = arith.constant 3 : i32
      %get3A_708 = arith.index_cast %get3A_707 : i32 to index
      %get3A_709 = arith.constant 112 : index
      %get3A_710 = tpu.vector_load %arg8[%get3A_708, %get3A_709] {strides = array<i32>} : memref<16x128xi32, #tpu.memory_space<vmem>>, vector<16xi32>,
      %broadcast_in_dim3A_711 = arith.constant true
      %broadcast_in_dim3A_712 = vector.broadcast %broadcast_in_dim3A_711 : i1 to vector<16xi1>
      %unique3A_713, %unique3A_714 = tpu.scan_count mask(%broadcast_in_dim3A_712 : vector<16xi1>) value(%get3A_710 : vector<16xi32>) : vector<16xi1>, vector<16xi32>
      %convert_element_type3A_715 = arith.sitofp %unique3A_714 : vector<16xi32> to vector<16xf32>
      tpu.vector_store_idx %arg23[%get3A_710], %convert_element_type3A_715 masked %unique3A_713 {add = true} : memref<6144xf32, #tpu.memory_space<vmem>>[vector<16xi32>], vector<16xf32>, vector<16xi1>
      %dma_wait3A_716 = arith.constant 4 : i32
      %dma_wait3A_717 = arith.constant 0 : i32
      %dma_wait3A_718 = tpu.memref_slice %arg7[%dma_wait3A_716, %dma_wait3A_717] : memref<16x128xi32, #tpu.memory_space<vmem>> -> memref<1x128xi32, #tpu.memory_space<vmem>>
      %dma_wait3A_719 = tpu.memref_squeeze %dma_wait3A_718 : memref<1x128xi32, #tpu.memory_space<vmem>> -> memref<128xi32, #tpu.memory_space<vmem>>
      %dma_wait3A_720 = arith.constant 0 : i32
      %dma_wait3A_721 = arith.constant 0 : i32
      %dma_wait3A_722 = tpu.memref_slice %arg2[%dma_wait3A_720, %dma_wait3A_721] : memref<10240x128xf32, #tpu.memory_space<hbm>> -> memref<10240x128xf32, #tpu.memory_space<hbm>>
      tpu.wait_indirect_dma semaphore(%arg15 : memref<!tpu.dma_semaphore, #tpu.memory_space<semaphore_mem>>) src(%dma_wait3A_722 : memref<10240x128xf32, #tpu.memory_space<hbm>>) dst(%arg9 : memref<128x128xf32, #tpu.memory_space<vmem>>)
      %dma_start3A_723 = arith.constant 4 : i32
      %dma_start3A_724 = arith.constant 0 : i32
      %dma_start3A_725 = tpu.memref_slice %arg8[%dma_start3A_723, %dma_start3A_724] : memref<16x128xi32, #tpu.memory_space<vmem>> -> memref<1x128xi32, #tpu.memory_space<vmem>>
      %dma_start3A_726 = tpu.memref_squeeze %dma_start3A_725 : memref<1x128xi32, #tpu.memory_space<vmem>> -> memref<128xi32, #tpu.memory_space<vmem>>
      %dma_start3A_727 = arith.constant 0 : i32
      %dma_start3A_728 = arith.constant 0 : i32
      %dma_start3A_729 = tpu.memref_slice %arg14[%dma_start3A_727, %dma_start3A_728] : memref<6144x128xf32, #tpu.memory_space<vmem_shared>> -> memref<6144x128xf32, #tpu.memory_space<vmem_shared>>
      tpu.enqueue_indirect_dma source(%arg9 : memref<128x128xf32, #tpu.memory_space<vmem>>) target(%dma_start3A_729 : memref<6144x128xf32, #tpu.memory_space<vmem_shared>>) offsets(%dma_start3A_726 : memref<128xi32, #tpu.memory_space<vmem>>) semaphore(%arg19 : memref<!tpu.dma_semaphore, #tpu.memory_space<semaphore_mem>>) {add = true}
      %dma_wait3A_730 = arith.constant 4 : i32
      %dma_wait3A_731 = arith.constant 0 : i32
      %dma_wait3A_732 = tpu.memref_slice %arg8[%dma_wait3A_730, %dma_wait3A_731] : memref<16x128xi32, #tpu.memory_space<vmem>> -> memref<1x128xi32, #tpu.memory_space<vmem>>
      %dma_wait3A_733 = tpu.memref_squeeze %dma_wait3A_732 : memref<1x128xi32, #tpu.memory_space<vmem>> -> memref<128xi32, #tpu.memory_space<vmem>>
      %dma_wait3A_734 = arith.constant 0 : i32
      %dma_wait3A_735 = arith.constant 0 : i32
      %dma_wait3A_736 = tpu.memref_slice %arg14[%dma_wait3A_734, %dma_wait3A_735] : memref<6144x128xf32, #tpu.memory_space<vmem_shared>> -> memref<6144x128xf32, #tpu.memory_space<vmem_shared>>
      tpu.wait_indirect_dma semaphore(%arg19 : memref<!tpu.dma_semaphore, #tpu.memory_space<semaphore_mem>>) src(%arg9 : memref<128x128xf32, #tpu.memory_space<vmem>>) dst(%dma_wait3A_736 : memref<6144x128xf32, #tpu.memory_space<vmem_shared>>)
      %dma_start3A_737 = arith.constant 8 : i32
      %dma_start3A_738 = arith.constant 0 : i32
      %dma_start3A_739 = tpu.memref_slice %arg7[%dma_start3A_737, %dma_start3A_738] : memref<16x128xi32, #tpu.memory_space<vmem>> -> memref<1x128xi32, #tpu.memory_space<vmem>>
      %dma_start3A_740 = tpu.memref_squeeze %dma_start3A_739 : memref<1x128xi32, #tpu.memory_space<vmem>> -> memref<128xi32, #tpu.memory_space<vmem>>
      %dma_start3A_741 = arith.constant 0 : i32
      %dma_start3A_742 = arith.constant 0 : i32
      %dma_start3A_743 = tpu.memref_slice %arg2[%dma_start3A_741, %dma_start3A_742] : memref<10240x128xf32, #tpu.memory_space<hbm>> -> memref<10240x128xf32, #tpu.memory_space<hbm>>
      tpu.enqueue_indirect_dma source(%dma_start3A_743 : memref<10240x128xf32, #tpu.memory_space<hbm>>) target(%arg9 : memref<128x128xf32, #tpu.memory_space<vmem>>) offsets(%dma_start3A_740 : memref<128xi32, #tpu.memory_space<vmem>>) semaphore(%arg15 : memref<!tpu.dma_semaphore, #tpu.memory_space<semaphore_mem>>)
      %get3A_744 = arith.constant 4 : i32
      %get3A_745 = arith.index_cast %get3A_744 : i32 to index
      %get3A_746 = arith.constant 0 : index
      %get3A_747 = tpu.vector_load %arg8[%get3A_745, %get3A_746] {strides = array<i32>} : memref<16x128xi32, #tpu.memory_space<vmem>>, vector<16xi32>,
      %broadcast_in_dim3A_748 = arith.constant true
      %broadcast_in_dim3A_749 = vector.broadcast %broadcast_in_dim3A_748 : i1 to vector<16xi1>
      %unique3A_750, %unique3A_751 = tpu.scan_count mask(%broadcast_in_dim3A_749 : vector<16xi1>) value(%get3A_747 : vector<16xi32>) : vector<16xi1>, vector<16xi32>
      %convert_element_type3A_752 = arith.sitofp %unique3A_751 : vector<16xi32> to vector<16xf32>
      tpu.vector_store_idx %arg23[%get3A_747], %convert_element_type3A_752 masked %unique3A_750 {add = true} : memref<6144xf32, #tpu.memory_space<vmem>>[vector<16xi32>], vector<16xf32>, vector<16xi1>
      %get3A_753 = arith.constant 4 : i32
      %get3A_754 = arith.index_cast %get3A_753 : i32 to index
      %get3A_755 = arith.constant 16 : index
      %get3A_756 = tpu.vector_load %arg8[%get3A_754, %get3A_755] {strides = array<i32>} : memref<16x128xi32, #tpu.memory_space<vmem>>, vector<16xi32>,
      %broadcast_in_dim3A_757 = arith.constant true
      %broadcast_in_dim3A_758 = vector.broadcast %broadcast_in_dim3A_757 : i1 to vector<16xi1>
      %unique3A_759, %unique3A_760 = tpu.scan_count mask(%broadcast_in_dim3A_758 : vector<16xi1>) value(%get3A_756 : vector<16xi32>) : vector<16xi1>, vector<16xi32>
      %convert_element_type3A_761 = arith.sitofp %unique3A_760 : vector<16xi32> to vector<16xf32>
      tpu.vector_store_idx %arg23[%get3A_756], %convert_element_type3A_761 masked %unique3A_759 {add = true} : memref<6144xf32, #tpu.memory_space<vmem>>[vector<16xi32>], vector<16xf32>, vector<16xi1>
      %get3A_762 = arith.constant 4 : i32
      %get3A_763 = arith.index_cast %get3A_762 : i32 to index
      %get3A_764 = arith.constant 32 : index
      %get3A_765 = tpu.vector_load %arg8[%get3A_763, %get3A_764] {strides = array<i32>} : memref<16x128xi32, #tpu.memory_space<vmem>>, vector<16xi32>,
      %broadcast_in_dim3A_766 = arith.constant true
      %broadcast_in_dim3A_767 = vector.broadcast %broadcast_in_dim3A_766 : i1 to vector<16xi1>
      %unique3A_768, %unique3A_769 = tpu.scan_count mask(%broadcast_in_dim3A_767 : vector<16xi1>) value(%get3A_765 : vector<16xi32>) : vector<16xi1>, vector<16xi32>
      %convert_element_type3A_770 = arith.sitofp %unique3A_769 : vector<16xi32> to vector<16xf32>
      tpu.vector_store_idx %arg23[%get3A_765], %convert_element_type3A_770 masked %unique3A_768 {add = true} : memref<6144xf32, #tpu.memory_space<vmem>>[vector<16xi32>], vector<16xf32>, vector<16xi1>
      %get3A_771 = arith.constant 4 : i32
      %get3A_772 = arith.index_cast %get3A_771 : i32 to index
      %get3A_773 = arith.constant 48 : index
      %get3A_774 = tpu.vector_load %arg8[%get3A_772, %get3A_773] {strides = array<i32>} : memref<16x128xi32, #tpu.memory_space<vmem>>, vector<16xi32>,
      %broadcast_in_dim3A_775 = arith.constant true
      %broadcast_in_dim3A_776 = vector.broadcast %broadcast_in_dim3A_775 : i1 to vector<16xi1>
      %unique3A_777, %unique3A_778 = tpu.scan_count mask(%broadcast_in_dim3A_776 : vector<16xi1>) value(%get3A_774 : vector<16xi32>) : vector<16xi1>, vector<16xi32>
      %convert_element_type3A_779 = arith.sitofp %unique3A_778 : vector<16xi32> to vector<16xf32>
      tpu.vector_store_idx %arg23[%get3A_774], %convert_element_type3A_779 masked %unique3A_777 {add = true} : memref<6144xf32, #tpu.memory_space<vmem>>[vector<16xi32>], vector<16xf32>, vector<16xi1>
      %get3A_780 = arith.constant 4 : i32
      %get3A_781 = arith.index_cast %get3A_780 : i32 to index
      %get3A_782 = arith.constant 64 : index
      %get3A_783 = tpu.vector_load %arg8[%get3A_781, %get3A_782] {strides = array<i32>} : memref<16x128xi32, #tpu.memory_space<vmem>>, vector<16xi32>,
      %broadcast_in_dim3A_784 = arith.constant true
      %broadcast_in_dim3A_785 = vector.broadcast %broadcast_in_dim3A_784 : i1 to vector<16xi1>
      %unique3A_786, %unique3A_787 = tpu.scan_count mask(%broadcast_in_dim3A_785 : vector<16xi1>) value(%get3A_783 : vector<16xi32>) : vector<16xi1>, vector<16xi32>
      %convert_element_type3A_788 = arith.sitofp %unique3A_787 : vector<16xi32> to vector<16xf32>
      tpu.vector_store_idx %arg23[%get3A_783], %convert_element_type3A_788 masked %unique3A_786 {add = true} : memref<6144xf32, #tpu.memory_space<vmem>>[vector<16xi32>], vector<16xf32>, vector<16xi1>
      %get3A_789 = arith.constant 4 : i32
      %get3A_790 = arith.index_cast %get3A_789 : i32 to index
      %get3A_791 = arith.constant 80 : index
      %get3A_792 = tpu.vector_load %arg8[%get3A_790, %get3A_791] {strides = array<i32>} : memref<16x128xi32, #tpu.memory_space<vmem>>, vector<16xi32>,
      %broadcast_in_dim3A_793 = arith.constant true
      %broadcast_in_dim3A_794 = vector.broadcast %broadcast_in_dim3A_793 : i1 to vector<16xi1>
      %unique3A_795, %unique3A_796 = tpu.scan_count mask(%broadcast_in_dim3A_794 : vector<16xi1>) value(%get3A_792 : vector<16xi32>) : vector<16xi1>, vector<16xi32>
      %convert_element_type3A_797 = arith.sitofp %unique3A_796 : vector<16xi32> to vector<16xf32>
      tpu.vector_store_idx %arg23[%get3A_792], %convert_element_type3A_797 masked %unique3A_795 {add = true} : memref<6144xf32, #tpu.memory_space<vmem>>[vector<16xi32>], vector<16xf32>, vector<16xi1>
      %get3A_798 = arith.constant 4 : i32
      %get3A_799 = arith.index_cast %get3A_798 : i32 to index
      %get3A_800 = arith.constant 96 : index
      %get3A_801 = tpu.vector_load %arg8[%get3A_799, %get3A_800] {strides = array<i32>} : memref<16x128xi32, #tpu.memory_space<vmem>>, vector<16xi32>,
      %broadcast_in_dim3A_802 = arith.constant true
      %broadcast_in_dim3A_803 = vector.broadcast %broadcast_in_dim3A_802 : i1 to vector<16xi1>
      %unique3A_804, %unique3A_805 = tpu.scan_count mask(%broadcast_in_dim3A_803 : vector<16xi1>) value(%get3A_801 : vector<16xi32>) : vector<16xi1>, vector<16xi32>
      %convert_element_type3A_806 = arith.sitofp %unique3A_805 : vector<16xi32> to vector<16xf32>
      tpu.vector_store_idx %arg23[%get3A_801], %convert_element_type3A_806 masked %unique3A_804 {add = true} : memref<6144xf32, #tpu.memory_space<vmem>>[vector<16xi32>], vector<16xf32>, vector<16xi1>
      %get3A_807 = arith.constant 4 : i32
      %get3A_808 = arith.index_cast %get3A_807 : i32 to index
      %get3A_809 = arith.constant 112 : index
      %get3A_810 = tpu.vector_load %arg8[%get3A_808, %get3A_809] {strides = array<i32>} : memref<16x128xi32, #tpu.memory_space<vmem>>, vector<16xi32>,
      %broadcast_in_dim3A_811 = arith.constant true
      %broadcast_in_dim3A_812 = vector.broadcast %broadcast_in_dim3A_811 : i1 to vector<16xi1>
      %unique3A_813, %unique3A_814 = tpu.scan_count mask(%broadcast_in_dim3A_812 : vector<16xi1>) value(%get3A_810 : vector<16xi32>) : vector<16xi1>, vector<16xi32>
      %convert_element_type3A_815 = arith.sitofp %unique3A_814 : vector<16xi32> to vector<16xf32>
      tpu.vector_store_idx %arg23[%get3A_810], %convert_element_type3A_815 masked %unique3A_813 {add = true} : memref<6144xf32, #tpu.memory_space<vmem>>[vector<16xi32>], vector<16xf32>, vector<16xi1>
      %dma_wait3A_816 = arith.constant 5 : i32
      %dma_wait3A_817 = arith.constant 0 : i32
      %dma_wait3A_818 = tpu.memref_slice %arg7[%dma_wait3A_816, %dma_wait3A_817] : memref<16x128xi32, #tpu.memory_space<vmem>> -> memref<1x128xi32, #tpu.memory_space<vmem>>
      %dma_wait3A_819 = tpu.memref_squeeze %dma_wait3A_818 : memref<1x128xi32, #tpu.memory_space<vmem>> -> memref<128xi32, #tpu.memory_space<vmem>>
      %dma_wait3A_820 = arith.constant 0 : i32
      %dma_wait3A_821 = arith.constant 0 : i32
      %dma_wait3A_822 = tpu.memref_slice %arg2[%dma_wait3A_820, %dma_wait3A_821] : memref<10240x128xf32, #tpu.memory_space<hbm>> -> memref<10240x128xf32, #tpu.memory_space<hbm>>
      tpu.wait_indirect_dma semaphore(%arg16 : memref<!tpu.dma_semaphore, #tpu.memory_space<semaphore_mem>>) src(%dma_wait3A_822 : memref<10240x128xf32, #tpu.memory_space<hbm>>) dst(%arg10 : memref<128x128xf32, #tpu.memory_space<vmem>>)
      %dma_start3A_823 = arith.constant 5 : i32
      %dma_start3A_824 = arith.constant 0 : i32
      %dma_start3A_825 = tpu.memref_slice %arg8[%dma_start3A_823, %dma_start3A_824] : memref<16x128xi32, #tpu.memory_space<vmem>> -> memref<1x128xi32, #tpu.memory_space<vmem>>
      %dma_start3A_826 = tpu.memref_squeeze %dma_start3A_825 : memref<1x128xi32, #tpu.memory_space<vmem>> -> memref<128xi32, #tpu.memory_space<vmem>>
      %dma_start3A_827 = arith.constant 0 : i32
      %dma_start3A_828 = arith.constant 0 : i32
      %dma_start3A_829 = tpu.memref_slice %arg14[%dma_start3A_827, %dma_start3A_828] : memref<6144x128xf32, #tpu.memory_space<vmem_shared>> -> memref<6144x128xf32, #tpu.memory_space<vmem_shared>>
      tpu.enqueue_indirect_dma source(%arg10 : memref<128x128xf32, #tpu.memory_space<vmem>>) target(%dma_start3A_829 : memref<6144x128xf32, #tpu.memory_space<vmem_shared>>) offsets(%dma_start3A_826 : memref<128xi32, #tpu.memory_space<vmem>>) semaphore(%arg20 : memref<!tpu.dma_semaphore, #tpu.memory_space<semaphore_mem>>) {add = true}
      %dma_wait3A_830 = arith.constant 5 : i32
      %dma_wait3A_831 = arith.constant 0 : i32
      %dma_wait3A_832 = tpu.memref_slice %arg8[%dma_wait3A_830, %dma_wait3A_831] : memref<16x128xi32, #tpu.memory_space<vmem>> -> memref<1x128xi32, #tpu.memory_space<vmem>>
      %dma_wait3A_833 = tpu.memref_squeeze %dma_wait3A_832 : memref<1x128xi32, #tpu.memory_space<vmem>> -> memref<128xi32, #tpu.memory_space<vmem>>
      %dma_wait3A_834 = arith.constant 0 : i32
      %dma_wait3A_835 = arith.constant 0 : i32
      %dma_wait3A_836 = tpu.memref_slice %arg14[%dma_wait3A_834, %dma_wait3A_835] : memref<6144x128xf32, #tpu.memory_space<vmem_shared>> -> memref<6144x128xf32, #tpu.memory_space<vmem_shared>>
      tpu.wait_indirect_dma semaphore(%arg20 : memref<!tpu.dma_semaphore, #tpu.memory_space<semaphore_mem>>) src(%arg10 : memref<128x128xf32, #tpu.memory_space<vmem>>) dst(%dma_wait3A_836 : memref<6144x128xf32, #tpu.memory_space<vmem_shared>>)
      %dma_start3A_837 = arith.constant 9 : i32
      %dma_start3A_838 = arith.constant 0 : i32
      %dma_start3A_839 = tpu.memref_slice %arg7[%dma_start3A_837, %dma_start3A_838] : memref<16x128xi32, #tpu.memory_space<vmem>> -> memref<1x128xi32, #tpu.memory_space<vmem>>
      %dma_start3A_840 = tpu.memref_squeeze %dma_start3A_839 : memref<1x128xi32, #tpu.memory_space<vmem>> -> memref<128xi32, #tpu.memory_space<vmem>>
      %dma_start3A_841 = arith.constant 0 : i32
      %dma_start3A_842 = arith.constant 0 : i32
      %dma_start3A_843 = tpu.memref_slice %arg2[%dma_start3A_841, %dma_start3A_842] : memref<10240x128xf32, #tpu.memory_space<hbm>> -> memref<10240x128xf32, #tpu.memory_space<hbm>>
      tpu.enqueue_indirect_dma source(%dma_start3A_843 : memref<10240x128xf32, #tpu.memory_space<hbm>>) target(%arg10 : memref<128x128xf32, #tpu.memory_space<vmem>>) offsets(%dma_start3A_840 : memref<128xi32, #tpu.memory_space<vmem>>) semaphore(%arg16 : memref<!tpu.dma_semaphore, #tpu.memory_space<semaphore_mem>>)
      %get3A_844 = arith.constant 5 : i32
      %get3A_845 = arith.index_cast %get3A_844 : i32 to index
      %get3A_846 = arith.constant 0 : index
      %get3A_847 = tpu.vector_load %arg8[%get3A_845, %get3A_846] {strides = array<i32>} : memref<16x128xi32, #tpu.memory_space<vmem>>, vector<16xi32>,
      %broadcast_in_dim3A_848 = arith.constant true
      %broadcast_in_dim3A_849 = vector.broadcast %broadcast_in_dim3A_848 : i1 to vector<16xi1>
      %unique3A_850, %unique3A_851 = tpu.scan_count mask(%broadcast_in_dim3A_849 : vector<16xi1>) value(%get3A_847 : vector<16xi32>) : vector<16xi1>, vector<16xi32>
      %convert_element_type3A_852 = arith.sitofp %unique3A_851 : vector<16xi32> to vector<16xf32>
      tpu.vector_store_idx %arg23[%get3A_847], %convert_element_type3A_852 masked %unique3A_850 {add = true} : memref<6144xf32, #tpu.memory_space<vmem>>[vector<16xi32>], vector<16xf32>, vector<16xi1>
      %get3A_853 = arith.constant 5 : i32
      %get3A_854 = arith.index_cast %get3A_853 : i32 to index
      %get3A_855 = arith.constant 16 : index
      %get3A_856 = tpu.vector_load %arg8[%get3A_854, %get3A_855] {strides = array<i32>} : memref<16x128xi32, #tpu.memory_space<vmem>>, vector<16xi32>,
      %broadcast_in_dim3A_857 = arith.constant true
      %broadcast_in_dim3A_858 = vector.broadcast %broadcast_in_dim3A_857 : i1 to vector<16xi1>
      %unique3A_859, %unique3A_860 = tpu.scan_count mask(%broadcast_in_dim3A_858 : vector<16xi1>) value(%get3A_856 : vector<16xi32>) : vector<16xi1>, vector<16xi32>
      %convert_element_type3A_861 = arith.sitofp %unique3A_860 : vector<16xi32> to vector<16xf32>
      tpu.vector_store_idx %arg23[%get3A_856], %convert_element_type3A_861 masked %unique3A_859 {add = true} : memref<6144xf32, #tpu.memory_space<vmem>>[vector<16xi32>], vector<16xf32>, vector<16xi1>
      %get3A_862 = arith.constant 5 : i32
      %get3A_863 = arith.index_cast %get3A_862 : i32 to index
      %get3A_864 = arith.constant 32 : index
      %get3A_865 = tpu.vector_load %arg8[%get3A_863, %get3A_864] {strides = array<i32>} : memref<16x128xi32, #tpu.memory_space<vmem>>, vector<16xi32>,
      %broadcast_in_dim3A_866 = arith.constant true
      %broadcast_in_dim3A_867 = vector.broadcast %broadcast_in_dim3A_866 : i1 to vector<16xi1>
      %unique3A_868, %unique3A_869 = tpu.scan_count mask(%broadcast_in_dim3A_867 : vector<16xi1>) value(%get3A_865 : vector<16xi32>) : vector<16xi1>, vector<16xi32>
      %convert_element_type3A_870 = arith.sitofp %unique3A_869 : vector<16xi32> to vector<16xf32>
      tpu.vector_store_idx %arg23[%get3A_865], %convert_element_type3A_870 masked %unique3A_868 {add = true} : memref<6144xf32, #tpu.memory_space<vmem>>[vector<16xi32>], vector<16xf32>, vector<16xi1>
      %get3A_871 = arith.constant 5 : i32
      %get3A_872 = arith.index_cast %get3A_871 : i32 to index
      %get3A_873 = arith.constant 48 : index
      %get3A_874 = tpu.vector_load %arg8[%get3A_872, %get3A_873] {strides = array<i32>} : memref<16x128xi32, #tpu.memory_space<vmem>>, vector<16xi32>,
      %broadcast_in_dim3A_875 = arith.constant true
      %broadcast_in_dim3A_876 = vector.broadcast %broadcast_in_dim3A_875 : i1 to vector<16xi1>
      %unique3A_877, %unique3A_878 = tpu.scan_count mask(%broadcast_in_dim3A_876 : vector<16xi1>) value(%get3A_874 : vector<16xi32>) : vector<16xi1>, vector<16xi32>
      %convert_element_type3A_879 = arith.sitofp %unique3A_878 : vector<16xi32> to vector<16xf32>
      tpu.vector_store_idx %arg23[%get3A_874], %convert_element_type3A_879 masked %unique3A_877 {add = true} : memref<6144xf32, #tpu.memory_space<vmem>>[vector<16xi32>], vector<16xf32>, vector<16xi1>
      %get3A_880 = arith.constant 5 : i32
      %get3A_881 = arith.index_cast %get3A_880 : i32 to index
      %get3A_882 = arith.constant 64 : index
      %get3A_883 = tpu.vector_load %arg8[%get3A_881, %get3A_882] {strides = array<i32>} : memref<16x128xi32, #tpu.memory_space<vmem>>, vector<16xi32>,
      %broadcast_in_dim3A_884 = arith.constant true
      %broadcast_in_dim3A_885 = vector.broadcast %broadcast_in_dim3A_884 : i1 to vector<16xi1>
      %unique3A_886, %unique3A_887 = tpu.scan_count mask(%broadcast_in_dim3A_885 : vector<16xi1>) value(%get3A_883 : vector<16xi32>) : vector<16xi1>, vector<16xi32>
      %convert_element_type3A_888 = arith.sitofp %unique3A_887 : vector<16xi32> to vector<16xf32>
      tpu.vector_store_idx %arg23[%get3A_883], %convert_element_type3A_888 masked %unique3A_886 {add = true} : memref<6144xf32, #tpu.memory_space<vmem>>[vector<16xi32>], vector<16xf32>, vector<16xi1>
      %get3A_889 = arith.constant 5 : i32
      %get3A_890 = arith.index_cast %get3A_889 : i32 to index
      %get3A_891 = arith.constant 80 : index
      %get3A_892 = tpu.vector_load %arg8[%get3A_890, %get3A_891] {strides = array<i32>} : memref<16x128xi32, #tpu.memory_space<vmem>>, vector<16xi32>,
      %broadcast_in_dim3A_893 = arith.constant true
      %broadcast_in_dim3A_894 = vector.broadcast %broadcast_in_dim3A_893 : i1 to vector<16xi1>
      %unique3A_895, %unique3A_896 = tpu.scan_count mask(%broadcast_in_dim3A_894 : vector<16xi1>) value(%get3A_892 : vector<16xi32>) : vector<16xi1>, vector<16xi32>
      %convert_element_type3A_897 = arith.sitofp %unique3A_896 : vector<16xi32> to vector<16xf32>
      tpu.vector_store_idx %arg23[%get3A_892], %convert_element_type3A_897 masked %unique3A_895 {add = true} : memref<6144xf32, #tpu.memory_space<vmem>>[vector<16xi32>], vector<16xf32>, vector<16xi1>
      %get3A_898 = arith.constant 5 : i32
      %get3A_899 = arith.index_cast %get3A_898 : i32 to index
      %get3A_900 = arith.constant 96 : index
      %get3A_901 = tpu.vector_load %arg8[%get3A_899, %get3A_900] {strides = array<i32>} : memref<16x128xi32, #tpu.memory_space<vmem>>, vector<16xi32>,
      %broadcast_in_dim3A_902 = arith.constant true
      %broadcast_in_dim3A_903 = vector.broadcast %broadcast_in_dim3A_902 : i1 to vector<16xi1>
      %unique3A_904, %unique3A_905 = tpu.scan_count mask(%broadcast_in_dim3A_903 : vector<16xi1>) value(%get3A_901 : vector<16xi32>) : vector<16xi1>, vector<16xi32>
      %convert_element_type3A_906 = arith.sitofp %unique3A_905 : vector<16xi32> to vector<16xf32>
      tpu.vector_store_idx %arg23[%get3A_901], %convert_element_type3A_906 masked %unique3A_904 {add = true} : memref<6144xf32, #tpu.memory_space<vmem>>[vector<16xi32>], vector<16xf32>, vector<16xi1>
      %get3A_907 = arith.constant 5 : i32
      %get3A_908 = arith.index_cast %get3A_907 : i32 to index
      %get3A_909 = arith.constant 112 : index
      %get3A_910 = tpu.vector_load %arg8[%get3A_908, %get3A_909] {strides = array<i32>} : memref<16x128xi32, #tpu.memory_space<vmem>>, vector<16xi32>,
      %broadcast_in_dim3A_911 = arith.constant true
      %broadcast_in_dim3A_912 = vector.broadcast %broadcast_in_dim3A_911 : i1 to vector<16xi1>
      %unique3A_913, %unique3A_914 = tpu.scan_count mask(%broadcast_in_dim3A_912 : vector<16xi1>) value(%get3A_910 : vector<16xi32>) : vector<16xi1>, vector<16xi32>
      %convert_element_type3A_915 = arith.sitofp %unique3A_914 : vector<16xi32> to vector<16xf32>
      tpu.vector_store_idx %arg23[%get3A_910], %convert_element_type3A_915 masked %unique3A_913 {add = true} : memref<6144xf32, #tpu.memory_space<vmem>>[vector<16xi32>], vector<16xf32>, vector<16xi1>
      %dma_wait3A_916 = arith.constant 6 : i32
      %dma_wait3A_917 = arith.constant 0 : i32
      %dma_wait3A_918 = tpu.memref_slice %arg7[%dma_wait3A_916, %dma_wait3A_917] : memref<16x128xi32, #tpu.memory_space<vmem>> -> memref<1x128xi32, #tpu.memory_space<vmem>>
      %dma_wait3A_919 = tpu.memref_squeeze %dma_wait3A_918 : memref<1x128xi32, #tpu.memory_space<vmem>> -> memref<128xi32, #tpu.memory_space<vmem>>
      %dma_wait3A_920 = arith.constant 0 : i32
      %dma_wait3A_921 = arith.constant 0 : i32
      %dma_wait3A_922 = tpu.memref_slice %arg2[%dma_wait3A_920, %dma_wait3A_921] : memref<10240x128xf32, #tpu.memory_space<hbm>> -> memref<10240x128xf32, #tpu.memory_space<hbm>>
      tpu.wait_indirect_dma semaphore(%arg17 : memref<!tpu.dma_semaphore, #tpu.memory_space<semaphore_mem>>) src(%dma_wait3A_922 : memref<10240x128xf32, #tpu.memory_space<hbm>>) dst(%arg11 : memref<128x128xf32, #tpu.memory_space<vmem>>)
      %dma_start3A_923 = arith.constant 6 : i32
      %dma_start3A_924 = arith.constant 0 : i32
      %dma_start3A_925 = tpu.memref_slice %arg8[%dma_start3A_923, %dma_start3A_924] : memref<16x128xi32, #tpu.memory_space<vmem>> -> memref<1x128xi32, #tpu.memory_space<vmem>>
      %dma_start3A_926 = tpu.memref_squeeze %dma_start3A_925 : memref<1x128xi32, #tpu.memory_space<vmem>> -> memref<128xi32, #tpu.memory_space<vmem>>
      %dma_start3A_927 = arith.constant 0 : i32
      %dma_start3A_928 = arith.constant 0 : i32
      %dma_start3A_929 = tpu.memref_slice %arg14[%dma_start3A_927, %dma_start3A_928] : memref<6144x128xf32, #tpu.memory_space<vmem_shared>> -> memref<6144x128xf32, #tpu.memory_space<vmem_shared>>
      tpu.enqueue_indirect_dma source(%arg11 : memref<128x128xf32, #tpu.memory_space<vmem>>) target(%dma_start3A_929 : memref<6144x128xf32, #tpu.memory_space<vmem_shared>>) offsets(%dma_start3A_926 : memref<128xi32, #tpu.memory_space<vmem>>) semaphore(%arg21 : memref<!tpu.dma_semaphore, #tpu.memory_space<semaphore_mem>>) {add = true}
      %dma_wait3A_930 = arith.constant 6 : i32
      %dma_wait3A_931 = arith.constant 0 : i32
      %dma_wait3A_932 = tpu.memref_slice %arg8[%dma_wait3A_930, %dma_wait3A_931] : memref<16x128xi32, #tpu.memory_space<vmem>> -> memref<1x128xi32, #tpu.memory_space<vmem>>
      %dma_wait3A_933 = tpu.memref_squeeze %dma_wait3A_932 : memref<1x128xi32, #tpu.memory_space<vmem>> -> memref<128xi32, #tpu.memory_space<vmem>>
      %dma_wait3A_934 = arith.constant 0 : i32
      %dma_wait3A_935 = arith.constant 0 : i32
      %dma_wait3A_936 = tpu.memref_slice %arg14[%dma_wait3A_934, %dma_wait3A_935] : memref<6144x128xf32, #tpu.memory_space<vmem_shared>> -> memref<6144x128xf32, #tpu.memory_space<vmem_shared>>
      tpu.wait_indirect_dma semaphore(%arg21 : memref<!tpu.dma_semaphore, #tpu.memory_space<semaphore_mem>>) src(%arg11 : memref<128x128xf32, #tpu.memory_space<vmem>>) dst(%dma_wait3A_936 : memref<6144x128xf32, #tpu.memory_space<vmem_shared>>)
      %dma_start3A_937 = arith.constant 10 : i32
      %dma_start3A_938 = arith.constant 0 : i32
      %dma_start3A_939 = tpu.memref_slice %arg7[%dma_start3A_937, %dma_start3A_938] : memref<16x128xi32, #tpu.memory_space<vmem>> -> memref<1x128xi32, #tpu.memory_space<vmem>>
      %dma_start3A_940 = tpu.memref_squeeze %dma_start3A_939 : memref<1x128xi32, #tpu.memory_space<vmem>> -> memref<128xi32, #tpu.memory_space<vmem>>
      %dma_start3A_941 = arith.constant 0 : i32
      %dma_start3A_942 = arith.constant 0 : i32
      %dma_start3A_943 = tpu.memref_slice %arg2[%dma_start3A_941, %dma_start3A_942] : memref<10240x128xf32, #tpu.memory_space<hbm>> -> memref<10240x128xf32, #tpu.memory_space<hbm>>
      tpu.enqueue_indirect_dma source(%dma_start3A_943 : memref<10240x128xf32, #tpu.memory_space<hbm>>) target(%arg11 : memref<128x128xf32, #tpu.memory_space<vmem>>) offsets(%dma_start3A_940 : memref<128xi32, #tpu.memory_space<vmem>>) semaphore(%arg17 : memref<!tpu.dma_semaphore, #tpu.memory_space<semaphore_mem>>)
      %get3A_944 = arith.constant 6 : i32
      %get3A_945 = arith.index_cast %get3A_944 : i32 to index
      %get3A_946 = arith.constant 0 : index
      %get3A_947 = tpu.vector_load %arg8[%get3A_945, %get3A_946] {strides = array<i32>} : memref<16x128xi32, #tpu.memory_space<vmem>>, vector<16xi32>,
      %broadcast_in_dim3A_948 = arith.constant true
      %broadcast_in_dim3A_949 = vector.broadcast %broadcast_in_dim3A_948 : i1 to vector<16xi1>
      %unique3A_950, %unique3A_951 = tpu.scan_count mask(%broadcast_in_dim3A_949 : vector<16xi1>) value(%get3A_947 : vector<16xi32>) : vector<16xi1>, vector<16xi32>
      %convert_element_type3A_952 = arith.sitofp %unique3A_951 : vector<16xi32> to vector<16xf32>
      tpu.vector_store_idx %arg23[%get3A_947], %convert_element_type3A_952 masked %unique3A_950 {add = true} : memref<6144xf32, #tpu.memory_space<vmem>>[vector<16xi32>], vector<16xf32>, vector<16xi1>
      %get3A_953 = arith.constant 6 : i32
      %get3A_954 = arith.index_cast %get3A_953 : i32 to index
      %get3A_955 = arith.constant 16 : index
      %get3A_956 = tpu.vector_load %arg8[%get3A_954, %get3A_955] {strides = array<i32>} : memref<16x128xi32, #tpu.memory_space<vmem>>, vector<16xi32>,
      %broadcast_in_dim3A_957 = arith.constant true
      %broadcast_in_dim3A_958 = vector.broadcast %broadcast_in_dim3A_957 : i1 to vector<16xi1>
      %unique3A_959, %unique3A_960 = tpu.scan_count mask(%broadcast_in_dim3A_958 : vector<16xi1>) value(%get3A_956 : vector<16xi32>) : vector<16xi1>, vector<16xi32>
      %convert_element_type3A_961 = arith.sitofp %unique3A_960 : vector<16xi32> to vector<16xf32>
      tpu.vector_store_idx %arg23[%get3A_956], %convert_element_type3A_961 masked %unique3A_959 {add = true} : memref<6144xf32, #tpu.memory_space<vmem>>[vector<16xi32>], vector<16xf32>, vector<16xi1>
      %get3A_962 = arith.constant 6 : i32
      %get3A_963 = arith.index_cast %get3A_962 : i32 to index
      %get3A_964 = arith.constant 32 : index
      %get3A_965 = tpu.vector_load %arg8[%get3A_963, %get3A_964] {strides = array<i32>} : memref<16x128xi32, #tpu.memory_space<vmem>>, vector<16xi32>,
      %broadcast_in_dim3A_966 = arith.constant true
      %broadcast_in_dim3A_967 = vector.broadcast %broadcast_in_dim3A_966 : i1 to vector<16xi1>
      %unique3A_968, %unique3A_969 = tpu.scan_count mask(%broadcast_in_dim3A_967 : vector<16xi1>) value(%get3A_965 : vector<16xi32>) : vector<16xi1>, vector<16xi32>
      %convert_element_type3A_970 = arith.sitofp %unique3A_969 : vector<16xi32> to vector<16xf32>
      tpu.vector_store_idx %arg23[%get3A_965], %convert_element_type3A_970 masked %unique3A_968 {add = true} : memref<6144xf32, #tpu.memory_space<vmem>>[vector<16xi32>], vector<16xf32>, vector<16xi1>
      %get3A_971 = arith.constant 6 : i32
      %get3A_972 = arith.index_cast %get3A_971 : i32 to index
      %get3A_973 = arith.constant 48 : index
      %get3A_974 = tpu.vector_load %arg8[%get3A_972, %get3A_973] {strides = array<i32>} : memref<16x128xi32, #tpu.memory_space<vmem>>, vector<16xi32>,
      %broadcast_in_dim3A_975 = arith.constant true
      %broadcast_in_dim3A_976 = vector.broadcast %broadcast_in_dim3A_975 : i1 to vector<16xi1>
      %unique3A_977, %unique3A_978 = tpu.scan_count mask(%broadcast_in_dim3A_976 : vector<16xi1>) value(%get3A_974 : vector<16xi32>) : vector<16xi1>, vector<16xi32>
      %convert_element_type3A_979 = arith.sitofp %unique3A_978 : vector<16xi32> to vector<16xf32>
      tpu.vector_store_idx %arg23[%get3A_974], %convert_element_type3A_979 masked %unique3A_977 {add = true} : memref<6144xf32, #tpu.memory_space<vmem>>[vector<16xi32>], vector<16xf32>, vector<16xi1>
      %get3A_980 = arith.constant 6 : i32
      %get3A_981 = arith.index_cast %get3A_980 : i32 to index
      %get3A_982 = arith.constant 64 : index
      %get3A_983 = tpu.vector_load %arg8[%get3A_981, %get3A_982] {strides = array<i32>} : memref<16x128xi32, #tpu.memory_space<vmem>>, vector<16xi32>,
      %broadcast_in_dim3A_984 = arith.constant true
      %broadcast_in_dim3A_985 = vector.broadcast %broadcast_in_dim3A_984 : i1 to vector<16xi1>
      %unique3A_986, %unique3A_987 = tpu.scan_count mask(%broadcast_in_dim3A_985 : vector<16xi1>) value(%get3A_983 : vector<16xi32>) : vector<16xi1>, vector<16xi32>
      %convert_element_type3A_988 = arith.sitofp %unique3A_987 : vector<16xi32> to vector<16xf32>
      tpu.vector_store_idx %arg23[%get3A_983], %convert_element_type3A_988 masked %unique3A_986 {add = true} : memref<6144xf32, #tpu.memory_space<vmem>>[vector<16xi32>], vector<16xf32>, vector<16xi1>
      %get3A_989 = arith.constant 6 : i32
      %get3A_990 = arith.index_cast %get3A_989 : i32 to index
      %get3A_991 = arith.constant 80 : index
      %get3A_992 = tpu.vector_load %arg8[%get3A_990, %get3A_991] {strides = array<i32>} : memref<16x128xi32, #tpu.memory_space<vmem>>, vector<16xi32>,
      %broadcast_in_dim3A_993 = arith.constant true
      %broadcast_in_dim3A_994 = vector.broadcast %broadcast_in_dim3A_993 : i1 to vector<16xi1>
      %unique3A_995, %unique3A_996 = tpu.scan_count mask(%broadcast_in_dim3A_994 : vector<16xi1>) value(%get3A_992 : vector<16xi32>) : vector<16xi1>, vector<16xi32>
      %convert_element_type3A_997 = arith.sitofp %unique3A_996 : vector<16xi32> to vector<16xf32>
      tpu.vector_store_idx %arg23[%get3A_992], %convert_element_type3A_997 masked %unique3A_995 {add = true} : memref<6144xf32, #tpu.memory_space<vmem>>[vector<16xi32>], vector<16xf32>, vector<16xi1>
      %get3A_998 = arith.constant 6 : i32
      %get3A_999 = arith.index_cast %get3A_998 : i32 to index
      %get3A_1000 = arith.constant 96 : index
      %get3A_1001 = tpu.vector_load %arg8[%get3A_999, %get3A_1000] {strides = array<i32>} : memref<16x128xi32, #tpu.memory_space<vmem>>, vector<16xi32>,
      %broadcast_in_dim3A_1002 = arith.constant true
      %broadcast_in_dim3A_1003 = vector.broadcast %broadcast_in_dim3A_1002 : i1 to vector<16xi1>
      %unique3A_1004, %unique3A_1005 = tpu.scan_count mask(%broadcast_in_dim3A_1003 : vector<16xi1>) value(%get3A_1001 : vector<16xi32>) : vector<16xi1>, vector<16xi32>
      %convert_element_type3A_1006 = arith.sitofp %unique3A_1005 : vector<16xi32> to vector<16xf32>
      tpu.vector_store_idx %arg23[%get3A_1001], %convert_element_type3A_1006 masked %unique3A_1004 {add = true} : memref<6144xf32, #tpu.memory_space<vmem>>[vector<16xi32>], vector<16xf32>, vector<16xi1>
      %get3A_1007 = arith.constant 6 : i32
      %get3A_1008 = arith.index_cast %get3A_1007 : i32 to index
      %get3A_1009 = arith.constant 112 : index
      %get3A_1010 = tpu.vector_load %arg8[%get3A_1008, %get3A_1009] {strides = array<i32>} : memref<16x128xi32, #tpu.memory_space<vmem>>, vector<16xi32>,
      %broadcast_in_dim3A_1011 = arith.constant true
      %broadcast_in_dim3A_1012 = vector.broadcast %broadcast_in_dim3A_1011 : i1 to vector<16xi1>
      %unique3A_1013, %unique3A_1014 = tpu.scan_count mask(%broadcast_in_dim3A_1012 : vector<16xi1>) value(%get3A_1010 : vector<16xi32>) : vector<16xi1>, vector<16xi32>
      %convert_element_type3A_1015 = arith.sitofp %unique3A_1014 : vector<16xi32> to vector<16xf32>
      tpu.vector_store_idx %arg23[%get3A_1010], %convert_element_type3A_1015 masked %unique3A_1013 {add = true} : memref<6144xf32, #tpu.memory_space<vmem>>[vector<16xi32>], vector<16xf32>, vector<16xi1>
      %dma_wait3A_1016 = arith.constant 7 : i32
      %dma_wait3A_1017 = arith.constant 0 : i32
      %dma_wait3A_1018 = tpu.memref_slice %arg7[%dma_wait3A_1016, %dma_wait3A_1017] : memref<16x128xi32, #tpu.memory_space<vmem>> -> memref<1x128xi32, #tpu.memory_space<vmem>>
      %dma_wait3A_1019 = tpu.memref_squeeze %dma_wait3A_1018 : memref<1x128xi32, #tpu.memory_space<vmem>> -> memref<128xi32, #tpu.memory_space<vmem>>
      %dma_wait3A_1020 = arith.constant 0 : i32
      %dma_wait3A_1021 = arith.constant 0 : i32
      %dma_wait3A_1022 = tpu.memref_slice %arg2[%dma_wait3A_1020, %dma_wait3A_1021] : memref<10240x128xf32, #tpu.memory_space<hbm>> -> memref<10240x128xf32, #tpu.memory_space<hbm>>
      tpu.wait_indirect_dma semaphore(%arg18 : memref<!tpu.dma_semaphore, #tpu.memory_space<semaphore_mem>>) src(%dma_wait3A_1022 : memref<10240x128xf32, #tpu.memory_space<hbm>>) dst(%arg12 : memref<128x128xf32, #tpu.memory_space<vmem>>)
      %dma_start3A_1023 = arith.constant 7 : i32
      %dma_start3A_1024 = arith.constant 0 : i32
      %dma_start3A_1025 = tpu.memref_slice %arg8[%dma_start3A_1023, %dma_start3A_1024] : memref<16x128xi32, #tpu.memory_space<vmem>> -> memref<1x128xi32, #tpu.memory_space<vmem>>
      %dma_start3A_1026 = tpu.memref_squeeze %dma_start3A_1025 : memref<1x128xi32, #tpu.memory_space<vmem>> -> memref<128xi32, #tpu.memory_space<vmem>>
      %dma_start3A_1027 = arith.constant 0 : i32
      %dma_start3A_1028 = arith.constant 0 : i32
      %dma_start3A_1029 = tpu.memref_slice %arg14[%dma_start3A_1027, %dma_start3A_1028] : memref<6144x128xf32, #tpu.memory_space<vmem_shared>> -> memref<6144x128xf32, #tpu.memory_space<vmem_shared>>
      tpu.enqueue_indirect_dma source(%arg12 : memref<128x128xf32, #tpu.memory_space<vmem>>) target(%dma_start3A_1029 : memref<6144x128xf32, #tpu.memory_space<vmem_shared>>) offsets(%dma_start3A_1026 : memref<128xi32, #tpu.memory_space<vmem>>) semaphore(%arg22 : memref<!tpu.dma_semaphore, #tpu.memory_space<semaphore_mem>>) {add = true}
      %dma_wait3A_1030 = arith.constant 7 : i32
      %dma_wait3A_1031 = arith.constant 0 : i32
      %dma_wait3A_1032 = tpu.memref_slice %arg8[%dma_wait3A_1030, %dma_wait3A_1031] : memref<16x128xi32, #tpu.memory_space<vmem>> -> memref<1x128xi32, #tpu.memory_space<vmem>>
      %dma_wait3A_1033 = tpu.memref_squeeze %dma_wait3A_1032 : memref<1x128xi32, #tpu.memory_space<vmem>> -> memref<128xi32, #tpu.memory_space<vmem>>
      %dma_wait3A_1034 = arith.constant 0 : i32
      %dma_wait3A_1035 = arith.constant 0 : i32
      %dma_wait3A_1036 = tpu.memref_slice %arg14[%dma_wait3A_1034, %dma_wait3A_1035] : memref<6144x128xf32, #tpu.memory_space<vmem_shared>> -> memref<6144x128xf32, #tpu.memory_space<vmem_shared>>
      tpu.wait_indirect_dma semaphore(%arg22 : memref<!tpu.dma_semaphore, #tpu.memory_space<semaphore_mem>>) src(%arg12 : memref<128x128xf32, #tpu.memory_space<vmem>>) dst(%dma_wait3A_1036 : memref<6144x128xf32, #tpu.memory_space<vmem_shared>>)
      %dma_start3A_1037 = arith.constant 11 : i32
      %dma_start3A_1038 = arith.constant 0 : i32
      %dma_start3A_1039 = tpu.memref_slice %arg7[%dma_start3A_1037, %dma_start3A_1038] : memref<16x128xi32, #tpu.memory_space<vmem>> -> memref<1x128xi32, #tpu.memory_space<vmem>>
      %dma_start3A_1040 = tpu.memref_squeeze %dma_start3A_1039 : memref<1x128xi32, #tpu.memory_space<vmem>> -> memref<128xi32, #tpu.memory_space<vmem>>
      %dma_start3A_1041 = arith.constant 0 : i32
      %dma_start3A_1042 = arith.constant 0 : i32
      %dma_start3A_1043 = tpu.memref_slice %arg2[%dma_start3A_1041, %dma_start3A_1042] : memref<10240x128xf32, #tpu.memory_space<hbm>> -> memref<10240x128xf32, #tpu.memory_space<hbm>>
      tpu.enqueue_indirect_dma source(%dma_start3A_1043 : memref<10240x128xf32, #tpu.memory_space<hbm>>) target(%arg12 : memref<128x128xf32, #tpu.memory_space<vmem>>) offsets(%dma_start3A_1040 : memref<128xi32, #tpu.memory_space<vmem>>) semaphore(%arg18 : memref<!tpu.dma_semaphore, #tpu.memory_space<semaphore_mem>>)
      %get3A_1044 = arith.constant 7 : i32
      %get3A_1045 = arith.index_cast %get3A_1044 : i32 to index
      %get3A_1046 = arith.constant 0 : index
      %get3A_1047 = tpu.vector_load %arg8[%get3A_1045, %get3A_1046] {strides = array<i32>} : memref<16x128xi32, #tpu.memory_space<vmem>>, vector<16xi32>,
      %broadcast_in_dim3A_1048 = arith.constant true
      %broadcast_in_dim3A_1049 = vector.broadcast %broadcast_in_dim3A_1048 : i1 to vector<16xi1>
      %unique3A_1050, %unique3A_1051 = tpu.scan_count mask(%broadcast_in_dim3A_1049 : vector<16xi1>) value(%get3A_1047 : vector<16xi32>) : vector<16xi1>, vector<16xi32>
      %convert_element_type3A_1052 = arith.sitofp %unique3A_1051 : vector<16xi32> to vector<16xf32>
      tpu.vector_store_idx %arg23[%get3A_1047], %convert_element_type3A_1052 masked %unique3A_1050 {add = true} : memref<6144xf32, #tpu.memory_space<vmem>>[vector<16xi32>], vector<16xf32>, vector<16xi1>
      %get3A_1053 = arith.constant 7 : i32
      %get3A_1054 = arith.index_cast %get3A_1053 : i32 to index
      %get3A_1055 = arith.constant 16 : index
      %get3A_1056 = tpu.vector_load %arg8[%get3A_1054, %get3A_1055] {strides = array<i32>} : memref<16x128xi32, #tpu.memory_space<vmem>>, vector<16xi32>,
      %broadcast_in_dim3A_1057 = arith.constant true
      %broadcast_in_dim3A_1058 = vector.broadcast %broadcast_in_dim3A_1057 : i1 to vector<16xi1>
      %unique3A_1059, %unique3A_1060 = tpu.scan_count mask(%broadcast_in_dim3A_1058 : vector<16xi1>) value(%get3A_1056 : vector<16xi32>) : vector<16xi1>, vector<16xi32>
      %convert_element_type3A_1061 = arith.sitofp %unique3A_1060 : vector<16xi32> to vector<16xf32>
      tpu.vector_store_idx %arg23[%get3A_1056], %convert_element_type3A_1061 masked %unique3A_1059 {add = true} : memref<6144xf32, #tpu.memory_space<vmem>>[vector<16xi32>], vector<16xf32>, vector<16xi1>
      %get3A_1062 = arith.constant 7 : i32
      %get3A_1063 = arith.index_cast %get3A_1062 : i32 to index
      %get3A_1064 = arith.constant 32 : index
      %get3A_1065 = tpu.vector_load %arg8[%get3A_1063, %get3A_1064] {strides = array<i32>} : memref<16x128xi32, #tpu.memory_space<vmem>>, vector<16xi32>,
      %broadcast_in_dim3A_1066 = arith.constant true
      %broadcast_in_dim3A_1067 = vector.broadcast %broadcast_in_dim3A_1066 : i1 to vector<16xi1>
      %unique3A_1068, %unique3A_1069 = tpu.scan_count mask(%broadcast_in_dim3A_1067 : vector<16xi1>) value(%get3A_1065 : vector<16xi32>) : vector<16xi1>, vector<16xi32>
      %convert_element_type3A_1070 = arith.sitofp %unique3A_1069 : vector<16xi32> to vector<16xf32>
      tpu.vector_store_idx %arg23[%get3A_1065], %convert_element_type3A_1070 masked %unique3A_1068 {add = true} : memref<6144xf32, #tpu.memory_space<vmem>>[vector<16xi32>], vector<16xf32>, vector<16xi1>
      %get3A_1071 = arith.constant 7 : i32
      %get3A_1072 = arith.index_cast %get3A_1071 : i32 to index
      %get3A_1073 = arith.constant 48 : index
      %get3A_1074 = tpu.vector_load %arg8[%get3A_1072, %get3A_1073] {strides = array<i32>} : memref<16x128xi32, #tpu.memory_space<vmem>>, vector<16xi32>,
      %broadcast_in_dim3A_1075 = arith.constant true
      %broadcast_in_dim3A_1076 = vector.broadcast %broadcast_in_dim3A_1075 : i1 to vector<16xi1>
      %unique3A_1077, %unique3A_1078 = tpu.scan_count mask(%broadcast_in_dim3A_1076 : vector<16xi1>) value(%get3A_1074 : vector<16xi32>) : vector<16xi1>, vector<16xi32>
      %convert_element_type3A_1079 = arith.sitofp %unique3A_1078 : vector<16xi32> to vector<16xf32>
      tpu.vector_store_idx %arg23[%get3A_1074], %convert_element_type3A_1079 masked %unique3A_1077 {add = true} : memref<6144xf32, #tpu.memory_space<vmem>>[vector<16xi32>], vector<16xf32>, vector<16xi1>
      %get3A_1080 = arith.constant 7 : i32
      %get3A_1081 = arith.index_cast %get3A_1080 : i32 to index
      %get3A_1082 = arith.constant 64 : index
      %get3A_1083 = tpu.vector_load %arg8[%get3A_1081, %get3A_1082] {strides = array<i32>} : memref<16x128xi32, #tpu.memory_space<vmem>>, vector<16xi32>,
      %broadcast_in_dim3A_1084 = arith.constant true
      %broadcast_in_dim3A_1085 = vector.broadcast %broadcast_in_dim3A_1084 : i1 to vector<16xi1>
      %unique3A_1086, %unique3A_1087 = tpu.scan_count mask(%broadcast_in_dim3A_1085 : vector<16xi1>) value(%get3A_1083 : vector<16xi32>) : vector<16xi1>, vector<16xi32>
      %convert_element_type3A_1088 = arith.sitofp %unique3A_1087 : vector<16xi32> to vector<16xf32>
      tpu.vector_store_idx %arg23[%get3A_1083], %convert_element_type3A_1088 masked %unique3A_1086 {add = true} : memref<6144xf32, #tpu.memory_space<vmem>>[vector<16xi32>], vector<16xf32>, vector<16xi1>
      %get3A_1089 = arith.constant 7 : i32
      %get3A_1090 = arith.index_cast %get3A_1089 : i32 to index
      %get3A_1091 = arith.constant 80 : index
      %get3A_1092 = tpu.vector_load %arg8[%get3A_1090, %get3A_1091] {strides = array<i32>} : memref<16x128xi32, #tpu.memory_space<vmem>>, vector<16xi32>,
      %broadcast_in_dim3A_1093 = arith.constant true
      %broadcast_in_dim3A_1094 = vector.broadcast %broadcast_in_dim3A_1093 : i1 to vector<16xi1>
      %unique3A_1095, %unique3A_1096 = tpu.scan_count mask(%broadcast_in_dim3A_1094 : vector<16xi1>) value(%get3A_1092 : vector<16xi32>) : vector<16xi1>, vector<16xi32>
      %convert_element_type3A_1097 = arith.sitofp %unique3A_1096 : vector<16xi32> to vector<16xf32>
      tpu.vector_store_idx %arg23[%get3A_1092], %convert_element_type3A_1097 masked %unique3A_1095 {add = true} : memref<6144xf32, #tpu.memory_space<vmem>>[vector<16xi32>], vector<16xf32>, vector<16xi1>
      %get3A_1098 = arith.constant 7 : i32
      %get3A_1099 = arith.index_cast %get3A_1098 : i32 to index
      %get3A_1100 = arith.constant 96 : index
      %get3A_1101 = tpu.vector_load %arg8[%get3A_1099, %get3A_1100] {strides = array<i32>} : memref<16x128xi32, #tpu.memory_space<vmem>>, vector<16xi32>,
      %broadcast_in_dim3A_1102 = arith.constant true
      %broadcast_in_dim3A_1103 = vector.broadcast %broadcast_in_dim3A_1102 : i1 to vector<16xi1>
      %unique3A_1104, %unique3A_1105 = tpu.scan_count mask(%broadcast_in_dim3A_1103 : vector<16xi1>) value(%get3A_1101 : vector<16xi32>) : vector<16xi1>, vector<16xi32>
      %convert_element_type3A_1106 = arith.sitofp %unique3A_1105 : vector<16xi32> to vector<16xf32>
      tpu.vector_store_idx %arg23[%get3A_1101], %convert_element_type3A_1106 masked %unique3A_1104 {add = true} : memref<6144xf32, #tpu.memory_space<vmem>>[vector<16xi32>], vector<16xf32>, vector<16xi1>
      %get3A_1107 = arith.constant 7 : i32
      %get3A_1108 = arith.index_cast %get3A_1107 : i32 to index
      %get3A_1109 = arith.constant 112 : index
      %get3A_1110 = tpu.vector_load %arg8[%get3A_1108, %get3A_1109] {strides = array<i32>} : memref<16x128xi32, #tpu.memory_space<vmem>>, vector<16xi32>,
      %broadcast_in_dim3A_1111 = arith.constant true
      %broadcast_in_dim3A_1112 = vector.broadcast %broadcast_in_dim3A_1111 : i1 to vector<16xi1>
      %unique3A_1113, %unique3A_1114 = tpu.scan_count mask(%broadcast_in_dim3A_1112 : vector<16xi1>) value(%get3A_1110 : vector<16xi32>) : vector<16xi1>, vector<16xi32>
      %convert_element_type3A_1115 = arith.sitofp %unique3A_1114 : vector<16xi32> to vector<16xf32>
      tpu.vector_store_idx %arg23[%get3A_1110], %convert_element_type3A_1115 masked %unique3A_1113 {add = true} : memref<6144xf32, #tpu.memory_space<vmem>>[vector<16xi32>], vector<16xf32>, vector<16xi1>
      %dma_wait3A_1116 = arith.constant 8 : i32
      %dma_wait3A_1117 = arith.constant 0 : i32
      %dma_wait3A_1118 = tpu.memref_slice %arg7[%dma_wait3A_1116, %dma_wait3A_1117] : memref<16x128xi32, #tpu.memory_space<vmem>> -> memref<1x128xi32, #tpu.memory_space<vmem>>
      %dma_wait3A_1119 = tpu.memref_squeeze %dma_wait3A_1118 : memref<1x128xi32, #tpu.memory_space<vmem>> -> memref<128xi32, #tpu.memory_space<vmem>>
      %dma_wait3A_1120 = arith.constant 0 : i32
      %dma_wait3A_1121 = arith.constant 0 : i32
      %dma_wait3A_1122 = tpu.memref_slice %arg2[%dma_wait3A_1120, %dma_wait3A_1121] : memref<10240x128xf32, #tpu.memory_space<hbm>> -> memref<10240x128xf32, #tpu.memory_space<hbm>>
      tpu.wait_indirect_dma semaphore(%arg15 : memref<!tpu.dma_semaphore, #tpu.memory_space<semaphore_mem>>) src(%dma_wait3A_1122 : memref<10240x128xf32, #tpu.memory_space<hbm>>) dst(%arg9 : memref<128x128xf32, #tpu.memory_space<vmem>>)
      %dma_start3A_1123 = arith.constant 8 : i32
      %dma_start3A_1124 = arith.constant 0 : i32
      %dma_start3A_1125 = tpu.memref_slice %arg8[%dma_start3A_1123, %dma_start3A_1124] : memref<16x128xi32, #tpu.memory_space<vmem>> -> memref<1x128xi32, #tpu.memory_space<vmem>>
      %dma_start3A_1126 = tpu.memref_squeeze %dma_start3A_1125 : memref<1x128xi32, #tpu.memory_space<vmem>> -> memref<128xi32, #tpu.memory_space<vmem>>
      %dma_start3A_1127 = arith.constant 0 : i32
      %dma_start3A_1128 = arith.constant 0 : i32
      %dma_start3A_1129 = tpu.memref_slice %arg14[%dma_start3A_1127, %dma_start3A_1128] : memref<6144x128xf32, #tpu.memory_space<vmem_shared>> -> memref<6144x128xf32, #tpu.memory_space<vmem_shared>>
      tpu.enqueue_indirect_dma source(%arg9 : memref<128x128xf32, #tpu.memory_space<vmem>>) target(%dma_start3A_1129 : memref<6144x128xf32, #tpu.memory_space<vmem_shared>>) offsets(%dma_start3A_1126 : memref<128xi32, #tpu.memory_space<vmem>>) semaphore(%arg19 : memref<!tpu.dma_semaphore, #tpu.memory_space<semaphore_mem>>) {add = true}
      %dma_wait3A_1130 = arith.constant 8 : i32
      %dma_wait3A_1131 = arith.constant 0 : i32
      %dma_wait3A_1132 = tpu.memref_slice %arg8[%dma_wait3A_1130, %dma_wait3A_1131] : memref<16x128xi32, #tpu.memory_space<vmem>> -> memref<1x128xi32, #tpu.memory_space<vmem>>
      %dma_wait3A_1133 = tpu.memref_squeeze %dma_wait3A_1132 : memref<1x128xi32, #tpu.memory_space<vmem>> -> memref<128xi32, #tpu.memory_space<vmem>>
      %dma_wait3A_1134 = arith.constant 0 : i32
      %dma_wait3A_1135 = arith.constant 0 : i32
      %dma_wait3A_1136 = tpu.memref_slice %arg14[%dma_wait3A_1134, %dma_wait3A_1135] : memref<6144x128xf32, #tpu.memory_space<vmem_shared>> -> memref<6144x128xf32, #tpu.memory_space<vmem_shared>>
      tpu.wait_indirect_dma semaphore(%arg19 : memref<!tpu.dma_semaphore, #tpu.memory_space<semaphore_mem>>) src(%arg9 : memref<128x128xf32, #tpu.memory_space<vmem>>) dst(%dma_wait3A_1136 : memref<6144x128xf32, #tpu.memory_space<vmem_shared>>)
      %dma_start3A_1137 = arith.constant 12 : i32
      %dma_start3A_1138 = arith.constant 0 : i32
      %dma_start3A_1139 = tpu.memref_slice %arg7[%dma_start3A_1137, %dma_start3A_1138] : memref<16x128xi32, #tpu.memory_space<vmem>> -> memref<1x128xi32, #tpu.memory_space<vmem>>
      %dma_start3A_1140 = tpu.memref_squeeze %dma_start3A_1139 : memref<1x128xi32, #tpu.memory_space<vmem>> -> memref<128xi32, #tpu.memory_space<vmem>>
      %dma_start3A_1141 = arith.constant 0 : i32
      %dma_start3A_1142 = arith.constant 0 : i32
      %dma_start3A_1143 = tpu.memref_slice %arg2[%dma_start3A_1141, %dma_start3A_1142] : memref<10240x128xf32, #tpu.memory_space<hbm>> -> memref<10240x128xf32, #tpu.memory_space<hbm>>
      tpu.enqueue_indirect_dma source(%dma_start3A_1143 : memref<10240x128xf32, #tpu.memory_space<hbm>>) target(%arg9 : memref<128x128xf32, #tpu.memory_space<vmem>>) offsets(%dma_start3A_1140 : memref<128xi32, #tpu.memory_space<vmem>>) semaphore(%arg15 : memref<!tpu.dma_semaphore, #tpu.memory_space<semaphore_mem>>)
      %get3A_1144 = arith.constant 8 : i32
      %get3A_1145 = arith.index_cast %get3A_1144 : i32 to index
      %get3A_1146 = arith.constant 0 : index
      %get3A_1147 = tpu.vector_load %arg8[%get3A_1145, %get3A_1146] {strides = array<i32>} : memref<16x128xi32, #tpu.memory_space<vmem>>, vector<16xi32>,
      %broadcast_in_dim3A_1148 = arith.constant true
      %broadcast_in_dim3A_1149 = vector.broadcast %broadcast_in_dim3A_1148 : i1 to vector<16xi1>
      %unique3A_1150, %unique3A_1151 = tpu.scan_count mask(%broadcast_in_dim3A_1149 : vector<16xi1>) value(%get3A_1147 : vector<16xi32>) : vector<16xi1>, vector<16xi32>
      %convert_element_type3A_1152 = arith.sitofp %unique3A_1151 : vector<16xi32> to vector<16xf32>
      tpu.vector_store_idx %arg23[%get3A_1147], %convert_element_type3A_1152 masked %unique3A_1150 {add = true} : memref<6144xf32, #tpu.memory_space<vmem>>[vector<16xi32>], vector<16xf32>, vector<16xi1>
      %get3A_1153 = arith.constant 8 : i32
      %get3A_1154 = arith.index_cast %get3A_1153 : i32 to index
      %get3A_1155 = arith.constant 16 : index
      %get3A_1156 = tpu.vector_load %arg8[%get3A_1154, %get3A_1155] {strides = array<i32>} : memref<16x128xi32, #tpu.memory_space<vmem>>, vector<16xi32>,
      %broadcast_in_dim3A_1157 = arith.constant true
      %broadcast_in_dim3A_1158 = vector.broadcast %broadcast_in_dim3A_1157 : i1 to vector<16xi1>
      %unique3A_1159, %unique3A_1160 = tpu.scan_count mask(%broadcast_in_dim3A_1158 : vector<16xi1>) value(%get3A_1156 : vector<16xi32>) : vector<16xi1>, vector<16xi32>
      %convert_element_type3A_1161 = arith.sitofp %unique3A_1160 : vector<16xi32> to vector<16xf32>
      tpu.vector_store_idx %arg23[%get3A_1156], %convert_element_type3A_1161 masked %unique3A_1159 {add = true} : memref<6144xf32, #tpu.memory_space<vmem>>[vector<16xi32>], vector<16xf32>, vector<16xi1>
      %get3A_1162 = arith.constant 8 : i32
      %get3A_1163 = arith.index_cast %get3A_1162 : i32 to index
      %get3A_1164 = arith.constant 32 : index
      %get3A_1165 = tpu.vector_load %arg8[%get3A_1163, %get3A_1164] {strides = array<i32>} : memref<16x128xi32, #tpu.memory_space<vmem>>, vector<16xi32>,
      %broadcast_in_dim3A_1166 = arith.constant true
      %broadcast_in_dim3A_1167 = vector.broadcast %broadcast_in_dim3A_1166 : i1 to vector<16xi1>
      %unique3A_1168, %unique3A_1169 = tpu.scan_count mask(%broadcast_in_dim3A_1167 : vector<16xi1>) value(%get3A_1165 : vector<16xi32>) : vector<16xi1>, vector<16xi32>
      %convert_element_type3A_1170 = arith.sitofp %unique3A_1169 : vector<16xi32> to vector<16xf32>
      tpu.vector_store_idx %arg23[%get3A_1165], %convert_element_type3A_1170 masked %unique3A_1168 {add = true} : memref<6144xf32, #tpu.memory_space<vmem>>[vector<16xi32>], vector<16xf32>, vector<16xi1>
      %get3A_1171 = arith.constant 8 : i32
      %get3A_1172 = arith.index_cast %get3A_1171 : i32 to index
      %get3A_1173 = arith.constant 48 : index
      %get3A_1174 = tpu.vector_load %arg8[%get3A_1172, %get3A_1173] {strides = array<i32>} : memref<16x128xi32, #tpu.memory_space<vmem>>, vector<16xi32>,
      %broadcast_in_dim3A_1175 = arith.constant true
      %broadcast_in_dim3A_1176 = vector.broadcast %broadcast_in_dim3A_1175 : i1 to vector<16xi1>
      %unique3A_1177, %unique3A_1178 = tpu.scan_count mask(%broadcast_in_dim3A_1176 : vector<16xi1>) value(%get3A_1174 : vector<16xi32>) : vector<16xi1>, vector<16xi32>
      %convert_element_type3A_1179 = arith.sitofp %unique3A_1178 : vector<16xi32> to vector<16xf32>
      tpu.vector_store_idx %arg23[%get3A_1174], %convert_element_type3A_1179 masked %unique3A_1177 {add = true} : memref<6144xf32, #tpu.memory_space<vmem>>[vector<16xi32>], vector<16xf32>, vector<16xi1>
      %get3A_1180 = arith.constant 8 : i32
      %get3A_1181 = arith.index_cast %get3A_1180 : i32 to index
      %get3A_1182 = arith.constant 64 : index
      %get3A_1183 = tpu.vector_load %arg8[%get3A_1181, %get3A_1182] {strides = array<i32>} : memref<16x128xi32, #tpu.memory_space<vmem>>, vector<16xi32>,
      %broadcast_in_dim3A_1184 = arith.constant true
      %broadcast_in_dim3A_1185 = vector.broadcast %broadcast_in_dim3A_1184 : i1 to vector<16xi1>
      %unique3A_1186, %unique3A_1187 = tpu.scan_count mask(%broadcast_in_dim3A_1185 : vector<16xi1>) value(%get3A_1183 : vector<16xi32>) : vector<16xi1>, vector<16xi32>
      %convert_element_type3A_1188 = arith.sitofp %unique3A_1187 : vector<16xi32> to vector<16xf32>
      tpu.vector_store_idx %arg23[%get3A_1183], %convert_element_type3A_1188 masked %unique3A_1186 {add = true} : memref<6144xf32, #tpu.memory_space<vmem>>[vector<16xi32>], vector<16xf32>, vector<16xi1>
      %get3A_1189 = arith.constant 8 : i32
      %get3A_1190 = arith.index_cast %get3A_1189 : i32 to index
      %get3A_1191 = arith.constant 80 : index
      %get3A_1192 = tpu.vector_load %arg8[%get3A_1190, %get3A_1191] {strides = array<i32>} : memref<16x128xi32, #tpu.memory_space<vmem>>, vector<16xi32>,
      %broadcast_in_dim3A_1193 = arith.constant true
      %broadcast_in_dim3A_1194 = vector.broadcast %broadcast_in_dim3A_1193 : i1 to vector<16xi1>
      %unique3A_1195, %unique3A_1196 = tpu.scan_count mask(%broadcast_in_dim3A_1194 : vector<16xi1>) value(%get3A_1192 : vector<16xi32>) : vector<16xi1>, vector<16xi32>
      %convert_element_type3A_1197 = arith.sitofp %unique3A_1196 : vector<16xi32> to vector<16xf32>
      tpu.vector_store_idx %arg23[%get3A_1192], %convert_element_type3A_1197 masked %unique3A_1195 {add = true} : memref<6144xf32, #tpu.memory_space<vmem>>[vector<16xi32>], vector<16xf32>, vector<16xi1>
      %get3A_1198 = arith.constant 8 : i32
      %get3A_1199 = arith.index_cast %get3A_1198 : i32 to index
      %get3A_1200 = arith.constant 96 : index
      %get3A_1201 = tpu.vector_load %arg8[%get3A_1199, %get3A_1200] {strides = array<i32>} : memref<16x128xi32, #tpu.memory_space<vmem>>, vector<16xi32>,
      %broadcast_in_dim3A_1202 = arith.constant true
      %broadcast_in_dim3A_1203 = vector.broadcast %broadcast_in_dim3A_1202 : i1 to vector<16xi1>
      %unique3A_1204, %unique3A_1205 = tpu.scan_count mask(%broadcast_in_dim3A_1203 : vector<16xi1>) value(%get3A_1201 : vector<16xi32>) : vector<16xi1>, vector<16xi32>
      %convert_element_type3A_1206 = arith.sitofp %unique3A_1205 : vector<16xi32> to vector<16xf32>
      tpu.vector_store_idx %arg23[%get3A_1201], %convert_element_type3A_1206 masked %unique3A_1204 {add = true} : memref<6144xf32, #tpu.memory_space<vmem>>[vector<16xi32>], vector<16xf32>, vector<16xi1>
      %get3A_1207 = arith.constant 8 : i32
      %get3A_1208 = arith.index_cast %get3A_1207 : i32 to index
      %get3A_1209 = arith.constant 112 : index
      %get3A_1210 = tpu.vector_load %arg8[%get3A_1208, %get3A_1209] {strides = array<i32>} : memref<16x128xi32, #tpu.memory_space<vmem>>, vector<16xi32>,
      %broadcast_in_dim3A_1211 = arith.constant true
      %broadcast_in_dim3A_1212 = vector.broadcast %broadcast_in_dim3A_1211 : i1 to vector<16xi1>
      %unique3A_1213, %unique3A_1214 = tpu.scan_count mask(%broadcast_in_dim3A_1212 : vector<16xi1>) value(%get3A_1210 : vector<16xi32>) : vector<16xi1>, vector<16xi32>
      %convert_element_type3A_1215 = arith.sitofp %unique3A_1214 : vector<16xi32> to vector<16xf32>
      tpu.vector_store_idx %arg23[%get3A_1210], %convert_element_type3A_1215 masked %unique3A_1213 {add = true} : memref<6144xf32, #tpu.memory_space<vmem>>[vector<16xi32>], vector<16xf32>, vector<16xi1>
      %dma_wait3A_1216 = arith.constant 9 : i32
      %dma_wait3A_1217 = arith.constant 0 : i32
      %dma_wait3A_1218 = tpu.memref_slice %arg7[%dma_wait3A_1216, %dma_wait3A_1217] : memref<16x128xi32, #tpu.memory_space<vmem>> -> memref<1x128xi32, #tpu.memory_space<vmem>>
      %dma_wait3A_1219 = tpu.memref_squeeze %dma_wait3A_1218 : memref<1x128xi32, #tpu.memory_space<vmem>> -> memref<128xi32, #tpu.memory_space<vmem>>
      %dma_wait3A_1220 = arith.constant 0 : i32
      %dma_wait3A_1221 = arith.constant 0 : i32
      %dma_wait3A_1222 = tpu.memref_slice %arg2[%dma_wait3A_1220, %dma_wait3A_1221] : memref<10240x128xf32, #tpu.memory_space<hbm>> -> memref<10240x128xf32, #tpu.memory_space<hbm>>
      tpu.wait_indirect_dma semaphore(%arg16 : memref<!tpu.dma_semaphore, #tpu.memory_space<semaphore_mem>>) src(%dma_wait3A_1222 : memref<10240x128xf32, #tpu.memory_space<hbm>>) dst(%arg10 : memref<128x128xf32, #tpu.memory_space<vmem>>)
      %dma_start3A_1223 = arith.constant 9 : i32
      %dma_start3A_1224 = arith.constant 0 : i32
      %dma_start3A_1225 = tpu.memref_slice %arg8[%dma_start3A_1223, %dma_start3A_1224] : memref<16x128xi32, #tpu.memory_space<vmem>> -> memref<1x128xi32, #tpu.memory_space<vmem>>
      %dma_start3A_1226 = tpu.memref_squeeze %dma_start3A_1225 : memref<1x128xi32, #tpu.memory_space<vmem>> -> memref<128xi32, #tpu.memory_space<vmem>>
      %dma_start3A_1227 = arith.constant 0 : i32
      %dma_start3A_1228 = arith.constant 0 : i32
      %dma_start3A_1229 = tpu.memref_slice %arg14[%dma_start3A_1227, %dma_start3A_1228] : memref<6144x128xf32, #tpu.memory_space<vmem_shared>> -> memref<6144x128xf32, #tpu.memory_space<vmem_shared>>
      tpu.enqueue_indirect_dma source(%arg10 : memref<128x128xf32, #tpu.memory_space<vmem>>) target(%dma_start3A_1229 : memref<6144x128xf32, #tpu.memory_space<vmem_shared>>) offsets(%dma_start3A_1226 : memref<128xi32, #tpu.memory_space<vmem>>) semaphore(%arg20 : memref<!tpu.dma_semaphore, #tpu.memory_space<semaphore_mem>>) {add = true}
      %dma_wait3A_1230 = arith.constant 9 : i32
      %dma_wait3A_1231 = arith.constant 0 : i32
      %dma_wait3A_1232 = tpu.memref_slice %arg8[%dma_wait3A_1230, %dma_wait3A_1231] : memref<16x128xi32, #tpu.memory_space<vmem>> -> memref<1x128xi32, #tpu.memory_space<vmem>>
      %dma_wait3A_1233 = tpu.memref_squeeze %dma_wait3A_1232 : memref<1x128xi32, #tpu.memory_space<vmem>> -> memref<128xi32, #tpu.memory_space<vmem>>
      %dma_wait3A_1234 = arith.constant 0 : i32
      %dma_wait3A_1235 = arith.constant 0 : i32
      %dma_wait3A_1236 = tpu.memref_slice %arg14[%dma_wait3A_1234, %dma_wait3A_1235] : memref<6144x128xf32, #tpu.memory_space<vmem_shared>> -> memref<6144x128xf32, #tpu.memory_space<vmem_shared>>
      tpu.wait_indirect_dma semaphore(%arg20 : memref<!tpu.dma_semaphore, #tpu.memory_space<semaphore_mem>>) src(%arg10 : memref<128x128xf32, #tpu.memory_space<vmem>>) dst(%dma_wait3A_1236 : memref<6144x128xf32, #tpu.memory_space<vmem_shared>>)
      %dma_start3A_1237 = arith.constant 13 : i32
      %dma_start3A_1238 = arith.constant 0 : i32
      %dma_start3A_1239 = tpu.memref_slice %arg7[%dma_start3A_1237, %dma_start3A_1238] : memref<16x128xi32, #tpu.memory_space<vmem>> -> memref<1x128xi32, #tpu.memory_space<vmem>>
      %dma_start3A_1240 = tpu.memref_squeeze %dma_start3A_1239 : memref<1x128xi32, #tpu.memory_space<vmem>> -> memref<128xi32, #tpu.memory_space<vmem>>
      %dma_start3A_1241 = arith.constant 0 : i32
      %dma_start3A_1242 = arith.constant 0 : i32
      %dma_start3A_1243 = tpu.memref_slice %arg2[%dma_start3A_1241, %dma_start3A_1242] : memref<10240x128xf32, #tpu.memory_space<hbm>> -> memref<10240x128xf32, #tpu.memory_space<hbm>>
      tpu.enqueue_indirect_dma source(%dma_start3A_1243 : memref<10240x128xf32, #tpu.memory_space<hbm>>) target(%arg10 : memref<128x128xf32, #tpu.memory_space<vmem>>) offsets(%dma_start3A_1240 : memref<128xi32, #tpu.memory_space<vmem>>) semaphore(%arg16 : memref<!tpu.dma_semaphore, #tpu.memory_space<semaphore_mem>>)
      %get3A_1244 = arith.constant 9 : i32
      %get3A_1245 = arith.index_cast %get3A_1244 : i32 to index
      %get3A_1246 = arith.constant 0 : index
      %get3A_1247 = tpu.vector_load %arg8[%get3A_1245, %get3A_1246] {strides = array<i32>} : memref<16x128xi32, #tpu.memory_space<vmem>>, vector<16xi32>,
      %broadcast_in_dim3A_1248 = arith.constant true
      %broadcast_in_dim3A_1249 = vector.broadcast %broadcast_in_dim3A_1248 : i1 to vector<16xi1>
      %unique3A_1250, %unique3A_1251 = tpu.scan_count mask(%broadcast_in_dim3A_1249 : vector<16xi1>) value(%get3A_1247 : vector<16xi32>) : vector<16xi1>, vector<16xi32>
      %convert_element_type3A_1252 = arith.sitofp %unique3A_1251 : vector<16xi32> to vector<16xf32>
      tpu.vector_store_idx %arg23[%get3A_1247], %convert_element_type3A_1252 masked %unique3A_1250 {add = true} : memref<6144xf32, #tpu.memory_space<vmem>>[vector<16xi32>], vector<16xf32>, vector<16xi1>
      %get3A_1253 = arith.constant 9 : i32
      %get3A_1254 = arith.index_cast %get3A_1253 : i32 to index
      %get3A_1255 = arith.constant 16 : index
      %get3A_1256 = tpu.vector_load %arg8[%get3A_1254, %get3A_1255] {strides = array<i32>} : memref<16x128xi32, #tpu.memory_space<vmem>>, vector<16xi32>,
      %broadcast_in_dim3A_1257 = arith.constant true
      %broadcast_in_dim3A_1258 = vector.broadcast %broadcast_in_dim3A_1257 : i1 to vector<16xi1>
      %unique3A_1259, %unique3A_1260 = tpu.scan_count mask(%broadcast_in_dim3A_1258 : vector<16xi1>) value(%get3A_1256 : vector<16xi32>) : vector<16xi1>, vector<16xi32>
      %convert_element_type3A_1261 = arith.sitofp %unique3A_1260 : vector<16xi32> to vector<16xf32>
      tpu.vector_store_idx %arg23[%get3A_1256], %convert_element_type3A_1261 masked %unique3A_1259 {add = true} : memref<6144xf32, #tpu.memory_space<vmem>>[vector<16xi32>], vector<16xf32>, vector<16xi1>
      %get3A_1262 = arith.constant 9 : i32
      %get3A_1263 = arith.index_cast %get3A_1262 : i32 to index
      %get3A_1264 = arith.constant 32 : index
      %get3A_1265 = tpu.vector_load %arg8[%get3A_1263, %get3A_1264] {strides = array<i32>} : memref<16x128xi32, #tpu.memory_space<vmem>>, vector<16xi32>,
      %broadcast_in_dim3A_1266 = arith.constant true
      %broadcast_in_dim3A_1267 = vector.broadcast %broadcast_in_dim3A_1266 : i1 to vector<16xi1>
      %unique3A_1268, %unique3A_1269 = tpu.scan_count mask(%broadcast_in_dim3A_1267 : vector<16xi1>) value(%get3A_1265 : vector<16xi32>) : vector<16xi1>, vector<16xi32>
      %convert_element_type3A_1270 = arith.sitofp %unique3A_1269 : vector<16xi32> to vector<16xf32>
      tpu.vector_store_idx %arg23[%get3A_1265], %convert_element_type3A_1270 masked %unique3A_1268 {add = true} : memref<6144xf32, #tpu.memory_space<vmem>>[vector<16xi32>], vector<16xf32>, vector<16xi1>
      %get3A_1271 = arith.constant 9 : i32
      %get3A_1272 = arith.index_cast %get3A_1271 : i32 to index
      %get3A_1273 = arith.constant 48 : index
      %get3A_1274 = tpu.vector_load %arg8[%get3A_1272, %get3A_1273] {strides = array<i32>} : memref<16x128xi32, #tpu.memory_space<vmem>>, vector<16xi32>,
      %broadcast_in_dim3A_1275 = arith.constant true
      %broadcast_in_dim3A_1276 = vector.broadcast %broadcast_in_dim3A_1275 : i1 to vector<16xi1>
      %unique3A_1277, %unique3A_1278 = tpu.scan_count mask(%broadcast_in_dim3A_1276 : vector<16xi1>) value(%get3A_1274 : vector<16xi32>) : vector<16xi1>, vector<16xi32>
      %convert_element_type3A_1279 = arith.sitofp %unique3A_1278 : vector<16xi32> to vector<16xf32>
      tpu.vector_store_idx %arg23[%get3A_1274], %convert_element_type3A_1279 masked %unique3A_1277 {add = true} : memref<6144xf32, #tpu.memory_space<vmem>>[vector<16xi32>], vector<16xf32>, vector<16xi1>
      %get3A_1280 = arith.constant 9 : i32
      %get3A_1281 = arith.index_cast %get3A_1280 : i32 to index
      %get3A_1282 = arith.constant 64 : index
      %get3A_1283 = tpu.vector_load %arg8[%get3A_1281, %get3A_1282] {strides = array<i32>} : memref<16x128xi32, #tpu.memory_space<vmem>>, vector<16xi32>,
      %broadcast_in_dim3A_1284 = arith.constant true
      %broadcast_in_dim3A_1285 = vector.broadcast %broadcast_in_dim3A_1284 : i1 to vector<16xi1>
      %unique3A_1286, %unique3A_1287 = tpu.scan_count mask(%broadcast_in_dim3A_1285 : vector<16xi1>) value(%get3A_1283 : vector<16xi32>) : vector<16xi1>, vector<16xi32>
      %convert_element_type3A_1288 = arith.sitofp %unique3A_1287 : vector<16xi32> to vector<16xf32>
      tpu.vector_store_idx %arg23[%get3A_1283], %convert_element_type3A_1288 masked %unique3A_1286 {add = true} : memref<6144xf32, #tpu.memory_space<vmem>>[vector<16xi32>], vector<16xf32>, vector<16xi1>
      %get3A_1289 = arith.constant 9 : i32
      %get3A_1290 = arith.index_cast %get3A_1289 : i32 to index
      %get3A_1291 = arith.constant 80 : index
      %get3A_1292 = tpu.vector_load %arg8[%get3A_1290, %get3A_1291] {strides = array<i32>} : memref<16x128xi32, #tpu.memory_space<vmem>>, vector<16xi32>,
      %broadcast_in_dim3A_1293 = arith.constant true
      %broadcast_in_dim3A_1294 = vector.broadcast %broadcast_in_dim3A_1293 : i1 to vector<16xi1>
      %unique3A_1295, %unique3A_1296 = tpu.scan_count mask(%broadcast_in_dim3A_1294 : vector<16xi1>) value(%get3A_1292 : vector<16xi32>) : vector<16xi1>, vector<16xi32>
      %convert_element_type3A_1297 = arith.sitofp %unique3A_1296 : vector<16xi32> to vector<16xf32>
      tpu.vector_store_idx %arg23[%get3A_1292], %convert_element_type3A_1297 masked %unique3A_1295 {add = true} : memref<6144xf32, #tpu.memory_space<vmem>>[vector<16xi32>], vector<16xf32>, vector<16xi1>
      %get3A_1298 = arith.constant 9 : i32
      %get3A_1299 = arith.index_cast %get3A_1298 : i32 to index
      %get3A_1300 = arith.constant 96 : index
      %get3A_1301 = tpu.vector_load %arg8[%get3A_1299, %get3A_1300] {strides = array<i32>} : memref<16x128xi32, #tpu.memory_space<vmem>>, vector<16xi32>,
      %broadcast_in_dim3A_1302 = arith.constant true
      %broadcast_in_dim3A_1303 = vector.broadcast %broadcast_in_dim3A_1302 : i1 to vector<16xi1>
      %unique3A_1304, %unique3A_1305 = tpu.scan_count mask(%broadcast_in_dim3A_1303 : vector<16xi1>) value(%get3A_1301 : vector<16xi32>) : vector<16xi1>, vector<16xi32>
      %convert_element_type3A_1306 = arith.sitofp %unique3A_1305 : vector<16xi32> to vector<16xf32>
      tpu.vector_store_idx %arg23[%get3A_1301], %convert_element_type3A_1306 masked %unique3A_1304 {add = true} : memref<6144xf32, #tpu.memory_space<vmem>>[vector<16xi32>], vector<16xf32>, vector<16xi1>
      %get3A_1307 = arith.constant 9 : i32
      %get3A_1308 = arith.index_cast %get3A_1307 : i32 to index
      %get3A_1309 = arith.constant 112 : index
      %get3A_1310 = tpu.vector_load %arg8[%get3A_1308, %get3A_1309] {strides = array<i32>} : memref<16x128xi32, #tpu.memory_space<vmem>>, vector<16xi32>,
      %broadcast_in_dim3A_1311 = arith.constant true
      %broadcast_in_dim3A_1312 = vector.broadcast %broadcast_in_dim3A_1311 : i1 to vector<16xi1>
      %unique3A_1313, %unique3A_1314 = tpu.scan_count mask(%broadcast_in_dim3A_1312 : vector<16xi1>) value(%get3A_1310 : vector<16xi32>) : vector<16xi1>, vector<16xi32>
      %convert_element_type3A_1315 = arith.sitofp %unique3A_1314 : vector<16xi32> to vector<16xf32>
      tpu.vector_store_idx %arg23[%get3A_1310], %convert_element_type3A_1315 masked %unique3A_1313 {add = true} : memref<6144xf32, #tpu.memory_space<vmem>>[vector<16xi32>], vector<16xf32>, vector<16xi1>
      %dma_wait3A_1316 = arith.constant 10 : i32
      %dma_wait3A_1317 = arith.constant 0 : i32
      %dma_wait3A_1318 = tpu.memref_slice %arg7[%dma_wait3A_1316, %dma_wait3A_1317] : memref<16x128xi32, #tpu.memory_space<vmem>> -> memref<1x128xi32, #tpu.memory_space<vmem>>
      %dma_wait3A_1319 = tpu.memref_squeeze %dma_wait3A_1318 : memref<1x128xi32, #tpu.memory_space<vmem>> -> memref<128xi32, #tpu.memory_space<vmem>>
      %dma_wait3A_1320 = arith.constant 0 : i32
      %dma_wait3A_1321 = arith.constant 0 : i32
      %dma_wait3A_1322 = tpu.memref_slice %arg2[%dma_wait3A_1320, %dma_wait3A_1321] : memref<10240x128xf32, #tpu.memory_space<hbm>> -> memref<10240x128xf32, #tpu.memory_space<hbm>>
      tpu.wait_indirect_dma semaphore(%arg17 : memref<!tpu.dma_semaphore, #tpu.memory_space<semaphore_mem>>) src(%dma_wait3A_1322 : memref<10240x128xf32, #tpu.memory_space<hbm>>) dst(%arg11 : memref<128x128xf32, #tpu.memory_space<vmem>>)
      %dma_start3A_1323 = arith.constant 10 : i32
      %dma_start3A_1324 = arith.constant 0 : i32
      %dma_start3A_1325 = tpu.memref_slice %arg8[%dma_start3A_1323, %dma_start3A_1324] : memref<16x128xi32, #tpu.memory_space<vmem>> -> memref<1x128xi32, #tpu.memory_space<vmem>>
      %dma_start3A_1326 = tpu.memref_squeeze %dma_start3A_1325 : memref<1x128xi32, #tpu.memory_space<vmem>> -> memref<128xi32, #tpu.memory_space<vmem>>
      %dma_start3A_1327 = arith.constant 0 : i32
      %dma_start3A_1328 = arith.constant 0 : i32
      %dma_start3A_1329 = tpu.memref_slice %arg14[%dma_start3A_1327, %dma_start3A_1328] : memref<6144x128xf32, #tpu.memory_space<vmem_shared>> -> memref<6144x128xf32, #tpu.memory_space<vmem_shared>>
      tpu.enqueue_indirect_dma source(%arg11 : memref<128x128xf32, #tpu.memory_space<vmem>>) target(%dma_start3A_1329 : memref<6144x128xf32, #tpu.memory_space<vmem_shared>>) offsets(%dma_start3A_1326 : memref<128xi32, #tpu.memory_space<vmem>>) semaphore(%arg21 : memref<!tpu.dma_semaphore, #tpu.memory_space<semaphore_mem>>) {add = true}
      %dma_wait3A_1330 = arith.constant 10 : i32
      %dma_wait3A_1331 = arith.constant 0 : i32
      %dma_wait3A_1332 = tpu.memref_slice %arg8[%dma_wait3A_1330, %dma_wait3A_1331] : memref<16x128xi32, #tpu.memory_space<vmem>> -> memref<1x128xi32, #tpu.memory_space<vmem>>
      %dma_wait3A_1333 = tpu.memref_squeeze %dma_wait3A_1332 : memref<1x128xi32, #tpu.memory_space<vmem>> -> memref<128xi32, #tpu.memory_space<vmem>>
      %dma_wait3A_1334 = arith.constant 0 : i32
      %dma_wait3A_1335 = arith.constant 0 : i32
      %dma_wait3A_1336 = tpu.memref_slice %arg14[%dma_wait3A_1334, %dma_wait3A_1335] : memref<6144x128xf32, #tpu.memory_space<vmem_shared>> -> memref<6144x128xf32, #tpu.memory_space<vmem_shared>>
      tpu.wait_indirect_dma semaphore(%arg21 : memref<!tpu.dma_semaphore, #tpu.memory_space<semaphore_mem>>) src(%arg11 : memref<128x128xf32, #tpu.memory_space<vmem>>) dst(%dma_wait3A_1336 : memref<6144x128xf32, #tpu.memory_space<vmem_shared>>)
      %dma_start3A_1337 = arith.constant 14 : i32
      %dma_start3A_1338 = arith.constant 0 : i32
      %dma_start3A_1339 = tpu.memref_slice %arg7[%dma_start3A_1337, %dma_start3A_1338] : memref<16x128xi32, #tpu.memory_space<vmem>> -> memref<1x128xi32, #tpu.memory_space<vmem>>
      %dma_start3A_1340 = tpu.memref_squeeze %dma_start3A_1339 : memref<1x128xi32, #tpu.memory_space<vmem>> -> memref<128xi32, #tpu.memory_space<vmem>>
      %dma_start3A_1341 = arith.constant 0 : i32
      %dma_start3A_1342 = arith.constant 0 : i32
      %dma_start3A_1343 = tpu.memref_slice %arg2[%dma_start3A_1341, %dma_start3A_1342] : memref<10240x128xf32, #tpu.memory_space<hbm>> -> memref<10240x128xf32, #tpu.memory_space<hbm>>
      tpu.enqueue_indirect_dma source(%dma_start3A_1343 : memref<10240x128xf32, #tpu.memory_space<hbm>>) target(%arg11 : memref<128x128xf32, #tpu.memory_space<vmem>>) offsets(%dma_start3A_1340 : memref<128xi32, #tpu.memory_space<vmem>>) semaphore(%arg17 : memref<!tpu.dma_semaphore, #tpu.memory_space<semaphore_mem>>)
      %get3A_1344 = arith.constant 10 : i32
      %get3A_1345 = arith.index_cast %get3A_1344 : i32 to index
      %get3A_1346 = arith.constant 0 : index
      %get3A_1347 = tpu.vector_load %arg8[%get3A_1345, %get3A_1346] {strides = array<i32>} : memref<16x128xi32, #tpu.memory_space<vmem>>, vector<16xi32>,
      %broadcast_in_dim3A_1348 = arith.constant true
      %broadcast_in_dim3A_1349 = vector.broadcast %broadcast_in_dim3A_1348 : i1 to vector<16xi1>
      %unique3A_1350, %unique3A_1351 = tpu.scan_count mask(%broadcast_in_dim3A_1349 : vector<16xi1>) value(%get3A_1347 : vector<16xi32>) : vector<16xi1>, vector<16xi32>
      %convert_element_type3A_1352 = arith.sitofp %unique3A_1351 : vector<16xi32> to vector<16xf32>
      tpu.vector_store_idx %arg23[%get3A_1347], %convert_element_type3A_1352 masked %unique3A_1350 {add = true} : memref<6144xf32, #tpu.memory_space<vmem>>[vector<16xi32>], vector<16xf32>, vector<16xi1>
      %get3A_1353 = arith.constant 10 : i32
      %get3A_1354 = arith.index_cast %get3A_1353 : i32 to index
      %get3A_1355 = arith.constant 16 : index
      %get3A_1356 = tpu.vector_load %arg8[%get3A_1354, %get3A_1355] {strides = array<i32>} : memref<16x128xi32, #tpu.memory_space<vmem>>, vector<16xi32>,
      %broadcast_in_dim3A_1357 = arith.constant true
      %broadcast_in_dim3A_1358 = vector.broadcast %broadcast_in_dim3A_1357 : i1 to vector<16xi1>
      %unique3A_1359, %unique3A_1360 = tpu.scan_count mask(%broadcast_in_dim3A_1358 : vector<16xi1>) value(%get3A_1356 : vector<16xi32>) : vector<16xi1>, vector<16xi32>
      %convert_element_type3A_1361 = arith.sitofp %unique3A_1360 : vector<16xi32> to vector<16xf32>
      tpu.vector_store_idx %arg23[%get3A_1356], %convert_element_type3A_1361 masked %unique3A_1359 {add = true} : memref<6144xf32, #tpu.memory_space<vmem>>[vector<16xi32>], vector<16xf32>, vector<16xi1>
      %get3A_1362 = arith.constant 10 : i32
      %get3A_1363 = arith.index_cast %get3A_1362 : i32 to index
      %get3A_1364 = arith.constant 32 : index
      %get3A_1365 = tpu.vector_load %arg8[%get3A_1363, %get3A_1364] {strides = array<i32>} : memref<16x128xi32, #tpu.memory_space<vmem>>, vector<16xi32>,
      %broadcast_in_dim3A_1366 = arith.constant true
      %broadcast_in_dim3A_1367 = vector.broadcast %broadcast_in_dim3A_1366 : i1 to vector<16xi1>
      %unique3A_1368, %unique3A_1369 = tpu.scan_count mask(%broadcast_in_dim3A_1367 : vector<16xi1>) value(%get3A_1365 : vector<16xi32>) : vector<16xi1>, vector<16xi32>
      %convert_element_type3A_1370 = arith.sitofp %unique3A_1369 : vector<16xi32> to vector<16xf32>
      tpu.vector_store_idx %arg23[%get3A_1365], %convert_element_type3A_1370 masked %unique3A_1368 {add = true} : memref<6144xf32, #tpu.memory_space<vmem>>[vector<16xi32>], vector<16xf32>, vector<16xi1>
      %get3A_1371 = arith.constant 10 : i32
      %get3A_1372 = arith.index_cast %get3A_1371 : i32 to index
      %get3A_1373 = arith.constant 48 : index
      %get3A_1374 = tpu.vector_load %arg8[%get3A_1372, %get3A_1373] {strides = array<i32>} : memref<16x128xi32, #tpu.memory_space<vmem>>, vector<16xi32>,
      %broadcast_in_dim3A_1375 = arith.constant true
      %broadcast_in_dim3A_1376 = vector.broadcast %broadcast_in_dim3A_1375 : i1 to vector<16xi1>
      %unique3A_1377, %unique3A_1378 = tpu.scan_count mask(%broadcast_in_dim3A_1376 : vector<16xi1>) value(%get3A_1374 : vector<16xi32>) : vector<16xi1>, vector<16xi32>
      %convert_element_type3A_1379 = arith.sitofp %unique3A_1378 : vector<16xi32> to vector<16xf32>
      tpu.vector_store_idx %arg23[%get3A_1374], %convert_element_type3A_1379 masked %unique3A_1377 {add = true} : memref<6144xf32, #tpu.memory_space<vmem>>[vector<16xi32>], vector<16xf32>, vector<16xi1>
      %get3A_1380 = arith.constant 10 : i32
      %get3A_1381 = arith.index_cast %get3A_1380 : i32 to index
      %get3A_1382 = arith.constant 64 : index
      %get3A_1383 = tpu.vector_load %arg8[%get3A_1381, %get3A_1382] {strides = array<i32>} : memref<16x128xi32, #tpu.memory_space<vmem>>, vector<16xi32>,
      %broadcast_in_dim3A_1384 = arith.constant true
      %broadcast_in_dim3A_1385 = vector.broadcast %broadcast_in_dim3A_1384 : i1 to vector<16xi1>
      %unique3A_1386, %unique3A_1387 = tpu.scan_count mask(%broadcast_in_dim3A_1385 : vector<16xi1>) value(%get3A_1383 : vector<16xi32>) : vector<16xi1>, vector<16xi32>
      %convert_element_type3A_1388 = arith.sitofp %unique3A_1387 : vector<16xi32> to vector<16xf32>
      tpu.vector_store_idx %arg23[%get3A_1383], %convert_element_type3A_1388 masked %unique3A_1386 {add = true} : memref<6144xf32, #tpu.memory_space<vmem>>[vector<16xi32>], vector<16xf32>, vector<16xi1>
      %get3A_1389 = arith.constant 10 : i32
      %get3A_1390 = arith.index_cast %get3A_1389 : i32 to index
      %get3A_1391 = arith.constant 80 : index
      %get3A_1392 = tpu.vector_load %arg8[%get3A_1390, %get3A_1391] {strides = array<i32>} : memref<16x128xi32, #tpu.memory_space<vmem>>, vector<16xi32>,
      %broadcast_in_dim3A_1393 = arith.constant true
      %broadcast_in_dim3A_1394 = vector.broadcast %broadcast_in_dim3A_1393 : i1 to vector<16xi1>
      %unique3A_1395, %unique3A_1396 = tpu.scan_count mask(%broadcast_in_dim3A_1394 : vector<16xi1>) value(%get3A_1392 : vector<16xi32>) : vector<16xi1>, vector<16xi32>
      %convert_element_type3A_1397 = arith.sitofp %unique3A_1396 : vector<16xi32> to vector<16xf32>
      tpu.vector_store_idx %arg23[%get3A_1392], %convert_element_type3A_1397 masked %unique3A_1395 {add = true} : memref<6144xf32, #tpu.memory_space<vmem>>[vector<16xi32>], vector<16xf32>, vector<16xi1>
      %get3A_1398 = arith.constant 10 : i32
      %get3A_1399 = arith.index_cast %get3A_1398 : i32 to index
      %get3A_1400 = arith.constant 96 : index
      %get3A_1401 = tpu.vector_load %arg8[%get3A_1399, %get3A_1400] {strides = array<i32>} : memref<16x128xi32, #tpu.memory_space<vmem>>, vector<16xi32>,
      %broadcast_in_dim3A_1402 = arith.constant true
      %broadcast_in_dim3A_1403 = vector.broadcast %broadcast_in_dim3A_1402 : i1 to vector<16xi1>
      %unique3A_1404, %unique3A_1405 = tpu.scan_count mask(%broadcast_in_dim3A_1403 : vector<16xi1>) value(%get3A_1401 : vector<16xi32>) : vector<16xi1>, vector<16xi32>
      %convert_element_type3A_1406 = arith.sitofp %unique3A_1405 : vector<16xi32> to vector<16xf32>
      tpu.vector_store_idx %arg23[%get3A_1401], %convert_element_type3A_1406 masked %unique3A_1404 {add = true} : memref<6144xf32, #tpu.memory_space<vmem>>[vector<16xi32>], vector<16xf32>, vector<16xi1>
      %get3A_1407 = arith.constant 10 : i32
      %get3A_1408 = arith.index_cast %get3A_1407 : i32 to index
      %get3A_1409 = arith.constant 112 : index
      %get3A_1410 = tpu.vector_load %arg8[%get3A_1408, %get3A_1409] {strides = array<i32>} : memref<16x128xi32, #tpu.memory_space<vmem>>, vector<16xi32>,
      %broadcast_in_dim3A_1411 = arith.constant true
      %broadcast_in_dim3A_1412 = vector.broadcast %broadcast_in_dim3A_1411 : i1 to vector<16xi1>
      %unique3A_1413, %unique3A_1414 = tpu.scan_count mask(%broadcast_in_dim3A_1412 : vector<16xi1>) value(%get3A_1410 : vector<16xi32>) : vector<16xi1>, vector<16xi32>
      %convert_element_type3A_1415 = arith.sitofp %unique3A_1414 : vector<16xi32> to vector<16xf32>
      tpu.vector_store_idx %arg23[%get3A_1410], %convert_element_type3A_1415 masked %unique3A_1413 {add = true} : memref<6144xf32, #tpu.memory_space<vmem>>[vector<16xi32>], vector<16xf32>, vector<16xi1>
      %dma_wait3A_1416 = arith.constant 11 : i32
      %dma_wait3A_1417 = arith.constant 0 : i32
      %dma_wait3A_1418 = tpu.memref_slice %arg7[%dma_wait3A_1416, %dma_wait3A_1417] : memref<16x128xi32, #tpu.memory_space<vmem>> -> memref<1x128xi32, #tpu.memory_space<vmem>>
      %dma_wait3A_1419 = tpu.memref_squeeze %dma_wait3A_1418 : memref<1x128xi32, #tpu.memory_space<vmem>> -> memref<128xi32, #tpu.memory_space<vmem>>
      %dma_wait3A_1420 = arith.constant 0 : i32
      %dma_wait3A_1421 = arith.constant 0 : i32
      %dma_wait3A_1422 = tpu.memref_slice %arg2[%dma_wait3A_1420, %dma_wait3A_1421] : memref<10240x128xf32, #tpu.memory_space<hbm>> -> memref<10240x128xf32, #tpu.memory_space<hbm>>
      tpu.wait_indirect_dma semaphore(%arg18 : memref<!tpu.dma_semaphore, #tpu.memory_space<semaphore_mem>>) src(%dma_wait3A_1422 : memref<10240x128xf32, #tpu.memory_space<hbm>>) dst(%arg12 : memref<128x128xf32, #tpu.memory_space<vmem>>)
      %dma_start3A_1423 = arith.constant 11 : i32
      %dma_start3A_1424 = arith.constant 0 : i32
      %dma_start3A_1425 = tpu.memref_slice %arg8[%dma_start3A_1423, %dma_start3A_1424] : memref<16x128xi32, #tpu.memory_space<vmem>> -> memref<1x128xi32, #tpu.memory_space<vmem>>
      %dma_start3A_1426 = tpu.memref_squeeze %dma_start3A_1425 : memref<1x128xi32, #tpu.memory_space<vmem>> -> memref<128xi32, #tpu.memory_space<vmem>>
      %dma_start3A_1427 = arith.constant 0 : i32
      %dma_start3A_1428 = arith.constant 0 : i32
      %dma_start3A_1429 = tpu.memref_slice %arg14[%dma_start3A_1427, %dma_start3A_1428] : memref<6144x128xf32, #tpu.memory_space<vmem_shared>> -> memref<6144x128xf32, #tpu.memory_space<vmem_shared>>
      tpu.enqueue_indirect_dma source(%arg12 : memref<128x128xf32, #tpu.memory_space<vmem>>) target(%dma_start3A_1429 : memref<6144x128xf32, #tpu.memory_space<vmem_shared>>) offsets(%dma_start3A_1426 : memref<128xi32, #tpu.memory_space<vmem>>) semaphore(%arg22 : memref<!tpu.dma_semaphore, #tpu.memory_space<semaphore_mem>>) {add = true}
      %dma_wait3A_1430 = arith.constant 11 : i32
      %dma_wait3A_1431 = arith.constant 0 : i32
      %dma_wait3A_1432 = tpu.memref_slice %arg8[%dma_wait3A_1430, %dma_wait3A_1431] : memref<16x128xi32, #tpu.memory_space<vmem>> -> memref<1x128xi32, #tpu.memory_space<vmem>>
      %dma_wait3A_1433 = tpu.memref_squeeze %dma_wait3A_1432 : memref<1x128xi32, #tpu.memory_space<vmem>> -> memref<128xi32, #tpu.memory_space<vmem>>
      %dma_wait3A_1434 = arith.constant 0 : i32
      %dma_wait3A_1435 = arith.constant 0 : i32
      %dma_wait3A_1436 = tpu.memref_slice %arg14[%dma_wait3A_1434, %dma_wait3A_1435] : memref<6144x128xf32, #tpu.memory_space<vmem_shared>> -> memref<6144x128xf32, #tpu.memory_space<vmem_shared>>
      tpu.wait_indirect_dma semaphore(%arg22 : memref<!tpu.dma_semaphore, #tpu.memory_space<semaphore_mem>>) src(%arg12 : memref<128x128xf32, #tpu.memory_space<vmem>>) dst(%dma_wait3A_1436 : memref<6144x128xf32, #tpu.memory_space<vmem_shared>>)
      %dma_start3A_1437 = arith.constant 15 : i32
      %dma_start3A_1438 = arith.constant 0 : i32
      %dma_start3A_1439 = tpu.memref_slice %arg7[%dma_start3A_1437, %dma_start3A_1438] : memref<16x128xi32, #tpu.memory_space<vmem>> -> memref<1x128xi32, #tpu.memory_space<vmem>>
      %dma_start3A_1440 = tpu.memref_squeeze %dma_start3A_1439 : memref<1x128xi32, #tpu.memory_space<vmem>> -> memref<128xi32, #tpu.memory_space<vmem>>
      %dma_start3A_1441 = arith.constant 0 : i32
      %dma_start3A_1442 = arith.constant 0 : i32
      %dma_start3A_1443 = tpu.memref_slice %arg2[%dma_start3A_1441, %dma_start3A_1442] : memref<10240x128xf32, #tpu.memory_space<hbm>> -> memref<10240x128xf32, #tpu.memory_space<hbm>>
      tpu.enqueue_indirect_dma source(%dma_start3A_1443 : memref<10240x128xf32, #tpu.memory_space<hbm>>) target(%arg12 : memref<128x128xf32, #tpu.memory_space<vmem>>) offsets(%dma_start3A_1440 : memref<128xi32, #tpu.memory_space<vmem>>) semaphore(%arg18 : memref<!tpu.dma_semaphore, #tpu.memory_space<semaphore_mem>>)
      %get3A_1444 = arith.constant 11 : i32
      %get3A_1445 = arith.index_cast %get3A_1444 : i32 to index
      %get3A_1446 = arith.constant 0 : index
      %get3A_1447 = tpu.vector_load %arg8[%get3A_1445, %get3A_1446] {strides = array<i32>} : memref<16x128xi32, #tpu.memory_space<vmem>>, vector<16xi32>,
      %broadcast_in_dim3A_1448 = arith.constant true
      %broadcast_in_dim3A_1449 = vector.broadcast %broadcast_in_dim3A_1448 : i1 to vector<16xi1>
      %unique3A_1450, %unique3A_1451 = tpu.scan_count mask(%broadcast_in_dim3A_1449 : vector<16xi1>) value(%get3A_1447 : vector<16xi32>) : vector<16xi1>, vector<16xi32>
      %convert_element_type3A_1452 = arith.sitofp %unique3A_1451 : vector<16xi32> to vector<16xf32>
      tpu.vector_store_idx %arg23[%get3A_1447], %convert_element_type3A_1452 masked %unique3A_1450 {add = true} : memref<6144xf32, #tpu.memory_space<vmem>>[vector<16xi32>], vector<16xf32>, vector<16xi1>
      %get3A_1453 = arith.constant 11 : i32
      %get3A_1454 = arith.index_cast %get3A_1453 : i32 to index
      %get3A_1455 = arith.constant 16 : index
      %get3A_1456 = tpu.vector_load %arg8[%get3A_1454, %get3A_1455] {strides = array<i32>} : memref<16x128xi32, #tpu.memory_space<vmem>>, vector<16xi32>,
      %broadcast_in_dim3A_1457 = arith.constant true
      %broadcast_in_dim3A_1458 = vector.broadcast %broadcast_in_dim3A_1457 : i1 to vector<16xi1>
      %unique3A_1459, %unique3A_1460 = tpu.scan_count mask(%broadcast_in_dim3A_1458 : vector<16xi1>) value(%get3A_1456 : vector<16xi32>) : vector<16xi1>, vector<16xi32>
      %convert_element_type3A_1461 = arith.sitofp %unique3A_1460 : vector<16xi32> to vector<16xf32>
      tpu.vector_store_idx %arg23[%get3A_1456], %convert_element_type3A_1461 masked %unique3A_1459 {add = true} : memref<6144xf32, #tpu.memory_space<vmem>>[vector<16xi32>], vector<16xf32>, vector<16xi1>
      %get3A_1462 = arith.constant 11 : i32
      %get3A_1463 = arith.index_cast %get3A_1462 : i32 to index
      %get3A_1464 = arith.constant 32 : index
      %get3A_1465 = tpu.vector_load %arg8[%get3A_1463, %get3A_1464] {strides = array<i32>} : memref<16x128xi32, #tpu.memory_space<vmem>>, vector<16xi32>,
      %broadcast_in_dim3A_1466 = arith.constant true
      %broadcast_in_dim3A_1467 = vector.broadcast %broadcast_in_dim3A_1466 : i1 to vector<16xi1>
      %unique3A_1468, %unique3A_1469 = tpu.scan_count mask(%broadcast_in_dim3A_1467 : vector<16xi1>) value(%get3A_1465 : vector<16xi32>) : vector<16xi1>, vector<16xi32>
      %convert_element_type3A_1470 = arith.sitofp %unique3A_1469 : vector<16xi32> to vector<16xf32>
      tpu.vector_store_idx %arg23[%get3A_1465], %convert_element_type3A_1470 masked %unique3A_1468 {add = true} : memref<6144xf32, #tpu.memory_space<vmem>>[vector<16xi32>], vector<16xf32>, vector<16xi1>
      %get3A_1471 = arith.constant 11 : i32
      %get3A_1472 = arith.index_cast %get3A_1471 : i32 to index
      %get3A_1473 = arith.constant 48 : index
      %get3A_1474 = tpu.vector_load %arg8[%get3A_1472, %get3A_1473] {strides = array<i32>} : memref<16x128xi32, #tpu.memory_space<vmem>>, vector<16xi32>,
      %broadcast_in_dim3A_1475 = arith.constant true
      %broadcast_in_dim3A_1476 = vector.broadcast %broadcast_in_dim3A_1475 : i1 to vector<16xi1>
      %unique3A_1477, %unique3A_1478 = tpu.scan_count mask(%broadcast_in_dim3A_1476 : vector<16xi1>) value(%get3A_1474 : vector<16xi32>) : vector<16xi1>, vector<16xi32>
      %convert_element_type3A_1479 = arith.sitofp %unique3A_1478 : vector<16xi32> to vector<16xf32>
      tpu.vector_store_idx %arg23[%get3A_1474], %convert_element_type3A_1479 masked %unique3A_1477 {add = true} : memref<6144xf32, #tpu.memory_space<vmem>>[vector<16xi32>], vector<16xf32>, vector<16xi1>
      %get3A_1480 = arith.constant 11 : i32
      %get3A_1481 = arith.index_cast %get3A_1480 : i32 to index
      %get3A_1482 = arith.constant 64 : index
      %get3A_1483 = tpu.vector_load %arg8[%get3A_1481, %get3A_1482] {strides = array<i32>} : memref<16x128xi32, #tpu.memory_space<vmem>>, vector<16xi32>,
      %broadcast_in_dim3A_1484 = arith.constant true
      %broadcast_in_dim3A_1485 = vector.broadcast %broadcast_in_dim3A_1484 : i1 to vector<16xi1>
      %unique3A_1486, %unique3A_1487 = tpu.scan_count mask(%broadcast_in_dim3A_1485 : vector<16xi1>) value(%get3A_1483 : vector<16xi32>) : vector<16xi1>, vector<16xi32>
      %convert_element_type3A_1488 = arith.sitofp %unique3A_1487 : vector<16xi32> to vector<16xf32>
      tpu.vector_store_idx %arg23[%get3A_1483], %convert_element_type3A_1488 masked %unique3A_1486 {add = true} : memref<6144xf32, #tpu.memory_space<vmem>>[vector<16xi32>], vector<16xf32>, vector<16xi1>
      %get3A_1489 = arith.constant 11 : i32
      %get3A_1490 = arith.index_cast %get3A_1489 : i32 to index
      %get3A_1491 = arith.constant 80 : index
      %get3A_1492 = tpu.vector_load %arg8[%get3A_1490, %get3A_1491] {strides = array<i32>} : memref<16x128xi32, #tpu.memory_space<vmem>>, vector<16xi32>,
      %broadcast_in_dim3A_1493 = arith.constant true
      %broadcast_in_dim3A_1494 = vector.broadcast %broadcast_in_dim3A_1493 : i1 to vector<16xi1>
      %unique3A_1495, %unique3A_1496 = tpu.scan_count mask(%broadcast_in_dim3A_1494 : vector<16xi1>) value(%get3A_1492 : vector<16xi32>) : vector<16xi1>, vector<16xi32>
      %convert_element_type3A_1497 = arith.sitofp %unique3A_1496 : vector<16xi32> to vector<16xf32>
      tpu.vector_store_idx %arg23[%get3A_1492], %convert_element_type3A_1497 masked %unique3A_1495 {add = true} : memref<6144xf32, #tpu.memory_space<vmem>>[vector<16xi32>], vector<16xf32>, vector<16xi1>
      %get3A_1498 = arith.constant 11 : i32
      %get3A_1499 = arith.index_cast %get3A_1498 : i32 to index
      %get3A_1500 = arith.constant 96 : index
      %get3A_1501 = tpu.vector_load %arg8[%get3A_1499, %get3A_1500] {strides = array<i32>} : memref<16x128xi32, #tpu.memory_space<vmem>>, vector<16xi32>,
      %broadcast_in_dim3A_1502 = arith.constant true
      %broadcast_in_dim3A_1503 = vector.broadcast %broadcast_in_dim3A_1502 : i1 to vector<16xi1>
      %unique3A_1504, %unique3A_1505 = tpu.scan_count mask(%broadcast_in_dim3A_1503 : vector<16xi1>) value(%get3A_1501 : vector<16xi32>) : vector<16xi1>, vector<16xi32>
      %convert_element_type3A_1506 = arith.sitofp %unique3A_1505 : vector<16xi32> to vector<16xf32>
      tpu.vector_store_idx %arg23[%get3A_1501], %convert_element_type3A_1506 masked %unique3A_1504 {add = true} : memref<6144xf32, #tpu.memory_space<vmem>>[vector<16xi32>], vector<16xf32>, vector<16xi1>
      %get3A_1507 = arith.constant 11 : i32
      %get3A_1508 = arith.index_cast %get3A_1507 : i32 to index
      %get3A_1509 = arith.constant 112 : index
      %get3A_1510 = tpu.vector_load %arg8[%get3A_1508, %get3A_1509] {strides = array<i32>} : memref<16x128xi32, #tpu.memory_space<vmem>>, vector<16xi32>,
      %broadcast_in_dim3A_1511 = arith.constant true
      %broadcast_in_dim3A_1512 = vector.broadcast %broadcast_in_dim3A_1511 : i1 to vector<16xi1>
      %unique3A_1513, %unique3A_1514 = tpu.scan_count mask(%broadcast_in_dim3A_1512 : vector<16xi1>) value(%get3A_1510 : vector<16xi32>) : vector<16xi1>, vector<16xi32>
      %convert_element_type3A_1515 = arith.sitofp %unique3A_1514 : vector<16xi32> to vector<16xf32>
      tpu.vector_store_idx %arg23[%get3A_1510], %convert_element_type3A_1515 masked %unique3A_1513 {add = true} : memref<6144xf32, #tpu.memory_space<vmem>>[vector<16xi32>], vector<16xf32>, vector<16xi1>
      %dma_wait3A_1516 = arith.constant 12 : i32
      %dma_wait3A_1517 = arith.constant 0 : i32
      %dma_wait3A_1518 = tpu.memref_slice %arg7[%dma_wait3A_1516, %dma_wait3A_1517] : memref<16x128xi32, #tpu.memory_space<vmem>> -> memref<1x128xi32, #tpu.memory_space<vmem>>
      %dma_wait3A_1519 = tpu.memref_squeeze %dma_wait3A_1518 : memref<1x128xi32, #tpu.memory_space<vmem>> -> memref<128xi32, #tpu.memory_space<vmem>>
      %dma_wait3A_1520 = arith.constant 0 : i32
      %dma_wait3A_1521 = arith.constant 0 : i32
      %dma_wait3A_1522 = tpu.memref_slice %arg2[%dma_wait3A_1520, %dma_wait3A_1521] : memref<10240x128xf32, #tpu.memory_space<hbm>> -> memref<10240x128xf32, #tpu.memory_space<hbm>>
      tpu.wait_indirect_dma semaphore(%arg15 : memref<!tpu.dma_semaphore, #tpu.memory_space<semaphore_mem>>) src(%dma_wait3A_1522 : memref<10240x128xf32, #tpu.memory_space<hbm>>) dst(%arg9 : memref<128x128xf32, #tpu.memory_space<vmem>>)
      %dma_start3A_1523 = arith.constant 12 : i32
      %dma_start3A_1524 = arith.constant 0 : i32
      %dma_start3A_1525 = tpu.memref_slice %arg8[%dma_start3A_1523, %dma_start3A_1524] : memref<16x128xi32, #tpu.memory_space<vmem>> -> memref<1x128xi32, #tpu.memory_space<vmem>>
      %dma_start3A_1526 = tpu.memref_squeeze %dma_start3A_1525 : memref<1x128xi32, #tpu.memory_space<vmem>> -> memref<128xi32, #tpu.memory_space<vmem>>
      %dma_start3A_1527 = arith.constant 0 : i32
      %dma_start3A_1528 = arith.constant 0 : i32
      %dma_start3A_1529 = tpu.memref_slice %arg14[%dma_start3A_1527, %dma_start3A_1528] : memref<6144x128xf32, #tpu.memory_space<vmem_shared>> -> memref<6144x128xf32, #tpu.memory_space<vmem_shared>>
      tpu.enqueue_indirect_dma source(%arg9 : memref<128x128xf32, #tpu.memory_space<vmem>>) target(%dma_start3A_1529 : memref<6144x128xf32, #tpu.memory_space<vmem_shared>>) offsets(%dma_start3A_1526 : memref<128xi32, #tpu.memory_space<vmem>>) semaphore(%arg19 : memref<!tpu.dma_semaphore, #tpu.memory_space<semaphore_mem>>) {add = true}
      %get3A_1530 = arith.constant 12 : i32
      %get3A_1531 = arith.index_cast %get3A_1530 : i32 to index
      %get3A_1532 = arith.constant 0 : index
      %get3A_1533 = tpu.vector_load %arg8[%get3A_1531, %get3A_1532] {strides = array<i32>} : memref<16x128xi32, #tpu.memory_space<vmem>>, vector<16xi32>,
      %broadcast_in_dim3A_1534 = arith.constant true
      %broadcast_in_dim3A_1535 = vector.broadcast %broadcast_in_dim3A_1534 : i1 to vector<16xi1>
      %unique3A_1536, %unique3A_1537 = tpu.scan_count mask(%broadcast_in_dim3A_1535 : vector<16xi1>) value(%get3A_1533 : vector<16xi32>) : vector<16xi1>, vector<16xi32>
      %convert_element_type3A_1538 = arith.sitofp %unique3A_1537 : vector<16xi32> to vector<16xf32>
      tpu.vector_store_idx %arg23[%get3A_1533], %convert_element_type3A_1538 masked %unique3A_1536 {add = true} : memref<6144xf32, #tpu.memory_space<vmem>>[vector<16xi32>], vector<16xf32>, vector<16xi1>
      %get3A_1539 = arith.constant 12 : i32
      %get3A_1540 = arith.index_cast %get3A_1539 : i32 to index
      %get3A_1541 = arith.constant 16 : index
      %get3A_1542 = tpu.vector_load %arg8[%get3A_1540, %get3A_1541] {strides = array<i32>} : memref<16x128xi32, #tpu.memory_space<vmem>>, vector<16xi32>,
      %broadcast_in_dim3A_1543 = arith.constant true
      %broadcast_in_dim3A_1544 = vector.broadcast %broadcast_in_dim3A_1543 : i1 to vector<16xi1>
      %unique3A_1545, %unique3A_1546 = tpu.scan_count mask(%broadcast_in_dim3A_1544 : vector<16xi1>) value(%get3A_1542 : vector<16xi32>) : vector<16xi1>, vector<16xi32>
      %convert_element_type3A_1547 = arith.sitofp %unique3A_1546 : vector<16xi32> to vector<16xf32>
      tpu.vector_store_idx %arg23[%get3A_1542], %convert_element_type3A_1547 masked %unique3A_1545 {add = true} : memref<6144xf32, #tpu.memory_space<vmem>>[vector<16xi32>], vector<16xf32>, vector<16xi1>
      %get3A_1548 = arith.constant 12 : i32
      %get3A_1549 = arith.index_cast %get3A_1548 : i32 to index
      %get3A_1550 = arith.constant 32 : index
      %get3A_1551 = tpu.vector_load %arg8[%get3A_1549, %get3A_1550] {strides = array<i32>} : memref<16x128xi32, #tpu.memory_space<vmem>>, vector<16xi32>,
      %broadcast_in_dim3A_1552 = arith.constant true
      %broadcast_in_dim3A_1553 = vector.broadcast %broadcast_in_dim3A_1552 : i1 to vector<16xi1>
      %unique3A_1554, %unique3A_1555 = tpu.scan_count mask(%broadcast_in_dim3A_1553 : vector<16xi1>) value(%get3A_1551 : vector<16xi32>) : vector<16xi1>, vector<16xi32>
      %convert_element_type3A_1556 = arith.sitofp %unique3A_1555 : vector<16xi32> to vector<16xf32>
      tpu.vector_store_idx %arg23[%get3A_1551], %convert_element_type3A_1556 masked %unique3A_1554 {add = true} : memref<6144xf32, #tpu.memory_space<vmem>>[vector<16xi32>], vector<16xf32>, vector<16xi1>
      %get3A_1557 = arith.constant 12 : i32
      %get3A_1558 = arith.index_cast %get3A_1557 : i32 to index
      %get3A_1559 = arith.constant 48 : index
      %get3A_1560 = tpu.vector_load %arg8[%get3A_1558, %get3A_1559] {strides = array<i32>} : memref<16x128xi32, #tpu.memory_space<vmem>>, vector<16xi32>,
      %broadcast_in_dim3A_1561 = arith.constant true
      %broadcast_in_dim3A_1562 = vector.broadcast %broadcast_in_dim3A_1561 : i1 to vector<16xi1>
      %unique3A_1563, %unique3A_1564 = tpu.scan_count mask(%broadcast_in_dim3A_1562 : vector<16xi1>) value(%get3A_1560 : vector<16xi32>) : vector<16xi1>, vector<16xi32>
      %convert_element_type3A_1565 = arith.sitofp %unique3A_1564 : vector<16xi32> to vector<16xf32>
      tpu.vector_store_idx %arg23[%get3A_1560], %convert_element_type3A_1565 masked %unique3A_1563 {add = true} : memref<6144xf32, #tpu.memory_space<vmem>>[vector<16xi32>], vector<16xf32>, vector<16xi1>
      %get3A_1566 = arith.constant 12 : i32
      %get3A_1567 = arith.index_cast %get3A_1566 : i32 to index
      %get3A_1568 = arith.constant 64 : index
      %get3A_1569 = tpu.vector_load %arg8[%get3A_1567, %get3A_1568] {strides = array<i32>} : memref<16x128xi32, #tpu.memory_space<vmem>>, vector<16xi32>,
      %broadcast_in_dim3A_1570 = arith.constant true
      %broadcast_in_dim3A_1571 = vector.broadcast %broadcast_in_dim3A_1570 : i1 to vector<16xi1>
      %unique3A_1572, %unique3A_1573 = tpu.scan_count mask(%broadcast_in_dim3A_1571 : vector<16xi1>) value(%get3A_1569 : vector<16xi32>) : vector<16xi1>, vector<16xi32>
      %convert_element_type3A_1574 = arith.sitofp %unique3A_1573 : vector<16xi32> to vector<16xf32>
      tpu.vector_store_idx %arg23[%get3A_1569], %convert_element_type3A_1574 masked %unique3A_1572 {add = true} : memref<6144xf32, #tpu.memory_space<vmem>>[vector<16xi32>], vector<16xf32>, vector<16xi1>
      %get3A_1575 = arith.constant 12 : i32
      %get3A_1576 = arith.index_cast %get3A_1575 : i32 to index
      %get3A_1577 = arith.constant 80 : index
      %get3A_1578 = tpu.vector_load %arg8[%get3A_1576, %get3A_1577] {strides = array<i32>} : memref<16x128xi32, #tpu.memory_space<vmem>>, vector<16xi32>,
      %broadcast_in_dim3A_1579 = arith.constant true
      %broadcast_in_dim3A_1580 = vector.broadcast %broadcast_in_dim3A_1579 : i1 to vector<16xi1>
      %unique3A_1581, %unique3A_1582 = tpu.scan_count mask(%broadcast_in_dim3A_1580 : vector<16xi1>) value(%get3A_1578 : vector<16xi32>) : vector<16xi1>, vector<16xi32>
      %convert_element_type3A_1583 = arith.sitofp %unique3A_1582 : vector<16xi32> to vector<16xf32>
      tpu.vector_store_idx %arg23[%get3A_1578], %convert_element_type3A_1583 masked %unique3A_1581 {add = true} : memref<6144xf32, #tpu.memory_space<vmem>>[vector<16xi32>], vector<16xf32>, vector<16xi1>
      %get3A_1584 = arith.constant 12 : i32
      %get3A_1585 = arith.index_cast %get3A_1584 : i32 to index
      %get3A_1586 = arith.constant 96 : index
      %get3A_1587 = tpu.vector_load %arg8[%get3A_1585, %get3A_1586] {strides = array<i32>} : memref<16x128xi32, #tpu.memory_space<vmem>>, vector<16xi32>,
      %broadcast_in_dim3A_1588 = arith.constant true
      %broadcast_in_dim3A_1589 = vector.broadcast %broadcast_in_dim3A_1588 : i1 to vector<16xi1>
      %unique3A_1590, %unique3A_1591 = tpu.scan_count mask(%broadcast_in_dim3A_1589 : vector<16xi1>) value(%get3A_1587 : vector<16xi32>) : vector<16xi1>, vector<16xi32>
      %convert_element_type3A_1592 = arith.sitofp %unique3A_1591 : vector<16xi32> to vector<16xf32>
      tpu.vector_store_idx %arg23[%get3A_1587], %convert_element_type3A_1592 masked %unique3A_1590 {add = true} : memref<6144xf32, #tpu.memory_space<vmem>>[vector<16xi32>], vector<16xf32>, vector<16xi1>
      %get3A_1593 = arith.constant 12 : i32
      %get3A_1594 = arith.index_cast %get3A_1593 : i32 to index
      %get3A_1595 = arith.constant 112 : index
      %get3A_1596 = tpu.vector_load %arg8[%get3A_1594, %get3A_1595] {strides = array<i32>} : memref<16x128xi32, #tpu.memory_space<vmem>>, vector<16xi32>,
      %broadcast_in_dim3A_1597 = arith.constant true
      %broadcast_in_dim3A_1598 = vector.broadcast %broadcast_in_dim3A_1597 : i1 to vector<16xi1>
      %unique3A_1599, %unique3A_1600 = tpu.scan_count mask(%broadcast_in_dim3A_1598 : vector<16xi1>) value(%get3A_1596 : vector<16xi32>) : vector<16xi1>, vector<16xi32>
      %convert_element_type3A_1601 = arith.sitofp %unique3A_1600 : vector<16xi32> to vector<16xf32>
      tpu.vector_store_idx %arg23[%get3A_1596], %convert_element_type3A_1601 masked %unique3A_1599 {add = true} : memref<6144xf32, #tpu.memory_space<vmem>>[vector<16xi32>], vector<16xf32>, vector<16xi1>
      %dma_wait3A_1602 = arith.constant 13 : i32
      %dma_wait3A_1603 = arith.constant 0 : i32
      %dma_wait3A_1604 = tpu.memref_slice %arg7[%dma_wait3A_1602, %dma_wait3A_1603] : memref<16x128xi32, #tpu.memory_space<vmem>> -> memref<1x128xi32, #tpu.memory_space<vmem>>
      %dma_wait3A_1605 = tpu.memref_squeeze %dma_wait3A_1604 : memref<1x128xi32, #tpu.memory_space<vmem>> -> memref<128xi32, #tpu.memory_space<vmem>>
      %dma_wait3A_1606 = arith.constant 0 : i32
      %dma_wait3A_1607 = arith.constant 0 : i32
      %dma_wait3A_1608 = tpu.memref_slice %arg2[%dma_wait3A_1606, %dma_wait3A_1607] : memref<10240x128xf32, #tpu.memory_space<hbm>> -> memref<10240x128xf32, #tpu.memory_space<hbm>>
      tpu.wait_indirect_dma semaphore(%arg16 : memref<!tpu.dma_semaphore, #tpu.memory_space<semaphore_mem>>) src(%dma_wait3A_1608 : memref<10240x128xf32, #tpu.memory_space<hbm>>) dst(%arg10 : memref<128x128xf32, #tpu.memory_space<vmem>>)
      %dma_start3A_1609 = arith.constant 13 : i32
      %dma_start3A_1610 = arith.constant 0 : i32
      %dma_start3A_1611 = tpu.memref_slice %arg8[%dma_start3A_1609, %dma_start3A_1610] : memref<16x128xi32, #tpu.memory_space<vmem>> -> memref<1x128xi32, #tpu.memory_space<vmem>>
      %dma_start3A_1612 = tpu.memref_squeeze %dma_start3A_1611 : memref<1x128xi32, #tpu.memory_space<vmem>> -> memref<128xi32, #tpu.memory_space<vmem>>
      %dma_start3A_1613 = arith.constant 0 : i32
      %dma_start3A_1614 = arith.constant 0 : i32
      %dma_start3A_1615 = tpu.memref_slice %arg14[%dma_start3A_1613, %dma_start3A_1614] : memref<6144x128xf32, #tpu.memory_space<vmem_shared>> -> memref<6144x128xf32, #tpu.memory_space<vmem_shared>>
      tpu.enqueue_indirect_dma source(%arg10 : memref<128x128xf32, #tpu.memory_space<vmem>>) target(%dma_start3A_1615 : memref<6144x128xf32, #tpu.memory_space<vmem_shared>>) offsets(%dma_start3A_1612 : memref<128xi32, #tpu.memory_space<vmem>>) semaphore(%arg20 : memref<!tpu.dma_semaphore, #tpu.memory_space<semaphore_mem>>) {add = true}
      %get3A_1616 = arith.constant 13 : i32
      %get3A_1617 = arith.index_cast %get3A_1616 : i32 to index
      %get3A_1618 = arith.constant 0 : index
      %get3A_1619 = tpu.vector_load %arg8[%get3A_1617, %get3A_1618] {strides = array<i32>} : memref<16x128xi32, #tpu.memory_space<vmem>>, vector<16xi32>,
      %broadcast_in_dim3A_1620 = arith.constant true
      %broadcast_in_dim3A_1621 = vector.broadcast %broadcast_in_dim3A_1620 : i1 to vector<16xi1>
      %unique3A_1622, %unique3A_1623 = tpu.scan_count mask(%broadcast_in_dim3A_1621 : vector<16xi1>) value(%get3A_1619 : vector<16xi32>) : vector<16xi1>, vector<16xi32>
      %convert_element_type3A_1624 = arith.sitofp %unique3A_1623 : vector<16xi32> to vector<16xf32>
      tpu.vector_store_idx %arg23[%get3A_1619], %convert_element_type3A_1624 masked %unique3A_1622 {add = true} : memref<6144xf32, #tpu.memory_space<vmem>>[vector<16xi32>], vector<16xf32>, vector<16xi1>
      %get3A_1625 = arith.constant 13 : i32
      %get3A_1626 = arith.index_cast %get3A_1625 : i32 to index
      %get3A_1627 = arith.constant 16 : index
      %get3A_1628 = tpu.vector_load %arg8[%get3A_1626, %get3A_1627] {strides = array<i32>} : memref<16x128xi32, #tpu.memory_space<vmem>>, vector<16xi32>,
      %broadcast_in_dim3A_1629 = arith.constant true
      %broadcast_in_dim3A_1630 = vector.broadcast %broadcast_in_dim3A_1629 : i1 to vector<16xi1>
      %unique3A_1631, %unique3A_1632 = tpu.scan_count mask(%broadcast_in_dim3A_1630 : vector<16xi1>) value(%get3A_1628 : vector<16xi32>) : vector<16xi1>, vector<16xi32>
      %convert_element_type3A_1633 = arith.sitofp %unique3A_1632 : vector<16xi32> to vector<16xf32>
      tpu.vector_store_idx %arg23[%get3A_1628], %convert_element_type3A_1633 masked %unique3A_1631 {add = true} : memref<6144xf32, #tpu.memory_space<vmem>>[vector<16xi32>], vector<16xf32>, vector<16xi1>
      %get3A_1634 = arith.constant 13 : i32
      %get3A_1635 = arith.index_cast %get3A_1634 : i32 to index
      %get3A_1636 = arith.constant 32 : index
      %get3A_1637 = tpu.vector_load %arg8[%get3A_1635, %get3A_1636] {strides = array<i32>} : memref<16x128xi32, #tpu.memory_space<vmem>>, vector<16xi32>,
      %broadcast_in_dim3A_1638 = arith.constant true
      %broadcast_in_dim3A_1639 = vector.broadcast %broadcast_in_dim3A_1638 : i1 to vector<16xi1>
      %unique3A_1640, %unique3A_1641 = tpu.scan_count mask(%broadcast_in_dim3A_1639 : vector<16xi1>) value(%get3A_1637 : vector<16xi32>) : vector<16xi1>, vector<16xi32>
      %convert_element_type3A_1642 = arith.sitofp %unique3A_1641 : vector<16xi32> to vector<16xf32>
      tpu.vector_store_idx %arg23[%get3A_1637], %convert_element_type3A_1642 masked %unique3A_1640 {add = true} : memref<6144xf32, #tpu.memory_space<vmem>>[vector<16xi32>], vector<16xf32>, vector<16xi1>
      %get3A_1643 = arith.constant 13 : i32
      %get3A_1644 = arith.index_cast %get3A_1643 : i32 to index
      %get3A_1645 = arith.constant 48 : index
      %get3A_1646 = tpu.vector_load %arg8[%get3A_1644, %get3A_1645] {strides = array<i32>} : memref<16x128xi32, #tpu.memory_space<vmem>>, vector<16xi32>,
      %broadcast_in_dim3A_1647 = arith.constant true
      %broadcast_in_dim3A_1648 = vector.broadcast %broadcast_in_dim3A_1647 : i1 to vector<16xi1>
      %unique3A_1649, %unique3A_1650 = tpu.scan_count mask(%broadcast_in_dim3A_1648 : vector<16xi1>) value(%get3A_1646 : vector<16xi32>) : vector<16xi1>, vector<16xi32>
      %convert_element_type3A_1651 = arith.sitofp %unique3A_1650 : vector<16xi32> to vector<16xf32>
      tpu.vector_store_idx %arg23[%get3A_1646], %convert_element_type3A_1651 masked %unique3A_1649 {add = true} : memref<6144xf32, #tpu.memory_space<vmem>>[vector<16xi32>], vector<16xf32>, vector<16xi1>
      %get3A_1652 = arith.constant 13 : i32
      %get3A_1653 = arith.index_cast %get3A_1652 : i32 to index
      %get3A_1654 = arith.constant 64 : index
      %get3A_1655 = tpu.vector_load %arg8[%get3A_1653, %get3A_1654] {strides = array<i32>} : memref<16x128xi32, #tpu.memory_space<vmem>>, vector<16xi32>,
      %broadcast_in_dim3A_1656 = arith.constant true
      %broadcast_in_dim3A_1657 = vector.broadcast %broadcast_in_dim3A_1656 : i1 to vector<16xi1>
      %unique3A_1658, %unique3A_1659 = tpu.scan_count mask(%broadcast_in_dim3A_1657 : vector<16xi1>) value(%get3A_1655 : vector<16xi32>) : vector<16xi1>, vector<16xi32>
      %convert_element_type3A_1660 = arith.sitofp %unique3A_1659 : vector<16xi32> to vector<16xf32>
      tpu.vector_store_idx %arg23[%get3A_1655], %convert_element_type3A_1660 masked %unique3A_1658 {add = true} : memref<6144xf32, #tpu.memory_space<vmem>>[vector<16xi32>], vector<16xf32>, vector<16xi1>
      %get3A_1661 = arith.constant 13 : i32
      %get3A_1662 = arith.index_cast %get3A_1661 : i32 to index
      %get3A_1663 = arith.constant 80 : index
      %get3A_1664 = tpu.vector_load %arg8[%get3A_1662, %get3A_1663] {strides = array<i32>} : memref<16x128xi32, #tpu.memory_space<vmem>>, vector<16xi32>,
      %broadcast_in_dim3A_1665 = arith.constant true
      %broadcast_in_dim3A_1666 = vector.broadcast %broadcast_in_dim3A_1665 : i1 to vector<16xi1>
      %unique3A_1667, %unique3A_1668 = tpu.scan_count mask(%broadcast_in_dim3A_1666 : vector<16xi1>) value(%get3A_1664 : vector<16xi32>) : vector<16xi1>, vector<16xi32>
      %convert_element_type3A_1669 = arith.sitofp %unique3A_1668 : vector<16xi32> to vector<16xf32>
      tpu.vector_store_idx %arg23[%get3A_1664], %convert_element_type3A_1669 masked %unique3A_1667 {add = true} : memref<6144xf32, #tpu.memory_space<vmem>>[vector<16xi32>], vector<16xf32>, vector<16xi1>
      %get3A_1670 = arith.constant 13 : i32
      %get3A_1671 = arith.index_cast %get3A_1670 : i32 to index
      %get3A_1672 = arith.constant 96 : index
      %get3A_1673 = tpu.vector_load %arg8[%get3A_1671, %get3A_1672] {strides = array<i32>} : memref<16x128xi32, #tpu.memory_space<vmem>>, vector<16xi32>,
      %broadcast_in_dim3A_1674 = arith.constant true
      %broadcast_in_dim3A_1675 = vector.broadcast %broadcast_in_dim3A_1674 : i1 to vector<16xi1>
      %unique3A_1676, %unique3A_1677 = tpu.scan_count mask(%broadcast_in_dim3A_1675 : vector<16xi1>) value(%get3A_1673 : vector<16xi32>) : vector<16xi1>, vector<16xi32>
      %convert_element_type3A_1678 = arith.sitofp %unique3A_1677 : vector<16xi32> to vector<16xf32>
      tpu.vector_store_idx %arg23[%get3A_1673], %convert_element_type3A_1678 masked %unique3A_1676 {add = true} : memref<6144xf32, #tpu.memory_space<vmem>>[vector<16xi32>], vector<16xf32>, vector<16xi1>
      %get3A_1679 = arith.constant 13 : i32
      %get3A_1680 = arith.index_cast %get3A_1679 : i32 to index
      %get3A_1681 = arith.constant 112 : index
      %get3A_1682 = tpu.vector_load %arg8[%get3A_1680, %get3A_1681] {strides = array<i32>} : memref<16x128xi32, #tpu.memory_space<vmem>>, vector<16xi32>,
      %broadcast_in_dim3A_1683 = arith.constant true
      %broadcast_in_dim3A_1684 = vector.broadcast %broadcast_in_dim3A_1683 : i1 to vector<16xi1>
      %unique3A_1685, %unique3A_1686 = tpu.scan_count mask(%broadcast_in_dim3A_1684 : vector<16xi1>) value(%get3A_1682 : vector<16xi32>) : vector<16xi1>, vector<16xi32>
      %convert_element_type3A_1687 = arith.sitofp %unique3A_1686 : vector<16xi32> to vector<16xf32>
      tpu.vector_store_idx %arg23[%get3A_1682], %convert_element_type3A_1687 masked %unique3A_1685 {add = true} : memref<6144xf32, #tpu.memory_space<vmem>>[vector<16xi32>], vector<16xf32>, vector<16xi1>
      %dma_wait3A_1688 = arith.constant 14 : i32
      %dma_wait3A_1689 = arith.constant 0 : i32
      %dma_wait3A_1690 = tpu.memref_slice %arg7[%dma_wait3A_1688, %dma_wait3A_1689] : memref<16x128xi32, #tpu.memory_space<vmem>> -> memref<1x128xi32, #tpu.memory_space<vmem>>
      %dma_wait3A_1691 = tpu.memref_squeeze %dma_wait3A_1690 : memref<1x128xi32, #tpu.memory_space<vmem>> -> memref<128xi32, #tpu.memory_space<vmem>>
      %dma_wait3A_1692 = arith.constant 0 : i32
      %dma_wait3A_1693 = arith.constant 0 : i32
      %dma_wait3A_1694 = tpu.memref_slice %arg2[%dma_wait3A_1692, %dma_wait3A_1693] : memref<10240x128xf32, #tpu.memory_space<hbm>> -> memref<10240x128xf32, #tpu.memory_space<hbm>>
      tpu.wait_indirect_dma semaphore(%arg17 : memref<!tpu.dma_semaphore, #tpu.memory_space<semaphore_mem>>) src(%dma_wait3A_1694 : memref<10240x128xf32, #tpu.memory_space<hbm>>) dst(%arg11 : memref<128x128xf32, #tpu.memory_space<vmem>>)
      %dma_start3A_1695 = arith.constant 14 : i32
      %dma_start3A_1696 = arith.constant 0 : i32
      %dma_start3A_1697 = tpu.memref_slice %arg8[%dma_start3A_1695, %dma_start3A_1696] : memref<16x128xi32, #tpu.memory_space<vmem>> -> memref<1x128xi32, #tpu.memory_space<vmem>>
      %dma_start3A_1698 = tpu.memref_squeeze %dma_start3A_1697 : memref<1x128xi32, #tpu.memory_space<vmem>> -> memref<128xi32, #tpu.memory_space<vmem>>
      %dma_start3A_1699 = arith.constant 0 : i32
      %dma_start3A_1700 = arith.constant 0 : i32
      %dma_start3A_1701 = tpu.memref_slice %arg14[%dma_start3A_1699, %dma_start3A_1700] : memref<6144x128xf32, #tpu.memory_space<vmem_shared>> -> memref<6144x128xf32, #tpu.memory_space<vmem_shared>>
      tpu.enqueue_indirect_dma source(%arg11 : memref<128x128xf32, #tpu.memory_space<vmem>>) target(%dma_start3A_1701 : memref<6144x128xf32, #tpu.memory_space<vmem_shared>>) offsets(%dma_start3A_1698 : memref<128xi32, #tpu.memory_space<vmem>>) semaphore(%arg21 : memref<!tpu.dma_semaphore, #tpu.memory_space<semaphore_mem>>) {add = true}
      %get3A_1702 = arith.constant 14 : i32
      %get3A_1703 = arith.index_cast %get3A_1702 : i32 to index
      %get3A_1704 = arith.constant 0 : index
      %get3A_1705 = tpu.vector_load %arg8[%get3A_1703, %get3A_1704] {strides = array<i32>} : memref<16x128xi32, #tpu.memory_space<vmem>>, vector<16xi32>,
      %broadcast_in_dim3A_1706 = arith.constant true
      %broadcast_in_dim3A_1707 = vector.broadcast %broadcast_in_dim3A_1706 : i1 to vector<16xi1>
      %unique3A_1708, %unique3A_1709 = tpu.scan_count mask(%broadcast_in_dim3A_1707 : vector<16xi1>) value(%get3A_1705 : vector<16xi32>) : vector<16xi1>, vector<16xi32>
      %convert_element_type3A_1710 = arith.sitofp %unique3A_1709 : vector<16xi32> to vector<16xf32>
      tpu.vector_store_idx %arg23[%get3A_1705], %convert_element_type3A_1710 masked %unique3A_1708 {add = true} : memref<6144xf32, #tpu.memory_space<vmem>>[vector<16xi32>], vector<16xf32>, vector<16xi1>
      %get3A_1711 = arith.constant 14 : i32
      %get3A_1712 = arith.index_cast %get3A_1711 : i32 to index
      %get3A_1713 = arith.constant 16 : index
      %get3A_1714 = tpu.vector_load %arg8[%get3A_1712, %get3A_1713] {strides = array<i32>} : memref<16x128xi32, #tpu.memory_space<vmem>>, vector<16xi32>,
      %broadcast_in_dim3A_1715 = arith.constant true
      %broadcast_in_dim3A_1716 = vector.broadcast %broadcast_in_dim3A_1715 : i1 to vector<16xi1>
      %unique3A_1717, %unique3A_1718 = tpu.scan_count mask(%broadcast_in_dim3A_1716 : vector<16xi1>) value(%get3A_1714 : vector<16xi32>) : vector<16xi1>, vector<16xi32>
      %convert_element_type3A_1719 = arith.sitofp %unique3A_1718 : vector<16xi32> to vector<16xf32>
      tpu.vector_store_idx %arg23[%get3A_1714], %convert_element_type3A_1719 masked %unique3A_1717 {add = true} : memref<6144xf32, #tpu.memory_space<vmem>>[vector<16xi32>], vector<16xf32>, vector<16xi1>
      %get3A_1720 = arith.constant 14 : i32
      %get3A_1721 = arith.index_cast %get3A_1720 : i32 to index
      %get3A_1722 = arith.constant 32 : index
      %get3A_1723 = tpu.vector_load %arg8[%get3A_1721, %get3A_1722] {strides = array<i32>} : memref<16x128xi32, #tpu.memory_space<vmem>>, vector<16xi32>,
      %broadcast_in_dim3A_1724 = arith.constant true
      %broadcast_in_dim3A_1725 = vector.broadcast %broadcast_in_dim3A_1724 : i1 to vector<16xi1>
      %unique3A_1726, %unique3A_1727 = tpu.scan_count mask(%broadcast_in_dim3A_1725 : vector<16xi1>) value(%get3A_1723 : vector<16xi32>) : vector<16xi1>, vector<16xi32>
      %convert_element_type3A_1728 = arith.sitofp %unique3A_1727 : vector<16xi32> to vector<16xf32>
      tpu.vector_store_idx %arg23[%get3A_1723], %convert_element_type3A_1728 masked %unique3A_1726 {add = true} : memref<6144xf32, #tpu.memory_space<vmem>>[vector<16xi32>], vector<16xf32>, vector<16xi1>
      %get3A_1729 = arith.constant 14 : i32
      %get3A_1730 = arith.index_cast %get3A_1729 : i32 to index
      %get3A_1731 = arith.constant 48 : index
      %get3A_1732 = tpu.vector_load %arg8[%get3A_1730, %get3A_1731] {strides = array<i32>} : memref<16x128xi32, #tpu.memory_space<vmem>>, vector<16xi32>,
      %broadcast_in_dim3A_1733 = arith.constant true
      %broadcast_in_dim3A_1734 = vector.broadcast %broadcast_in_dim3A_1733 : i1 to vector<16xi1>
      %unique3A_1735, %unique3A_1736 = tpu.scan_count mask(%broadcast_in_dim3A_1734 : vector<16xi1>) value(%get3A_1732 : vector<16xi32>) : vector<16xi1>, vector<16xi32>
      %convert_element_type3A_1737 = arith.sitofp %unique3A_1736 : vector<16xi32> to vector<16xf32>
      tpu.vector_store_idx %arg23[%get3A_1732], %convert_element_type3A_1737 masked %unique3A_1735 {add = true} : memref<6144xf32, #tpu.memory_space<vmem>>[vector<16xi32>], vector<16xf32>, vector<16xi1>
      %get3A_1738 = arith.constant 14 : i32
      %get3A_1739 = arith.index_cast %get3A_1738 : i32 to index
      %get3A_1740 = arith.constant 64 : index
      %get3A_1741 = tpu.vector_load %arg8[%get3A_1739, %get3A_1740] {strides = array<i32>} : memref<16x128xi32, #tpu.memory_space<vmem>>, vector<16xi32>,
      %broadcast_in_dim3A_1742 = arith.constant true
      %broadcast_in_dim3A_1743 = vector.broadcast %broadcast_in_dim3A_1742 : i1 to vector<16xi1>
      %unique3A_1744, %unique3A_1745 = tpu.scan_count mask(%broadcast_in_dim3A_1743 : vector<16xi1>) value(%get3A_1741 : vector<16xi32>) : vector<16xi1>, vector<16xi32>
      %convert_element_type3A_1746 = arith.sitofp %unique3A_1745 : vector<16xi32> to vector<16xf32>
      tpu.vector_store_idx %arg23[%get3A_1741], %convert_element_type3A_1746 masked %unique3A_1744 {add = true} : memref<6144xf32, #tpu.memory_space<vmem>>[vector<16xi32>], vector<16xf32>, vector<16xi1>
      %get3A_1747 = arith.constant 14 : i32
      %get3A_1748 = arith.index_cast %get3A_1747 : i32 to index
      %get3A_1749 = arith.constant 80 : index
      %get3A_1750 = tpu.vector_load %arg8[%get3A_1748, %get3A_1749] {strides = array<i32>} : memref<16x128xi32, #tpu.memory_space<vmem>>, vector<16xi32>,
      %broadcast_in_dim3A_1751 = arith.constant true
      %broadcast_in_dim3A_1752 = vector.broadcast %broadcast_in_dim3A_1751 : i1 to vector<16xi1>
      %unique3A_1753, %unique3A_1754 = tpu.scan_count mask(%broadcast_in_dim3A_1752 : vector<16xi1>) value(%get3A_1750 : vector<16xi32>) : vector<16xi1>, vector<16xi32>
      %convert_element_type3A_1755 = arith.sitofp %unique3A_1754 : vector<16xi32> to vector<16xf32>
      tpu.vector_store_idx %arg23[%get3A_1750], %convert_element_type3A_1755 masked %unique3A_1753 {add = true} : memref<6144xf32, #tpu.memory_space<vmem>>[vector<16xi32>], vector<16xf32>, vector<16xi1>
      %get3A_1756 = arith.constant 14 : i32
      %get3A_1757 = arith.index_cast %get3A_1756 : i32 to index
      %get3A_1758 = arith.constant 96 : index
      %get3A_1759 = tpu.vector_load %arg8[%get3A_1757, %get3A_1758] {strides = array<i32>} : memref<16x128xi32, #tpu.memory_space<vmem>>, vector<16xi32>,
      %broadcast_in_dim3A_1760 = arith.constant true
      %broadcast_in_dim3A_1761 = vector.broadcast %broadcast_in_dim3A_1760 : i1 to vector<16xi1>
      %unique3A_1762, %unique3A_1763 = tpu.scan_count mask(%broadcast_in_dim3A_1761 : vector<16xi1>) value(%get3A_1759 : vector<16xi32>) : vector<16xi1>, vector<16xi32>
      %convert_element_type3A_1764 = arith.sitofp %unique3A_1763 : vector<16xi32> to vector<16xf32>
      tpu.vector_store_idx %arg23[%get3A_1759], %convert_element_type3A_1764 masked %unique3A_1762 {add = true} : memref<6144xf32, #tpu.memory_space<vmem>>[vector<16xi32>], vector<16xf32>, vector<16xi1>
      %get3A_1765 = arith.constant 14 : i32
      %get3A_1766 = arith.index_cast %get3A_1765 : i32 to index
      %get3A_1767 = arith.constant 112 : index
      %get3A_1768 = tpu.vector_load %arg8[%get3A_1766, %get3A_1767] {strides = array<i32>} : memref<16x128xi32, #tpu.memory_space<vmem>>, vector<16xi32>,
      %broadcast_in_dim3A_1769 = arith.constant true
      %broadcast_in_dim3A_1770 = vector.broadcast %broadcast_in_dim3A_1769 : i1 to vector<16xi1>
      %unique3A_1771, %unique3A_1772 = tpu.scan_count mask(%broadcast_in_dim3A_1770 : vector<16xi1>) value(%get3A_1768 : vector<16xi32>) : vector<16xi1>, vector<16xi32>
      %convert_element_type3A_1773 = arith.sitofp %unique3A_1772 : vector<16xi32> to vector<16xf32>
      tpu.vector_store_idx %arg23[%get3A_1768], %convert_element_type3A_1773 masked %unique3A_1771 {add = true} : memref<6144xf32, #tpu.memory_space<vmem>>[vector<16xi32>], vector<16xf32>, vector<16xi1>
      %dma_wait3A_1774 = arith.constant 15 : i32
      %dma_wait3A_1775 = arith.constant 0 : i32
      %dma_wait3A_1776 = tpu.memref_slice %arg7[%dma_wait3A_1774, %dma_wait3A_1775] : memref<16x128xi32, #tpu.memory_space<vmem>> -> memref<1x128xi32, #tpu.memory_space<vmem>>
      %dma_wait3A_1777 = tpu.memref_squeeze %dma_wait3A_1776 : memref<1x128xi32, #tpu.memory_space<vmem>> -> memref<128xi32, #tpu.memory_space<vmem>>
      %dma_wait3A_1778 = arith.constant 0 : i32
      %dma_wait3A_1779 = arith.constant 0 : i32
      %dma_wait3A_1780 = tpu.memref_slice %arg2[%dma_wait3A_1778, %dma_wait3A_1779] : memref<10240x128xf32, #tpu.memory_space<hbm>> -> memref<10240x128xf32, #tpu.memory_space<hbm>>
      tpu.wait_indirect_dma semaphore(%arg18 : memref<!tpu.dma_semaphore, #tpu.memory_space<semaphore_mem>>) src(%dma_wait3A_1780 : memref<10240x128xf32, #tpu.memory_space<hbm>>) dst(%arg12 : memref<128x128xf32, #tpu.memory_space<vmem>>)
      %dma_start3A_1781 = arith.constant 15 : i32
      %dma_start3A_1782 = arith.constant 0 : i32
      %dma_start3A_1783 = tpu.memref_slice %arg8[%dma_start3A_1781, %dma_start3A_1782] : memref<16x128xi32, #tpu.memory_space<vmem>> -> memref<1x128xi32, #tpu.memory_space<vmem>>
      %dma_start3A_1784 = tpu.memref_squeeze %dma_start3A_1783 : memref<1x128xi32, #tpu.memory_space<vmem>> -> memref<128xi32, #tpu.memory_space<vmem>>
      %dma_start3A_1785 = arith.constant 0 : i32
      %dma_start3A_1786 = arith.constant 0 : i32
      %dma_start3A_1787 = tpu.memref_slice %arg14[%dma_start3A_1785, %dma_start3A_1786] : memref<6144x128xf32, #tpu.memory_space<vmem_shared>> -> memref<6144x128xf32, #tpu.memory_space<vmem_shared>>
      tpu.enqueue_indirect_dma source(%arg12 : memref<128x128xf32, #tpu.memory_space<vmem>>) target(%dma_start3A_1787 : memref<6144x128xf32, #tpu.memory_space<vmem_shared>>) offsets(%dma_start3A_1784 : memref<128xi32, #tpu.memory_space<vmem>>) semaphore(%arg22 : memref<!tpu.dma_semaphore, #tpu.memory_space<semaphore_mem>>) {add = true}
      %get3A_1788 = arith.constant 15 : i32
      %get3A_1789 = arith.index_cast %get3A_1788 : i32 to index
      %get3A_1790 = arith.constant 0 : index
      %get3A_1791 = tpu.vector_load %arg8[%get3A_1789, %get3A_1790] {strides = array<i32>} : memref<16x128xi32, #tpu.memory_space<vmem>>, vector<16xi32>,
      %broadcast_in_dim3A_1792 = arith.constant true
      %broadcast_in_dim3A_1793 = vector.broadcast %broadcast_in_dim3A_1792 : i1 to vector<16xi1>
      %unique3A_1794, %unique3A_1795 = tpu.scan_count mask(%broadcast_in_dim3A_1793 : vector<16xi1>) value(%get3A_1791 : vector<16xi32>) : vector<16xi1>, vector<16xi32>
      %convert_element_type3A_1796 = arith.sitofp %unique3A_1795 : vector<16xi32> to vector<16xf32>
      tpu.vector_store_idx %arg23[%get3A_1791], %convert_element_type3A_1796 masked %unique3A_1794 {add = true} : memref<6144xf32, #tpu.memory_space<vmem>>[vector<16xi32>], vector<16xf32>, vector<16xi1>
      %get3A_1797 = arith.constant 15 : i32
      %get3A_1798 = arith.index_cast %get3A_1797 : i32 to index
      %get3A_1799 = arith.constant 16 : index
      %get3A_1800 = tpu.vector_load %arg8[%get3A_1798, %get3A_1799] {strides = array<i32>} : memref<16x128xi32, #tpu.memory_space<vmem>>, vector<16xi32>,
      %broadcast_in_dim3A_1801 = arith.constant true
      %broadcast_in_dim3A_1802 = vector.broadcast %broadcast_in_dim3A_1801 : i1 to vector<16xi1>
      %unique3A_1803, %unique3A_1804 = tpu.scan_count mask(%broadcast_in_dim3A_1802 : vector<16xi1>) value(%get3A_1800 : vector<16xi32>) : vector<16xi1>, vector<16xi32>
      %convert_element_type3A_1805 = arith.sitofp %unique3A_1804 : vector<16xi32> to vector<16xf32>
      tpu.vector_store_idx %arg23[%get3A_1800], %convert_element_type3A_1805 masked %unique3A_1803 {add = true} : memref<6144xf32, #tpu.memory_space<vmem>>[vector<16xi32>], vector<16xf32>, vector<16xi1>
      %get3A_1806 = arith.constant 15 : i32
      %get3A_1807 = arith.index_cast %get3A_1806 : i32 to index
      %get3A_1808 = arith.constant 32 : index
      %get3A_1809 = tpu.vector_load %arg8[%get3A_1807, %get3A_1808] {strides = array<i32>} : memref<16x128xi32, #tpu.memory_space<vmem>>, vector<16xi32>,
      %broadcast_in_dim3A_1810 = arith.constant true
      %broadcast_in_dim3A_1811 = vector.broadcast %broadcast_in_dim3A_1810 : i1 to vector<16xi1>
      %unique3A_1812, %unique3A_1813 = tpu.scan_count mask(%broadcast_in_dim3A_1811 : vector<16xi1>) value(%get3A_1809 : vector<16xi32>) : vector<16xi1>, vector<16xi32>
      %convert_element_type3A_1814 = arith.sitofp %unique3A_1813 : vector<16xi32> to vector<16xf32>
      tpu.vector_store_idx %arg23[%get3A_1809], %convert_element_type3A_1814 masked %unique3A_1812 {add = true} : memref<6144xf32, #tpu.memory_space<vmem>>[vector<16xi32>], vector<16xf32>, vector<16xi1>
      %get3A_1815 = arith.constant 15 : i32
      %get3A_1816 = arith.index_cast %get3A_1815 : i32 to index
      %get3A_1817 = arith.constant 48 : index
      %get3A_1818 = tpu.vector_load %arg8[%get3A_1816, %get3A_1817] {strides = array<i32>} : memref<16x128xi32, #tpu.memory_space<vmem>>, vector<16xi32>,
      %broadcast_in_dim3A_1819 = arith.constant true
      %broadcast_in_dim3A_1820 = vector.broadcast %broadcast_in_dim3A_1819 : i1 to vector<16xi1>
      %unique3A_1821, %unique3A_1822 = tpu.scan_count mask(%broadcast_in_dim3A_1820 : vector<16xi1>) value(%get3A_1818 : vector<16xi32>) : vector<16xi1>, vector<16xi32>
      %convert_element_type3A_1823 = arith.sitofp %unique3A_1822 : vector<16xi32> to vector<16xf32>
      tpu.vector_store_idx %arg23[%get3A_1818], %convert_element_type3A_1823 masked %unique3A_1821 {add = true} : memref<6144xf32, #tpu.memory_space<vmem>>[vector<16xi32>], vector<16xf32>, vector<16xi1>
      %get3A_1824 = arith.constant 15 : i32
      %get3A_1825 = arith.index_cast %get3A_1824 : i32 to index
      %get3A_1826 = arith.constant 64 : index
      %get3A_1827 = tpu.vector_load %arg8[%get3A_1825, %get3A_1826] {strides = array<i32>} : memref<16x128xi32, #tpu.memory_space<vmem>>, vector<16xi32>,
      %broadcast_in_dim3A_1828 = arith.constant true
      %broadcast_in_dim3A_1829 = vector.broadcast %broadcast_in_dim3A_1828 : i1 to vector<16xi1>
      %unique3A_1830, %unique3A_1831 = tpu.scan_count mask(%broadcast_in_dim3A_1829 : vector<16xi1>) value(%get3A_1827 : vector<16xi32>) : vector<16xi1>, vector<16xi32>
      %convert_element_type3A_1832 = arith.sitofp %unique3A_1831 : vector<16xi32> to vector<16xf32>
      tpu.vector_store_idx %arg23[%get3A_1827], %convert_element_type3A_1832 masked %unique3A_1830 {add = true} : memref<6144xf32, #tpu.memory_space<vmem>>[vector<16xi32>], vector<16xf32>, vector<16xi1>
      %get3A_1833 = arith.constant 15 : i32
      %get3A_1834 = arith.index_cast %get3A_1833 : i32 to index
      %get3A_1835 = arith.constant 80 : index
      %get3A_1836 = tpu.vector_load %arg8[%get3A_1834, %get3A_1835] {strides = array<i32>} : memref<16x128xi32, #tpu.memory_space<vmem>>, vector<16xi32>,
      %broadcast_in_dim3A_1837 = arith.constant true
      %broadcast_in_dim3A_1838 = vector.broadcast %broadcast_in_dim3A_1837 : i1 to vector<16xi1>
      %unique3A_1839, %unique3A_1840 = tpu.scan_count mask(%broadcast_in_dim3A_1838 : vector<16xi1>) value(%get3A_1836 : vector<16xi32>) : vector<16xi1>, vector<16xi32>
      %convert_element_type3A_1841 = arith.sitofp %unique3A_1840 : vector<16xi32> to vector<16xf32>
      tpu.vector_store_idx %arg23[%get3A_1836], %convert_element_type3A_1841 masked %unique3A_1839 {add = true} : memref<6144xf32, #tpu.memory_space<vmem>>[vector<16xi32>], vector<16xf32>, vector<16xi1>
      %get3A_1842 = arith.constant 15 : i32
      %get3A_1843 = arith.index_cast %get3A_1842 : i32 to index
      %get3A_1844 = arith.constant 96 : index
      %get3A_1845 = tpu.vector_load %arg8[%get3A_1843, %get3A_1844] {strides = array<i32>} : memref<16x128xi32, #tpu.memory_space<vmem>>, vector<16xi32>,
      %broadcast_in_dim3A_1846 = arith.constant true
      %broadcast_in_dim3A_1847 = vector.broadcast %broadcast_in_dim3A_1846 : i1 to vector<16xi1>
      %unique3A_1848, %unique3A_1849 = tpu.scan_count mask(%broadcast_in_dim3A_1847 : vector<16xi1>) value(%get3A_1845 : vector<16xi32>) : vector<16xi1>, vector<16xi32>
      %convert_element_type3A_1850 = arith.sitofp %unique3A_1849 : vector<16xi32> to vector<16xf32>
      tpu.vector_store_idx %arg23[%get3A_1845], %convert_element_type3A_1850 masked %unique3A_1848 {add = true} : memref<6144xf32, #tpu.memory_space<vmem>>[vector<16xi32>], vector<16xf32>, vector<16xi1>
      %get3A_1851 = arith.constant 15 : i32
      %get3A_1852 = arith.index_cast %get3A_1851 : i32 to index
      %get3A_1853 = arith.constant 112 : index
      %get3A_1854 = tpu.vector_load %arg8[%get3A_1852, %get3A_1853] {strides = array<i32>} : memref<16x128xi32, #tpu.memory_space<vmem>>, vector<16xi32>,
      %broadcast_in_dim3A_1855 = arith.constant true
      %broadcast_in_dim3A_1856 = vector.broadcast %broadcast_in_dim3A_1855 : i1 to vector<16xi1>
      %unique3A_1857, %unique3A_1858 = tpu.scan_count mask(%broadcast_in_dim3A_1856 : vector<16xi1>) value(%get3A_1854 : vector<16xi32>) : vector<16xi1>, vector<16xi32>
      %convert_element_type3A_1859 = arith.sitofp %unique3A_1858 : vector<16xi32> to vector<16xf32>
      tpu.vector_store_idx %arg23[%get3A_1854], %convert_element_type3A_1859 masked %unique3A_1857 {add = true} : memref<6144xf32, #tpu.memory_space<vmem>>[vector<16xi32>], vector<16xf32>, vector<16xi1>
      %dma_wait3A_1860 = arith.constant 12 : i32
      %dma_wait3A_1861 = arith.constant 0 : i32
      %dma_wait3A_1862 = tpu.memref_slice %arg8[%dma_wait3A_1860, %dma_wait3A_1861] : memref<16x128xi32, #tpu.memory_space<vmem>> -> memref<1x128xi32, #tpu.memory_space<vmem>>
      %dma_wait3A_1863 = tpu.memref_squeeze %dma_wait3A_1862 : memref<1x128xi32, #tpu.memory_space<vmem>> -> memref<128xi32, #tpu.memory_space<vmem>>
      %dma_wait3A_1864 = arith.constant 0 : i32
      %dma_wait3A_1865 = arith.constant 0 : i32
      %dma_wait3A_1866 = tpu.memref_slice %arg14[%dma_wait3A_1864, %dma_wait3A_1865] : memref<6144x128xf32, #tpu.memory_space<vmem_shared>> -> memref<6144x128xf32, #tpu.memory_space<vmem_shared>>
      tpu.wait_indirect_dma semaphore(%arg19 : memref<!tpu.dma_semaphore, #tpu.memory_space<semaphore_mem>>) src(%arg9 : memref<128x128xf32, #tpu.memory_space<vmem>>) dst(%dma_wait3A_1866 : memref<6144x128xf32, #tpu.memory_space<vmem_shared>>)
      %dma_wait3A_1867 = arith.constant 13 : i32
      %dma_wait3A_1868 = arith.constant 0 : i32
      %dma_wait3A_1869 = tpu.memref_slice %arg8[%dma_wait3A_1867, %dma_wait3A_1868] : memref<16x128xi32, #tpu.memory_space<vmem>> -> memref<1x128xi32, #tpu.memory_space<vmem>>
      %dma_wait3A_1870 = tpu.memref_squeeze %dma_wait3A_1869 : memref<1x128xi32, #tpu.memory_space<vmem>> -> memref<128xi32, #tpu.memory_space<vmem>>
      %dma_wait3A_1871 = arith.constant 0 : i32
      %dma_wait3A_1872 = arith.constant 0 : i32
      %dma_wait3A_1873 = tpu.memref_slice %arg14[%dma_wait3A_1871, %dma_wait3A_1872] : memref<6144x128xf32, #tpu.memory_space<vmem_shared>> -> memref<6144x128xf32, #tpu.memory_space<vmem_shared>>
      tpu.wait_indirect_dma semaphore(%arg20 : memref<!tpu.dma_semaphore, #tpu.memory_space<semaphore_mem>>) src(%arg10 : memref<128x128xf32, #tpu.memory_space<vmem>>) dst(%dma_wait3A_1873 : memref<6144x128xf32, #tpu.memory_space<vmem_shared>>)
      %dma_wait3A_1874 = arith.constant 14 : i32
      %dma_wait3A_1875 = arith.constant 0 : i32
      %dma_wait3A_1876 = tpu.memref_slice %arg8[%dma_wait3A_1874, %dma_wait3A_1875] : memref<16x128xi32, #tpu.memory_space<vmem>> -> memref<1x128xi32, #tpu.memory_space<vmem>>
      %dma_wait3A_1877 = tpu.memref_squeeze %dma_wait3A_1876 : memref<1x128xi32, #tpu.memory_space<vmem>> -> memref<128xi32, #tpu.memory_space<vmem>>
      %dma_wait3A_1878 = arith.constant 0 : i32
      %dma_wait3A_1879 = arith.constant 0 : i32
      %dma_wait3A_1880 = tpu.memref_slice %arg14[%dma_wait3A_1878, %dma_wait3A_1879] : memref<6144x128xf32, #tpu.memory_space<vmem_shared>> -> memref<6144x128xf32, #tpu.memory_space<vmem_shared>>
      tpu.wait_indirect_dma semaphore(%arg21 : memref<!tpu.dma_semaphore, #tpu.memory_space<semaphore_mem>>) src(%arg11 : memref<128x128xf32, #tpu.memory_space<vmem>>) dst(%dma_wait3A_1880 : memref<6144x128xf32, #tpu.memory_space<vmem_shared>>)
      %dma_wait3A_1881 = arith.constant 15 : i32
      %dma_wait3A_1882 = arith.constant 0 : i32
      %dma_wait3A_1883 = tpu.memref_slice %arg8[%dma_wait3A_1881, %dma_wait3A_1882] : memref<16x128xi32, #tpu.memory_space<vmem>> -> memref<1x128xi32, #tpu.memory_space<vmem>>
      %dma_wait3A_1884 = tpu.memref_squeeze %dma_wait3A_1883 : memref<1x128xi32, #tpu.memory_space<vmem>> -> memref<128xi32, #tpu.memory_space<vmem>>
      %dma_wait3A_1885 = arith.constant 0 : i32
      %dma_wait3A_1886 = arith.constant 0 : i32
      %dma_wait3A_1887 = tpu.memref_slice %arg14[%dma_wait3A_1885, %dma_wait3A_1886] : memref<6144x128xf32, #tpu.memory_space<vmem_shared>> -> memref<6144x128xf32, #tpu.memory_space<vmem_shared>>
      tpu.wait_indirect_dma semaphore(%arg22 : memref<!tpu.dma_semaphore, #tpu.memory_space<semaphore_mem>>) src(%arg12 : memref<128x128xf32, #tpu.memory_space<vmem>>) dst(%dma_wait3A_1887 : memref<6144x128xf32, #tpu.memory_space<vmem_shared>>)
    }
    %scan3A_270 = arith.constant 5 : i32
    %barrier3A_271 = arith.constant 0 : index
    tpu.barrier barrier_id(%barrier3A_271)
    %mul3A_272 = arith.constant 384 : i32
    %mul3A_273 = arith.muli %arg1, %mul3A_272 : i32
    %add3A_274 = arith.constant 0 : i32
    %add3A_275 = arith.addi %mul3A_273, %add3A_274 : i32
    "tpu.region"() ({
      %run_scoped3A = tpu.sem_alloc : memref<!tpu.dma_semaphore, #tpu.memory_space<semaphore_mem>>
      %dma_start3A = arith.constant 0 : i32
      %dma_start3A_284 = tpu.memref_slice %arg14[%add3A_275, %dma_start3A] : memref<6144x128xf32, #tpu.memory_space<vmem_shared>> -> memref<128x128xf32, #tpu.memory_space<vmem_shared>>
      %dma_start3A_285 = arith.constant 0 : i32
      %dma_start3A_286 = tpu.memref_slice %arg14[%add3A_275, %dma_start3A_285] : memref<6144x128xf32, #tpu.memory_space<vmem_shared>> -> memref<128x128xf32, #tpu.memory_space<vmem_shared>>
      tpu.enqueue_dma source(%dma_start3A_286 : memref<128x128xf32, #tpu.memory_space<vmem_shared>>) target(%arg9 : memref<128x128xf32, #tpu.memory_space<vmem>>) target_semaphore(%run_scoped3A : memref<!tpu.dma_semaphore, #tpu.memory_space<semaphore_mem>>)
      %dma_wait3A = arith.constant 0 : i32
      %dma_wait3A_287 = tpu.memref_slice %arg14[%add3A_275, %dma_wait3A] : memref<6144x128xf32, #tpu.memory_space<vmem_shared>> -> memref<128x128xf32, #tpu.memory_space<vmem_shared>>
      %dma_wait3A_288 = arith.constant 0 : i32
      %dma_wait3A_289 = tpu.memref_slice %arg14[%add3A_275, %dma_wait3A_288] : memref<6144x128xf32, #tpu.memory_space<vmem_shared>> -> memref<128x128xf32, #tpu.memory_space<vmem_shared>>
      tpu.wait_dma2 semaphore(%run_scoped3A : memref<!tpu.dma_semaphore, #tpu.memory_space<semaphore_mem>>) src(%dma_wait3A_289 : memref<128x128xf32, #tpu.memory_space<vmem_shared>>) dst(%arg9 : memref<128x128xf32, #tpu.memory_space<vmem>>)
      tpu.yield
    }) : () -> ()
    "tpu.region"() ({
      %run_scoped3A = tpu.sem_alloc : memref<!tpu.dma_semaphore, #tpu.memory_space<semaphore_mem>>
      %dma_start3A = arith.constant 0 : i32
      %dma_start3A_284 = tpu.memref_slice %arg5[%arg0, %add3A_275, %dma_start3A] : memref<2x6144x128xf32, #tpu.memory_space<hbm>> -> memref<1x128x128xf32, #tpu.memory_space<hbm>>
      %dma_start3A_285 = tpu.memref_squeeze %dma_start3A_284 : memref<1x128x128xf32, #tpu.memory_space<hbm>> -> memref<128x128xf32, #tpu.memory_space<hbm>>
      %dma_start3A_286 = arith.constant 0 : i32
      %dma_start3A_287 = tpu.memref_slice %arg5[%arg0, %add3A_275, %dma_start3A_286] : memref<2x6144x128xf32, #tpu.memory_space<hbm>> -> memref<1x128x128xf32, #tpu.memory_space<hbm>>
      %dma_start3A_288 = tpu.memref_squeeze %dma_start3A_287 : memref<1x128x128xf32, #tpu.memory_space<hbm>> -> memref<128x128xf32, #tpu.memory_space<hbm>>
      tpu.enqueue_dma source(%arg9 : memref<128x128xf32, #tpu.memory_space<vmem>>) target(%dma_start3A_288 : memref<128x128xf32, #tpu.memory_space<hbm>>) target_semaphore(%run_scoped3A : memref<!tpu.dma_semaphore, #tpu.memory_space<semaphore_mem>>)
      %dma_wait3A = arith.constant 0 : i32
      %dma_wait3A_289 = tpu.memref_slice %arg5[%arg0, %add3A_275, %dma_wait3A] : memref<2x6144x128xf32, #tpu.memory_space<hbm>> -> memref<1x128x128xf32, #tpu.memory_space<hbm>>
      %dma_wait3A_290 = tpu.memref_squeeze %dma_wait3A_289 : memref<1x128x128xf32, #tpu.memory_space<hbm>> -> memref<128x128xf32, #tpu.memory_space<hbm>>
      %dma_wait3A_291 = arith.constant 0 : i32
      %dma_wait3A_292 = tpu.memref_slice %arg5[%arg0, %add3A_275, %dma_wait3A_291] : memref<2x6144x128xf32, #tpu.memory_space<hbm>> -> memref<1x128x128xf32, #tpu.memory_space<hbm>>
      %dma_wait3A_293 = tpu.memref_squeeze %dma_wait3A_292 : memref<1x128x128xf32, #tpu.memory_space<hbm>> -> memref<128x128xf32, #tpu.memory_space<hbm>>
      tpu.wait_dma2 semaphore(%run_scoped3A : memref<!tpu.dma_semaphore, #tpu.memory_space<semaphore_mem>>) src(%arg9 : memref<128x128xf32, #tpu.memory_space<vmem>>) dst(%dma_wait3A_293 : memref<128x128xf32, #tpu.memory_space<hbm>>)
      tpu.yield
    }) : () -> ()
    %mul3A_276 = arith.constant 384 : i32
    %mul3A_277 = arith.muli %arg1, %mul3A_276 : i32
    %add3A_278 = arith.constant 128 : i32
    %add3A_279 = arith.addi %mul3A_277, %add3A_278 : i32
    "tpu.region"() ({
      %run_scoped3A = tpu.sem_alloc : memref<!tpu.dma_semaphore, #tpu.memory_space<semaphore_mem>>
      %dma_start3A = arith.constant 0 : i32
      %dma_start3A_284 = tpu.memref_slice %arg14[%add3A_279, %dma_start3A] : memref<6144x128xf32, #tpu.memory_space<vmem_shared>> -> memref<128x128xf32, #tpu.memory_space<vmem_shared>>
      %dma_start3A_285 = arith.constant 0 : i32
      %dma_start3A_286 = tpu.memref_slice %arg14[%add3A_279, %dma_start3A_285] : memref<6144x128xf32, #tpu.memory_space<vmem_shared>> -> memref<128x128xf32, #tpu.memory_space<vmem_shared>>
      tpu.enqueue_dma source(%dma_start3A_286 : memref<128x128xf32, #tpu.memory_space<vmem_shared>>) target(%arg10 : memref<128x128xf32, #tpu.memory_space<vmem>>) target_semaphore(%run_scoped3A : memref<!tpu.dma_semaphore, #tpu.memory_space<semaphore_mem>>)
      %dma_wait3A = arith.constant 0 : i32
      %dma_wait3A_287 = tpu.memref_slice %arg14[%add3A_279, %dma_wait3A] : memref<6144x128xf32, #tpu.memory_space<vmem_shared>> -> memref<128x128xf32, #tpu.memory_space<vmem_shared>>
      %dma_wait3A_288 = arith.constant 0 : i32
      %dma_wait3A_289 = tpu.memref_slice %arg14[%add3A_279, %dma_wait3A_288] : memref<6144x128xf32, #tpu.memory_space<vmem_shared>> -> memref<128x128xf32, #tpu.memory_space<vmem_shared>>
      tpu.wait_dma2 semaphore(%run_scoped3A : memref<!tpu.dma_semaphore, #tpu.memory_space<semaphore_mem>>) src(%dma_wait3A_289 : memref<128x128xf32, #tpu.memory_space<vmem_shared>>) dst(%arg10 : memref<128x128xf32, #tpu.memory_space<vmem>>)
      tpu.yield
    }) : () -> ()
    "tpu.region"() ({
      %run_scoped3A = tpu.sem_alloc : memref<!tpu.dma_semaphore, #tpu.memory_space<semaphore_mem>>
      %dma_start3A = arith.constant 0 : i32
      %dma_start3A_284 = tpu.memref_slice %arg5[%arg0, %add3A_279, %dma_start3A] : memref<2x6144x128xf32, #tpu.memory_space<hbm>> -> memref<1x128x128xf32, #tpu.memory_space<hbm>>
      %dma_start3A_285 = tpu.memref_squeeze %dma_start3A_284 : memref<1x128x128xf32, #tpu.memory_space<hbm>> -> memref<128x128xf32, #tpu.memory_space<hbm>>
      %dma_start3A_286 = arith.constant 0 : i32
      %dma_start3A_287 = tpu.memref_slice %arg5[%arg0, %add3A_279, %dma_start3A_286] : memref<2x6144x128xf32, #tpu.memory_space<hbm>> -> memref<1x128x128xf32, #tpu.memory_space<hbm>>
      %dma_start3A_288 = tpu.memref_squeeze %dma_start3A_287 : memref<1x128x128xf32, #tpu.memory_space<hbm>> -> memref<128x128xf32, #tpu.memory_space<hbm>>
      tpu.enqueue_dma source(%arg10 : memref<128x128xf32, #tpu.memory_space<vmem>>) target(%dma_start3A_288 : memref<128x128xf32, #tpu.memory_space<hbm>>) target_semaphore(%run_scoped3A : memref<!tpu.dma_semaphore, #tpu.memory_space<semaphore_mem>>)
      %dma_wait3A = arith.constant 0 : i32
      %dma_wait3A_289 = tpu.memref_slice %arg5[%arg0, %add3A_279, %dma_wait3A] : memref<2x6144x128xf32, #tpu.memory_space<hbm>> -> memref<1x128x128xf32, #tpu.memory_space<hbm>>
      %dma_wait3A_290 = tpu.memref_squeeze %dma_wait3A_289 : memref<1x128x128xf32, #tpu.memory_space<hbm>> -> memref<128x128xf32, #tpu.memory_space<hbm>>
      %dma_wait3A_291 = arith.constant 0 : i32
      %dma_wait3A_292 = tpu.memref_slice %arg5[%arg0, %add3A_279, %dma_wait3A_291] : memref<2x6144x128xf32, #tpu.memory_space<hbm>> -> memref<1x128x128xf32, #tpu.memory_space<hbm>>
      %dma_wait3A_293 = tpu.memref_squeeze %dma_wait3A_292 : memref<1x128x128xf32, #tpu.memory_space<hbm>> -> memref<128x128xf32, #tpu.memory_space<hbm>>
      tpu.wait_dma2 semaphore(%run_scoped3A : memref<!tpu.dma_semaphore, #tpu.memory_space<semaphore_mem>>) src(%arg10 : memref<128x128xf32, #tpu.memory_space<vmem>>) dst(%dma_wait3A_293 : memref<128x128xf32, #tpu.memory_space<hbm>>)
      tpu.yield
    }) : () -> ()
    %mul3A_280 = arith.constant 384 : i32
    %mul3A_281 = arith.muli %arg1, %mul3A_280 : i32
    %add3A_282 = arith.constant 256 : i32
    %add3A_283 = arith.addi %mul3A_281, %add3A_282 : i32
    "tpu.region"() ({
      %run_scoped3A = tpu.sem_alloc : memref<!tpu.dma_semaphore, #tpu.memory_space<semaphore_mem>>
      %dma_start3A = arith.constant 0 : i32
      %dma_start3A_284 = tpu.memref_slice %arg14[%add3A_283, %dma_start3A] : memref<6144x128xf32, #tpu.memory_space<vmem_shared>> -> memref<128x128xf32, #tpu.memory_space<vmem_shared>>
      %dma_start3A_285 = arith.constant 0 : i32
      %dma_start3A_286 = tpu.memref_slice %arg14[%add3A_283, %dma_start3A_285] : memref<6144x128xf32, #tpu.memory_space<vmem_shared>> -> memref<128x128xf32, #tpu.memory_space<vmem_shared>>
      tpu.enqueue_dma source(%dma_start3A_286 : memref<128x128xf32, #tpu.memory_space<vmem_shared>>) target(%arg11 : memref<128x128xf32, #tpu.memory_space<vmem>>) target_semaphore(%run_scoped3A : memref<!tpu.dma_semaphore, #tpu.memory_space<semaphore_mem>>)
      %dma_wait3A = arith.constant 0 : i32
      %dma_wait3A_287 = tpu.memref_slice %arg14[%add3A_283, %dma_wait3A] : memref<6144x128xf32, #tpu.memory_space<vmem_shared>> -> memref<128x128xf32, #tpu.memory_space<vmem_shared>>
      %dma_wait3A_288 = arith.constant 0 : i32
      %dma_wait3A_289 = tpu.memref_slice %arg14[%add3A_283, %dma_wait3A_288] : memref<6144x128xf32, #tpu.memory_space<vmem_shared>> -> memref<128x128xf32, #tpu.memory_space<vmem_shared>>
      tpu.wait_dma2 semaphore(%run_scoped3A : memref<!tpu.dma_semaphore, #tpu.memory_space<semaphore_mem>>) src(%dma_wait3A_289 : memref<128x128xf32, #tpu.memory_space<vmem_shared>>) dst(%arg11 : memref<128x128xf32, #tpu.memory_space<vmem>>)
      tpu.yield
    }) : () -> ()
    "tpu.region"() ({
      %run_scoped3A = tpu.sem_alloc : memref<!tpu.dma_semaphore, #tpu.memory_space<semaphore_mem>>
      %dma_start3A = arith.constant 0 : i32
      %dma_start3A_284 = tpu.memref_slice %arg5[%arg0, %add3A_283, %dma_start3A] : memref<2x6144x128xf32, #tpu.memory_space<hbm>> -> memref<1x128x128xf32, #tpu.memory_space<hbm>>
      %dma_start3A_285 = tpu.memref_squeeze %dma_start3A_284 : memref<1x128x128xf32, #tpu.memory_space<hbm>> -> memref<128x128xf32, #tpu.memory_space<hbm>>
      %dma_start3A_286 = arith.constant 0 : i32
      %dma_start3A_287 = tpu.memref_slice %arg5[%arg0, %add3A_283, %dma_start3A_286] : memref<2x6144x128xf32, #tpu.memory_space<hbm>> -> memref<1x128x128xf32, #tpu.memory_space<hbm>>
      %dma_start3A_288 = tpu.memref_squeeze %dma_start3A_287 : memref<1x128x128xf32, #tpu.memory_space<hbm>> -> memref<128x128xf32, #tpu.memory_space<hbm>>
      tpu.enqueue_dma source(%arg11 : memref<128x128xf32, #tpu.memory_space<vmem>>) target(%dma_start3A_288 : memref<128x128xf32, #tpu.memory_space<hbm>>) target_semaphore(%run_scoped3A : memref<!tpu.dma_semaphore, #tpu.memory_space<semaphore_mem>>)
      %dma_wait3A = arith.constant 0 : i32
      %dma_wait3A_289 = tpu.memref_slice %arg5[%arg0, %add3A_283, %dma_wait3A] : memref<2x6144x128xf32, #tpu.memory_space<hbm>> -> memref<1x128x128xf32, #tpu.memory_space<hbm>>
      %dma_wait3A_290 = tpu.memref_squeeze %dma_wait3A_289 : memref<1x128x128xf32, #tpu.memory_space<hbm>> -> memref<128x128xf32, #tpu.memory_space<hbm>>
      %dma_wait3A_291 = arith.constant 0 : i32
      %dma_wait3A_292 = tpu.memref_slice %arg5[%arg0, %add3A_283, %dma_wait3A_291] : memref<2x6144x128xf32, #tpu.memory_space<hbm>> -> memref<1x128x128xf32, #tpu.memory_space<hbm>>
      %dma_wait3A_293 = tpu.memref_squeeze %dma_wait3A_292 : memref<1x128x128xf32, #tpu.memory_space<hbm>> -> memref<128x128xf32, #tpu.memory_space<hbm>>
      tpu.wait_dma2 semaphore(%run_scoped3A : memref<!tpu.dma_semaphore, #tpu.memory_space<semaphore_mem>>) src(%arg11 : memref<128x128xf32, #tpu.memory_space<vmem>>) dst(%dma_wait3A_293 : memref<128x128xf32, #tpu.memory_space<hbm>>)
      tpu.yield
    }) : () -> ()
    "tpu.region"() ({
      %run_scoped3A = tpu.sem_alloc : memref<!tpu.dma_semaphore, #tpu.memory_space<semaphore_mem>>
      %dma_start3A = arith.constant 0 : i32
      %dma_start3A_284 = tpu.memref_slice %arg6[%arg0, %arg1, %dma_start3A] : memref<2x16x6144xf32, #tpu.memory_space<hbm>> -> memref<1x1x6144xf32, #tpu.memory_space<hbm>>
      %dma_start3A_285 = tpu.memref_squeeze %dma_start3A_284 : memref<1x1x6144xf32, #tpu.memory_space<hbm>> -> memref<6144xf32, #tpu.memory_space<hbm>>
      %dma_start3A_286 = arith.constant 0 : i32
      %dma_start3A_287 = tpu.memref_slice %arg6[%arg0, %arg1, %dma_start3A_286] : memref<2x16x6144xf32, #tpu.memory_space<hbm>> -> memref<1x1x6144xf32, #tpu.memory_space<hbm>>
      %dma_start3A_288 = tpu.memref_squeeze %dma_start3A_287 : memref<1x1x6144xf32, #tpu.memory_space<hbm>> -> memref<6144xf32, #tpu.memory_space<hbm>>
      tpu.enqueue_dma source(%arg23 : memref<6144xf32, #tpu.memory_space<vmem>>) target(%dma_start3A_288 : memref<6144xf32, #tpu.memory_space<hbm>>) target_semaphore(%run_scoped3A : memref<!tpu.dma_semaphore, #tpu.memory_space<semaphore_mem>>)
      %dma_wait3A = arith.constant 0 : i32
      %dma_wait3A_289 = tpu.memref_slice %arg6[%arg0, %arg1, %dma_wait3A] : memref<2x16x6144xf32, #tpu.memory_space<hbm>> -> memref<1x1x6144xf32, #tpu.memory_space<hbm>>
      %dma_wait3A_290 = tpu.memref_squeeze %dma_wait3A_289 : memref<1x1x6144xf32, #tpu.memory_space<hbm>> -> memref<6144xf32, #tpu.memory_space<hbm>>
      %dma_wait3A_291 = arith.constant 0 : i32
      %dma_wait3A_292 = tpu.memref_slice %arg6[%arg0, %arg1, %dma_wait3A_291] : memref<2x16x6144xf32, #tpu.memory_space<hbm>> -> memref<1x1x6144xf32, #tpu.memory_space<hbm>>
      %dma_wait3A_293 = tpu.memref_squeeze %dma_wait3A_292 : memref<1x1x6144xf32, #tpu.memory_space<hbm>> -> memref<6144xf32, #tpu.memory_space<hbm>>
      tpu.wait_dma2 semaphore(%run_scoped3A : memref<!tpu.dma_semaphore, #tpu.memory_space<semaphore_mem>>) src(%arg23 : memref<6144xf32, #tpu.memory_space<vmem>>) dst(%dma_wait3A_293 : memref<6144xf32, #tpu.memory_space<hbm>>)
      tpu.yield
    }) : () -> ()
    return
  }
}

#map = affine_map<(d0, d1) -> (0, 0)>
#map1 = affine_map<(d0, d1) -> (0, 0, 0)>
module attributes {stable_mosaic.version = 14 : i64} {
  func.func @_sc_body(%arg0: i32, %arg1: i32, %arg2: memref<10240x128xf32, #tpu.memory_space<hbm>>, %arg3: memref<32x80x128xi32, #tpu.memory_space<hbm>>, %arg4: memref<32x80x128xi32, #tpu.memory_space<hbm>>, %arg5: memref<2x6144x128xf32, #tpu.memory_space<hbm>>, %arg6: memref<16x128xi32, #tpu.memory_space<vmem>>, %arg7: memref<16x128xi32, #tpu.memory_space<vmem>>, %arg8: memref<128x128xf32, #tpu.memory_space<vmem>>, %arg9: memref<128x128xf32, #tpu.memory_space<vmem>>, %arg10: memref<128x128xf32, #tpu.memory_space<vmem>>, %arg11: memref<128x128xf32, #tpu.memory_space<vmem>>, %arg12: memref<8x128xf32, #tpu.memory_space<vmem>>, %arg13: memref<6144x128xf32, #tpu.memory_space<vmem_shared>>, %arg14: memref<!tpu.dma_semaphore, #tpu.memory_space<semaphore_mem>>, %arg15: memref<!tpu.dma_semaphore, #tpu.memory_space<semaphore_mem>>, %arg16: memref<!tpu.dma_semaphore, #tpu.memory_space<semaphore_mem>>, %arg17: memref<!tpu.dma_semaphore, #tpu.memory_space<semaphore_mem>>, %arg18: memref<!tpu.dma_semaphore, #tpu.memory_space<semaphore_mem>>, %arg19: memref<!tpu.dma_semaphore, #tpu.memory_space<semaphore_mem>>, %arg20: memref<!tpu.dma_semaphore, #tpu.memory_space<semaphore_mem>>, %arg21: memref<!tpu.dma_semaphore, #tpu.memory_space<semaphore_mem>>) attributes {dimension_semantics = [#tpu.dimension_semantics<core_parallel>, #tpu.dimension_semantics<subcore_parallel>], iteration_bounds = array<i64: 2, 16>, scalar_prefetch = 0 : i64, scratch_operands = 16 : i64, tpu.core_type = #tpu.core_type<sc_vector_subcore>, window_params = [{transform_indices = #map}, {transform_indices = #map1}, {transform_indices = #map1}, {transform_indices = #map1}]} {
    %mul3A = arith.constant 16 : i32
    %mul3A_0 = arith.muli %arg0, %mul3A : i32
    %add3A = arith.addi %mul3A_0, %arg1 : i32
    %broadcast_in_dim3A = arith.constant 0.000000e+00 : f32
    %broadcast_in_dim3A_1 = vector.broadcast %broadcast_in_dim3A : f32 to vector<16xf32>
    %swap3A = arith.constant 0 : i32
    %swap3A_2 = arith.index_cast %swap3A : i32 to index
    %swap3A_3 = arith.constant 0 : index
    %swap3A_4 = tpu.vector_load %arg12[%swap3A_2, %swap3A_3] {strides = array<i32>} : memref<8x128xf32, #tpu.memory_space<vmem>>, vector<16xf32>,
    tpu.vector_store %arg12[%swap3A_2, %swap3A_3], %broadcast_in_dim3A_1 {strides = array<i32>} : memref<8x128xf32, #tpu.memory_space<vmem>>, vector<16xf32>,
    %swap3A_5 = arith.constant 0 : i32
    %swap3A_6 = arith.index_cast %swap3A_5 : i32 to index
    %swap3A_7 = arith.constant 16 : index
    %swap3A_8 = tpu.vector_load %arg12[%swap3A_6, %swap3A_7] {strides = array<i32>} : memref<8x128xf32, #tpu.memory_space<vmem>>, vector<16xf32>,
    tpu.vector_store %arg12[%swap3A_6, %swap3A_7], %broadcast_in_dim3A_1 {strides = array<i32>} : memref<8x128xf32, #tpu.memory_space<vmem>>, vector<16xf32>,
    %swap3A_9 = arith.constant 0 : i32
    %swap3A_10 = arith.index_cast %swap3A_9 : i32 to index
    %swap3A_11 = arith.constant 32 : index
    %swap3A_12 = tpu.vector_load %arg12[%swap3A_10, %swap3A_11] {strides = array<i32>} : memref<8x128xf32, #tpu.memory_space<vmem>>, vector<16xf32>,
    tpu.vector_store %arg12[%swap3A_10, %swap3A_11], %broadcast_in_dim3A_1 {strides = array<i32>} : memref<8x128xf32, #tpu.memory_space<vmem>>, vector<16xf32>,
    %swap3A_13 = arith.constant 0 : i32
    %swap3A_14 = arith.index_cast %swap3A_13 : i32 to index
    %swap3A_15 = arith.constant 48 : index
    %swap3A_16 = tpu.vector_load %arg12[%swap3A_14, %swap3A_15] {strides = array<i32>} : memref<8x128xf32, #tpu.memory_space<vmem>>, vector<16xf32>,
    tpu.vector_store %arg12[%swap3A_14, %swap3A_15], %broadcast_in_dim3A_1 {strides = array<i32>} : memref<8x128xf32, #tpu.memory_space<vmem>>, vector<16xf32>,
    %swap3A_17 = arith.constant 0 : i32
    %swap3A_18 = arith.index_cast %swap3A_17 : i32 to index
    %swap3A_19 = arith.constant 64 : index
    %swap3A_20 = tpu.vector_load %arg12[%swap3A_18, %swap3A_19] {strides = array<i32>} : memref<8x128xf32, #tpu.memory_space<vmem>>, vector<16xf32>,
    tpu.vector_store %arg12[%swap3A_18, %swap3A_19], %broadcast_in_dim3A_1 {strides = array<i32>} : memref<8x128xf32, #tpu.memory_space<vmem>>, vector<16xf32>,
    %swap3A_21 = arith.constant 0 : i32
    %swap3A_22 = arith.index_cast %swap3A_21 : i32 to index
    %swap3A_23 = arith.constant 80 : index
    %swap3A_24 = tpu.vector_load %arg12[%swap3A_22, %swap3A_23] {strides = array<i32>} : memref<8x128xf32, #tpu.memory_space<vmem>>, vector<16xf32>,
    tpu.vector_store %arg12[%swap3A_22, %swap3A_23], %broadcast_in_dim3A_1 {strides = array<i32>} : memref<8x128xf32, #tpu.memory_space<vmem>>, vector<16xf32>,
    %swap3A_25 = arith.constant 0 : i32
    %swap3A_26 = arith.index_cast %swap3A_25 : i32 to index
    %swap3A_27 = arith.constant 96 : index
    %swap3A_28 = tpu.vector_load %arg12[%swap3A_26, %swap3A_27] {strides = array<i32>} : memref<8x128xf32, #tpu.memory_space<vmem>>, vector<16xf32>,
    tpu.vector_store %arg12[%swap3A_26, %swap3A_27], %broadcast_in_dim3A_1 {strides = array<i32>} : memref<8x128xf32, #tpu.memory_space<vmem>>, vector<16xf32>,
    %swap3A_29 = arith.constant 0 : i32
    %swap3A_30 = arith.index_cast %swap3A_29 : i32 to index
    %swap3A_31 = arith.constant 112 : index
    %swap3A_32 = tpu.vector_load %arg12[%swap3A_30, %swap3A_31] {strides = array<i32>} : memref<8x128xf32, #tpu.memory_space<vmem>>, vector<16xf32>,
    tpu.vector_store %arg12[%swap3A_30, %swap3A_31], %broadcast_in_dim3A_1 {strides = array<i32>} : memref<8x128xf32, #tpu.memory_space<vmem>>, vector<16xf32>,
    %swap3A_33 = arith.constant 1 : i32
    %swap3A_34 = arith.index_cast %swap3A_33 : i32 to index
    %swap3A_35 = arith.constant 0 : index
    %swap3A_36 = tpu.vector_load %arg12[%swap3A_34, %swap3A_35] {strides = array<i32>} : memref<8x128xf32, #tpu.memory_space<vmem>>, vector<16xf32>,
    tpu.vector_store %arg12[%swap3A_34, %swap3A_35], %broadcast_in_dim3A_1 {strides = array<i32>} : memref<8x128xf32, #tpu.memory_space<vmem>>, vector<16xf32>,
    %swap3A_37 = arith.constant 1 : i32
    %swap3A_38 = arith.index_cast %swap3A_37 : i32 to index
    %swap3A_39 = arith.constant 16 : index
    %swap3A_40 = tpu.vector_load %arg12[%swap3A_38, %swap3A_39] {strides = array<i32>} : memref<8x128xf32, #tpu.memory_space<vmem>>, vector<16xf32>,
    tpu.vector_store %arg12[%swap3A_38, %swap3A_39], %broadcast_in_dim3A_1 {strides = array<i32>} : memref<8x128xf32, #tpu.memory_space<vmem>>, vector<16xf32>,
    %swap3A_41 = arith.constant 1 : i32
    %swap3A_42 = arith.index_cast %swap3A_41 : i32 to index
    %swap3A_43 = arith.constant 32 : index
    %swap3A_44 = tpu.vector_load %arg12[%swap3A_42, %swap3A_43] {strides = array<i32>} : memref<8x128xf32, #tpu.memory_space<vmem>>, vector<16xf32>,
    tpu.vector_store %arg12[%swap3A_42, %swap3A_43], %broadcast_in_dim3A_1 {strides = array<i32>} : memref<8x128xf32, #tpu.memory_space<vmem>>, vector<16xf32>,
    %swap3A_45 = arith.constant 1 : i32
    %swap3A_46 = arith.index_cast %swap3A_45 : i32 to index
    %swap3A_47 = arith.constant 48 : index
    %swap3A_48 = tpu.vector_load %arg12[%swap3A_46, %swap3A_47] {strides = array<i32>} : memref<8x128xf32, #tpu.memory_space<vmem>>, vector<16xf32>,
    tpu.vector_store %arg12[%swap3A_46, %swap3A_47], %broadcast_in_dim3A_1 {strides = array<i32>} : memref<8x128xf32, #tpu.memory_space<vmem>>, vector<16xf32>,
    %swap3A_49 = arith.constant 1 : i32
    %swap3A_50 = arith.index_cast %swap3A_49 : i32 to index
    %swap3A_51 = arith.constant 64 : index
    %swap3A_52 = tpu.vector_load %arg12[%swap3A_50, %swap3A_51] {strides = array<i32>} : memref<8x128xf32, #tpu.memory_space<vmem>>, vector<16xf32>,
    tpu.vector_store %arg12[%swap3A_50, %swap3A_51], %broadcast_in_dim3A_1 {strides = array<i32>} : memref<8x128xf32, #tpu.memory_space<vmem>>, vector<16xf32>,
    %swap3A_53 = arith.constant 1 : i32
    %swap3A_54 = arith.index_cast %swap3A_53 : i32 to index
    %swap3A_55 = arith.constant 80 : index
    %swap3A_56 = tpu.vector_load %arg12[%swap3A_54, %swap3A_55] {strides = array<i32>} : memref<8x128xf32, #tpu.memory_space<vmem>>, vector<16xf32>,
    tpu.vector_store %arg12[%swap3A_54, %swap3A_55], %broadcast_in_dim3A_1 {strides = array<i32>} : memref<8x128xf32, #tpu.memory_space<vmem>>, vector<16xf32>,
    %swap3A_57 = arith.constant 1 : i32
    %swap3A_58 = arith.index_cast %swap3A_57 : i32 to index
    %swap3A_59 = arith.constant 96 : index
    %swap3A_60 = tpu.vector_load %arg12[%swap3A_58, %swap3A_59] {strides = array<i32>} : memref<8x128xf32, #tpu.memory_space<vmem>>, vector<16xf32>,
    tpu.vector_store %arg12[%swap3A_58, %swap3A_59], %broadcast_in_dim3A_1 {strides = array<i32>} : memref<8x128xf32, #tpu.memory_space<vmem>>, vector<16xf32>,
    %swap3A_61 = arith.constant 1 : i32
    %swap3A_62 = arith.index_cast %swap3A_61 : i32 to index
    %swap3A_63 = arith.constant 112 : index
    %swap3A_64 = tpu.vector_load %arg12[%swap3A_62, %swap3A_63] {strides = array<i32>} : memref<8x128xf32, #tpu.memory_space<vmem>>, vector<16xf32>,
    tpu.vector_store %arg12[%swap3A_62, %swap3A_63], %broadcast_in_dim3A_1 {strides = array<i32>} : memref<8x128xf32, #tpu.memory_space<vmem>>, vector<16xf32>,
    %swap3A_65 = arith.constant 2 : i32
    %swap3A_66 = arith.index_cast %swap3A_65 : i32 to index
    %swap3A_67 = arith.constant 0 : index
    %swap3A_68 = tpu.vector_load %arg12[%swap3A_66, %swap3A_67] {strides = array<i32>} : memref<8x128xf32, #tpu.memory_space<vmem>>, vector<16xf32>,
    tpu.vector_store %arg12[%swap3A_66, %swap3A_67], %broadcast_in_dim3A_1 {strides = array<i32>} : memref<8x128xf32, #tpu.memory_space<vmem>>, vector<16xf32>,
    %swap3A_69 = arith.constant 2 : i32
    %swap3A_70 = arith.index_cast %swap3A_69 : i32 to index
    %swap3A_71 = arith.constant 16 : index
    %swap3A_72 = tpu.vector_load %arg12[%swap3A_70, %swap3A_71] {strides = array<i32>} : memref<8x128xf32, #tpu.memory_space<vmem>>, vector<16xf32>,
    tpu.vector_store %arg12[%swap3A_70, %swap3A_71], %broadcast_in_dim3A_1 {strides = array<i32>} : memref<8x128xf32, #tpu.memory_space<vmem>>, vector<16xf32>,
    %swap3A_73 = arith.constant 2 : i32
    %swap3A_74 = arith.index_cast %swap3A_73 : i32 to index
    %swap3A_75 = arith.constant 32 : index
    %swap3A_76 = tpu.vector_load %arg12[%swap3A_74, %swap3A_75] {strides = array<i32>} : memref<8x128xf32, #tpu.memory_space<vmem>>, vector<16xf32>,
    tpu.vector_store %arg12[%swap3A_74, %swap3A_75], %broadcast_in_dim3A_1 {strides = array<i32>} : memref<8x128xf32, #tpu.memory_space<vmem>>, vector<16xf32>,
    %swap3A_77 = arith.constant 2 : i32
    %swap3A_78 = arith.index_cast %swap3A_77 : i32 to index
    %swap3A_79 = arith.constant 48 : index
    %swap3A_80 = tpu.vector_load %arg12[%swap3A_78, %swap3A_79] {strides = array<i32>} : memref<8x128xf32, #tpu.memory_space<vmem>>, vector<16xf32>,
    tpu.vector_store %arg12[%swap3A_78, %swap3A_79], %broadcast_in_dim3A_1 {strides = array<i32>} : memref<8x128xf32, #tpu.memory_space<vmem>>, vector<16xf32>,
    %swap3A_81 = arith.constant 2 : i32
    %swap3A_82 = arith.index_cast %swap3A_81 : i32 to index
    %swap3A_83 = arith.constant 64 : index
    %swap3A_84 = tpu.vector_load %arg12[%swap3A_82, %swap3A_83] {strides = array<i32>} : memref<8x128xf32, #tpu.memory_space<vmem>>, vector<16xf32>,
    tpu.vector_store %arg12[%swap3A_82, %swap3A_83], %broadcast_in_dim3A_1 {strides = array<i32>} : memref<8x128xf32, #tpu.memory_space<vmem>>, vector<16xf32>,
    %swap3A_85 = arith.constant 2 : i32
    %swap3A_86 = arith.index_cast %swap3A_85 : i32 to index
    %swap3A_87 = arith.constant 80 : index
    %swap3A_88 = tpu.vector_load %arg12[%swap3A_86, %swap3A_87] {strides = array<i32>} : memref<8x128xf32, #tpu.memory_space<vmem>>, vector<16xf32>,
    tpu.vector_store %arg12[%swap3A_86, %swap3A_87], %broadcast_in_dim3A_1 {strides = array<i32>} : memref<8x128xf32, #tpu.memory_space<vmem>>, vector<16xf32>,
    %swap3A_89 = arith.constant 2 : i32
    %swap3A_90 = arith.index_cast %swap3A_89 : i32 to index
    %swap3A_91 = arith.constant 96 : index
    %swap3A_92 = tpu.vector_load %arg12[%swap3A_90, %swap3A_91] {strides = array<i32>} : memref<8x128xf32, #tpu.memory_space<vmem>>, vector<16xf32>,
    tpu.vector_store %arg12[%swap3A_90, %swap3A_91], %broadcast_in_dim3A_1 {strides = array<i32>} : memref<8x128xf32, #tpu.memory_space<vmem>>, vector<16xf32>,
    %swap3A_93 = arith.constant 2 : i32
    %swap3A_94 = arith.index_cast %swap3A_93 : i32 to index
    %swap3A_95 = arith.constant 112 : index
    %swap3A_96 = tpu.vector_load %arg12[%swap3A_94, %swap3A_95] {strides = array<i32>} : memref<8x128xf32, #tpu.memory_space<vmem>>, vector<16xf32>,
    tpu.vector_store %arg12[%swap3A_94, %swap3A_95], %broadcast_in_dim3A_1 {strides = array<i32>} : memref<8x128xf32, #tpu.memory_space<vmem>>, vector<16xf32>,
    %swap3A_97 = arith.constant 3 : i32
    %swap3A_98 = arith.index_cast %swap3A_97 : i32 to index
    %swap3A_99 = arith.constant 0 : index
    %swap3A_100 = tpu.vector_load %arg12[%swap3A_98, %swap3A_99] {strides = array<i32>} : memref<8x128xf32, #tpu.memory_space<vmem>>, vector<16xf32>,
    tpu.vector_store %arg12[%swap3A_98, %swap3A_99], %broadcast_in_dim3A_1 {strides = array<i32>} : memref<8x128xf32, #tpu.memory_space<vmem>>, vector<16xf32>,
    %swap3A_101 = arith.constant 3 : i32
    %swap3A_102 = arith.index_cast %swap3A_101 : i32 to index
    %swap3A_103 = arith.constant 16 : index
    %swap3A_104 = tpu.vector_load %arg12[%swap3A_102, %swap3A_103] {strides = array<i32>} : memref<8x128xf32, #tpu.memory_space<vmem>>, vector<16xf32>,
    tpu.vector_store %arg12[%swap3A_102, %swap3A_103], %broadcast_in_dim3A_1 {strides = array<i32>} : memref<8x128xf32, #tpu.memory_space<vmem>>, vector<16xf32>,
    %swap3A_105 = arith.constant 3 : i32
    %swap3A_106 = arith.index_cast %swap3A_105 : i32 to index
    %swap3A_107 = arith.constant 32 : index
    %swap3A_108 = tpu.vector_load %arg12[%swap3A_106, %swap3A_107] {strides = array<i32>} : memref<8x128xf32, #tpu.memory_space<vmem>>, vector<16xf32>,
    tpu.vector_store %arg12[%swap3A_106, %swap3A_107], %broadcast_in_dim3A_1 {strides = array<i32>} : memref<8x128xf32, #tpu.memory_space<vmem>>, vector<16xf32>,
    %swap3A_109 = arith.constant 3 : i32
    %swap3A_110 = arith.index_cast %swap3A_109 : i32 to index
    %swap3A_111 = arith.constant 48 : index
    %swap3A_112 = tpu.vector_load %arg12[%swap3A_110, %swap3A_111] {strides = array<i32>} : memref<8x128xf32, #tpu.memory_space<vmem>>, vector<16xf32>,
    tpu.vector_store %arg12[%swap3A_110, %swap3A_111], %broadcast_in_dim3A_1 {strides = array<i32>} : memref<8x128xf32, #tpu.memory_space<vmem>>, vector<16xf32>,
    %swap3A_113 = arith.constant 3 : i32
    %swap3A_114 = arith.index_cast %swap3A_113 : i32 to index
    %swap3A_115 = arith.constant 64 : index
    %swap3A_116 = tpu.vector_load %arg12[%swap3A_114, %swap3A_115] {strides = array<i32>} : memref<8x128xf32, #tpu.memory_space<vmem>>, vector<16xf32>,
    tpu.vector_store %arg12[%swap3A_114, %swap3A_115], %broadcast_in_dim3A_1 {strides = array<i32>} : memref<8x128xf32, #tpu.memory_space<vmem>>, vector<16xf32>,
    %swap3A_117 = arith.constant 3 : i32
    %swap3A_118 = arith.index_cast %swap3A_117 : i32 to index
    %swap3A_119 = arith.constant 80 : index
    %swap3A_120 = tpu.vector_load %arg12[%swap3A_118, %swap3A_119] {strides = array<i32>} : memref<8x128xf32, #tpu.memory_space<vmem>>, vector<16xf32>,
    tpu.vector_store %arg12[%swap3A_118, %swap3A_119], %broadcast_in_dim3A_1 {strides = array<i32>} : memref<8x128xf32, #tpu.memory_space<vmem>>, vector<16xf32>,
    %swap3A_121 = arith.constant 3 : i32
    %swap3A_122 = arith.index_cast %swap3A_121 : i32 to index
    %swap3A_123 = arith.constant 96 : index
    %swap3A_124 = tpu.vector_load %arg12[%swap3A_122, %swap3A_123] {strides = array<i32>} : memref<8x128xf32, #tpu.memory_space<vmem>>, vector<16xf32>,
    tpu.vector_store %arg12[%swap3A_122, %swap3A_123], %broadcast_in_dim3A_1 {strides = array<i32>} : memref<8x128xf32, #tpu.memory_space<vmem>>, vector<16xf32>,
    %swap3A_125 = arith.constant 3 : i32
    %swap3A_126 = arith.index_cast %swap3A_125 : i32 to index
    %swap3A_127 = arith.constant 112 : index
    %swap3A_128 = tpu.vector_load %arg12[%swap3A_126, %swap3A_127] {strides = array<i32>} : memref<8x128xf32, #tpu.memory_space<vmem>>, vector<16xf32>,
    tpu.vector_store %arg12[%swap3A_126, %swap3A_127], %broadcast_in_dim3A_1 {strides = array<i32>} : memref<8x128xf32, #tpu.memory_space<vmem>>, vector<16xf32>,
    %swap3A_129 = arith.constant 4 : i32
    %swap3A_130 = arith.index_cast %swap3A_129 : i32 to index
    %swap3A_131 = arith.constant 0 : index
    %swap3A_132 = tpu.vector_load %arg12[%swap3A_130, %swap3A_131] {strides = array<i32>} : memref<8x128xf32, #tpu.memory_space<vmem>>, vector<16xf32>,
    tpu.vector_store %arg12[%swap3A_130, %swap3A_131], %broadcast_in_dim3A_1 {strides = array<i32>} : memref<8x128xf32, #tpu.memory_space<vmem>>, vector<16xf32>,
    %swap3A_133 = arith.constant 4 : i32
    %swap3A_134 = arith.index_cast %swap3A_133 : i32 to index
    %swap3A_135 = arith.constant 16 : index
    %swap3A_136 = tpu.vector_load %arg12[%swap3A_134, %swap3A_135] {strides = array<i32>} : memref<8x128xf32, #tpu.memory_space<vmem>>, vector<16xf32>,
    tpu.vector_store %arg12[%swap3A_134, %swap3A_135], %broadcast_in_dim3A_1 {strides = array<i32>} : memref<8x128xf32, #tpu.memory_space<vmem>>, vector<16xf32>,
    %swap3A_137 = arith.constant 4 : i32
    %swap3A_138 = arith.index_cast %swap3A_137 : i32 to index
    %swap3A_139 = arith.constant 32 : index
    %swap3A_140 = tpu.vector_load %arg12[%swap3A_138, %swap3A_139] {strides = array<i32>} : memref<8x128xf32, #tpu.memory_space<vmem>>, vector<16xf32>,
    tpu.vector_store %arg12[%swap3A_138, %swap3A_139], %broadcast_in_dim3A_1 {strides = array<i32>} : memref<8x128xf32, #tpu.memory_space<vmem>>, vector<16xf32>,
    %swap3A_141 = arith.constant 4 : i32
    %swap3A_142 = arith.index_cast %swap3A_141 : i32 to index
    %swap3A_143 = arith.constant 48 : index
    %swap3A_144 = tpu.vector_load %arg12[%swap3A_142, %swap3A_143] {strides = array<i32>} : memref<8x128xf32, #tpu.memory_space<vmem>>, vector<16xf32>,
    tpu.vector_store %arg12[%swap3A_142, %swap3A_143], %broadcast_in_dim3A_1 {strides = array<i32>} : memref<8x128xf32, #tpu.memory_space<vmem>>, vector<16xf32>,
    %swap3A_145 = arith.constant 4 : i32
    %swap3A_146 = arith.index_cast %swap3A_145 : i32 to index
    %swap3A_147 = arith.constant 64 : index
    %swap3A_148 = tpu.vector_load %arg12[%swap3A_146, %swap3A_147] {strides = array<i32>} : memref<8x128xf32, #tpu.memory_space<vmem>>, vector<16xf32>,
    tpu.vector_store %arg12[%swap3A_146, %swap3A_147], %broadcast_in_dim3A_1 {strides = array<i32>} : memref<8x128xf32, #tpu.memory_space<vmem>>, vector<16xf32>,
    %swap3A_149 = arith.constant 4 : i32
    %swap3A_150 = arith.index_cast %swap3A_149 : i32 to index
    %swap3A_151 = arith.constant 80 : index
    %swap3A_152 = tpu.vector_load %arg12[%swap3A_150, %swap3A_151] {strides = array<i32>} : memref<8x128xf32, #tpu.memory_space<vmem>>, vector<16xf32>,
    tpu.vector_store %arg12[%swap3A_150, %swap3A_151], %broadcast_in_dim3A_1 {strides = array<i32>} : memref<8x128xf32, #tpu.memory_space<vmem>>, vector<16xf32>,
    %swap3A_153 = arith.constant 4 : i32
    %swap3A_154 = arith.index_cast %swap3A_153 : i32 to index
    %swap3A_155 = arith.constant 96 : index
    %swap3A_156 = tpu.vector_load %arg12[%swap3A_154, %swap3A_155] {strides = array<i32>} : memref<8x128xf32, #tpu.memory_space<vmem>>, vector<16xf32>,
    tpu.vector_store %arg12[%swap3A_154, %swap3A_155], %broadcast_in_dim3A_1 {strides = array<i32>} : memref<8x128xf32, #tpu.memory_space<vmem>>, vector<16xf32>,
    %swap3A_157 = arith.constant 4 : i32
    %swap3A_158 = arith.index_cast %swap3A_157 : i32 to index
    %swap3A_159 = arith.constant 112 : index
    %swap3A_160 = tpu.vector_load %arg12[%swap3A_158, %swap3A_159] {strides = array<i32>} : memref<8x128xf32, #tpu.memory_space<vmem>>, vector<16xf32>,
    tpu.vector_store %arg12[%swap3A_158, %swap3A_159], %broadcast_in_dim3A_1 {strides = array<i32>} : memref<8x128xf32, #tpu.memory_space<vmem>>, vector<16xf32>,
    %swap3A_161 = arith.constant 5 : i32
    %swap3A_162 = arith.index_cast %swap3A_161 : i32 to index
    %swap3A_163 = arith.constant 0 : index
    %swap3A_164 = tpu.vector_load %arg12[%swap3A_162, %swap3A_163] {strides = array<i32>} : memref<8x128xf32, #tpu.memory_space<vmem>>, vector<16xf32>,
    tpu.vector_store %arg12[%swap3A_162, %swap3A_163], %broadcast_in_dim3A_1 {strides = array<i32>} : memref<8x128xf32, #tpu.memory_space<vmem>>, vector<16xf32>,
    %swap3A_165 = arith.constant 5 : i32
    %swap3A_166 = arith.index_cast %swap3A_165 : i32 to index
    %swap3A_167 = arith.constant 16 : index
    %swap3A_168 = tpu.vector_load %arg12[%swap3A_166, %swap3A_167] {strides = array<i32>} : memref<8x128xf32, #tpu.memory_space<vmem>>, vector<16xf32>,
    tpu.vector_store %arg12[%swap3A_166, %swap3A_167], %broadcast_in_dim3A_1 {strides = array<i32>} : memref<8x128xf32, #tpu.memory_space<vmem>>, vector<16xf32>,
    %swap3A_169 = arith.constant 5 : i32
    %swap3A_170 = arith.index_cast %swap3A_169 : i32 to index
    %swap3A_171 = arith.constant 32 : index
    %swap3A_172 = tpu.vector_load %arg12[%swap3A_170, %swap3A_171] {strides = array<i32>} : memref<8x128xf32, #tpu.memory_space<vmem>>, vector<16xf32>,
    tpu.vector_store %arg12[%swap3A_170, %swap3A_171], %broadcast_in_dim3A_1 {strides = array<i32>} : memref<8x128xf32, #tpu.memory_space<vmem>>, vector<16xf32>,
    %swap3A_173 = arith.constant 5 : i32
    %swap3A_174 = arith.index_cast %swap3A_173 : i32 to index
    %swap3A_175 = arith.constant 48 : index
    %swap3A_176 = tpu.vector_load %arg12[%swap3A_174, %swap3A_175] {strides = array<i32>} : memref<8x128xf32, #tpu.memory_space<vmem>>, vector<16xf32>,
    tpu.vector_store %arg12[%swap3A_174, %swap3A_175], %broadcast_in_dim3A_1 {strides = array<i32>} : memref<8x128xf32, #tpu.memory_space<vmem>>, vector<16xf32>,
    %swap3A_177 = arith.constant 5 : i32
    %swap3A_178 = arith.index_cast %swap3A_177 : i32 to index
    %swap3A_179 = arith.constant 64 : index
    %swap3A_180 = tpu.vector_load %arg12[%swap3A_178, %swap3A_179] {strides = array<i32>} : memref<8x128xf32, #tpu.memory_space<vmem>>, vector<16xf32>,
    tpu.vector_store %arg12[%swap3A_178, %swap3A_179], %broadcast_in_dim3A_1 {strides = array<i32>} : memref<8x128xf32, #tpu.memory_space<vmem>>, vector<16xf32>,
    %swap3A_181 = arith.constant 5 : i32
    %swap3A_182 = arith.index_cast %swap3A_181 : i32 to index
    %swap3A_183 = arith.constant 80 : index
    %swap3A_184 = tpu.vector_load %arg12[%swap3A_182, %swap3A_183] {strides = array<i32>} : memref<8x128xf32, #tpu.memory_space<vmem>>, vector<16xf32>,
    tpu.vector_store %arg12[%swap3A_182, %swap3A_183], %broadcast_in_dim3A_1 {strides = array<i32>} : memref<8x128xf32, #tpu.memory_space<vmem>>, vector<16xf32>,
    %swap3A_185 = arith.constant 5 : i32
    %swap3A_186 = arith.index_cast %swap3A_185 : i32 to index
    %swap3A_187 = arith.constant 96 : index
    %swap3A_188 = tpu.vector_load %arg12[%swap3A_186, %swap3A_187] {strides = array<i32>} : memref<8x128xf32, #tpu.memory_space<vmem>>, vector<16xf32>,
    tpu.vector_store %arg12[%swap3A_186, %swap3A_187], %broadcast_in_dim3A_1 {strides = array<i32>} : memref<8x128xf32, #tpu.memory_space<vmem>>, vector<16xf32>,
    %swap3A_189 = arith.constant 5 : i32
    %swap3A_190 = arith.index_cast %swap3A_189 : i32 to index
    %swap3A_191 = arith.constant 112 : index
    %swap3A_192 = tpu.vector_load %arg12[%swap3A_190, %swap3A_191] {strides = array<i32>} : memref<8x128xf32, #tpu.memory_space<vmem>>, vector<16xf32>,
    tpu.vector_store %arg12[%swap3A_190, %swap3A_191], %broadcast_in_dim3A_1 {strides = array<i32>} : memref<8x128xf32, #tpu.memory_space<vmem>>, vector<16xf32>,
    %swap3A_193 = arith.constant 6 : i32
    %swap3A_194 = arith.index_cast %swap3A_193 : i32 to index
    %swap3A_195 = arith.constant 0 : index
    %swap3A_196 = tpu.vector_load %arg12[%swap3A_194, %swap3A_195] {strides = array<i32>} : memref<8x128xf32, #tpu.memory_space<vmem>>, vector<16xf32>,
    tpu.vector_store %arg12[%swap3A_194, %swap3A_195], %broadcast_in_dim3A_1 {strides = array<i32>} : memref<8x128xf32, #tpu.memory_space<vmem>>, vector<16xf32>,
    %swap3A_197 = arith.constant 6 : i32
    %swap3A_198 = arith.index_cast %swap3A_197 : i32 to index
    %swap3A_199 = arith.constant 16 : index
    %swap3A_200 = tpu.vector_load %arg12[%swap3A_198, %swap3A_199] {strides = array<i32>} : memref<8x128xf32, #tpu.memory_space<vmem>>, vector<16xf32>,
    tpu.vector_store %arg12[%swap3A_198, %swap3A_199], %broadcast_in_dim3A_1 {strides = array<i32>} : memref<8x128xf32, #tpu.memory_space<vmem>>, vector<16xf32>,
    %swap3A_201 = arith.constant 6 : i32
    %swap3A_202 = arith.index_cast %swap3A_201 : i32 to index
    %swap3A_203 = arith.constant 32 : index
    %swap3A_204 = tpu.vector_load %arg12[%swap3A_202, %swap3A_203] {strides = array<i32>} : memref<8x128xf32, #tpu.memory_space<vmem>>, vector<16xf32>,
    tpu.vector_store %arg12[%swap3A_202, %swap3A_203], %broadcast_in_dim3A_1 {strides = array<i32>} : memref<8x128xf32, #tpu.memory_space<vmem>>, vector<16xf32>,
    %swap3A_205 = arith.constant 6 : i32
    %swap3A_206 = arith.index_cast %swap3A_205 : i32 to index
    %swap3A_207 = arith.constant 48 : index
    %swap3A_208 = tpu.vector_load %arg12[%swap3A_206, %swap3A_207] {strides = array<i32>} : memref<8x128xf32, #tpu.memory_space<vmem>>, vector<16xf32>,
    tpu.vector_store %arg12[%swap3A_206, %swap3A_207], %broadcast_in_dim3A_1 {strides = array<i32>} : memref<8x128xf32, #tpu.memory_space<vmem>>, vector<16xf32>,
    %swap3A_209 = arith.constant 6 : i32
    %swap3A_210 = arith.index_cast %swap3A_209 : i32 to index
    %swap3A_211 = arith.constant 64 : index
    %swap3A_212 = tpu.vector_load %arg12[%swap3A_210, %swap3A_211] {strides = array<i32>} : memref<8x128xf32, #tpu.memory_space<vmem>>, vector<16xf32>,
    tpu.vector_store %arg12[%swap3A_210, %swap3A_211], %broadcast_in_dim3A_1 {strides = array<i32>} : memref<8x128xf32, #tpu.memory_space<vmem>>, vector<16xf32>,
    %swap3A_213 = arith.constant 6 : i32
    %swap3A_214 = arith.index_cast %swap3A_213 : i32 to index
    %swap3A_215 = arith.constant 80 : index
    %swap3A_216 = tpu.vector_load %arg12[%swap3A_214, %swap3A_215] {strides = array<i32>} : memref<8x128xf32, #tpu.memory_space<vmem>>, vector<16xf32>,
    tpu.vector_store %arg12[%swap3A_214, %swap3A_215], %broadcast_in_dim3A_1 {strides = array<i32>} : memref<8x128xf32, #tpu.memory_space<vmem>>, vector<16xf32>,
    %swap3A_217 = arith.constant 6 : i32
    %swap3A_218 = arith.index_cast %swap3A_217 : i32 to index
    %swap3A_219 = arith.constant 96 : index
    %swap3A_220 = tpu.vector_load %arg12[%swap3A_218, %swap3A_219] {strides = array<i32>} : memref<8x128xf32, #tpu.memory_space<vmem>>, vector<16xf32>,
    tpu.vector_store %arg12[%swap3A_218, %swap3A_219], %broadcast_in_dim3A_1 {strides = array<i32>} : memref<8x128xf32, #tpu.memory_space<vmem>>, vector<16xf32>,
    %swap3A_221 = arith.constant 6 : i32
    %swap3A_222 = arith.index_cast %swap3A_221 : i32 to index
    %swap3A_223 = arith.constant 112 : index
    %swap3A_224 = tpu.vector_load %arg12[%swap3A_222, %swap3A_223] {strides = array<i32>} : memref<8x128xf32, #tpu.memory_space<vmem>>, vector<16xf32>,
    tpu.vector_store %arg12[%swap3A_222, %swap3A_223], %broadcast_in_dim3A_1 {strides = array<i32>} : memref<8x128xf32, #tpu.memory_space<vmem>>, vector<16xf32>,
    %swap3A_225 = arith.constant 7 : i32
    %swap3A_226 = arith.index_cast %swap3A_225 : i32 to index
    %swap3A_227 = arith.constant 0 : index
    %swap3A_228 = tpu.vector_load %arg12[%swap3A_226, %swap3A_227] {strides = array<i32>} : memref<8x128xf32, #tpu.memory_space<vmem>>, vector<16xf32>,
    tpu.vector_store %arg12[%swap3A_226, %swap3A_227], %broadcast_in_dim3A_1 {strides = array<i32>} : memref<8x128xf32, #tpu.memory_space<vmem>>, vector<16xf32>,
    %swap3A_229 = arith.constant 7 : i32
    %swap3A_230 = arith.index_cast %swap3A_229 : i32 to index
    %swap3A_231 = arith.constant 16 : index
    %swap3A_232 = tpu.vector_load %arg12[%swap3A_230, %swap3A_231] {strides = array<i32>} : memref<8x128xf32, #tpu.memory_space<vmem>>, vector<16xf32>,
    tpu.vector_store %arg12[%swap3A_230, %swap3A_231], %broadcast_in_dim3A_1 {strides = array<i32>} : memref<8x128xf32, #tpu.memory_space<vmem>>, vector<16xf32>,
    %swap3A_233 = arith.constant 7 : i32
    %swap3A_234 = arith.index_cast %swap3A_233 : i32 to index
    %swap3A_235 = arith.constant 32 : index
    %swap3A_236 = tpu.vector_load %arg12[%swap3A_234, %swap3A_235] {strides = array<i32>} : memref<8x128xf32, #tpu.memory_space<vmem>>, vector<16xf32>,
    tpu.vector_store %arg12[%swap3A_234, %swap3A_235], %broadcast_in_dim3A_1 {strides = array<i32>} : memref<8x128xf32, #tpu.memory_space<vmem>>, vector<16xf32>,
    %swap3A_237 = arith.constant 7 : i32
    %swap3A_238 = arith.index_cast %swap3A_237 : i32 to index
    %swap3A_239 = arith.constant 48 : index
    %swap3A_240 = tpu.vector_load %arg12[%swap3A_238, %swap3A_239] {strides = array<i32>} : memref<8x128xf32, #tpu.memory_space<vmem>>, vector<16xf32>,
    tpu.vector_store %arg12[%swap3A_238, %swap3A_239], %broadcast_in_dim3A_1 {strides = array<i32>} : memref<8x128xf32, #tpu.memory_space<vmem>>, vector<16xf32>,
    %swap3A_241 = arith.constant 7 : i32
    %swap3A_242 = arith.index_cast %swap3A_241 : i32 to index
    %swap3A_243 = arith.constant 64 : index
    %swap3A_244 = tpu.vector_load %arg12[%swap3A_242, %swap3A_243] {strides = array<i32>} : memref<8x128xf32, #tpu.memory_space<vmem>>, vector<16xf32>,
    tpu.vector_store %arg12[%swap3A_242, %swap3A_243], %broadcast_in_dim3A_1 {strides = array<i32>} : memref<8x128xf32, #tpu.memory_space<vmem>>, vector<16xf32>,
    %swap3A_245 = arith.constant 7 : i32
    %swap3A_246 = arith.index_cast %swap3A_245 : i32 to index
    %swap3A_247 = arith.constant 80 : index
    %swap3A_248 = tpu.vector_load %arg12[%swap3A_246, %swap3A_247] {strides = array<i32>} : memref<8x128xf32, #tpu.memory_space<vmem>>, vector<16xf32>,
    tpu.vector_store %arg12[%swap3A_246, %swap3A_247], %broadcast_in_dim3A_1 {strides = array<i32>} : memref<8x128xf32, #tpu.memory_space<vmem>>, vector<16xf32>,
    %swap3A_249 = arith.constant 7 : i32
    %swap3A_250 = arith.index_cast %swap3A_249 : i32 to index
    %swap3A_251 = arith.constant 96 : index
    %swap3A_252 = tpu.vector_load %arg12[%swap3A_250, %swap3A_251] {strides = array<i32>} : memref<8x128xf32, #tpu.memory_space<vmem>>, vector<16xf32>,
    tpu.vector_store %arg12[%swap3A_250, %swap3A_251], %broadcast_in_dim3A_1 {strides = array<i32>} : memref<8x128xf32, #tpu.memory_space<vmem>>, vector<16xf32>,
    %swap3A_253 = arith.constant 7 : i32
    %swap3A_254 = arith.index_cast %swap3A_253 : i32 to index
    %swap3A_255 = arith.constant 112 : index
    %swap3A_256 = tpu.vector_load %arg12[%swap3A_254, %swap3A_255] {strides = array<i32>} : memref<8x128xf32, #tpu.memory_space<vmem>>, vector<16xf32>,
    tpu.vector_store %arg12[%swap3A_254, %swap3A_255], %broadcast_in_dim3A_1 {strides = array<i32>} : memref<8x128xf32, #tpu.memory_space<vmem>>, vector<16xf32>,
    %scan3A = arith.constant 0 : i32
    %scan3A_257 = arith.constant 48 : i32
    %scan3A_258 = arith.addi %scan3A, %scan3A_257 : i32
    %scan3A_259 = arith.constant 1 : i32
    scf.for %scan3A_279 = %scan3A to %scan3A_258 step %scan3A_259  : i32 {
      %mul3A_280 = arith.constant 1 : i32
      %mul3A_281 = arith.muli %scan3A_279, %mul3A_280 : i32
      %add3A_282 = arith.constant 0 : i32
      %add3A_283 = arith.addi %add3A_282, %mul3A_281 : i32
      %mul3A_284 = arith.constant 384 : i32
      %mul3A_285 = arith.muli %arg1, %mul3A_284 : i32
      %mul3A_286 = arith.constant 8 : i32
      %mul3A_287 = arith.muli %add3A_283, %mul3A_286 : i32
      %add3A_288 = arith.addi %mul3A_285, %mul3A_287 : i32
      "tpu.region"() ({
        %run_scoped3A = tpu.sem_alloc : memref<!tpu.dma_semaphore, #tpu.memory_space<semaphore_mem>>
        %dma_start3A = arith.constant 0 : i32
        %dma_start3A_289 = tpu.memref_slice %arg13[%add3A_288, %dma_start3A] : memref<6144x128xf32, #tpu.memory_space<vmem_shared>> -> memref<8x128xf32, #tpu.memory_space<vmem_shared>>
        %dma_start3A_290 = arith.constant 0 : i32
        %dma_start3A_291 = tpu.memref_slice %arg13[%add3A_288, %dma_start3A_290] : memref<6144x128xf32, #tpu.memory_space<vmem_shared>> -> memref<8x128xf32, #tpu.memory_space<vmem_shared>>
        tpu.enqueue_dma source(%arg12 : memref<8x128xf32, #tpu.memory_space<vmem>>) target(%dma_start3A_291 : memref<8x128xf32, #tpu.memory_space<vmem_shared>>) target_semaphore(%run_scoped3A : memref<!tpu.dma_semaphore, #tpu.memory_space<semaphore_mem>>)
        %dma_wait3A = arith.constant 0 : i32
        %dma_wait3A_292 = tpu.memref_slice %arg13[%add3A_288, %dma_wait3A] : memref<6144x128xf32, #tpu.memory_space<vmem_shared>> -> memref<8x128xf32, #tpu.memory_space<vmem_shared>>
        %dma_wait3A_293 = arith.constant 0 : i32
        %dma_wait3A_294 = tpu.memref_slice %arg13[%add3A_288, %dma_wait3A_293] : memref<6144x128xf32, #tpu.memory_space<vmem_shared>> -> memref<8x128xf32, #tpu.memory_space<vmem_shared>>
        tpu.wait_dma2 semaphore(%run_scoped3A : memref<!tpu.dma_semaphore, #tpu.memory_space<semaphore_mem>>) src(%arg12 : memref<8x128xf32, #tpu.memory_space<vmem>>) dst(%dma_wait3A_294 : memref<8x128xf32, #tpu.memory_space<vmem_shared>>)
        tpu.yield
      }) : () -> ()
    }
    %scan3A_260 = arith.constant 48 : i32
    %barrier3A = arith.constant 0 : index
    tpu.barrier barrier_id(%barrier3A)
    %scan3A_261 = arith.constant 0 : i32
    %scan3A_262 = arith.constant 5 : i32
    %scan3A_263 = arith.addi %scan3A_261, %scan3A_262 : i32
    %scan3A_264 = arith.constant 1 : i32
    scf.for %scan3A_279 = %scan3A_261 to %scan3A_263 step %scan3A_264  : i32 {
      %mul3A_280 = arith.constant 1 : i32
      %mul3A_281 = arith.muli %scan3A_279, %mul3A_280 : i32
      %add3A_282 = arith.constant 0 : i32
      %add3A_283 = arith.addi %add3A_282, %mul3A_281 : i32
      %mul3A_284 = arith.constant 16 : i32
      %mul3A_285 = arith.muli %add3A_283, %mul3A_284 : i32
      "tpu.region"() ({
        %run_scoped3A = tpu.sem_alloc : memref<!tpu.dma_semaphore, #tpu.memory_space<semaphore_mem>>
        %dma_start3A_734 = arith.constant 0 : i32
        %dma_start3A_735 = tpu.memref_slice %arg3[%add3A, %mul3A_285, %dma_start3A_734] : memref<32x80x128xi32, #tpu.memory_space<hbm>> -> memref<1x16x128xi32, #tpu.memory_space<hbm>>
        %dma_start3A_736 = tpu.memref_squeeze %dma_start3A_735 : memref<1x16x128xi32, #tpu.memory_space<hbm>> -> memref<16x128xi32, #tpu.memory_space<hbm>>
        %dma_start3A_737 = arith.constant 0 : i32
        %dma_start3A_738 = tpu.memref_slice %arg3[%add3A, %mul3A_285, %dma_start3A_737] : memref<32x80x128xi32, #tpu.memory_space<hbm>> -> memref<1x16x128xi32, #tpu.memory_space<hbm>>
        %dma_start3A_739 = tpu.memref_squeeze %dma_start3A_738 : memref<1x16x128xi32, #tpu.memory_space<hbm>> -> memref<16x128xi32, #tpu.memory_space<hbm>>
        tpu.enqueue_dma source(%dma_start3A_739 : memref<16x128xi32, #tpu.memory_space<hbm>>) target(%arg6 : memref<16x128xi32, #tpu.memory_space<vmem>>) target_semaphore(%run_scoped3A : memref<!tpu.dma_semaphore, #tpu.memory_space<semaphore_mem>>)
        %dma_wait3A_740 = arith.constant 0 : i32
        %dma_wait3A_741 = tpu.memref_slice %arg3[%add3A, %mul3A_285, %dma_wait3A_740] : memref<32x80x128xi32, #tpu.memory_space<hbm>> -> memref<1x16x128xi32, #tpu.memory_space<hbm>>
        %dma_wait3A_742 = tpu.memref_squeeze %dma_wait3A_741 : memref<1x16x128xi32, #tpu.memory_space<hbm>> -> memref<16x128xi32, #tpu.memory_space<hbm>>
        %dma_wait3A_743 = arith.constant 0 : i32
        %dma_wait3A_744 = tpu.memref_slice %arg3[%add3A, %mul3A_285, %dma_wait3A_743] : memref<32x80x128xi32, #tpu.memory_space<hbm>> -> memref<1x16x128xi32, #tpu.memory_space<hbm>>
        %dma_wait3A_745 = tpu.memref_squeeze %dma_wait3A_744 : memref<1x16x128xi32, #tpu.memory_space<hbm>> -> memref<16x128xi32, #tpu.memory_space<hbm>>
        tpu.wait_dma2 semaphore(%run_scoped3A : memref<!tpu.dma_semaphore, #tpu.memory_space<semaphore_mem>>) src(%dma_wait3A_745 : memref<16x128xi32, #tpu.memory_space<hbm>>) dst(%arg6 : memref<16x128xi32, #tpu.memory_space<vmem>>)
        tpu.yield
      }) : () -> ()
      %mul3A_286 = arith.constant 16 : i32
      %mul3A_287 = arith.muli %add3A_283, %mul3A_286 : i32
      "tpu.region"() ({
        %run_scoped3A = tpu.sem_alloc : memref<!tpu.dma_semaphore, #tpu.memory_space<semaphore_mem>>
        %dma_start3A_734 = arith.constant 0 : i32
        %dma_start3A_735 = tpu.memref_slice %arg4[%add3A, %mul3A_287, %dma_start3A_734] : memref<32x80x128xi32, #tpu.memory_space<hbm>> -> memref<1x16x128xi32, #tpu.memory_space<hbm>>
        %dma_start3A_736 = tpu.memref_squeeze %dma_start3A_735 : memref<1x16x128xi32, #tpu.memory_space<hbm>> -> memref<16x128xi32, #tpu.memory_space<hbm>>
        %dma_start3A_737 = arith.constant 0 : i32
        %dma_start3A_738 = tpu.memref_slice %arg4[%add3A, %mul3A_287, %dma_start3A_737] : memref<32x80x128xi32, #tpu.memory_space<hbm>> -> memref<1x16x128xi32, #tpu.memory_space<hbm>>
        %dma_start3A_739 = tpu.memref_squeeze %dma_start3A_738 : memref<1x16x128xi32, #tpu.memory_space<hbm>> -> memref<16x128xi32, #tpu.memory_space<hbm>>
        tpu.enqueue_dma source(%dma_start3A_739 : memref<16x128xi32, #tpu.memory_space<hbm>>) target(%arg7 : memref<16x128xi32, #tpu.memory_space<vmem>>) target_semaphore(%run_scoped3A : memref<!tpu.dma_semaphore, #tpu.memory_space<semaphore_mem>>)
        %dma_wait3A_740 = arith.constant 0 : i32
        %dma_wait3A_741 = tpu.memref_slice %arg4[%add3A, %mul3A_287, %dma_wait3A_740] : memref<32x80x128xi32, #tpu.memory_space<hbm>> -> memref<1x16x128xi32, #tpu.memory_space<hbm>>
        %dma_wait3A_742 = tpu.memref_squeeze %dma_wait3A_741 : memref<1x16x128xi32, #tpu.memory_space<hbm>> -> memref<16x128xi32, #tpu.memory_space<hbm>>
        %dma_wait3A_743 = arith.constant 0 : i32
        %dma_wait3A_744 = tpu.memref_slice %arg4[%add3A, %mul3A_287, %dma_wait3A_743] : memref<32x80x128xi32, #tpu.memory_space<hbm>> -> memref<1x16x128xi32, #tpu.memory_space<hbm>>
        %dma_wait3A_745 = tpu.memref_squeeze %dma_wait3A_744 : memref<1x16x128xi32, #tpu.memory_space<hbm>> -> memref<16x128xi32, #tpu.memory_space<hbm>>
        tpu.wait_dma2 semaphore(%run_scoped3A : memref<!tpu.dma_semaphore, #tpu.memory_space<semaphore_mem>>) src(%dma_wait3A_745 : memref<16x128xi32, #tpu.memory_space<hbm>>) dst(%arg7 : memref<16x128xi32, #tpu.memory_space<vmem>>)
        tpu.yield
      }) : () -> ()
      %dma_start3A = arith.constant 0 : i32
      %dma_start3A_288 = arith.constant 0 : i32
      %dma_start3A_289 = tpu.memref_slice %arg6[%dma_start3A, %dma_start3A_288] : memref<16x128xi32, #tpu.memory_space<vmem>> -> memref<1x128xi32, #tpu.memory_space<vmem>>
      %dma_start3A_290 = tpu.memref_squeeze %dma_start3A_289 : memref<1x128xi32, #tpu.memory_space<vmem>> -> memref<128xi32, #tpu.memory_space<vmem>>
      %dma_start3A_291 = arith.constant 0 : i32
      %dma_start3A_292 = arith.constant 0 : i32
      %dma_start3A_293 = tpu.memref_slice %arg2[%dma_start3A_291, %dma_start3A_292] : memref<10240x128xf32, #tpu.memory_space<hbm>> -> memref<10240x128xf32, #tpu.memory_space<hbm>>
      tpu.enqueue_indirect_dma source(%dma_start3A_293 : memref<10240x128xf32, #tpu.memory_space<hbm>>) target(%arg8 : memref<128x128xf32, #tpu.memory_space<vmem>>) offsets(%dma_start3A_290 : memref<128xi32, #tpu.memory_space<vmem>>) semaphore(%arg14 : memref<!tpu.dma_semaphore, #tpu.memory_space<semaphore_mem>>)
      %dma_start3A_294 = arith.constant 1 : i32
      %dma_start3A_295 = arith.constant 0 : i32
      %dma_start3A_296 = tpu.memref_slice %arg6[%dma_start3A_294, %dma_start3A_295] : memref<16x128xi32, #tpu.memory_space<vmem>> -> memref<1x128xi32, #tpu.memory_space<vmem>>
      %dma_start3A_297 = tpu.memref_squeeze %dma_start3A_296 : memref<1x128xi32, #tpu.memory_space<vmem>> -> memref<128xi32, #tpu.memory_space<vmem>>
      %dma_start3A_298 = arith.constant 0 : i32
      %dma_start3A_299 = arith.constant 0 : i32
      %dma_start3A_300 = tpu.memref_slice %arg2[%dma_start3A_298, %dma_start3A_299] : memref<10240x128xf32, #tpu.memory_space<hbm>> -> memref<10240x128xf32, #tpu.memory_space<hbm>>
      tpu.enqueue_indirect_dma source(%dma_start3A_300 : memref<10240x128xf32, #tpu.memory_space<hbm>>) target(%arg9 : memref<128x128xf32, #tpu.memory_space<vmem>>) offsets(%dma_start3A_297 : memref<128xi32, #tpu.memory_space<vmem>>) semaphore(%arg15 : memref<!tpu.dma_semaphore, #tpu.memory_space<semaphore_mem>>)
      %dma_start3A_301 = arith.constant 2 : i32
      %dma_start3A_302 = arith.constant 0 : i32
      %dma_start3A_303 = tpu.memref_slice %arg6[%dma_start3A_301, %dma_start3A_302] : memref<16x128xi32, #tpu.memory_space<vmem>> -> memref<1x128xi32, #tpu.memory_space<vmem>>
      %dma_start3A_304 = tpu.memref_squeeze %dma_start3A_303 : memref<1x128xi32, #tpu.memory_space<vmem>> -> memref<128xi32, #tpu.memory_space<vmem>>
      %dma_start3A_305 = arith.constant 0 : i32
      %dma_start3A_306 = arith.constant 0 : i32
      %dma_start3A_307 = tpu.memref_slice %arg2[%dma_start3A_305, %dma_start3A_306] : memref<10240x128xf32, #tpu.memory_space<hbm>> -> memref<10240x128xf32, #tpu.memory_space<hbm>>
      tpu.enqueue_indirect_dma source(%dma_start3A_307 : memref<10240x128xf32, #tpu.memory_space<hbm>>) target(%arg10 : memref<128x128xf32, #tpu.memory_space<vmem>>) offsets(%dma_start3A_304 : memref<128xi32, #tpu.memory_space<vmem>>) semaphore(%arg16 : memref<!tpu.dma_semaphore, #tpu.memory_space<semaphore_mem>>)
      %dma_start3A_308 = arith.constant 3 : i32
      %dma_start3A_309 = arith.constant 0 : i32
      %dma_start3A_310 = tpu.memref_slice %arg6[%dma_start3A_308, %dma_start3A_309] : memref<16x128xi32, #tpu.memory_space<vmem>> -> memref<1x128xi32, #tpu.memory_space<vmem>>
      %dma_start3A_311 = tpu.memref_squeeze %dma_start3A_310 : memref<1x128xi32, #tpu.memory_space<vmem>> -> memref<128xi32, #tpu.memory_space<vmem>>
      %dma_start3A_312 = arith.constant 0 : i32
      %dma_start3A_313 = arith.constant 0 : i32
      %dma_start3A_314 = tpu.memref_slice %arg2[%dma_start3A_312, %dma_start3A_313] : memref<10240x128xf32, #tpu.memory_space<hbm>> -> memref<10240x128xf32, #tpu.memory_space<hbm>>
      tpu.enqueue_indirect_dma source(%dma_start3A_314 : memref<10240x128xf32, #tpu.memory_space<hbm>>) target(%arg11 : memref<128x128xf32, #tpu.memory_space<vmem>>) offsets(%dma_start3A_311 : memref<128xi32, #tpu.memory_space<vmem>>) semaphore(%arg17 : memref<!tpu.dma_semaphore, #tpu.memory_space<semaphore_mem>>)
      %dma_wait3A = arith.constant 0 : i32
      %dma_wait3A_315 = arith.constant 0 : i32
      %dma_wait3A_316 = tpu.memref_slice %arg6[%dma_wait3A, %dma_wait3A_315] : memref<16x128xi32, #tpu.memory_space<vmem>> -> memref<1x128xi32, #tpu.memory_space<vmem>>
      %dma_wait3A_317 = tpu.memref_squeeze %dma_wait3A_316 : memref<1x128xi32, #tpu.memory_space<vmem>> -> memref<128xi32, #tpu.memory_space<vmem>>
      %dma_wait3A_318 = arith.constant 0 : i32
      %dma_wait3A_319 = arith.constant 0 : i32
      %dma_wait3A_320 = tpu.memref_slice %arg2[%dma_wait3A_318, %dma_wait3A_319] : memref<10240x128xf32, #tpu.memory_space<hbm>> -> memref<10240x128xf32, #tpu.memory_space<hbm>>
      tpu.wait_indirect_dma semaphore(%arg14 : memref<!tpu.dma_semaphore, #tpu.memory_space<semaphore_mem>>) src(%dma_wait3A_320 : memref<10240x128xf32, #tpu.memory_space<hbm>>) dst(%arg8 : memref<128x128xf32, #tpu.memory_space<vmem>>)
      %dma_start3A_321 = arith.constant 0 : i32
      %dma_start3A_322 = arith.constant 0 : i32
      %dma_start3A_323 = tpu.memref_slice %arg7[%dma_start3A_321, %dma_start3A_322] : memref<16x128xi32, #tpu.memory_space<vmem>> -> memref<1x128xi32, #tpu.memory_space<vmem>>
      %dma_start3A_324 = tpu.memref_squeeze %dma_start3A_323 : memref<1x128xi32, #tpu.memory_space<vmem>> -> memref<128xi32, #tpu.memory_space<vmem>>
      %dma_start3A_325 = arith.constant 0 : i32
      %dma_start3A_326 = arith.constant 0 : i32
      %dma_start3A_327 = tpu.memref_slice %arg13[%dma_start3A_325, %dma_start3A_326] : memref<6144x128xf32, #tpu.memory_space<vmem_shared>> -> memref<6144x128xf32, #tpu.memory_space<vmem_shared>>
      tpu.enqueue_indirect_dma source(%arg8 : memref<128x128xf32, #tpu.memory_space<vmem>>) target(%dma_start3A_327 : memref<6144x128xf32, #tpu.memory_space<vmem_shared>>) offsets(%dma_start3A_324 : memref<128xi32, #tpu.memory_space<vmem>>) semaphore(%arg18 : memref<!tpu.dma_semaphore, #tpu.memory_space<semaphore_mem>>) {add = true}
      %dma_wait3A_328 = arith.constant 0 : i32
      %dma_wait3A_329 = arith.constant 0 : i32
      %dma_wait3A_330 = tpu.memref_slice %arg7[%dma_wait3A_328, %dma_wait3A_329] : memref<16x128xi32, #tpu.memory_space<vmem>> -> memref<1x128xi32, #tpu.memory_space<vmem>>
      %dma_wait3A_331 = tpu.memref_squeeze %dma_wait3A_330 : memref<1x128xi32, #tpu.memory_space<vmem>> -> memref<128xi32, #tpu.memory_space<vmem>>
      %dma_wait3A_332 = arith.constant 0 : i32
      %dma_wait3A_333 = arith.constant 0 : i32
      %dma_wait3A_334 = tpu.memref_slice %arg13[%dma_wait3A_332, %dma_wait3A_333] : memref<6144x128xf32, #tpu.memory_space<vmem_shared>> -> memref<6144x128xf32, #tpu.memory_space<vmem_shared>>
      tpu.wait_indirect_dma semaphore(%arg18 : memref<!tpu.dma_semaphore, #tpu.memory_space<semaphore_mem>>) src(%arg8 : memref<128x128xf32, #tpu.memory_space<vmem>>) dst(%dma_wait3A_334 : memref<6144x128xf32, #tpu.memory_space<vmem_shared>>)
      %dma_start3A_335 = arith.constant 4 : i32
      %dma_start3A_336 = arith.constant 0 : i32
      %dma_start3A_337 = tpu.memref_slice %arg6[%dma_start3A_335, %dma_start3A_336] : memref<16x128xi32, #tpu.memory_space<vmem>> -> memref<1x128xi32, #tpu.memory_space<vmem>>
      %dma_start3A_338 = tpu.memref_squeeze %dma_start3A_337 : memref<1x128xi32, #tpu.memory_space<vmem>> -> memref<128xi32, #tpu.memory_space<vmem>>
      %dma_start3A_339 = arith.constant 0 : i32
      %dma_start3A_340 = arith.constant 0 : i32
      %dma_start3A_341 = tpu.memref_slice %arg2[%dma_start3A_339, %dma_start3A_340] : memref<10240x128xf32, #tpu.memory_space<hbm>> -> memref<10240x128xf32, #tpu.memory_space<hbm>>
      tpu.enqueue_indirect_dma source(%dma_start3A_341 : memref<10240x128xf32, #tpu.memory_space<hbm>>) target(%arg8 : memref<128x128xf32, #tpu.memory_space<vmem>>) offsets(%dma_start3A_338 : memref<128xi32, #tpu.memory_space<vmem>>) semaphore(%arg14 : memref<!tpu.dma_semaphore, #tpu.memory_space<semaphore_mem>>)
      %dma_wait3A_342 = arith.constant 1 : i32
      %dma_wait3A_343 = arith.constant 0 : i32
      %dma_wait3A_344 = tpu.memref_slice %arg6[%dma_wait3A_342, %dma_wait3A_343] : memref<16x128xi32, #tpu.memory_space<vmem>> -> memref<1x128xi32, #tpu.memory_space<vmem>>
      %dma_wait3A_345 = tpu.memref_squeeze %dma_wait3A_344 : memref<1x128xi32, #tpu.memory_space<vmem>> -> memref<128xi32, #tpu.memory_space<vmem>>
      %dma_wait3A_346 = arith.constant 0 : i32
      %dma_wait3A_347 = arith.constant 0 : i32
      %dma_wait3A_348 = tpu.memref_slice %arg2[%dma_wait3A_346, %dma_wait3A_347] : memref<10240x128xf32, #tpu.memory_space<hbm>> -> memref<10240x128xf32, #tpu.memory_space<hbm>>
      tpu.wait_indirect_dma semaphore(%arg15 : memref<!tpu.dma_semaphore, #tpu.memory_space<semaphore_mem>>) src(%dma_wait3A_348 : memref<10240x128xf32, #tpu.memory_space<hbm>>) dst(%arg9 : memref<128x128xf32, #tpu.memory_space<vmem>>)
      %dma_start3A_349 = arith.constant 1 : i32
      %dma_start3A_350 = arith.constant 0 : i32
      %dma_start3A_351 = tpu.memref_slice %arg7[%dma_start3A_349, %dma_start3A_350] : memref<16x128xi32, #tpu.memory_space<vmem>> -> memref<1x128xi32, #tpu.memory_space<vmem>>
      %dma_start3A_352 = tpu.memref_squeeze %dma_start3A_351 : memref<1x128xi32, #tpu.memory_space<vmem>> -> memref<128xi32, #tpu.memory_space<vmem>>
      %dma_start3A_353 = arith.constant 0 : i32
      %dma_start3A_354 = arith.constant 0 : i32
      %dma_start3A_355 = tpu.memref_slice %arg13[%dma_start3A_353, %dma_start3A_354] : memref<6144x128xf32, #tpu.memory_space<vmem_shared>> -> memref<6144x128xf32, #tpu.memory_space<vmem_shared>>
      tpu.enqueue_indirect_dma source(%arg9 : memref<128x128xf32, #tpu.memory_space<vmem>>) target(%dma_start3A_355 : memref<6144x128xf32, #tpu.memory_space<vmem_shared>>) offsets(%dma_start3A_352 : memref<128xi32, #tpu.memory_space<vmem>>) semaphore(%arg19 : memref<!tpu.dma_semaphore, #tpu.memory_space<semaphore_mem>>) {add = true}
      %dma_wait3A_356 = arith.constant 1 : i32
      %dma_wait3A_357 = arith.constant 0 : i32
      %dma_wait3A_358 = tpu.memref_slice %arg7[%dma_wait3A_356, %dma_wait3A_357] : memref<16x128xi32, #tpu.memory_space<vmem>> -> memref<1x128xi32, #tpu.memory_space<vmem>>
      %dma_wait3A_359 = tpu.memref_squeeze %dma_wait3A_358 : memref<1x128xi32, #tpu.memory_space<vmem>> -> memref<128xi32, #tpu.memory_space<vmem>>
      %dma_wait3A_360 = arith.constant 0 : i32
      %dma_wait3A_361 = arith.constant 0 : i32
      %dma_wait3A_362 = tpu.memref_slice %arg13[%dma_wait3A_360, %dma_wait3A_361] : memref<6144x128xf32, #tpu.memory_space<vmem_shared>> -> memref<6144x128xf32, #tpu.memory_space<vmem_shared>>
      tpu.wait_indirect_dma semaphore(%arg19 : memref<!tpu.dma_semaphore, #tpu.memory_space<semaphore_mem>>) src(%arg9 : memref<128x128xf32, #tpu.memory_space<vmem>>) dst(%dma_wait3A_362 : memref<6144x128xf32, #tpu.memory_space<vmem_shared>>)
      %dma_start3A_363 = arith.constant 5 : i32
      %dma_start3A_364 = arith.constant 0 : i32
      %dma_start3A_365 = tpu.memref_slice %arg6[%dma_start3A_363, %dma_start3A_364] : memref<16x128xi32, #tpu.memory_space<vmem>> -> memref<1x128xi32, #tpu.memory_space<vmem>>
      %dma_start3A_366 = tpu.memref_squeeze %dma_start3A_365 : memref<1x128xi32, #tpu.memory_space<vmem>> -> memref<128xi32, #tpu.memory_space<vmem>>
      %dma_start3A_367 = arith.constant 0 : i32
      %dma_start3A_368 = arith.constant 0 : i32
      %dma_start3A_369 = tpu.memref_slice %arg2[%dma_start3A_367, %dma_start3A_368] : memref<10240x128xf32, #tpu.memory_space<hbm>> -> memref<10240x128xf32, #tpu.memory_space<hbm>>
      tpu.enqueue_indirect_dma source(%dma_start3A_369 : memref<10240x128xf32, #tpu.memory_space<hbm>>) target(%arg9 : memref<128x128xf32, #tpu.memory_space<vmem>>) offsets(%dma_start3A_366 : memref<128xi32, #tpu.memory_space<vmem>>) semaphore(%arg15 : memref<!tpu.dma_semaphore, #tpu.memory_space<semaphore_mem>>)
      %dma_wait3A_370 = arith.constant 2 : i32
      %dma_wait3A_371 = arith.constant 0 : i32
      %dma_wait3A_372 = tpu.memref_slice %arg6[%dma_wait3A_370, %dma_wait3A_371] : memref<16x128xi32, #tpu.memory_space<vmem>> -> memref<1x128xi32, #tpu.memory_space<vmem>>
      %dma_wait3A_373 = tpu.memref_squeeze %dma_wait3A_372 : memref<1x128xi32, #tpu.memory_space<vmem>> -> memref<128xi32, #tpu.memory_space<vmem>>
      %dma_wait3A_374 = arith.constant 0 : i32
      %dma_wait3A_375 = arith.constant 0 : i32
      %dma_wait3A_376 = tpu.memref_slice %arg2[%dma_wait3A_374, %dma_wait3A_375] : memref<10240x128xf32, #tpu.memory_space<hbm>> -> memref<10240x128xf32, #tpu.memory_space<hbm>>
      tpu.wait_indirect_dma semaphore(%arg16 : memref<!tpu.dma_semaphore, #tpu.memory_space<semaphore_mem>>) src(%dma_wait3A_376 : memref<10240x128xf32, #tpu.memory_space<hbm>>) dst(%arg10 : memref<128x128xf32, #tpu.memory_space<vmem>>)
      %dma_start3A_377 = arith.constant 2 : i32
      %dma_start3A_378 = arith.constant 0 : i32
      %dma_start3A_379 = tpu.memref_slice %arg7[%dma_start3A_377, %dma_start3A_378] : memref<16x128xi32, #tpu.memory_space<vmem>> -> memref<1x128xi32, #tpu.memory_space<vmem>>
      %dma_start3A_380 = tpu.memref_squeeze %dma_start3A_379 : memref<1x128xi32, #tpu.memory_space<vmem>> -> memref<128xi32, #tpu.memory_space<vmem>>
      %dma_start3A_381 = arith.constant 0 : i32
      %dma_start3A_382 = arith.constant 0 : i32
      %dma_start3A_383 = tpu.memref_slice %arg13[%dma_start3A_381, %dma_start3A_382] : memref<6144x128xf32, #tpu.memory_space<vmem_shared>> -> memref<6144x128xf32, #tpu.memory_space<vmem_shared>>
      tpu.enqueue_indirect_dma source(%arg10 : memref<128x128xf32, #tpu.memory_space<vmem>>) target(%dma_start3A_383 : memref<6144x128xf32, #tpu.memory_space<vmem_shared>>) offsets(%dma_start3A_380 : memref<128xi32, #tpu.memory_space<vmem>>) semaphore(%arg20 : memref<!tpu.dma_semaphore, #tpu.memory_space<semaphore_mem>>) {add = true}
      %dma_wait3A_384 = arith.constant 2 : i32
      %dma_wait3A_385 = arith.constant 0 : i32
      %dma_wait3A_386 = tpu.memref_slice %arg7[%dma_wait3A_384, %dma_wait3A_385] : memref<16x128xi32, #tpu.memory_space<vmem>> -> memref<1x128xi32, #tpu.memory_space<vmem>>
      %dma_wait3A_387 = tpu.memref_squeeze %dma_wait3A_386 : memref<1x128xi32, #tpu.memory_space<vmem>> -> memref<128xi32, #tpu.memory_space<vmem>>
      %dma_wait3A_388 = arith.constant 0 : i32
      %dma_wait3A_389 = arith.constant 0 : i32
      %dma_wait3A_390 = tpu.memref_slice %arg13[%dma_wait3A_388, %dma_wait3A_389] : memref<6144x128xf32, #tpu.memory_space<vmem_shared>> -> memref<6144x128xf32, #tpu.memory_space<vmem_shared>>
      tpu.wait_indirect_dma semaphore(%arg20 : memref<!tpu.dma_semaphore, #tpu.memory_space<semaphore_mem>>) src(%arg10 : memref<128x128xf32, #tpu.memory_space<vmem>>) dst(%dma_wait3A_390 : memref<6144x128xf32, #tpu.memory_space<vmem_shared>>)
      %dma_start3A_391 = arith.constant 6 : i32
      %dma_start3A_392 = arith.constant 0 : i32
      %dma_start3A_393 = tpu.memref_slice %arg6[%dma_start3A_391, %dma_start3A_392] : memref<16x128xi32, #tpu.memory_space<vmem>> -> memref<1x128xi32, #tpu.memory_space<vmem>>
      %dma_start3A_394 = tpu.memref_squeeze %dma_start3A_393 : memref<1x128xi32, #tpu.memory_space<vmem>> -> memref<128xi32, #tpu.memory_space<vmem>>
      %dma_start3A_395 = arith.constant 0 : i32
      %dma_start3A_396 = arith.constant 0 : i32
      %dma_start3A_397 = tpu.memref_slice %arg2[%dma_start3A_395, %dma_start3A_396] : memref<10240x128xf32, #tpu.memory_space<hbm>> -> memref<10240x128xf32, #tpu.memory_space<hbm>>
      tpu.enqueue_indirect_dma source(%dma_start3A_397 : memref<10240x128xf32, #tpu.memory_space<hbm>>) target(%arg10 : memref<128x128xf32, #tpu.memory_space<vmem>>) offsets(%dma_start3A_394 : memref<128xi32, #tpu.memory_space<vmem>>) semaphore(%arg16 : memref<!tpu.dma_semaphore, #tpu.memory_space<semaphore_mem>>)
      %dma_wait3A_398 = arith.constant 3 : i32
      %dma_wait3A_399 = arith.constant 0 : i32
      %dma_wait3A_400 = tpu.memref_slice %arg6[%dma_wait3A_398, %dma_wait3A_399] : memref<16x128xi32, #tpu.memory_space<vmem>> -> memref<1x128xi32, #tpu.memory_space<vmem>>
      %dma_wait3A_401 = tpu.memref_squeeze %dma_wait3A_400 : memref<1x128xi32, #tpu.memory_space<vmem>> -> memref<128xi32, #tpu.memory_space<vmem>>
      %dma_wait3A_402 = arith.constant 0 : i32
      %dma_wait3A_403 = arith.constant 0 : i32
      %dma_wait3A_404 = tpu.memref_slice %arg2[%dma_wait3A_402, %dma_wait3A_403] : memref<10240x128xf32, #tpu.memory_space<hbm>> -> memref<10240x128xf32, #tpu.memory_space<hbm>>
      tpu.wait_indirect_dma semaphore(%arg17 : memref<!tpu.dma_semaphore, #tpu.memory_space<semaphore_mem>>) src(%dma_wait3A_404 : memref<10240x128xf32, #tpu.memory_space<hbm>>) dst(%arg11 : memref<128x128xf32, #tpu.memory_space<vmem>>)
      %dma_start3A_405 = arith.constant 3 : i32
      %dma_start3A_406 = arith.constant 0 : i32
      %dma_start3A_407 = tpu.memref_slice %arg7[%dma_start3A_405, %dma_start3A_406] : memref<16x128xi32, #tpu.memory_space<vmem>> -> memref<1x128xi32, #tpu.memory_space<vmem>>
      %dma_start3A_408 = tpu.memref_squeeze %dma_start3A_407 : memref<1x128xi32, #tpu.memory_space<vmem>> -> memref<128xi32, #tpu.memory_space<vmem>>
      %dma_start3A_409 = arith.constant 0 : i32
      %dma_start3A_410 = arith.constant 0 : i32
      %dma_start3A_411 = tpu.memref_slice %arg13[%dma_start3A_409, %dma_start3A_410] : memref<6144x128xf32, #tpu.memory_space<vmem_shared>> -> memref<6144x128xf32, #tpu.memory_space<vmem_shared>>
      tpu.enqueue_indirect_dma source(%arg11 : memref<128x128xf32, #tpu.memory_space<vmem>>) target(%dma_start3A_411 : memref<6144x128xf32, #tpu.memory_space<vmem_shared>>) offsets(%dma_start3A_408 : memref<128xi32, #tpu.memory_space<vmem>>) semaphore(%arg21 : memref<!tpu.dma_semaphore, #tpu.memory_space<semaphore_mem>>) {add = true}
      %dma_wait3A_412 = arith.constant 3 : i32
      %dma_wait3A_413 = arith.constant 0 : i32
      %dma_wait3A_414 = tpu.memref_slice %arg7[%dma_wait3A_412, %dma_wait3A_413] : memref<16x128xi32, #tpu.memory_space<vmem>> -> memref<1x128xi32, #tpu.memory_space<vmem>>
      %dma_wait3A_415 = tpu.memref_squeeze %dma_wait3A_414 : memref<1x128xi32, #tpu.memory_space<vmem>> -> memref<128xi32, #tpu.memory_space<vmem>>
      %dma_wait3A_416 = arith.constant 0 : i32
      %dma_wait3A_417 = arith.constant 0 : i32
      %dma_wait3A_418 = tpu.memref_slice %arg13[%dma_wait3A_416, %dma_wait3A_417] : memref<6144x128xf32, #tpu.memory_space<vmem_shared>> -> memref<6144x128xf32, #tpu.memory_space<vmem_shared>>
      tpu.wait_indirect_dma semaphore(%arg21 : memref<!tpu.dma_semaphore, #tpu.memory_space<semaphore_mem>>) src(%arg11 : memref<128x128xf32, #tpu.memory_space<vmem>>) dst(%dma_wait3A_418 : memref<6144x128xf32, #tpu.memory_space<vmem_shared>>)
      %dma_start3A_419 = arith.constant 7 : i32
      %dma_start3A_420 = arith.constant 0 : i32
      %dma_start3A_421 = tpu.memref_slice %arg6[%dma_start3A_419, %dma_start3A_420] : memref<16x128xi32, #tpu.memory_space<vmem>> -> memref<1x128xi32, #tpu.memory_space<vmem>>
      %dma_start3A_422 = tpu.memref_squeeze %dma_start3A_421 : memref<1x128xi32, #tpu.memory_space<vmem>> -> memref<128xi32, #tpu.memory_space<vmem>>
      %dma_start3A_423 = arith.constant 0 : i32
      %dma_start3A_424 = arith.constant 0 : i32
      %dma_start3A_425 = tpu.memref_slice %arg2[%dma_start3A_423, %dma_start3A_424] : memref<10240x128xf32, #tpu.memory_space<hbm>> -> memref<10240x128xf32, #tpu.memory_space<hbm>>
      tpu.enqueue_indirect_dma source(%dma_start3A_425 : memref<10240x128xf32, #tpu.memory_space<hbm>>) target(%arg11 : memref<128x128xf32, #tpu.memory_space<vmem>>) offsets(%dma_start3A_422 : memref<128xi32, #tpu.memory_space<vmem>>) semaphore(%arg17 : memref<!tpu.dma_semaphore, #tpu.memory_space<semaphore_mem>>)
      %dma_wait3A_426 = arith.constant 4 : i32
      %dma_wait3A_427 = arith.constant 0 : i32
      %dma_wait3A_428 = tpu.memref_slice %arg6[%dma_wait3A_426, %dma_wait3A_427] : memref<16x128xi32, #tpu.memory_space<vmem>> -> memref<1x128xi32, #tpu.memory_space<vmem>>
      %dma_wait3A_429 = tpu.memref_squeeze %dma_wait3A_428 : memref<1x128xi32, #tpu.memory_space<vmem>> -> memref<128xi32, #tpu.memory_space<vmem>>
      %dma_wait3A_430 = arith.constant 0 : i32
      %dma_wait3A_431 = arith.constant 0 : i32
      %dma_wait3A_432 = tpu.memref_slice %arg2[%dma_wait3A_430, %dma_wait3A_431] : memref<10240x128xf32, #tpu.memory_space<hbm>> -> memref<10240x128xf32, #tpu.memory_space<hbm>>
      tpu.wait_indirect_dma semaphore(%arg14 : memref<!tpu.dma_semaphore, #tpu.memory_space<semaphore_mem>>) src(%dma_wait3A_432 : memref<10240x128xf32, #tpu.memory_space<hbm>>) dst(%arg8 : memref<128x128xf32, #tpu.memory_space<vmem>>)
      %dma_start3A_433 = arith.constant 4 : i32
      %dma_start3A_434 = arith.constant 0 : i32
      %dma_start3A_435 = tpu.memref_slice %arg7[%dma_start3A_433, %dma_start3A_434] : memref<16x128xi32, #tpu.memory_space<vmem>> -> memref<1x128xi32, #tpu.memory_space<vmem>>
      %dma_start3A_436 = tpu.memref_squeeze %dma_start3A_435 : memref<1x128xi32, #tpu.memory_space<vmem>> -> memref<128xi32, #tpu.memory_space<vmem>>
      %dma_start3A_437 = arith.constant 0 : i32
      %dma_start3A_438 = arith.constant 0 : i32
      %dma_start3A_439 = tpu.memref_slice %arg13[%dma_start3A_437, %dma_start3A_438] : memref<6144x128xf32, #tpu.memory_space<vmem_shared>> -> memref<6144x128xf32, #tpu.memory_space<vmem_shared>>
      tpu.enqueue_indirect_dma source(%arg8 : memref<128x128xf32, #tpu.memory_space<vmem>>) target(%dma_start3A_439 : memref<6144x128xf32, #tpu.memory_space<vmem_shared>>) offsets(%dma_start3A_436 : memref<128xi32, #tpu.memory_space<vmem>>) semaphore(%arg18 : memref<!tpu.dma_semaphore, #tpu.memory_space<semaphore_mem>>) {add = true}
      %dma_wait3A_440 = arith.constant 4 : i32
      %dma_wait3A_441 = arith.constant 0 : i32
      %dma_wait3A_442 = tpu.memref_slice %arg7[%dma_wait3A_440, %dma_wait3A_441] : memref<16x128xi32, #tpu.memory_space<vmem>> -> memref<1x128xi32, #tpu.memory_space<vmem>>
      %dma_wait3A_443 = tpu.memref_squeeze %dma_wait3A_442 : memref<1x128xi32, #tpu.memory_space<vmem>> -> memref<128xi32, #tpu.memory_space<vmem>>
      %dma_wait3A_444 = arith.constant 0 : i32
      %dma_wait3A_445 = arith.constant 0 : i32
      %dma_wait3A_446 = tpu.memref_slice %arg13[%dma_wait3A_444, %dma_wait3A_445] : memref<6144x128xf32, #tpu.memory_space<vmem_shared>> -> memref<6144x128xf32, #tpu.memory_space<vmem_shared>>
      tpu.wait_indirect_dma semaphore(%arg18 : memref<!tpu.dma_semaphore, #tpu.memory_space<semaphore_mem>>) src(%arg8 : memref<128x128xf32, #tpu.memory_space<vmem>>) dst(%dma_wait3A_446 : memref<6144x128xf32, #tpu.memory_space<vmem_shared>>)
      %dma_start3A_447 = arith.constant 8 : i32
      %dma_start3A_448 = arith.constant 0 : i32
      %dma_start3A_449 = tpu.memref_slice %arg6[%dma_start3A_447, %dma_start3A_448] : memref<16x128xi32, #tpu.memory_space<vmem>> -> memref<1x128xi32, #tpu.memory_space<vmem>>
      %dma_start3A_450 = tpu.memref_squeeze %dma_start3A_449 : memref<1x128xi32, #tpu.memory_space<vmem>> -> memref<128xi32, #tpu.memory_space<vmem>>
      %dma_start3A_451 = arith.constant 0 : i32
      %dma_start3A_452 = arith.constant 0 : i32
      %dma_start3A_453 = tpu.memref_slice %arg2[%dma_start3A_451, %dma_start3A_452] : memref<10240x128xf32, #tpu.memory_space<hbm>> -> memref<10240x128xf32, #tpu.memory_space<hbm>>
      tpu.enqueue_indirect_dma source(%dma_start3A_453 : memref<10240x128xf32, #tpu.memory_space<hbm>>) target(%arg8 : memref<128x128xf32, #tpu.memory_space<vmem>>) offsets(%dma_start3A_450 : memref<128xi32, #tpu.memory_space<vmem>>) semaphore(%arg14 : memref<!tpu.dma_semaphore, #tpu.memory_space<semaphore_mem>>)
      %dma_wait3A_454 = arith.constant 5 : i32
      %dma_wait3A_455 = arith.constant 0 : i32
      %dma_wait3A_456 = tpu.memref_slice %arg6[%dma_wait3A_454, %dma_wait3A_455] : memref<16x128xi32, #tpu.memory_space<vmem>> -> memref<1x128xi32, #tpu.memory_space<vmem>>
      %dma_wait3A_457 = tpu.memref_squeeze %dma_wait3A_456 : memref<1x128xi32, #tpu.memory_space<vmem>> -> memref<128xi32, #tpu.memory_space<vmem>>
      %dma_wait3A_458 = arith.constant 0 : i32
      %dma_wait3A_459 = arith.constant 0 : i32
      %dma_wait3A_460 = tpu.memref_slice %arg2[%dma_wait3A_458, %dma_wait3A_459] : memref<10240x128xf32, #tpu.memory_space<hbm>> -> memref<10240x128xf32, #tpu.memory_space<hbm>>
      tpu.wait_indirect_dma semaphore(%arg15 : memref<!tpu.dma_semaphore, #tpu.memory_space<semaphore_mem>>) src(%dma_wait3A_460 : memref<10240x128xf32, #tpu.memory_space<hbm>>) dst(%arg9 : memref<128x128xf32, #tpu.memory_space<vmem>>)
      %dma_start3A_461 = arith.constant 5 : i32
      %dma_start3A_462 = arith.constant 0 : i32
      %dma_start3A_463 = tpu.memref_slice %arg7[%dma_start3A_461, %dma_start3A_462] : memref<16x128xi32, #tpu.memory_space<vmem>> -> memref<1x128xi32, #tpu.memory_space<vmem>>
      %dma_start3A_464 = tpu.memref_squeeze %dma_start3A_463 : memref<1x128xi32, #tpu.memory_space<vmem>> -> memref<128xi32, #tpu.memory_space<vmem>>
      %dma_start3A_465 = arith.constant 0 : i32
      %dma_start3A_466 = arith.constant 0 : i32
      %dma_start3A_467 = tpu.memref_slice %arg13[%dma_start3A_465, %dma_start3A_466] : memref<6144x128xf32, #tpu.memory_space<vmem_shared>> -> memref<6144x128xf32, #tpu.memory_space<vmem_shared>>
      tpu.enqueue_indirect_dma source(%arg9 : memref<128x128xf32, #tpu.memory_space<vmem>>) target(%dma_start3A_467 : memref<6144x128xf32, #tpu.memory_space<vmem_shared>>) offsets(%dma_start3A_464 : memref<128xi32, #tpu.memory_space<vmem>>) semaphore(%arg19 : memref<!tpu.dma_semaphore, #tpu.memory_space<semaphore_mem>>) {add = true}
      %dma_wait3A_468 = arith.constant 5 : i32
      %dma_wait3A_469 = arith.constant 0 : i32
      %dma_wait3A_470 = tpu.memref_slice %arg7[%dma_wait3A_468, %dma_wait3A_469] : memref<16x128xi32, #tpu.memory_space<vmem>> -> memref<1x128xi32, #tpu.memory_space<vmem>>
      %dma_wait3A_471 = tpu.memref_squeeze %dma_wait3A_470 : memref<1x128xi32, #tpu.memory_space<vmem>> -> memref<128xi32, #tpu.memory_space<vmem>>
      %dma_wait3A_472 = arith.constant 0 : i32
      %dma_wait3A_473 = arith.constant 0 : i32
      %dma_wait3A_474 = tpu.memref_slice %arg13[%dma_wait3A_472, %dma_wait3A_473] : memref<6144x128xf32, #tpu.memory_space<vmem_shared>> -> memref<6144x128xf32, #tpu.memory_space<vmem_shared>>
      tpu.wait_indirect_dma semaphore(%arg19 : memref<!tpu.dma_semaphore, #tpu.memory_space<semaphore_mem>>) src(%arg9 : memref<128x128xf32, #tpu.memory_space<vmem>>) dst(%dma_wait3A_474 : memref<6144x128xf32, #tpu.memory_space<vmem_shared>>)
      %dma_start3A_475 = arith.constant 9 : i32
      %dma_start3A_476 = arith.constant 0 : i32
      %dma_start3A_477 = tpu.memref_slice %arg6[%dma_start3A_475, %dma_start3A_476] : memref<16x128xi32, #tpu.memory_space<vmem>> -> memref<1x128xi32, #tpu.memory_space<vmem>>
      %dma_start3A_478 = tpu.memref_squeeze %dma_start3A_477 : memref<1x128xi32, #tpu.memory_space<vmem>> -> memref<128xi32, #tpu.memory_space<vmem>>
      %dma_start3A_479 = arith.constant 0 : i32
      %dma_start3A_480 = arith.constant 0 : i32
      %dma_start3A_481 = tpu.memref_slice %arg2[%dma_start3A_479, %dma_start3A_480] : memref<10240x128xf32, #tpu.memory_space<hbm>> -> memref<10240x128xf32, #tpu.memory_space<hbm>>
      tpu.enqueue_indirect_dma source(%dma_start3A_481 : memref<10240x128xf32, #tpu.memory_space<hbm>>) target(%arg9 : memref<128x128xf32, #tpu.memory_space<vmem>>) offsets(%dma_start3A_478 : memref<128xi32, #tpu.memory_space<vmem>>) semaphore(%arg15 : memref<!tpu.dma_semaphore, #tpu.memory_space<semaphore_mem>>)
      %dma_wait3A_482 = arith.constant 6 : i32
      %dma_wait3A_483 = arith.constant 0 : i32
      %dma_wait3A_484 = tpu.memref_slice %arg6[%dma_wait3A_482, %dma_wait3A_483] : memref<16x128xi32, #tpu.memory_space<vmem>> -> memref<1x128xi32, #tpu.memory_space<vmem>>
      %dma_wait3A_485 = tpu.memref_squeeze %dma_wait3A_484 : memref<1x128xi32, #tpu.memory_space<vmem>> -> memref<128xi32, #tpu.memory_space<vmem>>
      %dma_wait3A_486 = arith.constant 0 : i32
      %dma_wait3A_487 = arith.constant 0 : i32
      %dma_wait3A_488 = tpu.memref_slice %arg2[%dma_wait3A_486, %dma_wait3A_487] : memref<10240x128xf32, #tpu.memory_space<hbm>> -> memref<10240x128xf32, #tpu.memory_space<hbm>>
      tpu.wait_indirect_dma semaphore(%arg16 : memref<!tpu.dma_semaphore, #tpu.memory_space<semaphore_mem>>) src(%dma_wait3A_488 : memref<10240x128xf32, #tpu.memory_space<hbm>>) dst(%arg10 : memref<128x128xf32, #tpu.memory_space<vmem>>)
      %dma_start3A_489 = arith.constant 6 : i32
      %dma_start3A_490 = arith.constant 0 : i32
      %dma_start3A_491 = tpu.memref_slice %arg7[%dma_start3A_489, %dma_start3A_490] : memref<16x128xi32, #tpu.memory_space<vmem>> -> memref<1x128xi32, #tpu.memory_space<vmem>>
      %dma_start3A_492 = tpu.memref_squeeze %dma_start3A_491 : memref<1x128xi32, #tpu.memory_space<vmem>> -> memref<128xi32, #tpu.memory_space<vmem>>
      %dma_start3A_493 = arith.constant 0 : i32
      %dma_start3A_494 = arith.constant 0 : i32
      %dma_start3A_495 = tpu.memref_slice %arg13[%dma_start3A_493, %dma_start3A_494] : memref<6144x128xf32, #tpu.memory_space<vmem_shared>> -> memref<6144x128xf32, #tpu.memory_space<vmem_shared>>
      tpu.enqueue_indirect_dma source(%arg10 : memref<128x128xf32, #tpu.memory_space<vmem>>) target(%dma_start3A_495 : memref<6144x128xf32, #tpu.memory_space<vmem_shared>>) offsets(%dma_start3A_492 : memref<128xi32, #tpu.memory_space<vmem>>) semaphore(%arg20 : memref<!tpu.dma_semaphore, #tpu.memory_space<semaphore_mem>>) {add = true}
      %dma_wait3A_496 = arith.constant 6 : i32
      %dma_wait3A_497 = arith.constant 0 : i32
      %dma_wait3A_498 = tpu.memref_slice %arg7[%dma_wait3A_496, %dma_wait3A_497] : memref<16x128xi32, #tpu.memory_space<vmem>> -> memref<1x128xi32, #tpu.memory_space<vmem>>
      %dma_wait3A_499 = tpu.memref_squeeze %dma_wait3A_498 : memref<1x128xi32, #tpu.memory_space<vmem>> -> memref<128xi32, #tpu.memory_space<vmem>>
      %dma_wait3A_500 = arith.constant 0 : i32
      %dma_wait3A_501 = arith.constant 0 : i32
      %dma_wait3A_502 = tpu.memref_slice %arg13[%dma_wait3A_500, %dma_wait3A_501] : memref<6144x128xf32, #tpu.memory_space<vmem_shared>> -> memref<6144x128xf32, #tpu.memory_space<vmem_shared>>
      tpu.wait_indirect_dma semaphore(%arg20 : memref<!tpu.dma_semaphore, #tpu.memory_space<semaphore_mem>>) src(%arg10 : memref<128x128xf32, #tpu.memory_space<vmem>>) dst(%dma_wait3A_502 : memref<6144x128xf32, #tpu.memory_space<vmem_shared>>)
      %dma_start3A_503 = arith.constant 10 : i32
      %dma_start3A_504 = arith.constant 0 : i32
      %dma_start3A_505 = tpu.memref_slice %arg6[%dma_start3A_503, %dma_start3A_504] : memref<16x128xi32, #tpu.memory_space<vmem>> -> memref<1x128xi32, #tpu.memory_space<vmem>>
      %dma_start3A_506 = tpu.memref_squeeze %dma_start3A_505 : memref<1x128xi32, #tpu.memory_space<vmem>> -> memref<128xi32, #tpu.memory_space<vmem>>
      %dma_start3A_507 = arith.constant 0 : i32
      %dma_start3A_508 = arith.constant 0 : i32
      %dma_start3A_509 = tpu.memref_slice %arg2[%dma_start3A_507, %dma_start3A_508] : memref<10240x128xf32, #tpu.memory_space<hbm>> -> memref<10240x128xf32, #tpu.memory_space<hbm>>
      tpu.enqueue_indirect_dma source(%dma_start3A_509 : memref<10240x128xf32, #tpu.memory_space<hbm>>) target(%arg10 : memref<128x128xf32, #tpu.memory_space<vmem>>) offsets(%dma_start3A_506 : memref<128xi32, #tpu.memory_space<vmem>>) semaphore(%arg16 : memref<!tpu.dma_semaphore, #tpu.memory_space<semaphore_mem>>)
      %dma_wait3A_510 = arith.constant 7 : i32
      %dma_wait3A_511 = arith.constant 0 : i32
      %dma_wait3A_512 = tpu.memref_slice %arg6[%dma_wait3A_510, %dma_wait3A_511] : memref<16x128xi32, #tpu.memory_space<vmem>> -> memref<1x128xi32, #tpu.memory_space<vmem>>
      %dma_wait3A_513 = tpu.memref_squeeze %dma_wait3A_512 : memref<1x128xi32, #tpu.memory_space<vmem>> -> memref<128xi32, #tpu.memory_space<vmem>>
      %dma_wait3A_514 = arith.constant 0 : i32
      %dma_wait3A_515 = arith.constant 0 : i32
      %dma_wait3A_516 = tpu.memref_slice %arg2[%dma_wait3A_514, %dma_wait3A_515] : memref<10240x128xf32, #tpu.memory_space<hbm>> -> memref<10240x128xf32, #tpu.memory_space<hbm>>
      tpu.wait_indirect_dma semaphore(%arg17 : memref<!tpu.dma_semaphore, #tpu.memory_space<semaphore_mem>>) src(%dma_wait3A_516 : memref<10240x128xf32, #tpu.memory_space<hbm>>) dst(%arg11 : memref<128x128xf32, #tpu.memory_space<vmem>>)
      %dma_start3A_517 = arith.constant 7 : i32
      %dma_start3A_518 = arith.constant 0 : i32
      %dma_start3A_519 = tpu.memref_slice %arg7[%dma_start3A_517, %dma_start3A_518] : memref<16x128xi32, #tpu.memory_space<vmem>> -> memref<1x128xi32, #tpu.memory_space<vmem>>
      %dma_start3A_520 = tpu.memref_squeeze %dma_start3A_519 : memref<1x128xi32, #tpu.memory_space<vmem>> -> memref<128xi32, #tpu.memory_space<vmem>>
      %dma_start3A_521 = arith.constant 0 : i32
      %dma_start3A_522 = arith.constant 0 : i32
      %dma_start3A_523 = tpu.memref_slice %arg13[%dma_start3A_521, %dma_start3A_522] : memref<6144x128xf32, #tpu.memory_space<vmem_shared>> -> memref<6144x128xf32, #tpu.memory_space<vmem_shared>>
      tpu.enqueue_indirect_dma source(%arg11 : memref<128x128xf32, #tpu.memory_space<vmem>>) target(%dma_start3A_523 : memref<6144x128xf32, #tpu.memory_space<vmem_shared>>) offsets(%dma_start3A_520 : memref<128xi32, #tpu.memory_space<vmem>>) semaphore(%arg21 : memref<!tpu.dma_semaphore, #tpu.memory_space<semaphore_mem>>) {add = true}
      %dma_wait3A_524 = arith.constant 7 : i32
      %dma_wait3A_525 = arith.constant 0 : i32
      %dma_wait3A_526 = tpu.memref_slice %arg7[%dma_wait3A_524, %dma_wait3A_525] : memref<16x128xi32, #tpu.memory_space<vmem>> -> memref<1x128xi32, #tpu.memory_space<vmem>>
      %dma_wait3A_527 = tpu.memref_squeeze %dma_wait3A_526 : memref<1x128xi32, #tpu.memory_space<vmem>> -> memref<128xi32, #tpu.memory_space<vmem>>
      %dma_wait3A_528 = arith.constant 0 : i32
      %dma_wait3A_529 = arith.constant 0 : i32
      %dma_wait3A_530 = tpu.memref_slice %arg13[%dma_wait3A_528, %dma_wait3A_529] : memref<6144x128xf32, #tpu.memory_space<vmem_shared>> -> memref<6144x128xf32, #tpu.memory_space<vmem_shared>>
      tpu.wait_indirect_dma semaphore(%arg21 : memref<!tpu.dma_semaphore, #tpu.memory_space<semaphore_mem>>) src(%arg11 : memref<128x128xf32, #tpu.memory_space<vmem>>) dst(%dma_wait3A_530 : memref<6144x128xf32, #tpu.memory_space<vmem_shared>>)
      %dma_start3A_531 = arith.constant 11 : i32
      %dma_start3A_532 = arith.constant 0 : i32
      %dma_start3A_533 = tpu.memref_slice %arg6[%dma_start3A_531, %dma_start3A_532] : memref<16x128xi32, #tpu.memory_space<vmem>> -> memref<1x128xi32, #tpu.memory_space<vmem>>
      %dma_start3A_534 = tpu.memref_squeeze %dma_start3A_533 : memref<1x128xi32, #tpu.memory_space<vmem>> -> memref<128xi32, #tpu.memory_space<vmem>>
      %dma_start3A_535 = arith.constant 0 : i32
      %dma_start3A_536 = arith.constant 0 : i32
      %dma_start3A_537 = tpu.memref_slice %arg2[%dma_start3A_535, %dma_start3A_536] : memref<10240x128xf32, #tpu.memory_space<hbm>> -> memref<10240x128xf32, #tpu.memory_space<hbm>>
      tpu.enqueue_indirect_dma source(%dma_start3A_537 : memref<10240x128xf32, #tpu.memory_space<hbm>>) target(%arg11 : memref<128x128xf32, #tpu.memory_space<vmem>>) offsets(%dma_start3A_534 : memref<128xi32, #tpu.memory_space<vmem>>) semaphore(%arg17 : memref<!tpu.dma_semaphore, #tpu.memory_space<semaphore_mem>>)
      %dma_wait3A_538 = arith.constant 8 : i32
      %dma_wait3A_539 = arith.constant 0 : i32
      %dma_wait3A_540 = tpu.memref_slice %arg6[%dma_wait3A_538, %dma_wait3A_539] : memref<16x128xi32, #tpu.memory_space<vmem>> -> memref<1x128xi32, #tpu.memory_space<vmem>>
      %dma_wait3A_541 = tpu.memref_squeeze %dma_wait3A_540 : memref<1x128xi32, #tpu.memory_space<vmem>> -> memref<128xi32, #tpu.memory_space<vmem>>
      %dma_wait3A_542 = arith.constant 0 : i32
      %dma_wait3A_543 = arith.constant 0 : i32
      %dma_wait3A_544 = tpu.memref_slice %arg2[%dma_wait3A_542, %dma_wait3A_543] : memref<10240x128xf32, #tpu.memory_space<hbm>> -> memref<10240x128xf32, #tpu.memory_space<hbm>>
      tpu.wait_indirect_dma semaphore(%arg14 : memref<!tpu.dma_semaphore, #tpu.memory_space<semaphore_mem>>) src(%dma_wait3A_544 : memref<10240x128xf32, #tpu.memory_space<hbm>>) dst(%arg8 : memref<128x128xf32, #tpu.memory_space<vmem>>)
      %dma_start3A_545 = arith.constant 8 : i32
      %dma_start3A_546 = arith.constant 0 : i32
      %dma_start3A_547 = tpu.memref_slice %arg7[%dma_start3A_545, %dma_start3A_546] : memref<16x128xi32, #tpu.memory_space<vmem>> -> memref<1x128xi32, #tpu.memory_space<vmem>>
      %dma_start3A_548 = tpu.memref_squeeze %dma_start3A_547 : memref<1x128xi32, #tpu.memory_space<vmem>> -> memref<128xi32, #tpu.memory_space<vmem>>
      %dma_start3A_549 = arith.constant 0 : i32
      %dma_start3A_550 = arith.constant 0 : i32
      %dma_start3A_551 = tpu.memref_slice %arg13[%dma_start3A_549, %dma_start3A_550] : memref<6144x128xf32, #tpu.memory_space<vmem_shared>> -> memref<6144x128xf32, #tpu.memory_space<vmem_shared>>
      tpu.enqueue_indirect_dma source(%arg8 : memref<128x128xf32, #tpu.memory_space<vmem>>) target(%dma_start3A_551 : memref<6144x128xf32, #tpu.memory_space<vmem_shared>>) offsets(%dma_start3A_548 : memref<128xi32, #tpu.memory_space<vmem>>) semaphore(%arg18 : memref<!tpu.dma_semaphore, #tpu.memory_space<semaphore_mem>>) {add = true}
      %dma_wait3A_552 = arith.constant 8 : i32
      %dma_wait3A_553 = arith.constant 0 : i32
      %dma_wait3A_554 = tpu.memref_slice %arg7[%dma_wait3A_552, %dma_wait3A_553] : memref<16x128xi32, #tpu.memory_space<vmem>> -> memref<1x128xi32, #tpu.memory_space<vmem>>
      %dma_wait3A_555 = tpu.memref_squeeze %dma_wait3A_554 : memref<1x128xi32, #tpu.memory_space<vmem>> -> memref<128xi32, #tpu.memory_space<vmem>>
      %dma_wait3A_556 = arith.constant 0 : i32
      %dma_wait3A_557 = arith.constant 0 : i32
      %dma_wait3A_558 = tpu.memref_slice %arg13[%dma_wait3A_556, %dma_wait3A_557] : memref<6144x128xf32, #tpu.memory_space<vmem_shared>> -> memref<6144x128xf32, #tpu.memory_space<vmem_shared>>
      tpu.wait_indirect_dma semaphore(%arg18 : memref<!tpu.dma_semaphore, #tpu.memory_space<semaphore_mem>>) src(%arg8 : memref<128x128xf32, #tpu.memory_space<vmem>>) dst(%dma_wait3A_558 : memref<6144x128xf32, #tpu.memory_space<vmem_shared>>)
      %dma_start3A_559 = arith.constant 12 : i32
      %dma_start3A_560 = arith.constant 0 : i32
      %dma_start3A_561 = tpu.memref_slice %arg6[%dma_start3A_559, %dma_start3A_560] : memref<16x128xi32, #tpu.memory_space<vmem>> -> memref<1x128xi32, #tpu.memory_space<vmem>>
      %dma_start3A_562 = tpu.memref_squeeze %dma_start3A_561 : memref<1x128xi32, #tpu.memory_space<vmem>> -> memref<128xi32, #tpu.memory_space<vmem>>
      %dma_start3A_563 = arith.constant 0 : i32
      %dma_start3A_564 = arith.constant 0 : i32
      %dma_start3A_565 = tpu.memref_slice %arg2[%dma_start3A_563, %dma_start3A_564] : memref<10240x128xf32, #tpu.memory_space<hbm>> -> memref<10240x128xf32, #tpu.memory_space<hbm>>
      tpu.enqueue_indirect_dma source(%dma_start3A_565 : memref<10240x128xf32, #tpu.memory_space<hbm>>) target(%arg8 : memref<128x128xf32, #tpu.memory_space<vmem>>) offsets(%dma_start3A_562 : memref<128xi32, #tpu.memory_space<vmem>>) semaphore(%arg14 : memref<!tpu.dma_semaphore, #tpu.memory_space<semaphore_mem>>)
      %dma_wait3A_566 = arith.constant 9 : i32
      %dma_wait3A_567 = arith.constant 0 : i32
      %dma_wait3A_568 = tpu.memref_slice %arg6[%dma_wait3A_566, %dma_wait3A_567] : memref<16x128xi32, #tpu.memory_space<vmem>> -> memref<1x128xi32, #tpu.memory_space<vmem>>
      %dma_wait3A_569 = tpu.memref_squeeze %dma_wait3A_568 : memref<1x128xi32, #tpu.memory_space<vmem>> -> memref<128xi32, #tpu.memory_space<vmem>>
      %dma_wait3A_570 = arith.constant 0 : i32
      %dma_wait3A_571 = arith.constant 0 : i32
      %dma_wait3A_572 = tpu.memref_slice %arg2[%dma_wait3A_570, %dma_wait3A_571] : memref<10240x128xf32, #tpu.memory_space<hbm>> -> memref<10240x128xf32, #tpu.memory_space<hbm>>
      tpu.wait_indirect_dma semaphore(%arg15 : memref<!tpu.dma_semaphore, #tpu.memory_space<semaphore_mem>>) src(%dma_wait3A_572 : memref<10240x128xf32, #tpu.memory_space<hbm>>) dst(%arg9 : memref<128x128xf32, #tpu.memory_space<vmem>>)
      %dma_start3A_573 = arith.constant 9 : i32
      %dma_start3A_574 = arith.constant 0 : i32
      %dma_start3A_575 = tpu.memref_slice %arg7[%dma_start3A_573, %dma_start3A_574] : memref<16x128xi32, #tpu.memory_space<vmem>> -> memref<1x128xi32, #tpu.memory_space<vmem>>
      %dma_start3A_576 = tpu.memref_squeeze %dma_start3A_575 : memref<1x128xi32, #tpu.memory_space<vmem>> -> memref<128xi32, #tpu.memory_space<vmem>>
      %dma_start3A_577 = arith.constant 0 : i32
      %dma_start3A_578 = arith.constant 0 : i32
      %dma_start3A_579 = tpu.memref_slice %arg13[%dma_start3A_577, %dma_start3A_578] : memref<6144x128xf32, #tpu.memory_space<vmem_shared>> -> memref<6144x128xf32, #tpu.memory_space<vmem_shared>>
      tpu.enqueue_indirect_dma source(%arg9 : memref<128x128xf32, #tpu.memory_space<vmem>>) target(%dma_start3A_579 : memref<6144x128xf32, #tpu.memory_space<vmem_shared>>) offsets(%dma_start3A_576 : memref<128xi32, #tpu.memory_space<vmem>>) semaphore(%arg19 : memref<!tpu.dma_semaphore, #tpu.memory_space<semaphore_mem>>) {add = true}
      %dma_wait3A_580 = arith.constant 9 : i32
      %dma_wait3A_581 = arith.constant 0 : i32
      %dma_wait3A_582 = tpu.memref_slice %arg7[%dma_wait3A_580, %dma_wait3A_581] : memref<16x128xi32, #tpu.memory_space<vmem>> -> memref<1x128xi32, #tpu.memory_space<vmem>>
      %dma_wait3A_583 = tpu.memref_squeeze %dma_wait3A_582 : memref<1x128xi32, #tpu.memory_space<vmem>> -> memref<128xi32, #tpu.memory_space<vmem>>
      %dma_wait3A_584 = arith.constant 0 : i32
      %dma_wait3A_585 = arith.constant 0 : i32
      %dma_wait3A_586 = tpu.memref_slice %arg13[%dma_wait3A_584, %dma_wait3A_585] : memref<6144x128xf32, #tpu.memory_space<vmem_shared>> -> memref<6144x128xf32, #tpu.memory_space<vmem_shared>>
      tpu.wait_indirect_dma semaphore(%arg19 : memref<!tpu.dma_semaphore, #tpu.memory_space<semaphore_mem>>) src(%arg9 : memref<128x128xf32, #tpu.memory_space<vmem>>) dst(%dma_wait3A_586 : memref<6144x128xf32, #tpu.memory_space<vmem_shared>>)
      %dma_start3A_587 = arith.constant 13 : i32
      %dma_start3A_588 = arith.constant 0 : i32
      %dma_start3A_589 = tpu.memref_slice %arg6[%dma_start3A_587, %dma_start3A_588] : memref<16x128xi32, #tpu.memory_space<vmem>> -> memref<1x128xi32, #tpu.memory_space<vmem>>
      %dma_start3A_590 = tpu.memref_squeeze %dma_start3A_589 : memref<1x128xi32, #tpu.memory_space<vmem>> -> memref<128xi32, #tpu.memory_space<vmem>>
      %dma_start3A_591 = arith.constant 0 : i32
      %dma_start3A_592 = arith.constant 0 : i32
      %dma_start3A_593 = tpu.memref_slice %arg2[%dma_start3A_591, %dma_start3A_592] : memref<10240x128xf32, #tpu.memory_space<hbm>> -> memref<10240x128xf32, #tpu.memory_space<hbm>>
      tpu.enqueue_indirect_dma source(%dma_start3A_593 : memref<10240x128xf32, #tpu.memory_space<hbm>>) target(%arg9 : memref<128x128xf32, #tpu.memory_space<vmem>>) offsets(%dma_start3A_590 : memref<128xi32, #tpu.memory_space<vmem>>) semaphore(%arg15 : memref<!tpu.dma_semaphore, #tpu.memory_space<semaphore_mem>>)
      %dma_wait3A_594 = arith.constant 10 : i32
      %dma_wait3A_595 = arith.constant 0 : i32
      %dma_wait3A_596 = tpu.memref_slice %arg6[%dma_wait3A_594, %dma_wait3A_595] : memref<16x128xi32, #tpu.memory_space<vmem>> -> memref<1x128xi32, #tpu.memory_space<vmem>>
      %dma_wait3A_597 = tpu.memref_squeeze %dma_wait3A_596 : memref<1x128xi32, #tpu.memory_space<vmem>> -> memref<128xi32, #tpu.memory_space<vmem>>
      %dma_wait3A_598 = arith.constant 0 : i32
      %dma_wait3A_599 = arith.constant 0 : i32
      %dma_wait3A_600 = tpu.memref_slice %arg2[%dma_wait3A_598, %dma_wait3A_599] : memref<10240x128xf32, #tpu.memory_space<hbm>> -> memref<10240x128xf32, #tpu.memory_space<hbm>>
      tpu.wait_indirect_dma semaphore(%arg16 : memref<!tpu.dma_semaphore, #tpu.memory_space<semaphore_mem>>) src(%dma_wait3A_600 : memref<10240x128xf32, #tpu.memory_space<hbm>>) dst(%arg10 : memref<128x128xf32, #tpu.memory_space<vmem>>)
      %dma_start3A_601 = arith.constant 10 : i32
      %dma_start3A_602 = arith.constant 0 : i32
      %dma_start3A_603 = tpu.memref_slice %arg7[%dma_start3A_601, %dma_start3A_602] : memref<16x128xi32, #tpu.memory_space<vmem>> -> memref<1x128xi32, #tpu.memory_space<vmem>>
      %dma_start3A_604 = tpu.memref_squeeze %dma_start3A_603 : memref<1x128xi32, #tpu.memory_space<vmem>> -> memref<128xi32, #tpu.memory_space<vmem>>
      %dma_start3A_605 = arith.constant 0 : i32
      %dma_start3A_606 = arith.constant 0 : i32
      %dma_start3A_607 = tpu.memref_slice %arg13[%dma_start3A_605, %dma_start3A_606] : memref<6144x128xf32, #tpu.memory_space<vmem_shared>> -> memref<6144x128xf32, #tpu.memory_space<vmem_shared>>
      tpu.enqueue_indirect_dma source(%arg10 : memref<128x128xf32, #tpu.memory_space<vmem>>) target(%dma_start3A_607 : memref<6144x128xf32, #tpu.memory_space<vmem_shared>>) offsets(%dma_start3A_604 : memref<128xi32, #tpu.memory_space<vmem>>) semaphore(%arg20 : memref<!tpu.dma_semaphore, #tpu.memory_space<semaphore_mem>>) {add = true}
      %dma_wait3A_608 = arith.constant 10 : i32
      %dma_wait3A_609 = arith.constant 0 : i32
      %dma_wait3A_610 = tpu.memref_slice %arg7[%dma_wait3A_608, %dma_wait3A_609] : memref<16x128xi32, #tpu.memory_space<vmem>> -> memref<1x128xi32, #tpu.memory_space<vmem>>
      %dma_wait3A_611 = tpu.memref_squeeze %dma_wait3A_610 : memref<1x128xi32, #tpu.memory_space<vmem>> -> memref<128xi32, #tpu.memory_space<vmem>>
      %dma_wait3A_612 = arith.constant 0 : i32
      %dma_wait3A_613 = arith.constant 0 : i32
      %dma_wait3A_614 = tpu.memref_slice %arg13[%dma_wait3A_612, %dma_wait3A_613] : memref<6144x128xf32, #tpu.memory_space<vmem_shared>> -> memref<6144x128xf32, #tpu.memory_space<vmem_shared>>
      tpu.wait_indirect_dma semaphore(%arg20 : memref<!tpu.dma_semaphore, #tpu.memory_space<semaphore_mem>>) src(%arg10 : memref<128x128xf32, #tpu.memory_space<vmem>>) dst(%dma_wait3A_614 : memref<6144x128xf32, #tpu.memory_space<vmem_shared>>)
      %dma_start3A_615 = arith.constant 14 : i32
      %dma_start3A_616 = arith.constant 0 : i32
      %dma_start3A_617 = tpu.memref_slice %arg6[%dma_start3A_615, %dma_start3A_616] : memref<16x128xi32, #tpu.memory_space<vmem>> -> memref<1x128xi32, #tpu.memory_space<vmem>>
      %dma_start3A_618 = tpu.memref_squeeze %dma_start3A_617 : memref<1x128xi32, #tpu.memory_space<vmem>> -> memref<128xi32, #tpu.memory_space<vmem>>
      %dma_start3A_619 = arith.constant 0 : i32
      %dma_start3A_620 = arith.constant 0 : i32
      %dma_start3A_621 = tpu.memref_slice %arg2[%dma_start3A_619, %dma_start3A_620] : memref<10240x128xf32, #tpu.memory_space<hbm>> -> memref<10240x128xf32, #tpu.memory_space<hbm>>
      tpu.enqueue_indirect_dma source(%dma_start3A_621 : memref<10240x128xf32, #tpu.memory_space<hbm>>) target(%arg10 : memref<128x128xf32, #tpu.memory_space<vmem>>) offsets(%dma_start3A_618 : memref<128xi32, #tpu.memory_space<vmem>>) semaphore(%arg16 : memref<!tpu.dma_semaphore, #tpu.memory_space<semaphore_mem>>)
      %dma_wait3A_622 = arith.constant 11 : i32
      %dma_wait3A_623 = arith.constant 0 : i32
      %dma_wait3A_624 = tpu.memref_slice %arg6[%dma_wait3A_622, %dma_wait3A_623] : memref<16x128xi32, #tpu.memory_space<vmem>> -> memref<1x128xi32, #tpu.memory_space<vmem>>
      %dma_wait3A_625 = tpu.memref_squeeze %dma_wait3A_624 : memref<1x128xi32, #tpu.memory_space<vmem>> -> memref<128xi32, #tpu.memory_space<vmem>>
      %dma_wait3A_626 = arith.constant 0 : i32
      %dma_wait3A_627 = arith.constant 0 : i32
      %dma_wait3A_628 = tpu.memref_slice %arg2[%dma_wait3A_626, %dma_wait3A_627] : memref<10240x128xf32, #tpu.memory_space<hbm>> -> memref<10240x128xf32, #tpu.memory_space<hbm>>
      tpu.wait_indirect_dma semaphore(%arg17 : memref<!tpu.dma_semaphore, #tpu.memory_space<semaphore_mem>>) src(%dma_wait3A_628 : memref<10240x128xf32, #tpu.memory_space<hbm>>) dst(%arg11 : memref<128x128xf32, #tpu.memory_space<vmem>>)
      %dma_start3A_629 = arith.constant 11 : i32
      %dma_start3A_630 = arith.constant 0 : i32
      %dma_start3A_631 = tpu.memref_slice %arg7[%dma_start3A_629, %dma_start3A_630] : memref<16x128xi32, #tpu.memory_space<vmem>> -> memref<1x128xi32, #tpu.memory_space<vmem>>
      %dma_start3A_632 = tpu.memref_squeeze %dma_start3A_631 : memref<1x128xi32, #tpu.memory_space<vmem>> -> memref<128xi32, #tpu.memory_space<vmem>>
      %dma_start3A_633 = arith.constant 0 : i32
      %dma_start3A_634 = arith.constant 0 : i32
      %dma_start3A_635 = tpu.memref_slice %arg13[%dma_start3A_633, %dma_start3A_634] : memref<6144x128xf32, #tpu.memory_space<vmem_shared>> -> memref<6144x128xf32, #tpu.memory_space<vmem_shared>>
      tpu.enqueue_indirect_dma source(%arg11 : memref<128x128xf32, #tpu.memory_space<vmem>>) target(%dma_start3A_635 : memref<6144x128xf32, #tpu.memory_space<vmem_shared>>) offsets(%dma_start3A_632 : memref<128xi32, #tpu.memory_space<vmem>>) semaphore(%arg21 : memref<!tpu.dma_semaphore, #tpu.memory_space<semaphore_mem>>) {add = true}
      %dma_wait3A_636 = arith.constant 11 : i32
      %dma_wait3A_637 = arith.constant 0 : i32
      %dma_wait3A_638 = tpu.memref_slice %arg7[%dma_wait3A_636, %dma_wait3A_637] : memref<16x128xi32, #tpu.memory_space<vmem>> -> memref<1x128xi32, #tpu.memory_space<vmem>>
      %dma_wait3A_639 = tpu.memref_squeeze %dma_wait3A_638 : memref<1x128xi32, #tpu.memory_space<vmem>> -> memref<128xi32, #tpu.memory_space<vmem>>
      %dma_wait3A_640 = arith.constant 0 : i32
      %dma_wait3A_641 = arith.constant 0 : i32
      %dma_wait3A_642 = tpu.memref_slice %arg13[%dma_wait3A_640, %dma_wait3A_641] : memref<6144x128xf32, #tpu.memory_space<vmem_shared>> -> memref<6144x128xf32, #tpu.memory_space<vmem_shared>>
      tpu.wait_indirect_dma semaphore(%arg21 : memref<!tpu.dma_semaphore, #tpu.memory_space<semaphore_mem>>) src(%arg11 : memref<128x128xf32, #tpu.memory_space<vmem>>) dst(%dma_wait3A_642 : memref<6144x128xf32, #tpu.memory_space<vmem_shared>>)
      %dma_start3A_643 = arith.constant 15 : i32
      %dma_start3A_644 = arith.constant 0 : i32
      %dma_start3A_645 = tpu.memref_slice %arg6[%dma_start3A_643, %dma_start3A_644] : memref<16x128xi32, #tpu.memory_space<vmem>> -> memref<1x128xi32, #tpu.memory_space<vmem>>
      %dma_start3A_646 = tpu.memref_squeeze %dma_start3A_645 : memref<1x128xi32, #tpu.memory_space<vmem>> -> memref<128xi32, #tpu.memory_space<vmem>>
      %dma_start3A_647 = arith.constant 0 : i32
      %dma_start3A_648 = arith.constant 0 : i32
      %dma_start3A_649 = tpu.memref_slice %arg2[%dma_start3A_647, %dma_start3A_648] : memref<10240x128xf32, #tpu.memory_space<hbm>> -> memref<10240x128xf32, #tpu.memory_space<hbm>>
      tpu.enqueue_indirect_dma source(%dma_start3A_649 : memref<10240x128xf32, #tpu.memory_space<hbm>>) target(%arg11 : memref<128x128xf32, #tpu.memory_space<vmem>>) offsets(%dma_start3A_646 : memref<128xi32, #tpu.memory_space<vmem>>) semaphore(%arg17 : memref<!tpu.dma_semaphore, #tpu.memory_space<semaphore_mem>>)
      %dma_wait3A_650 = arith.constant 12 : i32
      %dma_wait3A_651 = arith.constant 0 : i32
      %dma_wait3A_652 = tpu.memref_slice %arg6[%dma_wait3A_650, %dma_wait3A_651] : memref<16x128xi32, #tpu.memory_space<vmem>> -> memref<1x128xi32, #tpu.memory_space<vmem>>
      %dma_wait3A_653 = tpu.memref_squeeze %dma_wait3A_652 : memref<1x128xi32, #tpu.memory_space<vmem>> -> memref<128xi32, #tpu.memory_space<vmem>>
      %dma_wait3A_654 = arith.constant 0 : i32
      %dma_wait3A_655 = arith.constant 0 : i32
      %dma_wait3A_656 = tpu.memref_slice %arg2[%dma_wait3A_654, %dma_wait3A_655] : memref<10240x128xf32, #tpu.memory_space<hbm>> -> memref<10240x128xf32, #tpu.memory_space<hbm>>
      tpu.wait_indirect_dma semaphore(%arg14 : memref<!tpu.dma_semaphore, #tpu.memory_space<semaphore_mem>>) src(%dma_wait3A_656 : memref<10240x128xf32, #tpu.memory_space<hbm>>) dst(%arg8 : memref<128x128xf32, #tpu.memory_space<vmem>>)
      %dma_start3A_657 = arith.constant 12 : i32
      %dma_start3A_658 = arith.constant 0 : i32
      %dma_start3A_659 = tpu.memref_slice %arg7[%dma_start3A_657, %dma_start3A_658] : memref<16x128xi32, #tpu.memory_space<vmem>> -> memref<1x128xi32, #tpu.memory_space<vmem>>
      %dma_start3A_660 = tpu.memref_squeeze %dma_start3A_659 : memref<1x128xi32, #tpu.memory_space<vmem>> -> memref<128xi32, #tpu.memory_space<vmem>>
      %dma_start3A_661 = arith.constant 0 : i32
      %dma_start3A_662 = arith.constant 0 : i32
      %dma_start3A_663 = tpu.memref_slice %arg13[%dma_start3A_661, %dma_start3A_662] : memref<6144x128xf32, #tpu.memory_space<vmem_shared>> -> memref<6144x128xf32, #tpu.memory_space<vmem_shared>>
      tpu.enqueue_indirect_dma source(%arg8 : memref<128x128xf32, #tpu.memory_space<vmem>>) target(%dma_start3A_663 : memref<6144x128xf32, #tpu.memory_space<vmem_shared>>) offsets(%dma_start3A_660 : memref<128xi32, #tpu.memory_space<vmem>>) semaphore(%arg18 : memref<!tpu.dma_semaphore, #tpu.memory_space<semaphore_mem>>) {add = true}
      %dma_wait3A_664 = arith.constant 13 : i32
      %dma_wait3A_665 = arith.constant 0 : i32
      %dma_wait3A_666 = tpu.memref_slice %arg6[%dma_wait3A_664, %dma_wait3A_665] : memref<16x128xi32, #tpu.memory_space<vmem>> -> memref<1x128xi32, #tpu.memory_space<vmem>>
      %dma_wait3A_667 = tpu.memref_squeeze %dma_wait3A_666 : memref<1x128xi32, #tpu.memory_space<vmem>> -> memref<128xi32, #tpu.memory_space<vmem>>
      %dma_wait3A_668 = arith.constant 0 : i32
      %dma_wait3A_669 = arith.constant 0 : i32
      %dma_wait3A_670 = tpu.memref_slice %arg2[%dma_wait3A_668, %dma_wait3A_669] : memref<10240x128xf32, #tpu.memory_space<hbm>> -> memref<10240x128xf32, #tpu.memory_space<hbm>>
      tpu.wait_indirect_dma semaphore(%arg15 : memref<!tpu.dma_semaphore, #tpu.memory_space<semaphore_mem>>) src(%dma_wait3A_670 : memref<10240x128xf32, #tpu.memory_space<hbm>>) dst(%arg9 : memref<128x128xf32, #tpu.memory_space<vmem>>)
      %dma_start3A_671 = arith.constant 13 : i32
      %dma_start3A_672 = arith.constant 0 : i32
      %dma_start3A_673 = tpu.memref_slice %arg7[%dma_start3A_671, %dma_start3A_672] : memref<16x128xi32, #tpu.memory_space<vmem>> -> memref<1x128xi32, #tpu.memory_space<vmem>>
      %dma_start3A_674 = tpu.memref_squeeze %dma_start3A_673 : memref<1x128xi32, #tpu.memory_space<vmem>> -> memref<128xi32, #tpu.memory_space<vmem>>
      %dma_start3A_675 = arith.constant 0 : i32
      %dma_start3A_676 = arith.constant 0 : i32
      %dma_start3A_677 = tpu.memref_slice %arg13[%dma_start3A_675, %dma_start3A_676] : memref<6144x128xf32, #tpu.memory_space<vmem_shared>> -> memref<6144x128xf32, #tpu.memory_space<vmem_shared>>
      tpu.enqueue_indirect_dma source(%arg9 : memref<128x128xf32, #tpu.memory_space<vmem>>) target(%dma_start3A_677 : memref<6144x128xf32, #tpu.memory_space<vmem_shared>>) offsets(%dma_start3A_674 : memref<128xi32, #tpu.memory_space<vmem>>) semaphore(%arg19 : memref<!tpu.dma_semaphore, #tpu.memory_space<semaphore_mem>>) {add = true}
      %dma_wait3A_678 = arith.constant 14 : i32
      %dma_wait3A_679 = arith.constant 0 : i32
      %dma_wait3A_680 = tpu.memref_slice %arg6[%dma_wait3A_678, %dma_wait3A_679] : memref<16x128xi32, #tpu.memory_space<vmem>> -> memref<1x128xi32, #tpu.memory_space<vmem>>
      %dma_wait3A_681 = tpu.memref_squeeze %dma_wait3A_680 : memref<1x128xi32, #tpu.memory_space<vmem>> -> memref<128xi32, #tpu.memory_space<vmem>>
      %dma_wait3A_682 = arith.constant 0 : i32
      %dma_wait3A_683 = arith.constant 0 : i32
      %dma_wait3A_684 = tpu.memref_slice %arg2[%dma_wait3A_682, %dma_wait3A_683] : memref<10240x128xf32, #tpu.memory_space<hbm>> -> memref<10240x128xf32, #tpu.memory_space<hbm>>
      tpu.wait_indirect_dma semaphore(%arg16 : memref<!tpu.dma_semaphore, #tpu.memory_space<semaphore_mem>>) src(%dma_wait3A_684 : memref<10240x128xf32, #tpu.memory_space<hbm>>) dst(%arg10 : memref<128x128xf32, #tpu.memory_space<vmem>>)
      %dma_start3A_685 = arith.constant 14 : i32
      %dma_start3A_686 = arith.constant 0 : i32
      %dma_start3A_687 = tpu.memref_slice %arg7[%dma_start3A_685, %dma_start3A_686] : memref<16x128xi32, #tpu.memory_space<vmem>> -> memref<1x128xi32, #tpu.memory_space<vmem>>
      %dma_start3A_688 = tpu.memref_squeeze %dma_start3A_687 : memref<1x128xi32, #tpu.memory_space<vmem>> -> memref<128xi32, #tpu.memory_space<vmem>>
      %dma_start3A_689 = arith.constant 0 : i32
      %dma_start3A_690 = arith.constant 0 : i32
      %dma_start3A_691 = tpu.memref_slice %arg13[%dma_start3A_689, %dma_start3A_690] : memref<6144x128xf32, #tpu.memory_space<vmem_shared>> -> memref<6144x128xf32, #tpu.memory_space<vmem_shared>>
      tpu.enqueue_indirect_dma source(%arg10 : memref<128x128xf32, #tpu.memory_space<vmem>>) target(%dma_start3A_691 : memref<6144x128xf32, #tpu.memory_space<vmem_shared>>) offsets(%dma_start3A_688 : memref<128xi32, #tpu.memory_space<vmem>>) semaphore(%arg20 : memref<!tpu.dma_semaphore, #tpu.memory_space<semaphore_mem>>) {add = true}
      %dma_wait3A_692 = arith.constant 15 : i32
      %dma_wait3A_693 = arith.constant 0 : i32
      %dma_wait3A_694 = tpu.memref_slice %arg6[%dma_wait3A_692, %dma_wait3A_693] : memref<16x128xi32, #tpu.memory_space<vmem>> -> memref<1x128xi32, #tpu.memory_space<vmem>>
      %dma_wait3A_695 = tpu.memref_squeeze %dma_wait3A_694 : memref<1x128xi32, #tpu.memory_space<vmem>> -> memref<128xi32, #tpu.memory_space<vmem>>
      %dma_wait3A_696 = arith.constant 0 : i32
      %dma_wait3A_697 = arith.constant 0 : i32
      %dma_wait3A_698 = tpu.memref_slice %arg2[%dma_wait3A_696, %dma_wait3A_697] : memref<10240x128xf32, #tpu.memory_space<hbm>> -> memref<10240x128xf32, #tpu.memory_space<hbm>>
      tpu.wait_indirect_dma semaphore(%arg17 : memref<!tpu.dma_semaphore, #tpu.memory_space<semaphore_mem>>) src(%dma_wait3A_698 : memref<10240x128xf32, #tpu.memory_space<hbm>>) dst(%arg11 : memref<128x128xf32, #tpu.memory_space<vmem>>)
      %dma_start3A_699 = arith.constant 15 : i32
      %dma_start3A_700 = arith.constant 0 : i32
      %dma_start3A_701 = tpu.memref_slice %arg7[%dma_start3A_699, %dma_start3A_700] : memref<16x128xi32, #tpu.memory_space<vmem>> -> memref<1x128xi32, #tpu.memory_space<vmem>>
      %dma_start3A_702 = tpu.memref_squeeze %dma_start3A_701 : memref<1x128xi32, #tpu.memory_space<vmem>> -> memref<128xi32, #tpu.memory_space<vmem>>
      %dma_start3A_703 = arith.constant 0 : i32
      %dma_start3A_704 = arith.constant 0 : i32
      %dma_start3A_705 = tpu.memref_slice %arg13[%dma_start3A_703, %dma_start3A_704] : memref<6144x128xf32, #tpu.memory_space<vmem_shared>> -> memref<6144x128xf32, #tpu.memory_space<vmem_shared>>
      tpu.enqueue_indirect_dma source(%arg11 : memref<128x128xf32, #tpu.memory_space<vmem>>) target(%dma_start3A_705 : memref<6144x128xf32, #tpu.memory_space<vmem_shared>>) offsets(%dma_start3A_702 : memref<128xi32, #tpu.memory_space<vmem>>) semaphore(%arg21 : memref<!tpu.dma_semaphore, #tpu.memory_space<semaphore_mem>>) {add = true}
      %dma_wait3A_706 = arith.constant 12 : i32
      %dma_wait3A_707 = arith.constant 0 : i32
      %dma_wait3A_708 = tpu.memref_slice %arg7[%dma_wait3A_706, %dma_wait3A_707] : memref<16x128xi32, #tpu.memory_space<vmem>> -> memref<1x128xi32, #tpu.memory_space<vmem>>
      %dma_wait3A_709 = tpu.memref_squeeze %dma_wait3A_708 : memref<1x128xi32, #tpu.memory_space<vmem>> -> memref<128xi32, #tpu.memory_space<vmem>>
      %dma_wait3A_710 = arith.constant 0 : i32
      %dma_wait3A_711 = arith.constant 0 : i32
      %dma_wait3A_712 = tpu.memref_slice %arg13[%dma_wait3A_710, %dma_wait3A_711] : memref<6144x128xf32, #tpu.memory_space<vmem_shared>> -> memref<6144x128xf32, #tpu.memory_space<vmem_shared>>
      tpu.wait_indirect_dma semaphore(%arg18 : memref<!tpu.dma_semaphore, #tpu.memory_space<semaphore_mem>>) src(%arg8 : memref<128x128xf32, #tpu.memory_space<vmem>>) dst(%dma_wait3A_712 : memref<6144x128xf32, #tpu.memory_space<vmem_shared>>)
      %dma_wait3A_713 = arith.constant 13 : i32
      %dma_wait3A_714 = arith.constant 0 : i32
      %dma_wait3A_715 = tpu.memref_slice %arg7[%dma_wait3A_713, %dma_wait3A_714] : memref<16x128xi32, #tpu.memory_space<vmem>> -> memref<1x128xi32, #tpu.memory_space<vmem>>
      %dma_wait3A_716 = tpu.memref_squeeze %dma_wait3A_715 : memref<1x128xi32, #tpu.memory_space<vmem>> -> memref<128xi32, #tpu.memory_space<vmem>>
      %dma_wait3A_717 = arith.constant 0 : i32
      %dma_wait3A_718 = arith.constant 0 : i32
      %dma_wait3A_719 = tpu.memref_slice %arg13[%dma_wait3A_717, %dma_wait3A_718] : memref<6144x128xf32, #tpu.memory_space<vmem_shared>> -> memref<6144x128xf32, #tpu.memory_space<vmem_shared>>
      tpu.wait_indirect_dma semaphore(%arg19 : memref<!tpu.dma_semaphore, #tpu.memory_space<semaphore_mem>>) src(%arg9 : memref<128x128xf32, #tpu.memory_space<vmem>>) dst(%dma_wait3A_719 : memref<6144x128xf32, #tpu.memory_space<vmem_shared>>)
      %dma_wait3A_720 = arith.constant 14 : i32
      %dma_wait3A_721 = arith.constant 0 : i32
      %dma_wait3A_722 = tpu.memref_slice %arg7[%dma_wait3A_720, %dma_wait3A_721] : memref<16x128xi32, #tpu.memory_space<vmem>> -> memref<1x128xi32, #tpu.memory_space<vmem>>
      %dma_wait3A_723 = tpu.memref_squeeze %dma_wait3A_722 : memref<1x128xi32, #tpu.memory_space<vmem>> -> memref<128xi32, #tpu.memory_space<vmem>>
      %dma_wait3A_724 = arith.constant 0 : i32
      %dma_wait3A_725 = arith.constant 0 : i32
      %dma_wait3A_726 = tpu.memref_slice %arg13[%dma_wait3A_724, %dma_wait3A_725] : memref<6144x128xf32, #tpu.memory_space<vmem_shared>> -> memref<6144x128xf32, #tpu.memory_space<vmem_shared>>
      tpu.wait_indirect_dma semaphore(%arg20 : memref<!tpu.dma_semaphore, #tpu.memory_space<semaphore_mem>>) src(%arg10 : memref<128x128xf32, #tpu.memory_space<vmem>>) dst(%dma_wait3A_726 : memref<6144x128xf32, #tpu.memory_space<vmem_shared>>)
      %dma_wait3A_727 = arith.constant 15 : i32
      %dma_wait3A_728 = arith.constant 0 : i32
      %dma_wait3A_729 = tpu.memref_slice %arg7[%dma_wait3A_727, %dma_wait3A_728] : memref<16x128xi32, #tpu.memory_space<vmem>> -> memref<1x128xi32, #tpu.memory_space<vmem>>
      %dma_wait3A_730 = tpu.memref_squeeze %dma_wait3A_729 : memref<1x128xi32, #tpu.memory_space<vmem>> -> memref<128xi32, #tpu.memory_space<vmem>>
      %dma_wait3A_731 = arith.constant 0 : i32
      %dma_wait3A_732 = arith.constant 0 : i32
      %dma_wait3A_733 = tpu.memref_slice %arg13[%dma_wait3A_731, %dma_wait3A_732] : memref<6144x128xf32, #tpu.memory_space<vmem_shared>> -> memref<6144x128xf32, #tpu.memory_space<vmem_shared>>
      tpu.wait_indirect_dma semaphore(%arg21 : memref<!tpu.dma_semaphore, #tpu.memory_space<semaphore_mem>>) src(%arg11 : memref<128x128xf32, #tpu.memory_space<vmem>>) dst(%dma_wait3A_733 : memref<6144x128xf32, #tpu.memory_space<vmem_shared>>)
    }
    %scan3A_265 = arith.constant 5 : i32
    %barrier3A_266 = arith.constant 0 : index
    tpu.barrier barrier_id(%barrier3A_266)
    %mul3A_267 = arith.constant 384 : i32
    %mul3A_268 = arith.muli %arg1, %mul3A_267 : i32
    %add3A_269 = arith.constant 0 : i32
    %add3A_270 = arith.addi %mul3A_268, %add3A_269 : i32
    "tpu.region"() ({
      %run_scoped3A = tpu.sem_alloc : memref<!tpu.dma_semaphore, #tpu.memory_space<semaphore_mem>>
      %dma_start3A = arith.constant 0 : i32
      %dma_start3A_279 = tpu.memref_slice %arg13[%add3A_270, %dma_start3A] : memref<6144x128xf32, #tpu.memory_space<vmem_shared>> -> memref<128x128xf32, #tpu.memory_space<vmem_shared>>
      %dma_start3A_280 = arith.constant 0 : i32
      %dma_start3A_281 = tpu.memref_slice %arg13[%add3A_270, %dma_start3A_280] : memref<6144x128xf32, #tpu.memory_space<vmem_shared>> -> memref<128x128xf32, #tpu.memory_space<vmem_shared>>
      tpu.enqueue_dma source(%dma_start3A_281 : memref<128x128xf32, #tpu.memory_space<vmem_shared>>) target(%arg8 : memref<128x128xf32, #tpu.memory_space<vmem>>) target_semaphore(%run_scoped3A : memref<!tpu.dma_semaphore, #tpu.memory_space<semaphore_mem>>)
      %dma_wait3A = arith.constant 0 : i32
      %dma_wait3A_282 = tpu.memref_slice %arg13[%add3A_270, %dma_wait3A] : memref<6144x128xf32, #tpu.memory_space<vmem_shared>> -> memref<128x128xf32, #tpu.memory_space<vmem_shared>>
      %dma_wait3A_283 = arith.constant 0 : i32
      %dma_wait3A_284 = tpu.memref_slice %arg13[%add3A_270, %dma_wait3A_283] : memref<6144x128xf32, #tpu.memory_space<vmem_shared>> -> memref<128x128xf32, #tpu.memory_space<vmem_shared>>
      tpu.wait_dma2 semaphore(%run_scoped3A : memref<!tpu.dma_semaphore, #tpu.memory_space<semaphore_mem>>) src(%dma_wait3A_284 : memref<128x128xf32, #tpu.memory_space<vmem_shared>>) dst(%arg8 : memref<128x128xf32, #tpu.memory_space<vmem>>)
      tpu.yield
    }) : () -> ()
    "tpu.region"() ({
      %run_scoped3A = tpu.sem_alloc : memref<!tpu.dma_semaphore, #tpu.memory_space<semaphore_mem>>
      %dma_start3A = arith.constant 0 : i32
      %dma_start3A_279 = tpu.memref_slice %arg5[%arg0, %add3A_270, %dma_start3A] : memref<2x6144x128xf32, #tpu.memory_space<hbm>> -> memref<1x128x128xf32, #tpu.memory_space<hbm>>
      %dma_start3A_280 = tpu.memref_squeeze %dma_start3A_279 : memref<1x128x128xf32, #tpu.memory_space<hbm>> -> memref<128x128xf32, #tpu.memory_space<hbm>>
      %dma_start3A_281 = arith.constant 0 : i32
      %dma_start3A_282 = tpu.memref_slice %arg5[%arg0, %add3A_270, %dma_start3A_281] : memref<2x6144x128xf32, #tpu.memory_space<hbm>> -> memref<1x128x128xf32, #tpu.memory_space<hbm>>
      %dma_start3A_283 = tpu.memref_squeeze %dma_start3A_282 : memref<1x128x128xf32, #tpu.memory_space<hbm>> -> memref<128x128xf32, #tpu.memory_space<hbm>>
      tpu.enqueue_dma source(%arg8 : memref<128x128xf32, #tpu.memory_space<vmem>>) target(%dma_start3A_283 : memref<128x128xf32, #tpu.memory_space<hbm>>) target_semaphore(%run_scoped3A : memref<!tpu.dma_semaphore, #tpu.memory_space<semaphore_mem>>)
      %dma_wait3A = arith.constant 0 : i32
      %dma_wait3A_284 = tpu.memref_slice %arg5[%arg0, %add3A_270, %dma_wait3A] : memref<2x6144x128xf32, #tpu.memory_space<hbm>> -> memref<1x128x128xf32, #tpu.memory_space<hbm>>
      %dma_wait3A_285 = tpu.memref_squeeze %dma_wait3A_284 : memref<1x128x128xf32, #tpu.memory_space<hbm>> -> memref<128x128xf32, #tpu.memory_space<hbm>>
      %dma_wait3A_286 = arith.constant 0 : i32
      %dma_wait3A_287 = tpu.memref_slice %arg5[%arg0, %add3A_270, %dma_wait3A_286] : memref<2x6144x128xf32, #tpu.memory_space<hbm>> -> memref<1x128x128xf32, #tpu.memory_space<hbm>>
      %dma_wait3A_288 = tpu.memref_squeeze %dma_wait3A_287 : memref<1x128x128xf32, #tpu.memory_space<hbm>> -> memref<128x128xf32, #tpu.memory_space<hbm>>
      tpu.wait_dma2 semaphore(%run_scoped3A : memref<!tpu.dma_semaphore, #tpu.memory_space<semaphore_mem>>) src(%arg8 : memref<128x128xf32, #tpu.memory_space<vmem>>) dst(%dma_wait3A_288 : memref<128x128xf32, #tpu.memory_space<hbm>>)
      tpu.yield
    }) : () -> ()
    %mul3A_271 = arith.constant 384 : i32
    %mul3A_272 = arith.muli %arg1, %mul3A_271 : i32
    %add3A_273 = arith.constant 128 : i32
    %add3A_274 = arith.addi %mul3A_272, %add3A_273 : i32
    "tpu.region"() ({
      %run_scoped3A = tpu.sem_alloc : memref<!tpu.dma_semaphore, #tpu.memory_space<semaphore_mem>>
      %dma_start3A = arith.constant 0 : i32
      %dma_start3A_279 = tpu.memref_slice %arg13[%add3A_274, %dma_start3A] : memref<6144x128xf32, #tpu.memory_space<vmem_shared>> -> memref<128x128xf32, #tpu.memory_space<vmem_shared>>
      %dma_start3A_280 = arith.constant 0 : i32
      %dma_start3A_281 = tpu.memref_slice %arg13[%add3A_274, %dma_start3A_280] : memref<6144x128xf32, #tpu.memory_space<vmem_shared>> -> memref<128x128xf32, #tpu.memory_space<vmem_shared>>
      tpu.enqueue_dma source(%dma_start3A_281 : memref<128x128xf32, #tpu.memory_space<vmem_shared>>) target(%arg9 : memref<128x128xf32, #tpu.memory_space<vmem>>) target_semaphore(%run_scoped3A : memref<!tpu.dma_semaphore, #tpu.memory_space<semaphore_mem>>)
      %dma_wait3A = arith.constant 0 : i32
      %dma_wait3A_282 = tpu.memref_slice %arg13[%add3A_274, %dma_wait3A] : memref<6144x128xf32, #tpu.memory_space<vmem_shared>> -> memref<128x128xf32, #tpu.memory_space<vmem_shared>>
      %dma_wait3A_283 = arith.constant 0 : i32
      %dma_wait3A_284 = tpu.memref_slice %arg13[%add3A_274, %dma_wait3A_283] : memref<6144x128xf32, #tpu.memory_space<vmem_shared>> -> memref<128x128xf32, #tpu.memory_space<vmem_shared>>
      tpu.wait_dma2 semaphore(%run_scoped3A : memref<!tpu.dma_semaphore, #tpu.memory_space<semaphore_mem>>) src(%dma_wait3A_284 : memref<128x128xf32, #tpu.memory_space<vmem_shared>>) dst(%arg9 : memref<128x128xf32, #tpu.memory_space<vmem>>)
      tpu.yield
    }) : () -> ()
    "tpu.region"() ({
      %run_scoped3A = tpu.sem_alloc : memref<!tpu.dma_semaphore, #tpu.memory_space<semaphore_mem>>
      %dma_start3A = arith.constant 0 : i32
      %dma_start3A_279 = tpu.memref_slice %arg5[%arg0, %add3A_274, %dma_start3A] : memref<2x6144x128xf32, #tpu.memory_space<hbm>> -> memref<1x128x128xf32, #tpu.memory_space<hbm>>
      %dma_start3A_280 = tpu.memref_squeeze %dma_start3A_279 : memref<1x128x128xf32, #tpu.memory_space<hbm>> -> memref<128x128xf32, #tpu.memory_space<hbm>>
      %dma_start3A_281 = arith.constant 0 : i32
      %dma_start3A_282 = tpu.memref_slice %arg5[%arg0, %add3A_274, %dma_start3A_281] : memref<2x6144x128xf32, #tpu.memory_space<hbm>> -> memref<1x128x128xf32, #tpu.memory_space<hbm>>
      %dma_start3A_283 = tpu.memref_squeeze %dma_start3A_282 : memref<1x128x128xf32, #tpu.memory_space<hbm>> -> memref<128x128xf32, #tpu.memory_space<hbm>>
      tpu.enqueue_dma source(%arg9 : memref<128x128xf32, #tpu.memory_space<vmem>>) target(%dma_start3A_283 : memref<128x128xf32, #tpu.memory_space<hbm>>) target_semaphore(%run_scoped3A : memref<!tpu.dma_semaphore, #tpu.memory_space<semaphore_mem>>)
      %dma_wait3A = arith.constant 0 : i32
      %dma_wait3A_284 = tpu.memref_slice %arg5[%arg0, %add3A_274, %dma_wait3A] : memref<2x6144x128xf32, #tpu.memory_space<hbm>> -> memref<1x128x128xf32, #tpu.memory_space<hbm>>
      %dma_wait3A_285 = tpu.memref_squeeze %dma_wait3A_284 : memref<1x128x128xf32, #tpu.memory_space<hbm>> -> memref<128x128xf32, #tpu.memory_space<hbm>>
      %dma_wait3A_286 = arith.constant 0 : i32
      %dma_wait3A_287 = tpu.memref_slice %arg5[%arg0, %add3A_274, %dma_wait3A_286] : memref<2x6144x128xf32, #tpu.memory_space<hbm>> -> memref<1x128x128xf32, #tpu.memory_space<hbm>>
      %dma_wait3A_288 = tpu.memref_squeeze %dma_wait3A_287 : memref<1x128x128xf32, #tpu.memory_space<hbm>> -> memref<128x128xf32, #tpu.memory_space<hbm>>
      tpu.wait_dma2 semaphore(%run_scoped3A : memref<!tpu.dma_semaphore, #tpu.memory_space<semaphore_mem>>) src(%arg9 : memref<128x128xf32, #tpu.memory_space<vmem>>) dst(%dma_wait3A_288 : memref<128x128xf32, #tpu.memory_space<hbm>>)
      tpu.yield
    }) : () -> ()
    %mul3A_275 = arith.constant 384 : i32
    %mul3A_276 = arith.muli %arg1, %mul3A_275 : i32
    %add3A_277 = arith.constant 256 : i32
    %add3A_278 = arith.addi %mul3A_276, %add3A_277 : i32
    "tpu.region"() ({
      %run_scoped3A = tpu.sem_alloc : memref<!tpu.dma_semaphore, #tpu.memory_space<semaphore_mem>>
      %dma_start3A = arith.constant 0 : i32
      %dma_start3A_279 = tpu.memref_slice %arg13[%add3A_278, %dma_start3A] : memref<6144x128xf32, #tpu.memory_space<vmem_shared>> -> memref<128x128xf32, #tpu.memory_space<vmem_shared>>
      %dma_start3A_280 = arith.constant 0 : i32
      %dma_start3A_281 = tpu.memref_slice %arg13[%add3A_278, %dma_start3A_280] : memref<6144x128xf32, #tpu.memory_space<vmem_shared>> -> memref<128x128xf32, #tpu.memory_space<vmem_shared>>
      tpu.enqueue_dma source(%dma_start3A_281 : memref<128x128xf32, #tpu.memory_space<vmem_shared>>) target(%arg10 : memref<128x128xf32, #tpu.memory_space<vmem>>) target_semaphore(%run_scoped3A : memref<!tpu.dma_semaphore, #tpu.memory_space<semaphore_mem>>)
      %dma_wait3A = arith.constant 0 : i32
      %dma_wait3A_282 = tpu.memref_slice %arg13[%add3A_278, %dma_wait3A] : memref<6144x128xf32, #tpu.memory_space<vmem_shared>> -> memref<128x128xf32, #tpu.memory_space<vmem_shared>>
      %dma_wait3A_283 = arith.constant 0 : i32
      %dma_wait3A_284 = tpu.memref_slice %arg13[%add3A_278, %dma_wait3A_283] : memref<6144x128xf32, #tpu.memory_space<vmem_shared>> -> memref<128x128xf32, #tpu.memory_space<vmem_shared>>
      tpu.wait_dma2 semaphore(%run_scoped3A : memref<!tpu.dma_semaphore, #tpu.memory_space<semaphore_mem>>) src(%dma_wait3A_284 : memref<128x128xf32, #tpu.memory_space<vmem_shared>>) dst(%arg10 : memref<128x128xf32, #tpu.memory_space<vmem>>)
      tpu.yield
    }) : () -> ()
    "tpu.region"() ({
      %run_scoped3A = tpu.sem_alloc : memref<!tpu.dma_semaphore, #tpu.memory_space<semaphore_mem>>
      %dma_start3A = arith.constant 0 : i32
      %dma_start3A_279 = tpu.memref_slice %arg5[%arg0, %add3A_278, %dma_start3A] : memref<2x6144x128xf32, #tpu.memory_space<hbm>> -> memref<1x128x128xf32, #tpu.memory_space<hbm>>
      %dma_start3A_280 = tpu.memref_squeeze %dma_start3A_279 : memref<1x128x128xf32, #tpu.memory_space<hbm>> -> memref<128x128xf32, #tpu.memory_space<hbm>>
      %dma_start3A_281 = arith.constant 0 : i32
      %dma_start3A_282 = tpu.memref_slice %arg5[%arg0, %add3A_278, %dma_start3A_281] : memref<2x6144x128xf32, #tpu.memory_space<hbm>> -> memref<1x128x128xf32, #tpu.memory_space<hbm>>
      %dma_start3A_283 = tpu.memref_squeeze %dma_start3A_282 : memref<1x128x128xf32, #tpu.memory_space<hbm>> -> memref<128x128xf32, #tpu.memory_space<hbm>>
      tpu.enqueue_dma source(%arg10 : memref<128x128xf32, #tpu.memory_space<vmem>>) target(%dma_start3A_283 : memref<128x128xf32, #tpu.memory_space<hbm>>) target_semaphore(%run_scoped3A : memref<!tpu.dma_semaphore, #tpu.memory_space<semaphore_mem>>)
      %dma_wait3A = arith.constant 0 : i32
      %dma_wait3A_284 = tpu.memref_slice %arg5[%arg0, %add3A_278, %dma_wait3A] : memref<2x6144x128xf32, #tpu.memory_space<hbm>> -> memref<1x128x128xf32, #tpu.memory_space<hbm>>
      %dma_wait3A_285 = tpu.memref_squeeze %dma_wait3A_284 : memref<1x128x128xf32, #tpu.memory_space<hbm>> -> memref<128x128xf32, #tpu.memory_space<hbm>>
      %dma_wait3A_286 = arith.constant 0 : i32
      %dma_wait3A_287 = tpu.memref_slice %arg5[%arg0, %add3A_278, %dma_wait3A_286] : memref<2x6144x128xf32, #tpu.memory_space<hbm>> -> memref<1x128x128xf32, #tpu.memory_space<hbm>>
      %dma_wait3A_288 = tpu.memref_squeeze %dma_wait3A_287 : memref<1x128x128xf32, #tpu.memory_space<hbm>> -> memref<128x128xf32, #tpu.memory_space<hbm>>
      tpu.wait_dma2 semaphore(%run_scoped3A : memref<!tpu.dma_semaphore, #tpu.memory_space<semaphore_mem>>) src(%arg10 : memref<128x128xf32, #tpu.memory_space<vmem>>) dst(%dma_wait3A_288 : memref<128x128xf32, #tpu.memory_space<hbm>>)
      tpu.yield
    }) : () -> ()
    return
  }
}

module attributes {stable_mosaic.version = 14 : i64} {
  func.func @_x0_body(%arg0: memref<4000x128xf32, #tpu.memory_space<vmem>>, %arg1: memref<4000x128xf32, #tpu.memory_space<vmem>>, %arg2: memref<2000x128xf32, #tpu.memory_space<vmem>>, %arg3: memref<8x128xf32, #tpu.memory_space<vmem>>, %arg4: memref<128x128xf32, #tpu.memory_space<vmem>>, %arg5: memref<8x128xf32, #tpu.memory_space<vmem>>, %arg6: memref<10240x128xf32, #tpu.memory_space<vmem>>) attributes {dimension_semantics = [], scalar_prefetch = 0 : i64, scratch_operands = 0 : i64, tpu.core_type = #tpu.core_type<tc>} {
    %get3A = arith.constant 0 : index
    %get3A_0 = arith.constant 0 : index
    %get3A_1 = vector.load %arg0[%get3A, %get3A_0] : memref<4000x128xf32, #tpu.memory_space<vmem>>, vector<4000x128xf32>
    %get3A_2 = arith.constant 0 : index
    %get3A_3 = arith.constant 0 : index
    %get3A_4 = vector.load %arg4[%get3A_2, %get3A_3] : memref<128x128xf32, #tpu.memory_space<vmem>>, vector<128x128xf32>
    %dot_general3A = arith.constant dense<0.000000e+00> : vector<4000x128xf32>
    %dot_general3A_5 = tpu.matmul %get3A_1, %get3A_4, %dot_general3A {dimension_numbers = #tpu.dot_dimension_numbers<[1], [1], [0], [0], [0, 0, 1, 0], [], []>, transpose_lhs_hint = false} : vector<4000x128xf32>, vector<128x128xf32>, vector<4000x128xf32> -> vector<4000x128xf32>
    %get3A_6 = arith.constant 0 : index
    %get3A_7 = arith.constant 0 : index
    %get3A_8 = vector.load %arg1[%get3A_6, %get3A_7] : memref<4000x128xf32, #tpu.memory_space<vmem>>, vector<4000x128xf32>
    %get3A_9 = arith.constant 0 : index
    %get3A_10 = arith.constant 0 : index
    %get3A_11 = vector.load %arg3[%get3A_9, %get3A_10] : memref<8x128xf32, #tpu.memory_space<vmem>>, vector<1x128xf32>
    %get3A_12 = vector.shape_cast %get3A_11 : vector<1x128xf32> to vector<128xf32>
    %broadcast_in_dim3A = vector.shape_cast %get3A_12 : vector<128xf32> to vector<1x128xf32>
    %add3A = vector.broadcast %broadcast_in_dim3A : vector<1x128xf32> to vector<4000x128xf32>
    %add3A_13 = arith.addf %get3A_8, %add3A : vector<4000x128xf32>
    %swap3A = arith.constant 0 : index
    %swap3A_14 = arith.constant 0 : index
    %swap3A_15 = vector.load %arg6[%swap3A, %swap3A_14] : memref<10240x128xf32, #tpu.memory_space<vmem>>, vector<4000x128xf32>
    tpu.vector_store %arg6[%swap3A, %swap3A_14], %add3A_13 {strides = array<i32>} : memref<10240x128xf32, #tpu.memory_space<vmem>>, vector<4000x128xf32>,
    %get3A_16 = arith.constant 0 : index
    %get3A_17 = arith.constant 0 : index
    %get3A_18 = vector.load %arg5[%get3A_16, %get3A_17] : memref<8x128xf32, #tpu.memory_space<vmem>>, vector<1x128xf32>
    %get3A_19 = vector.shape_cast %get3A_18 : vector<1x128xf32> to vector<128xf32>
    %broadcast_in_dim3A_20 = vector.shape_cast %get3A_19 : vector<128xf32> to vector<1x128xf32>
    %add3A_21 = vector.broadcast %broadcast_in_dim3A_20 : vector<1x128xf32> to vector<4000x128xf32>
    %add3A_22 = arith.addf %dot_general3A_5, %add3A_21 : vector<4000x128xf32>
    %get3A_23 = arith.constant 1 : index
    %get3A_24 = arith.constant 0 : index
    %get3A_25 = vector.load %arg3[%get3A_23, %get3A_24] : memref<8x128xf32, #tpu.memory_space<vmem>>, vector<1x128xf32>
    %get3A_26 = vector.shape_cast %get3A_25 : vector<1x128xf32> to vector<128xf32>
    %broadcast_in_dim3A_27 = vector.shape_cast %get3A_26 : vector<128xf32> to vector<1x128xf32>
    %add3A_28 = vector.broadcast %broadcast_in_dim3A_27 : vector<1x128xf32> to vector<4000x128xf32>
    %add3A_29 = arith.addf %add3A_22, %add3A_28 : vector<4000x128xf32>
    %swap3A_30 = arith.constant 4000 : index
    %swap3A_31 = arith.constant 0 : index
    %swap3A_32 = vector.load %arg6[%swap3A_30, %swap3A_31] : memref<10240x128xf32, #tpu.memory_space<vmem>>, vector<4000x128xf32>
    tpu.vector_store %arg6[%swap3A_30, %swap3A_31], %add3A_29 {strides = array<i32>} : memref<10240x128xf32, #tpu.memory_space<vmem>>, vector<4000x128xf32>,
    %get3A_33 = arith.constant 0 : index
    %get3A_34 = arith.constant 0 : index
    %get3A_35 = vector.load %arg2[%get3A_33, %get3A_34] : memref<2000x128xf32, #tpu.memory_space<vmem>>, vector<2000x128xf32>
    %get3A_36 = arith.constant 2 : index
    %get3A_37 = arith.constant 0 : index
    %get3A_38 = vector.load %arg3[%get3A_36, %get3A_37] : memref<8x128xf32, #tpu.memory_space<vmem>>, vector<1x128xf32>
    %get3A_39 = vector.shape_cast %get3A_38 : vector<1x128xf32> to vector<128xf32>
    %broadcast_in_dim3A_40 = vector.shape_cast %get3A_39 : vector<128xf32> to vector<1x128xf32>
    %add3A_41 = vector.broadcast %broadcast_in_dim3A_40 : vector<1x128xf32> to vector<2000x128xf32>
    %add3A_42 = arith.addf %get3A_35, %add3A_41 : vector<2000x128xf32>
    %swap3A_43 = arith.constant 8000 : index
    %swap3A_44 = arith.constant 0 : index
    %swap3A_45 = vector.load %arg6[%swap3A_43, %swap3A_44] : memref<10240x128xf32, #tpu.memory_space<vmem>>, vector<2000x128xf32>
    tpu.vector_store %arg6[%swap3A_43, %swap3A_44], %add3A_42 {strides = array<i32>} : memref<10240x128xf32, #tpu.memory_space<vmem>>, vector<2000x128xf32>,
    %broadcast_in_dim3A_46 = arith.constant 0.000000e+00 : f32
    %broadcast_in_dim3A_47 = vector.broadcast %broadcast_in_dim3A_46 : f32 to vector<240x128xf32>
    %swap3A_48 = arith.constant 10000 : index
    %swap3A_49 = arith.constant 0 : index
    %swap3A_50 = vector.load %arg6[%swap3A_48, %swap3A_49] : memref<10240x128xf32, #tpu.memory_space<vmem>>, vector<240x128xf32>
    tpu.vector_store %arg6[%swap3A_48, %swap3A_49], %broadcast_in_dim3A_47 {strides = array<i32>} : memref<10240x128xf32, #tpu.memory_space<vmem>>, vector<240x128xf32>,
    return
  }
}

module attributes {stable_mosaic.version = 14 : i64} {
  func.func @_layer_body(%arg0: memref<2x6144x128xf32, #tpu.memory_space<vmem>>, %arg1: memref<2x16x6144xf32, #tpu.memory_space<vmem>>, %arg2: memref<10240x128xf32, #tpu.memory_space<vmem>>, %arg3: memref<128x128xf32, #tpu.memory_space<vmem>>, %arg4: memref<8x128xf32, #tpu.memory_space<vmem>>, %arg5: memref<128x128xf32, #tpu.memory_space<vmem>>, %arg6: memref<10240x128xf32, #tpu.memory_space<vmem>>) attributes {dimension_semantics = [], scalar_prefetch = 0 : i64, scratch_operands = 0 : i64, tpu.core_type = #tpu.core_type<tc>} {
    %get3A = arith.constant 0 : index
    %get3A_0 = arith.constant 0 : index
    %get3A_1 = arith.constant 0 : index
    %get3A_2 = vector.load %arg0[%get3A, %get3A_0, %get3A_1] : memref<2x6144x128xf32, #tpu.memory_space<vmem>>, vector<1x4000x128xf32>
    %get3A_3 = vector.shape_cast %get3A_2 : vector<1x4000x128xf32> to vector<4000x128xf32>
    %get3A_4 = arith.constant 1 : index
    %get3A_5 = arith.constant 0 : index
    %get3A_6 = arith.constant 0 : index
    %get3A_7 = vector.load %arg0[%get3A_4, %get3A_5, %get3A_6] : memref<2x6144x128xf32, #tpu.memory_space<vmem>>, vector<1x4000x128xf32>
    %get3A_8 = vector.shape_cast %get3A_7 : vector<1x4000x128xf32> to vector<4000x128xf32>
    %get3A_9 = arith.constant 0 : index
    %get3A_10 = arith.constant 4000 : index
    %get3A_11 = arith.constant 0 : index
    %get3A_12 = vector.load %arg0[%get3A_9, %get3A_10, %get3A_11] : memref<2x6144x128xf32, #tpu.memory_space<vmem>>, vector<1x2000x128xf32>
    %get3A_13 = vector.shape_cast %get3A_12 : vector<1x2000x128xf32> to vector<2000x128xf32>
    %broadcast_in_dim3A = arith.constant 0.000000e+00 : f32
    %broadcast_in_dim3A_14 = vector.broadcast %broadcast_in_dim3A : f32 to vector<240x128xf32>
    %concatenate3A = tpu.concatenate %get3A_3, %get3A_8, %get3A_13, %broadcast_in_dim3A_14 in 0 : vector<4000x128xf32>, vector<4000x128xf32>, vector<2000x128xf32>, vector<240x128xf32> -> vector<10240x128xf32>
    %get3A_15 = arith.constant 0 : index
    %get3A_16 = arith.constant 0 : index
    %get3A_17 = arith.constant 0 : index
    %get3A_18 = vector.load %arg1[%get3A_15, %get3A_16, %get3A_17] : memref<2x16x6144xf32, #tpu.memory_space<vmem>>, vector<1x16x6144xf32>
    %get3A_19 = vector.shape_cast %get3A_18 : vector<1x16x6144xf32> to vector<16x6144xf32>
    %reduce_sum3A = arith.constant dense<0.000000e+00> : vector<6144xf32>
    %reduce_sum3A_20 = vector.multi_reduction <add>, %get3A_19, %reduce_sum3A [0] : vector<16x6144xf32> to vector<6144xf32>
    %get3A_21 = arith.constant 1 : index
    %get3A_22 = arith.constant 0 : index
    %get3A_23 = arith.constant 0 : index
    %get3A_24 = vector.load %arg1[%get3A_21, %get3A_22, %get3A_23] : memref<2x16x6144xf32, #tpu.memory_space<vmem>>, vector<1x16x6144xf32>
    %get3A_25 = vector.shape_cast %get3A_24 : vector<1x16x6144xf32> to vector<16x6144xf32>
    %reduce_sum3A_26 = arith.constant dense<0.000000e+00> : vector<6144xf32>
    %reduce_sum3A_27 = vector.multi_reduction <add>, %get3A_25, %reduce_sum3A_26 [0] : vector<16x6144xf32> to vector<6144xf32>
    %slice3A = vector.extract_strided_slice %reduce_sum3A_20 {offsets = [0], sizes = [4000], strides = [1]} : vector<6144xf32> to vector<4000xf32>
    %slice3A_28 = vector.extract_strided_slice %reduce_sum3A_27 {offsets = [0], sizes = [4000], strides = [1]} : vector<6144xf32> to vector<4000xf32>
    %slice3A_29 = vector.extract_strided_slice %reduce_sum3A_20 {offsets = [4000], sizes = [2000], strides = [1]} : vector<6144xf32> to vector<2000xf32>
    %broadcast_in_dim3A_30 = arith.constant 1.000000e+00 : f32
    %broadcast_in_dim3A_31 = vector.broadcast %broadcast_in_dim3A_30 : f32 to vector<240xf32>
    %concatenate3A_32 = tpu.concatenate %slice3A, %slice3A_28, %slice3A_29, %broadcast_in_dim3A_31 in 0 : vector<4000xf32>, vector<4000xf32>, vector<2000xf32>, vector<240xf32> -> vector<10240xf32>
    %broadcast_in_dim3A_33 = vector.shape_cast %concatenate3A_32 : vector<10240xf32> to vector<10240x1xf32>
    %max3A = arith.constant 1.000000e+00 : f32
    %max3A_34 = vector.broadcast %max3A : f32 to vector<10240x1xf32>
    %max3A_35 = arith.maximumf %broadcast_in_dim3A_33, %max3A_34 : vector<10240x1xf32>
    %div3A = arith.constant 1.000000e+00 : f32
    %div3A_36 = vector.broadcast %div3A : f32 to vector<10240x1xf32>
    %div3A_37 = arith.divf %div3A_36, %max3A_35 : vector<10240x1xf32>
    %mul3A = vector.broadcast %div3A_37 : vector<10240x1xf32> to vector<10240x128xf32>
    %mul3A_38 = arith.mulf %concatenate3A, %mul3A : vector<10240x128xf32>
    %get3A_39 = arith.constant 0 : index
    %get3A_40 = arith.constant 0 : index
    %get3A_41 = vector.load %arg3[%get3A_39, %get3A_40] : memref<128x128xf32, #tpu.memory_space<vmem>>, vector<128x128xf32>
    %dot_general3A = arith.constant dense<0.000000e+00> : vector<10240x128xf32>
    %dot_general3A_42 = tpu.matmul %mul3A_38, %get3A_41, %dot_general3A {dimension_numbers = #tpu.dot_dimension_numbers<[1], [1], [0], [0], [0, 0, 1, 0], [], []>, transpose_lhs_hint = false} : vector<10240x128xf32>, vector<128x128xf32>, vector<10240x128xf32> -> vector<10240x128xf32>
    %get3A_43 = arith.constant 0 : index
    %get3A_44 = arith.constant 0 : index
    %get3A_45 = vector.load %arg4[%get3A_43, %get3A_44] : memref<8x128xf32, #tpu.memory_space<vmem>>, vector<1x128xf32>
    %get3A_46 = vector.shape_cast %get3A_45 : vector<1x128xf32> to vector<128xf32>
    %broadcast_in_dim3A_47 = vector.shape_cast %get3A_46 : vector<128xf32> to vector<1x128xf32>
    %add3A = vector.broadcast %broadcast_in_dim3A_47 : vector<1x128xf32> to vector<10240x128xf32>
    %add3A_48 = arith.addf %dot_general3A_42, %add3A : vector<10240x128xf32>
    %get3A_49 = arith.constant 0 : index
    %get3A_50 = arith.constant 0 : index
    %get3A_51 = vector.load %arg2[%get3A_49, %get3A_50] : memref<10240x128xf32, #tpu.memory_space<vmem>>, vector<10240x128xf32>
    %get3A_52 = arith.constant 0 : index
    %get3A_53 = arith.constant 0 : index
    %get3A_54 = vector.load %arg5[%get3A_52, %get3A_53] : memref<128x128xf32, #tpu.memory_space<vmem>>, vector<128x128xf32>
    %dot_general3A_55 = arith.constant dense<0.000000e+00> : vector<10240x128xf32>
    %dot_general3A_56 = tpu.matmul %get3A_51, %get3A_54, %dot_general3A_55 {dimension_numbers = #tpu.dot_dimension_numbers<[1], [1], [0], [0], [0, 0, 1, 0], [], []>, transpose_lhs_hint = false} : vector<10240x128xf32>, vector<128x128xf32>, vector<10240x128xf32> -> vector<10240x128xf32>
    %add3A_57 = arith.addf %add3A_48, %dot_general3A_56 : vector<10240x128xf32>
    %max3A_58 = arith.constant 0.000000e+00 : f32
    %max3A_59 = vector.broadcast %max3A_58 : f32 to vector<10240x128xf32>
    %max3A_60 = arith.maximumf %add3A_57, %max3A_59 : vector<10240x128xf32>
    %swap3A = arith.constant 0 : index
    %swap3A_61 = arith.constant 0 : index
    %swap3A_62 = vector.load %arg6[%swap3A, %swap3A_61] : memref<10240x128xf32, #tpu.memory_space<vmem>>, vector<10240x128xf32>
    tpu.vector_store %arg6[%swap3A, %swap3A_61], %max3A_60 {strides = array<i32>} : memref<10240x128xf32, #tpu.memory_space<vmem>>, vector<10240x128xf32>,
    return
  }
}

</mosaic_0001>

<sc_bundles>
// kernel: kernel.10.cloned.1.call-start
scs
__scs_entry_jumppad:
0x0: {  	(pc) =	sbr.rel $0x88, $3  }
0x1: {  	(tag) =	ssettag $0x0;
	lr =	simm.s32 $0x1  }
0x2: {  	[smem:$0x3F93] =	sst lr;
	_ =	strace $0xD0000000  }
0x3: {  	_ = 	snop  }
0x4: {  	_ = 	snop  }
0x5: {  	_ = 	snop  }
0x6: {  	_ = 	snop  }
0x7: {  	_ = 	snop  }
__scs_overlays_trampoline_lowered:
0x8: {  	[smem:$0x3FA2] =	sst s0  }
0x9: {  	[smem:$0x3FA3] =	sst s1  }
0xa: {  	[smem:$0x3FA4] =	sst s2  }
0xb: {  	[smem:$0x3FA5] =	sst s3  }
0xc: {  	[smem:$0x3FA6] =	sst s4  }
0xd: {  	[smem:$0x3FA7] =	sst s5  }
0xe: {  	[smem:$0x3FA8] =	sst s6  }
0xf: {  	[smem:$0x3FA9] =	sst s7  }
0x10: {  	[smem:$0x3FAA] =	sst s8  }
0x11: {  	[smem:$0x3FAB] =	sst s9;
	s0 =	simm.s32 @!p0 $0x0  }
0x12: {  	s1 =	sld [smem:$0x3F91];
	s0 =	simm.s32 @p0 $0x1  }
0x13: {  	[smem:$0x3FAC] =	sst s0;
	s0 =	simm.s32 @!p1 $0x0  }
0x14: {  	s2 =	sld [smem:$0x3F90];
	s0 =	simm.s32 @p1 $0x1  }
0x15: {  	[smem:$0x3FAD] =	sst s0;
	s0 =	simm.s32 @!p2 $0x0  }
0x16: {  	s3 =	sld [smem:$0x3FDB];
	s0 =	simm.s32 @p2 $0x1  }
0x17: {  	s4 =	simm.s32 $0x1BF5;
	[smem:$0x3FAF] =	sst s0  }
0x18: {  	s0 =	sld [smem:$0x3F92];
	_ =	swait.ge [sflag:s4], $0x0  }
0x19: {  	s7 =	sld [smem:$0x3F93]  }
0x1a: {  	s8 =	sadd.s32 $0xFFFFE003, lr  }
0x1b: {  	s9 =	sadd.s32 $0xFFFFFEF7, lr;
	s5 =	simm.s32 $0xFFFFFFFF;
	p2 =	slt.u32 s8, $0xFFFFF086  }
0x1c: {  	p1 =	slt.u32 s9, $0xF7A;
	s5 =	simm.s32 @!p2 $0x0  }
0x1d: {  	s5 =	simm.s32 @p1 $0x1;
	p0 =	seq.s32 s7, s2  }
0x1e: {  	s7 =	smul.u32 @!p0 $0xF7A, s2;
	p2 =	seq.s32 @!p0 s5, $0x0  }
0x1f: {  	s9 =	smul.u32 $0xF7A, s1;
	s8 =	simm.s32 @!p0 $0x1BF5;
	p2 =	por !p2, p0  }
0x20: {  	[sflag:s8] =	ssyncset.s32 @!p0 $0xFFFFF086;
	s6 =	sadd.s32 @!p0 s3, s7;
	s7 =	simm.s32 @!p0 $0x108  }
0x21: {  	s3 =	sadd.s32 s3, s9;
	s6 =	sadd.s32 @!p0 $0x88, s6;
	s7 =	simm.s32 @p2 $0x1082  }
0x22: {  	[simem:s7], [sflag:s8] =	dma.local @!p0 [hbm:s6], $0xF7A  }
0x23: {  	s9 =	sor.u32 $0xD0000000, s2;
	s6 =	simm.s32 $0x108;
	_ =	swait.ge @!p0 [sflag:s8], $0x0  }
0x24: {  	s3 =	sadd.s32 $0x88, s3;
	s6 =	simm.s32 @!p1 $0x1082;
	[sflag:s4] =	ssyncset.s32 $0xFFFFF086  }
0x25: {  	[simem:s6], [sflag:s4] =	dma.local [hbm:s3], $0xF7A  }
0x26: {  	[smem:$0x3F93] =	sst s1;
	(tag) =	ssettag s2;
	_ =	strace s9  }
0x27: {  	s1 =	sld [smem:$0x3FA3]  }
0x28: {  	s2 =	sld [smem:$0x3FA4]  }
0x29: {  	s4 =	sld [smem:$0x3FA6]  }
0x2a: {  	p0 =	seq.s32 s5, $0x0;
	s5 =	sld [smem:$0x3FA7]  }
0x2b: {  	s6 =	sld [smem:$0x3FA8]  }
0x2c: {  	s7 =	sld [smem:$0x3FA9]  }
0x2d: {  	s3 =	simm.s32 $0x108;
	s8 =	sld [smem:$0x3FAA]  }
0x2e: {  	s3 =	simm.s32 @!p0 $0x1082;
	s9 =	sld [smem:$0x3FAB]  }
0x2f: {  	lr =	sadd.s32 s0, s3;
	s0 =	sld [smem:$0x3FA2]  }
0x30: {  	s3 =	sld [smem:$0x3FA5]  }
0x31: {  	[smem:$0x3FAE] =	sst s10  }
0x32: {  	s10 =	sld [smem:$0x3FAC];
	_ =	sdelay $0x3  }
0x33: {  	p0 =	seq.s32 s10, $0x1;
	s10 =	sld [smem:$0x3FAE];
	_ =	sdelay $0x3  }
0x34: {  	[smem:$0x3FAE] =	sst s10  }
0x35: {  	s10 =	sld [smem:$0x3FAD];
	_ =	sdelay $0x3  }
0x36: {  	p1 =	seq.s32 s10, $0x1;
	s10 =	sld [smem:$0x3FAE];
	_ =	sdelay $0x3  }
0x37: {  	[smem:$0x3FAE] =	sst s10  }
0x38: {  	s10 =	sld [smem:$0x3FAF]  }
0x39: {  	_ = 	snop;
	(pc) =	sbr.ind lr, $3  }
0x3a: {  	_ = 	snop  }
0x3b: {  	_ = 	snop  }
0x3c: {  	p2 =	seq.s32 s10, $0x1;
	s10 =	sld [smem:$0x3FAE]  }
0x3d: {  	_ =	shalt  }
0x3e: {  	_ =	shalt  }
0x3f: {  	_ =	shalt  }
0x40: {  	_ =	shalt  }
0x41: {  	_ =	shalt  }
0x42: {  	_ =	shalt  }
0x43: {  	_ =	shalt  }
0x44: {  	_ =	shalt  }
0x45: {  	_ =	shalt  }
0x46: {  	_ =	shalt  }
0x47: {  	_ =	shalt  }
0x48: {  	_ =	shalt  }
0x49: {  	_ =	shalt  }
0x4a: {  	_ =	shalt  }
0x4b: {  	_ =	shalt  }
0x4c: {  	_ =	shalt  }
0x4d: {  	_ =	shalt  }
0x4e: {  	_ =	shalt  }
0x4f: {  	_ =	shalt  }
0x50: {  	_ =	shalt  }
0x51: {  	_ =	shalt  }
0x52: {  	_ =	shalt  }
0x53: {  	_ =	shalt  }
0x54: {  	_ =	shalt  }
0x55: {  	_ =	shalt  }
0x56: {  	_ =	shalt  }
0x57: {  	_ =	shalt  }
0x58: {  	_ =	shalt  }
0x59: {  	_ =	shalt  }
0x5a: {  	_ =	shalt  }
0x5b: {  	_ =	shalt  }
0x5c: {  	_ =	shalt  }
0x5d: {  	_ =	shalt  }
0x5e: {  	_ =	shalt  }
0x5f: {  	_ =	shalt  }
0x60: {  	_ =	shalt  }
0x61: {  	_ =	shalt  }
0x62: {  	_ =	shalt  }
0x63: {  	_ =	shalt  }
0x64: {  	_ =	shalt  }
0x65: {  	_ =	shalt  }
0x66: {  	_ =	shalt  }
0x67: {  	_ =	shalt  }
0x68: {  	_ =	shalt  }
0x69: {  	_ =	shalt  }
0x6a: {  	_ =	shalt  }
0x6b: {  	_ =	shalt  }
0x6c: {  	_ =	shalt  }
0x6d: {  	_ =	shalt  }
0x6e: {  	_ =	shalt  }
0x6f: {  	_ =	shalt  }
0x70: {  	_ =	shalt  }
0x71: {  	_ =	shalt  }
0x72: {  	_ =	shalt  }
0x73: {  	_ =	shalt  }
0x74: {  	_ =	shalt  }
0x75: {  	_ =	shalt  }
0x76: {  	_ =	shalt  }
0x77: {  	_ =	shalt  }
0x78: {  	_ =	shalt  }
0x79: {  	_ =	shalt  }
0x7a: {  	_ =	shalt  }
0x7b: {  	_ =	shalt  }
0x7c: {  	_ =	shalt  }
0x7d: {  	_ =	shalt  }
0x7e: {  	_ =	shalt  }
0x7f: {  	_ =	shalt  }
0x80: {  	_ =	shalt  }
0x81: {  	_ =	shalt  }
0x82: {  	_ =	shalt  }
0x83: {  	_ =	shalt  }
0x84: {  	_ =	shalt  }
0x85: {  	_ =	shalt  }
0x86: {  	_ =	shalt  }
0x87: {  	_ =	shalt  }
.Lfunc_end0:
.L_simem_size_0:
called_computation.1_lowered:
.L_overlay_start_0:
0x88: {  	s2 =	sld [smem:$0x3FD9]  }
0x89: {  	s3 =	sld [smem:$0x3FFE];
	_ =	sdelay $0x1  }
0x8a: {  	s1 =	srdreg.scid  }
0x8b: {  	s0 =	sand.u32 $0x1, s1  }
0x8c: {  	s14 =	sshll.u32 s0, $0xA;
	s2 =	sadd.s32 s3, s2  }
0x8d: {  	s2 =	sadd.s32 s2, s14  }
0x8e: {  	[smem:$0x3FBA] =	sst s2  }
0x8f: {  	_ = 	snop  }
0x90: {  	s2 =	sld [smem:$0x3FD0];
	_ =	sdelay $0x2  }
0x91: {  	s15 =	simm.s32 $0xA;
	s4 =	simm.s32 $0x10  }
0x92: {  	[smem:s4], [sflag:s15] =	dma.local [hbm:s2], $0x1  }
0x93: {  	_ =	swait.eq [sflag:s15], $0x1  }
0x94: {  	[sflag:s15] =	ssyncset.done $0x0  }
0x95: {  	s16 =	sld [smem:$0x10];
	[sflag:s15] =	ssyncadd.s32 $0xFFFFFFFF  }
0x96: {  	s17 =	sld [smem:$0x11];
	(tm) =	ssettm $0x1  }
0x97: {  	s18 =	sld [smem:$0x3FFB];
	_ =	sdelay $0x3  }
0x98: {  	_ =	strace s18  }
0x99: {  	s4 =	sld [smem:$0x3FFC];
	_ =	sdelay $0x3  }
0x9a: {  	_ =	strace s4  }
0x9b: {  	s4 =	sld [smem:$0x3FFD];
	_ =	sdelay $0x3  }
0x9c: {  	_ =	strace s4  }
0x9d: {  	_ =	strace $0x8FFFFFFF  }
0x9e: {  	s19 =	sld [smem:$0x3FDB];
	_ =	sdelay $0x1  }
0x9f: {  	s5 =	simm.s32 $_scs_section_size  }
0xa0: {  	s6 =	simm.s32 $_size__tile_overlayer_lowered;
	s7 =	simm.s32 $_tile_overlayer_lowered  }
0xa1: {  	s22 =	simm.s32 $0x1BFF;
	s21 =	sshll.u32 s7, $0x1;
	s4 =	sadd.s32 s5, s19  }
0xa2: {  	s8 =	simm.s32 $0x0;
	s20 =	sshll.u32 s6, $0x1;
	s6 =	sadd.s32 s21, s4  }
0xa3: {  	[timem:s8], [sflag:s22] =	dma.local [hbm:s6], s20  }
0xa4: {  	_ =	swait.ge [sflag:s22], s20  }
0xa5: {  	s5 =	ssub.s32 $0x0, s20;
	[sflag:s22] =	ssyncset.done $0x0  }
0xa6: {  	[sflag:s22] =	ssyncadd.s32 s5;
	_ =	sdelay $0x1  }
0xa7: {  	s23 =	simm.s32 $0x1B8B  }
0xa8: {  	_ =	swait.ge [sflag:s23], $0x1  }
0xa9: {  	[sflag:s23] =	ssyncset.done $0x0  }
0xaa: {  	s25 =	simm.s32 $0x1B8E;
	s24 =	sld [smem:$0x3FFE];
	[sflag:s23] =	ssyncadd.s32 $0xFFFFFFFF  }
0xab: {  	s26 =	simm.s32 $execute0_lowered;
	[smem:$0x3FD2] =	sst s25  }
0xac: {  	s6 =	sshll.u32 s26, $0x1;
	_ =	strace $0x80000049;
	[dreg:$0x1] =	wrdreg $0xFFFFFFFF  }
0xad: {  	s28 =	simm.s32 $_size_execute0_lowered;
	s4 =	sadd.s32 s4, s6;
	[dreg:$0x0] =	wrdreg $0x0  }
0xae: {  	s6 =	sshll.u32 s28, $0x1;
	[dreg:$0x2] =	wrdreg s4  }
0xaf: {  	[dreg:$0x3] =	wrdreg s6  }
0xb0: {  	[dreg:$0x4] =	wrdreg $0xC0  }
0xb1: {  	_ =	task [dreg:s8], $0x5FFFF  }
0xb2: {  	[dreg:$0x1] =	wrdreg $0xFFFFFFFF  }
0xb3: {  	[dreg:$0x0] =	wrdreg $0x60  }
0xb4: {  	[dreg:$0x2] =	wrdreg s24  }
0xb5: {  	[dreg:$0x3] =	wrdreg s16  }
0xb6: {  	[dreg:$0x4] =	wrdreg s17  }
0xb7: {  	[dreg:$0x5] =	wrdreg $0x114000  }
0xb8: {  	[dreg:$0x6] =	wrdreg $0x9  }
0xb9: {  	_ =	task.clear_ibuf [dreg:s8], $0x7FFFF;
	_ =	strace $0x90000049  }
0xba: {  	s29 =	simm.s32 $0x9;
	_ =	strace $0x8000004B  }
0xbb: {  	_ =	swait.ge [sflag:s29], $0x1  }
0xbc: {  	[sflag:s29] =	ssyncadd.s32 $0xFFFFFFFF  }
0xbd: {  	_ =	strace $0x9000004B  }
0xbe: {  	_ =	sfence  }
0xbf: {  	s30 =	sld [smem:$0x0];
	_ =	sdelay $0x2  }
0xc0: {  	s31 =	sshll.u32 s1, $0xD;
	s1 =	sshrl.u32 s1, $0x2  }
0xc1: {  	s3 =	sand.u32 $0x4000, s31;
	s1 =	sadd.s32 s1, s30  }
0xc2: {  	s0 =	sor.u32 s3, s0;
	s1 =	sshll.u32 s1, $0x11  }
0xc3: {  	s0 =	sor.u32 s1, s0  }
0xc4: {  	s0 =	sadd.s32 $0x8F2B, s0  }
0xc5: {  	[sflag:s0] =	ssyncadd.remote.s32 $0x1  }
0xc6: {  	_ =	sfence.sel $0xFFFF  }
0xc7: {  	[dreg:$0x0] =	wrdreg $0xFFFFFFFF;
	(pc) =	sbr.abs _section_cstart, $3  }
0xc8: {  	[dreg:$0x1] =	wrdreg $0xFFFFFFFF  }
0xc9: {  	_ =	task.clear_ibuf [dreg:s8], $0x2FFFF;
	_ =	strace $0x9FFFFFFF  }
0xca: {  	(tm) =	ssettm $0x7FFFFFFF  }
0xcb: {  	_ =	shalt  }
tec
execute0_lowered:
.L_overlay_start_1:
0x0: {  	(tag) =	ssettag $0x1  }
0x1: {  	s0 =	rddreg [dreg:$0x0]  }
0x2: {  	s1 =	rddreg [dreg:$0x1]  }
0x3: {  	s6 =	rddreg [dreg:$0x2];
	s3 =	srdreg.scid  }
0x4: {  	s12 =	stileid.u32;
	s2 =	rddreg [dreg:$0x3]  }
0x5: {  	s23 =	simm.s32 $0x100;
	s24 =	simm.s32 $0x180;
	s26 =	simm.s32 $0x200  }
0x6: {  	s14 =	simm.s32 $0x980;
	s15 =	simm.s32 $0x380;
	s16 =	simm.s32 $0xA00  }
0x7: {  	s17 =	simm.s32 $0x400;
	s28 =	simm.s32 $0x8;
	s29 =	simm.s32 $0x680  }
0x8: {  	s4 =	sand.u32 $0x1, s3;
	s5 =	smul.u32 $0x30000, s12;
	s3 =	simm.s32 $0x0  }
0x9: {  	s30 =	simm.s32 $0xD00;
	s8 =	smul.u32 $0xC000, s12;
	[smem:$0x7FF] =	sst s3  }
0xa: {  	s12 =	smul.u32 $0x2800, s12;
	_ =	strace $0x8000004A;
	[dreg:$0x7] =	wrdreg s23  }
0xb: {  	s31 =	simm.s32 $0x700;
	s7 =	smul.u32 $0xC0000, s4;
	[dreg:$0x8] =	wrdreg s24  }
0xc: {  	s9 =	ssub.s32 $0x2, s4;
	s10 =	smul.u32 $0x28000, s4;
	[dreg:$0x9] =	wrdreg s26  }
0xd: {  	s4 =	sadd.s32 $0x2400, s0;
	s0 =	sadd.s32 $0x2A400, s0;
	[dreg:$0xe] =	wrdreg s14  }
0xe: {  	s11 =	sshrl.u32 s9, $0x1;
	s5 =	sshrl.u32 s5, $0x2;
	[dreg:$0xf] =	wrdreg s15  }
0xf: {  	s19 =	sadd.s32 $0x4000, s8;
	s25 =	sadd.s32 $0x8000, s8;
	[dreg:$0x10] =	wrdreg s16  }
0x10: {  	s14 =	simm.s32 $0x800;
	s15 =	simm.s32 $0x80;
	[dreg:$0x11] =	wrdreg s17  }
0x11: {  	s16 =	simm.s32 $0x1000;
	s17 =	simm.s32 $0x5000;
	s23 =	simm.s32 $0x580  }
0x12: {  	s24 =	simm.s32 $0xC00;
	s26 =	simm.s32 $0xC80;
	s9 =	ssub.s32 s9, s11  }
0x13: {  	s5 =	sadd.s32 s5, s2;
	s18 =	sadd.s32 s8, s7;
	[dreg:$0x17] =	wrdreg s23  }
0x14: {  	s10 =	sadd.s32 s12, s10;
	s20 =	sadd.s32 s19, s2;
	[dreg:$0x18] =	wrdreg s24  }
0x15: {  	s21 =	sadd.s32 s7, s19;
	s8 =	sadd.s32 s25, s2;
	[dreg:$0x1a] =	wrdreg s26  }
0x16: {  	s12 =	simm.s32 $0x300;
	s19 =	simm.s32 $0x480;
	[dreg:$0x1c] =	wrdreg s20  }
0x17: {  	s23 =	simm.s32 $0x6;
	s24 =	simm.s32 $0x3;
	[dreg:$0x1e] =	wrdreg s8  }
0x18: {  	s26 =	simm.s32 $0x4;
	s11 =	sshrl.u32 s18, $0x3;
	[dreg:$0xd] =	wrdreg s12  }
0x19: {  	s10 =	sshrl.u32 s10, $0x3;
	s8 =	simm.s32 $0x880;
	[dreg:$0x13] =	wrdreg s19  }
0x1a: {  	s22 =	sshrl.u32 s21, $0x3;
	s13 =	smax.u32 s9, $0x1;
	[dreg:$0xa] =	wrdreg s8  }
0x1b: {  	s12 =	simm.s32 $0x11000;
	s18 =	simm.s32 $0xA80;
	[smem:$0x7FD] =	sst s13  }
0x1c: {  	s20 =	simm.s32 $0xB00;
	s21 =	simm.s32 $0x500;
	[dreg:$0x12] =	wrdreg s18  }
0x1d: {  	s19 =	simm.s32 $0xD000;
	s9 =	simm.s32 $0xF80;
	[dreg:$0x14] =	wrdreg s20  }
0x1e: {  	s11 =	sadd.s32 s0, s11;
	s6 =	sadd.s32 s10, s6;
	[dreg:$0x15] =	wrdreg s21  }
0x1f: {  	s1 =	sadd.s32 s10, s1;
	s10 =	simm.s32 $0x280;
	[dreg:$0x1b] =	wrdreg s11  }
0x20: {  	s13 =	simm.s32 $0x9;
	s18 =	simm.s32 $0x9000;
	[dreg:$0x5] =	wrdreg s6  }
0x21: {  	s20 =	simm.s32 $0x1;
	s21 =	simm.s32 $0x5;
	[dreg:$0x6] =	wrdreg s1  }
0x22: {  	s8 =	simm.s32 $0xF00;
	s6 =	sadd.s32 s0, s22;
	[dreg:$0xb] =	wrdreg s10  }
0x23: {  	s11 =	simm.s32 $0x900;
	s22 =	simm.s32 $0xB80;
	[dreg:$0x1d] =	wrdreg s6  }
0x24: {  	s1 =	simm.s32 $0xD80;
	s6 =	sadd.s32 s7, s25;
	[dreg:$0xc] =	wrdreg s11  }
0x25: {  	[dreg:$0x16] =	wrdreg s22;
	s22 =	simm.s32 $0x2;
	s25 =	simm.s32 $0x600  }
0x26: {  	s7 =	simm.s32 $0xE80;
	s11 =	simm.s32 $0x0;
	s6 =	sshrl.u32 s6, $0x3  }
0x27: {  	[dreg:$0x19] =	wrdreg s25;
	s25 =	simm.s32 $0x7;
	s0 =	sadd.s32 s0, s6  }
0x28: {  	v0 =	vimm.f32 $0.0e+00;
	s6 =	simm.s32 $0xE00;
	[dreg:$0x1f] =	wrdreg s0;
	s0 =	simm.s32 $0x780  }
.LBB2_1:
0x29: {  	[tilespmem:$0x11000] =	vst v0  }
0x2a: {  	[tilespmem:$0x11010] =	vst v0  }
0x2b: {  	[tilespmem:$0x11020] =	vst v0  }
0x2c: {  	[tilespmem:$0x11030] =	vst v0  }
0x2d: {  	[tilespmem:$0x11040] =	vst v0  }
0x2e: {  	[tilespmem:$0x11050] =	vst v0  }
0x2f: {  	[tilespmem:$0x11060] =	vst v0  }
0x30: {  	[tilespmem:$0x11070] =	vst v0  }
0x31: {  	[tilespmem:$0x11080] =	vst v0  }
0x32: {  	[tilespmem:$0x11090] =	vst v0  }
0x33: {  	[tilespmem:$0x110A0] =	vst v0  }
0x34: {  	[tilespmem:$0x110B0] =	vst v0  }
0x35: {  	[tilespmem:$0x110C0] =	vst v0  }
0x36: {  	[tilespmem:$0x110D0] =	vst v0  }
0x37: {  	[tilespmem:$0x110E0] =	vst v0  }
0x38: {  	[tilespmem:$0x110F0] =	vst v0  }
0x39: {  	[tilespmem:$0x11100] =	vst v0  }
0x3a: {  	[tilespmem:$0x11110] =	vst v0  }
0x3b: {  	[tilespmem:$0x11120] =	vst v0  }
0x3c: {  	[tilespmem:$0x11130] =	vst v0  }
0x3d: {  	[tilespmem:$0x11140] =	vst v0  }
0x3e: {  	[tilespmem:$0x11150] =	vst v0  }
0x3f: {  	[tilespmem:$0x11160] =	vst v0  }
0x40: {  	[tilespmem:$0x11170] =	vst v0  }
0x41: {  	[tilespmem:$0x11180] =	vst v0  }
0x42: {  	[tilespmem:$0x11190] =	vst v0  }
0x43: {  	[tilespmem:$0x111A0] =	vst v0  }
0x44: {  	[tilespmem:$0x111B0] =	vst v0  }
0x45: {  	[tilespmem:$0x111C0] =	vst v0  }
0x46: {  	[tilespmem:$0x111D0] =	vst v0  }
0x47: {  	[tilespmem:$0x111E0] =	vst v0  }
0x48: {  	[tilespmem:$0x111F0] =	vst v0  }
0x49: {  	[tilespmem:$0x11200] =	vst v0  }
0x4a: {  	[tilespmem:$0x11210] =	vst v0  }
0x4b: {  	[tilespmem:$0x11220] =	vst v0  }
0x4c: {  	[tilespmem:$0x11230] =	vst v0  }
0x4d: {  	[tilespmem:$0x11240] =	vst v0  }
0x4e: {  	[tilespmem:$0x11250] =	vst v0  }
0x4f: {  	[tilespmem:$0x11260] =	vst v0  }
0x50: {  	[tilespmem:$0x11270] =	vst v0  }
0x51: {  	[tilespmem:$0x11280] =	vst v0  }
0x52: {  	[tilespmem:$0x11290] =	vst v0  }
0x53: {  	[tilespmem:$0x112A0] =	vst v0  }
0x54: {  	[tilespmem:$0x112B0] =	vst v0  }
0x55: {  	[tilespmem:$0x112C0] =	vst v0  }
0x56: {  	[tilespmem:$0x112D0] =	vst v0  }
0x57: {  	[tilespmem:$0x112E0] =	vst v0  }
0x58: {  	[tilespmem:$0x112F0] =	vst v0  }
0x59: {  	[tilespmem:$0x11300] =	vst v0  }
0x5a: {  	[tilespmem:$0x11310] =	vst v0  }
0x5b: {  	[tilespmem:$0x11320] =	vst v0  }
0x5c: {  	[tilespmem:$0x11330] =	vst v0  }
0x5d: {  	[tilespmem:$0x11340] =	vst v0  }
0x5e: {  	[tilespmem:$0x11350] =	vst v0  }
0x5f: {  	[tilespmem:$0x11360] =	vst v0  }
0x60: {  	[tilespmem:$0x11370] =	vst v0  }
0x61: {  	[tilespmem:$0x11380] =	vst v0  }
0x62: {  	[tilespmem:$0x11390] =	vst v0  }
0x63: {  	[tilespmem:$0x113A0] =	vst v0  }
0x64: {  	[tilespmem:$0x113B0] =	vst v0  }
0x65: {  	[tilespmem:$0x113C0] =	vst v0  }
0x66: {  	[tilespmem:$0x113D0] =	vst v0  }
0x67: {  	[tilespmem:$0x113E0] =	vst v0  }
0x68: {  	[smem:$0x7FC] =	sst s11;
	[tilespmem:$0x113F0] =	vst v0;
	s10 =	sadd.s32 $0x0, s5  }
0x69: {  	[spmem:s10] =	stream.linear.scatter [tilespmem:s12], [sflag:$0x9], $0x400, $0x38;
	[tilespmem:$0x1D400] =	vst v63  }
0x6a: {  	s10 =	simm.s32 $0x1000;
	_ =	swait.ge [sflag:s13], $0x400  }
.LBB2_2:
0x6b: {  	s11 =	sshra.s32 s10, $0x2;
	[sflag:s13] =	ssyncset.done $0x0;
	p0 =	sne.s32 s10, $0x2F000  }
.Ltmp0:
0x6c: {  	s11 =	sadd.s32 s11, s5;
	[sflag:s13] =	ssyncadd.s32 $0xFFFFFC00;
	(pc) =	sbr.rel @p0 .LBB2_2-.Ltmp0, $3  }
0x6d: {  	[spmem:s11] =	stream.linear.scatter [tilespmem:s12], [sflag:$0x9], $0x400, $0x38;
	[tilespmem:$0x1D400] =	vst v63  }
0x6e: {  	s10 =	sadd.s32 $0x1000, s10;
	_ =	sdelay $0x1  }
0x6f: {  	_ =	swait.ge [sflag:s13], $0x400  }
0x70: {  	[sflag:s13] =	ssyncset.done $0x0  }
0x71: {  	[sflag:s13] =	ssyncadd.s32 $0xFFFFFC00  }
0x72: {  	[bflag:$0x0] =	sbarrier.arrive $0xFFFF  }
0x73: {  	s10 =	rddreg [dreg:$0x6]  }
0x74: {  	s10 =	sadd.s32 $0x0, s10  }
0x75: {  	[tilespmem:s3], [sflag:$0x9] =	stream.linear.gather [hbm4b:s10+s3], $0x800, $0x38;
	[tilespmem:$0x1D400] =	vst v63  }
0x76: {  	_ =	swait.ge [sflag:s13], $0x800  }
0x77: {  	s11 =	rddreg [dreg:$0x5];
	[sflag:s13] =	ssyncset.done $0x0  }
0x78: {  	[sflag:s13] =	ssyncadd.s32 $0xFFFFF800;
	s10 =	sadd.s32 $0x0, s11  }
0x79: {  	[tilespmem:s14], [sflag:$0x9] =	stream.linear.gather [hbm4b:s10+s3], $0x800, $0x38;
	[tilespmem:$0x1D400] =	vst v63  }
0x7a: {  	_ =	swait.ge [sflag:s13], $0x800  }
0x7b: {  	[sflag:s13] =	ssyncset.done $0x0  }
0x7c: {  	[sflag:s13] =	ssyncadd.s32 $0xFFFFF800  }
0x7d: {  	[tilespmem:s16], [sflag:$0x1] =	stream.indirect.gather [hbm4b:s4+s15], $0x80, s3, s15, $0xb8;
	[tilespmem:$0x1D400] =	vst v63  }
0x7e: {  	_ = 	snop  }
0x7f: {  	[tilespmem:s17], [sflag:$0x2] =	stream.indirect.gather [hbm4b:s4+s15], $0x80, s15, s15, $0xb8;
	[tilespmem:$0x1D400] =	vst v63  }
0x80: {  	s12 =	rddreg [dreg:$0x7]  }
0x81: {  	[tilespmem:s18], [sflag:$0x3] =	stream.indirect.gather [hbm4b:s4+s15], $0x80, s12, s15, $0xb8;
	[tilespmem:$0x1D400] =	vst v63  }
0x82: {  	s11 =	rddreg [dreg:$0x8]  }
0x83: {  	[tilespmem:s19], [sflag:$0x4] =	stream.indirect.gather [hbm4b:s4+s15], $0x80, s11, s15, $0xb8;
	[tilespmem:$0x1D400] =	vst v63  }
0x84: {  	_ =	swait.ge [sflag:s20], $0x4000  }
0x85: {  	[sflag:s20] =	ssyncset.done $0x0  }
0x86: {  	[sflag:s20] =	ssyncadd.s32 $0xFFFFC000  }
0x87: {  	[spmem:s2] =	stream.indirect.scatter.add.f32 [tilespmem:s16], [sflag:$0x5], $0x80, s14, s15, $0xb8;
	[tilespmem:$0x1D400] =	vst v63  }
0x88: {  	_ =	swait.ge [sflag:s21], $0x4000  }
0x89: {  	[sflag:s21] =	ssyncset.done $0x0  }
0x8a: {  	s11 =	rddreg [dreg:$0x9];
	[sflag:s21] =	ssyncadd.s32 $0xFFFFC000  }
0x8b: {  	[tilespmem:s16], [sflag:$0x1] =	stream.indirect.gather [hbm4b:s4+s15], $0x80, s11, s15, $0xb8;
	[tilespmem:$0x1D400] =	vst v63  }
0x8c: {  	_ =	swait.ge [sflag:s22], $0x4000  }
0x8d: {  	[sflag:s22] =	ssyncset.done $0x0  }
0x8e: {  	s12 =	rddreg [dreg:$0xa];
	[sflag:s22] =	ssyncadd.s32 $0xFFFFC000  }
0x8f: {  	[spmem:s2] =	stream.indirect.scatter.add.f32 [tilespmem:s17], [sflag:$0x6], $0x80, s12, s15, $0xb8;
	[tilespmem:$0x1D400] =	vst v63  }
0x90: {  	_ =	swait.ge [sflag:s23], $0x4000  }
0x91: {  	[sflag:s23] =	ssyncset.done $0x0  }
0x92: {  	s11 =	rddreg [dreg:$0xb];
	[sflag:s23] =	ssyncadd.s32 $0xFFFFC000  }
0x93: {  	[tilespmem:s17], [sflag:$0x2] =	stream.indirect.gather [hbm4b:s4+s15], $0x80, s11, s15, $0xb8;
	[tilespmem:$0x1D400] =	vst v63  }
0x94: {  	_ =	swait.ge [sflag:s24], $0x4000  }
0x95: {  	[sflag:s24] =	ssyncset.done $0x0  }
0x96: {  	s12 =	rddreg [dreg:$0xc];
	[sflag:s24] =	ssyncadd.s32 $0xFFFFC000  }
0x97: {  	[spmem:s2] =	stream.indirect.scatter.add.f32 [tilespmem:s18], [sflag:$0x7], $0x80, s12, s15, $0xb8;
	[tilespmem:$0x1D400] =	vst v63  }
0x98: {  	_ =	swait.ge [sflag:s25], $0x4000  }
0x99: {  	[sflag:s25] =	ssyncset.done $0x0  }
0x9a: {  	s11 =	rddreg [dreg:$0xd];
	[sflag:s25] =	ssyncadd.s32 $0xFFFFC000  }
0x9b: {  	[tilespmem:s18], [sflag:$0x3] =	stream.indirect.gather [hbm4b:s4+s15], $0x80, s11, s15, $0xb8;
	[tilespmem:$0x1D400] =	vst v63  }
0x9c: {  	_ =	swait.ge [sflag:s26], $0x4000  }
0x9d: {  	[sflag:s26] =	ssyncset.done $0x0  }
0x9e: {  	s12 =	rddreg [dreg:$0xe];
	[sflag:s26] =	ssyncadd.s32 $0xFFFFC000  }
0x9f: {  	[spmem:s2] =	stream.indirect.scatter.add.f32 [tilespmem:s19], [sflag:$0x8], $0x80, s12, s15, $0xb8;
	[tilespmem:$0x1D400] =	vst v63  }
0xa0: {  	_ =	swait.ge [sflag:s28], $0x4000  }
0xa1: {  	[sflag:s28] =	ssyncset.done $0x0  }
0xa2: {  	s11 =	rddreg [dreg:$0xf];
	[sflag:s28] =	ssyncadd.s32 $0xFFFFC000  }
0xa3: {  	[tilespmem:s19], [sflag:$0x4] =	stream.indirect.gather [hbm4b:s4+s15], $0x80, s11, s15, $0xb8;
	[tilespmem:$0x1D400] =	vst v63  }
0xa4: {  	_ =	swait.ge [sflag:s20], $0x4000  }
0xa5: {  	[sflag:s20] =	ssyncset.done $0x0  }
0xa6: {  	s12 =	rddreg [dreg:$0x10];
	[sflag:s20] =	ssyncadd.s32 $0xFFFFC000  }
0xa7: {  	[spmem:s2] =	stream.indirect.scatter.add.f32 [tilespmem:s16], [sflag:$0x5], $0x80, s12, s15, $0xb8;
	[tilespmem:$0x1D400] =	vst v63  }
0xa8: {  	_ =	swait.ge [sflag:s21], $0x4000  }
0xa9: {  	[sflag:s21] =	ssyncset.done $0x0  }
0xaa: {  	s11 =	rddreg [dreg:$0x11];
	[sflag:s21] =	ssyncadd.s32 $0xFFFFC000  }
0xab: {  	[tilespmem:s16], [sflag:$0x1] =	stream.indirect.gather [hbm4b:s4+s15], $0x80, s11, s15, $0xb8;
	[tilespmem:$0x1D400] =	vst v63  }
0xac: {  	_ =	swait.ge [sflag:s22], $0x4000  }
0xad: {  	[sflag:s22] =	ssyncset.done $0x0  }
0xae: {  	s12 =	rddreg [dreg:$0x12];
	[sflag:s22] =	ssyncadd.s32 $0xFFFFC000  }
0xaf: {  	[spmem:s2] =	stream.indirect.scatter.add.f32 [tilespmem:s17], [sflag:$0x6], $0x80, s12, s15, $0xb8;
	[tilespmem:$0x1D400] =	vst v63  }
0xb0: {  	_ =	swait.ge [sflag:s23], $0x4000  }
0xb1: {  	[sflag:s23] =	ssyncset.done $0x0  }
0xb2: {  	s11 =	rddreg [dreg:$0x13];
	[sflag:s23] =	ssyncadd.s32 $0xFFFFC000  }
0xb3: {  	[tilespmem:s17], [sflag:$0x2] =	stream.indirect.gather [hbm4b:s4+s15], $0x80, s11, s15, $0xb8;
	[tilespmem:$0x1D400] =	vst v63  }
0xb4: {  	_ =	swait.ge [sflag:s24], $0x4000  }
0xb5: {  	[sflag:s24] =	ssyncset.done $0x0  }
0xb6: {  	s12 =	rddreg [dreg:$0x14];
	[sflag:s24] =	ssyncadd.s32 $0xFFFFC000  }
0xb7: {  	[spmem:s2] =	stream.indirect.scatter.add.f32 [tilespmem:s18], [sflag:$0x7], $0x80, s12, s15, $0xb8;
	[tilespmem:$0x1D400] =	vst v63  }
0xb8: {  	_ =	swait.ge [sflag:s25], $0x4000  }
0xb9: {  	[sflag:s25] =	ssyncset.done $0x0  }
0xba: {  	s11 =	rddreg [dreg:$0x15];
	[sflag:s25] =	ssyncadd.s32 $0xFFFFC000  }
0xbb: {  	[tilespmem:s18], [sflag:$0x3] =	stream.indirect.gather [hbm4b:s4+s15], $0x80, s11, s15, $0xb8;
	[tilespmem:$0x1D400] =	vst v63  }
0xbc: {  	_ =	swait.ge [sflag:s26], $0x4000  }
0xbd: {  	[sflag:s26] =	ssyncset.done $0x0  }
0xbe: {  	s12 =	rddreg [dreg:$0x16];
	[sflag:s26] =	ssyncadd.s32 $0xFFFFC000  }
0xbf: {  	[spmem:s2] =	stream.indirect.scatter.add.f32 [tilespmem:s19], [sflag:$0x8], $0x80, s12, s15, $0xb8;
	[tilespmem:$0x1D400] =	vst v63  }
0xc0: {  	_ =	swait.ge [sflag:s28], $0x4000  }
0xc1: {  	[sflag:s28] =	ssyncset.done $0x0  }
0xc2: {  	s11 =	rddreg [dreg:$0x17];
	[sflag:s28] =	ssyncadd.s32 $0xFFFFC000  }
0xc3: {  	[tilespmem:s19], [sflag:$0x4] =	stream.indirect.gather [hbm4b:s4+s15], $0x80, s11, s15, $0xb8;
	[tilespmem:$0x1D400] =	vst v63  }
0xc4: {  	_ =	swait.ge [sflag:s20], $0x4000  }
0xc5: {  	[sflag:s20] =	ssyncset.done $0x0  }
0xc6: {  	s12 =	rddreg [dreg:$0x18];
	[sflag:s20] =	ssyncadd.s32 $0xFFFFC000  }
0xc7: {  	[spmem:s2] =	stream.indirect.scatter.add.f32 [tilespmem:s16], [sflag:$0x5], $0x80, s12, s15, $0xb8;
	[tilespmem:$0x1D400] =	vst v63  }
0xc8: {  	_ =	swait.ge [sflag:s21], $0x4000  }
0xc9: {  	[sflag:s21] =	ssyncset.done $0x0  }
0xca: {  	s11 =	rddreg [dreg:$0x19];
	[sflag:s21] =	ssyncadd.s32 $0xFFFFC000  }
0xcb: {  	[tilespmem:s16], [sflag:$0x1] =	stream.indirect.gather [hbm4b:s4+s15], $0x80, s11, s15, $0xb8;
	[tilespmem:$0x1D400] =	vst v63  }
0xcc: {  	_ =	swait.ge [sflag:s22], $0x4000  }
0xcd: {  	[sflag:s22] =	ssyncset.done $0x0  }
0xce: {  	s12 =	rddreg [dreg:$0x1a];
	[sflag:s22] =	ssyncadd.s32 $0xFFFFC000  }
0xcf: {  	[spmem:s2] =	stream.indirect.scatter.add.f32 [tilespmem:s17], [sflag:$0x6], $0x80, s12, s15, $0xb8;
	[tilespmem:$0x1D400] =	vst v63  }
0xd0: {  	_ =	swait.ge [sflag:s23], $0x4000  }
0xd1: {  	[sflag:s23] =	ssyncset.done $0x0  }
0xd2: {  	[sflag:s23] =	ssyncadd.s32 $0xFFFFC000  }
0xd3: {  	[tilespmem:s17], [sflag:$0x2] =	stream.indirect.gather [hbm4b:s4+s15], $0x80, s29, s15, $0xb8;
	[tilespmem:$0x1D400] =	vst v63  }
0xd4: {  	_ =	swait.ge [sflag:s24], $0x4000  }
0xd5: {  	[sflag:s24] =	ssyncset.done $0x0  }
0xd6: {  	[sflag:s24] =	ssyncadd.s32 $0xFFFFC000  }
0xd7: {  	[spmem:s2] =	stream.indirect.scatter.add.f32 [tilespmem:s18], [sflag:$0x7], $0x80, s30, s15, $0xb8;
	[tilespmem:$0x1D400] =	vst v63  }
0xd8: {  	_ =	swait.ge [sflag:s25], $0x4000  }
0xd9: {  	[sflag:s25] =	ssyncset.done $0x0  }
0xda: {  	[sflag:s25] =	ssyncadd.s32 $0xFFFFC000  }
0xdb: {  	[tilespmem:s18], [sflag:$0x3] =	stream.indirect.gather [hbm4b:s4+s15], $0x80, s31, s15, $0xb8;
	[tilespmem:$0x1D400] =	vst v63  }
0xdc: {  	_ =	swait.ge [sflag:s26], $0x4000  }
0xdd: {  	[sflag:s26] =	ssyncset.done $0x0  }
0xde: {  	[sflag:s26] =	ssyncadd.s32 $0xFFFFC000  }
0xdf: {  	[spmem:s2] =	stream.indirect.scatter.add.f32 [tilespmem:s19], [sflag:$0x8], $0x80, s1, s15, $0xb8;
	[tilespmem:$0x1D400] =	vst v63  }
0xe0: {  	_ =	swait.ge [sflag:s28], $0x4000  }
0xe1: {  	[sflag:s28] =	ssyncset.done $0x0  }
0xe2: {  	[sflag:s28] =	ssyncadd.s32 $0xFFFFC000  }
0xe3: {  	[tilespmem:s19], [sflag:$0x4] =	stream.indirect.gather [hbm4b:s4+s15], $0x80, s0, s15, $0xb8;
	[tilespmem:$0x1D400] =	vst v63  }
0xe4: {  	_ =	swait.ge [sflag:s20], $0x4000  }
0xe5: {  	[sflag:s20] =	ssyncset.done $0x0  }
0xe6: {  	[sflag:s20] =	ssyncadd.s32 $0xFFFFC000  }
0xe7: {  	[spmem:s2] =	stream.indirect.scatter.add.f32 [tilespmem:s16], [sflag:$0x5], $0x80, s6, s15, $0xb8;
	[tilespmem:$0x1D400] =	vst v63  }
0xe8: {  	_ =	swait.ge [sflag:s22], $0x4000  }
0xe9: {  	[sflag:s22] =	ssyncset.done $0x0  }
0xea: {  	[sflag:s22] =	ssyncadd.s32 $0xFFFFC000  }
0xeb: {  	[spmem:s2] =	stream.indirect.scatter.add.f32 [tilespmem:s17], [sflag:$0x6], $0x80, s7, s15, $0xb8;
	[tilespmem:$0x1D400] =	vst v63  }
0xec: {  	_ =	swait.ge [sflag:s24], $0x4000  }
0xed: {  	[sflag:s24] =	ssyncset.done $0x0  }
0xee: {  	[sflag:s24] =	ssyncadd.s32 $0xFFFFC000  }
0xef: {  	[spmem:s2] =	stream.indirect.scatter.add.f32 [tilespmem:s18], [sflag:$0x7], $0x80, s8, s15, $0xb8;
	[tilespmem:$0x1D400] =	vst v63  }
0xf0: {  	_ =	swait.ge [sflag:s26], $0x4000  }
0xf1: {  	[sflag:s26] =	ssyncset.done $0x0  }
0xf2: {  	[sflag:s26] =	ssyncadd.s32 $0xFFFFC000  }
0xf3: {  	[spmem:s2] =	stream.indirect.scatter.add.f32 [tilespmem:s19], [sflag:$0x8], $0x80, s9, s15, $0xb8;
	[tilespmem:$0x1D400] =	vst v63  }
0xf4: {  	_ =	swait.ge [sflag:s21], $0x4000  }
0xf5: {  	[sflag:s21] =	ssyncset.done $0x0  }
0xf6: {  	[sflag:s21] =	ssyncadd.s32 $0xFFFFC000  }
0xf7: {  	_ =	swait.ge [sflag:s23], $0x4000  }
0xf8: {  	[sflag:s23] =	ssyncset.done $0x0  }
0xf9: {  	[sflag:s23] =	ssyncadd.s32 $0xFFFFC000  }
0xfa: {  	_ =	swait.ge [sflag:s25], $0x4000  }
0xfb: {  	[sflag:s25] =	ssyncset.done $0x0  }
0xfc: {  	[sflag:s25] =	ssyncadd.s32 $0xFFFFC000  }
0xfd: {  	s10 =	simm.s32 $0x200;
	_ =	swait.ge [sflag:s28], $0x4000  }
0xfe: {  	s11 =	simm.s32 $0x100;
	s12 =	rddreg [dreg:$0x6];
	[sflag:s28] =	ssyncset.done $0x0  }
.LBB2_4:
0xff: {  	[sflag:s28] =	ssyncadd.s32 $0xFFFFC000;
	s12 =	sadd.s32 s11, s12  }
0x100: {  	[tilespmem:s3], [sflag:$0x9] =	stream.linear.gather [hbm4b:s12+s3], $0x800, $0x38;
	[tilespmem:$0x1D400] =	vst v63  }
0x101: {  	_ =	swait.ge [sflag:s13], $0x800  }
0x102: {  	s12 =	rddreg [dreg:$0x5];
	[sflag:s13] =	ssyncset.done $0x0  }
0x103: {  	[sflag:s13] =	ssyncadd.s32 $0xFFFFF800;
	s12 =	sadd.s32 s11, s12  }
0x104: {  	[tilespmem:s14], [sflag:$0x9] =	stream.linear.gather [hbm4b:s12+s3], $0x800, $0x38;
	[tilespmem:$0x1D400] =	vst v63  }
0x105: {  	_ =	swait.ge [sflag:s13], $0x800  }
0x106: {  	[sflag:s13] =	ssyncset.done $0x0  }
0x107: {  	[sflag:s13] =	ssyncadd.s32 $0xFFFFF800  }
0x108: {  	[tilespmem:s16], [sflag:$0x1] =	stream.indirect.gather [hbm4b:s4+s15], $0x80, s3, s15, $0xb8;
	[tilespmem:$0x1D400] =	vst v63  }
0x109: {  	_ = 	snop  }
0x10a: {  	[tilespmem:s17], [sflag:$0x2] =	stream.indirect.gather [hbm4b:s4+s15], $0x80, s15, s15, $0xb8;
	[tilespmem:$0x1D400] =	vst v63  }
0x10b: {  	s29 =	smov.u32 s10;
	s12 =	rddreg [dreg:$0x7]  }
0x10c: {  	[tilespmem:s18], [sflag:$0x3] =	stream.indirect.gather [hbm4b:s4+s15], $0x80, s12, s15, $0xb8;
	[tilespmem:$0x1D400] =	vst v63  }
0x10d: {  	s11 =	smov.u32 s29;
	s29 =	rddreg [dreg:$0x8]  }
0x10e: {  	[tilespmem:s19], [sflag:$0x4] =	stream.indirect.gather [hbm4b:s4+s15], $0x80, s29, s15, $0xb8;
	[tilespmem:$0x1D400] =	vst v63  }
0x10f: {  	_ =	swait.ge [sflag:s20], $0x4000  }
0x110: {  	[sflag:s20] =	ssyncset.done $0x0  }
0x111: {  	[sflag:s20] =	ssyncadd.s32 $0xFFFFC000  }
0x112: {  	[spmem:s2] =	stream.indirect.scatter.add.f32 [tilespmem:s16], [sflag:$0x5], $0x80, s14, s15, $0xb8;
	[tilespmem:$0x1D400] =	vst v63  }
0x113: {  	_ =	swait.ge [sflag:s21], $0x4000  }
0x114: {  	[sflag:s21] =	ssyncset.done $0x0  }
0x115: {  	s12 =	rddreg [dreg:$0x9];
	[sflag:s21] =	ssyncadd.s32 $0xFFFFC000  }
0x116: {  	[tilespmem:s16], [sflag:$0x1] =	stream.indirect.gather [hbm4b:s4+s15], $0x80, s12, s15, $0xb8;
	[tilespmem:$0x1D400] =	vst v63  }
0x117: {  	_ =	swait.ge [sflag:s22], $0x4000  }
0x118: {  	[sflag:s22] =	ssyncset.done $0x0  }
0x119: {  	s12 =	rddreg [dreg:$0xa];
	[sflag:s22] =	ssyncadd.s32 $0xFFFFC000  }
0x11a: {  	[spmem:s2] =	stream.indirect.scatter.add.f32 [tilespmem:s17], [sflag:$0x6], $0x80, s12, s15, $0xb8;
	[tilespmem:$0x1D400] =	vst v63  }
0x11b: {  	_ =	swait.ge [sflag:s23], $0x4000  }
0x11c: {  	[sflag:s23] =	ssyncset.done $0x0  }
0x11d: {  	s12 =	rddreg [dreg:$0xb];
	[sflag:s23] =	ssyncadd.s32 $0xFFFFC000  }
0x11e: {  	[tilespmem:s17], [sflag:$0x2] =	stream.indirect.gather [hbm4b:s4+s15], $0x80, s12, s15, $0xb8;
	[tilespmem:$0x1D400] =	vst v63  }
0x11f: {  	_ =	swait.ge [sflag:s24], $0x4000  }
0x120: {  	[sflag:s24] =	ssyncset.done $0x0  }
0x121: {  	s12 =	rddreg [dreg:$0xc];
	[sflag:s24] =	ssyncadd.s32 $0xFFFFC000  }
0x122: {  	[spmem:s2] =	stream.indirect.scatter.add.f32 [tilespmem:s18], [sflag:$0x7], $0x80, s12, s15, $0xb8;
	[tilespmem:$0x1D400] =	vst v63  }
0x123: {  	_ =	swait.ge [sflag:s25], $0x4000  }
0x124: {  	[sflag:s25] =	ssyncset.done $0x0  }
0x125: {  	s12 =	rddreg [dreg:$0xd];
	[sflag:s25] =	ssyncadd.s32 $0xFFFFC000  }
0x126: {  	[tilespmem:s18], [sflag:$0x3] =	stream.indirect.gather [hbm4b:s4+s15], $0x80, s12, s15, $0xb8;
	[tilespmem:$0x1D400] =	vst v63  }
0x127: {  	_ =	swait.ge [sflag:s26], $0x4000  }
0x128: {  	[sflag:s26] =	ssyncset.done $0x0  }
0x129: {  	s12 =	rddreg [dreg:$0xe];
	[sflag:s26] =	ssyncadd.s32 $0xFFFFC000  }
0x12a: {  	[spmem:s2] =	stream.indirect.scatter.add.f32 [tilespmem:s19], [sflag:$0x8], $0x80, s12, s15, $0xb8;
	[tilespmem:$0x1D400] =	vst v63  }
0x12b: {  	_ =	swait.ge [sflag:s28], $0x4000  }
0x12c: {  	[sflag:s28] =	ssyncset.done $0x0  }
0x12d: {  	s12 =	rddreg [dreg:$0xf];
	[sflag:s28] =	ssyncadd.s32 $0xFFFFC000  }
0x12e: {  	[tilespmem:s19], [sflag:$0x4] =	stream.indirect.gather [hbm4b:s4+s15], $0x80, s12, s15, $0xb8;
	[tilespmem:$0x1D400] =	vst v63  }
0x12f: {  	_ =	swait.ge [sflag:s20], $0x4000  }
0x130: {  	[sflag:s20] =	ssyncset.done $0x0  }
0x131: {  	s12 =	rddreg [dreg:$0x10];
	[sflag:s20] =	ssyncadd.s32 $0xFFFFC000  }
0x132: {  	[spmem:s2] =	stream.indirect.scatter.add.f32 [tilespmem:s16], [sflag:$0x5], $0x80, s12, s15, $0xb8;
	[tilespmem:$0x1D400] =	vst v63  }
0x133: {  	_ =	swait.ge [sflag:s21], $0x4000  }
0x134: {  	[sflag:s21] =	ssyncset.done $0x0  }
0x135: {  	s12 =	rddreg [dreg:$0x11];
	[sflag:s21] =	ssyncadd.s32 $0xFFFFC000  }
0x136: {  	[tilespmem:s16], [sflag:$0x1] =	stream.indirect.gather [hbm4b:s4+s15], $0x80, s12, s15, $0xb8;
	[tilespmem:$0x1D400] =	vst v63  }
0x137: {  	_ =	swait.ge [sflag:s22], $0x4000  }
0x138: {  	[sflag:s22] =	ssyncset.done $0x0  }
0x139: {  	s12 =	rddreg [dreg:$0x12];
	[sflag:s22] =	ssyncadd.s32 $0xFFFFC000  }
0x13a: {  	[spmem:s2] =	stream.indirect.scatter.add.f32 [tilespmem:s17], [sflag:$0x6], $0x80, s12, s15, $0xb8;
	[tilespmem:$0x1D400] =	vst v63  }
0x13b: {  	_ =	swait.ge [sflag:s23], $0x4000  }
0x13c: {  	[sflag:s23] =	ssyncset.done $0x0  }
0x13d: {  	s12 =	rddreg [dreg:$0x13];
	[sflag:s23] =	ssyncadd.s32 $0xFFFFC000  }
0x13e: {  	[tilespmem:s17], [sflag:$0x2] =	stream.indirect.gather [hbm4b:s4+s15], $0x80, s12, s15, $0xb8;
	[tilespmem:$0x1D400] =	vst v63  }
0x13f: {  	_ =	swait.ge [sflag:s24], $0x4000  }
0x140: {  	[sflag:s24] =	ssyncset.done $0x0  }
0x141: {  	s12 =	rddreg [dreg:$0x14];
	[sflag:s24] =	ssyncadd.s32 $0xFFFFC000  }
0x142: {  	[spmem:s2] =	stream.indirect.scatter.add.f32 [tilespmem:s18], [sflag:$0x7], $0x80, s12, s15, $0xb8;
	[tilespmem:$0x1D400] =	vst v63  }
0x143: {  	_ =	swait.ge [sflag:s25], $0x4000  }
0x144: {  	[sflag:s25] =	ssyncset.done $0x0  }
0x145: {  	s12 =	rddreg [dreg:$0x15];
	[sflag:s25] =	ssyncadd.s32 $0xFFFFC000  }
0x146: {  	[tilespmem:s18], [sflag:$0x3] =	stream.indirect.gather [hbm4b:s4+s15], $0x80, s12, s15, $0xb8;
	[tilespmem:$0x1D400] =	vst v63  }
0x147: {  	_ =	swait.ge [sflag:s26], $0x4000  }
0x148: {  	[sflag:s26] =	ssyncset.done $0x0  }
0x149: {  	s12 =	rddreg [dreg:$0x16];
	[sflag:s26] =	ssyncadd.s32 $0xFFFFC000  }
0x14a: {  	[spmem:s2] =	stream.indirect.scatter.add.f32 [tilespmem:s19], [sflag:$0x8], $0x80, s12, s15, $0xb8;
	[tilespmem:$0x1D400] =	vst v63  }
0x14b: {  	_ =	swait.ge [sflag:s28], $0x4000  }
0x14c: {  	[sflag:s28] =	ssyncset.done $0x0  }
0x14d: {  	s12 =	rddreg [dreg:$0x17];
	[sflag:s28] =	ssyncadd.s32 $0xFFFFC000  }
0x14e: {  	[tilespmem:s19], [sflag:$0x4] =	stream.indirect.gather [hbm4b:s4+s15], $0x80, s12, s15, $0xb8;
	[tilespmem:$0x1D400] =	vst v63  }
0x14f: {  	_ =	swait.ge [sflag:s20], $0x4000  }
0x150: {  	[sflag:s20] =	ssyncset.done $0x0  }
0x151: {  	s12 =	rddreg [dreg:$0x18];
	[sflag:s20] =	ssyncadd.s32 $0xFFFFC000  }
0x152: {  	[spmem:s2] =	stream.indirect.scatter.add.f32 [tilespmem:s16], [sflag:$0x5], $0x80, s12, s15, $0xb8;
	[tilespmem:$0x1D400] =	vst v63  }
0x153: {  	_ =	swait.ge [sflag:s21], $0x4000  }
0x154: {  	[sflag:s21] =	ssyncset.done $0x0  }
0x155: {  	s12 =	rddreg [dreg:$0x19];
	[sflag:s21] =	ssyncadd.s32 $0xFFFFC000  }
0x156: {  	[tilespmem:s16], [sflag:$0x1] =	stream.indirect.gather [hbm4b:s4+s15], $0x80, s12, s15, $0xb8;
	[tilespmem:$0x1D400] =	vst v63  }
0x157: {  	_ =	swait.ge [sflag:s22], $0x4000  }
0x158: {  	[sflag:s22] =	ssyncset.done $0x0  }
0x159: {  	s12 =	rddreg [dreg:$0x1a];
	[sflag:s22] =	ssyncadd.s32 $0xFFFFC000  }
0x15a: {  	[spmem:s2] =	stream.indirect.scatter.add.f32 [tilespmem:s17], [sflag:$0x6], $0x80, s12, s15, $0xb8;
	[tilespmem:$0x1D400] =	vst v63  }
0x15b: {  	_ =	swait.ge [sflag:s23], $0x4000  }
0x15c: {  	[sflag:s23] =	ssyncset.done $0x0  }
0x15d: {  	s29 =	simm.s32 $0x680;
	[sflag:s23] =	ssyncadd.s32 $0xFFFFC000  }
0x15e: {  	[tilespmem:s17], [sflag:$0x2] =	stream.indirect.gather [hbm4b:s4+s15], $0x80, s29, s15, $0xb8;
	[tilespmem:$0x1D400] =	vst v63  }
0x15f: {  	_ =	swait.ge [sflag:s24], $0x4000  }
0x160: {  	[sflag:s24] =	ssyncset.done $0x0  }
0x161: {  	[sflag:s24] =	ssyncadd.s32 $0xFFFFC000  }
0x162: {  	[spmem:s2] =	stream.indirect.scatter.add.f32 [tilespmem:s18], [sflag:$0x7], $0x80, s30, s15, $0xb8;
	[tilespmem:$0x1D400] =	vst v63  }
0x163: {  	_ =	swait.ge [sflag:s25], $0x4000  }
0x164: {  	[sflag:s25] =	ssyncset.done $0x0  }
0x165: {  	[sflag:s25] =	ssyncadd.s32 $0xFFFFC000  }
0x166: {  	[tilespmem:s18], [sflag:$0x3] =	stream.indirect.gather [hbm4b:s4+s15], $0x80, s31, s15, $0xb8;
	[tilespmem:$0x1D400] =	vst v63  }
0x167: {  	_ =	swait.ge [sflag:s26], $0x4000  }
0x168: {  	[sflag:s26] =	ssyncset.done $0x0  }
0x169: {  	[sflag:s26] =	ssyncadd.s32 $0xFFFFC000  }
0x16a: {  	[spmem:s2] =	stream.indirect.scatter.add.f32 [tilespmem:s19], [sflag:$0x8], $0x80, s1, s15, $0xb8;
	[tilespmem:$0x1D400] =	vst v63  }
0x16b: {  	_ =	swait.ge [sflag:s28], $0x4000  }
0x16c: {  	[sflag:s28] =	ssyncset.done $0x0  }
0x16d: {  	[sflag:s28] =	ssyncadd.s32 $0xFFFFC000  }
0x16e: {  	[tilespmem:s19], [sflag:$0x4] =	stream.indirect.gather [hbm4b:s4+s15], $0x80, s0, s15, $0xb8;
	[tilespmem:$0x1D400] =	vst v63  }
0x16f: {  	_ =	swait.ge [sflag:s20], $0x4000  }
0x170: {  	[sflag:s20] =	ssyncset.done $0x0  }
0x171: {  	[sflag:s20] =	ssyncadd.s32 $0xFFFFC000  }
0x172: {  	[spmem:s2] =	stream.indirect.scatter.add.f32 [tilespmem:s16], [sflag:$0x5], $0x80, s6, s15, $0xb8;
	[tilespmem:$0x1D400] =	vst v63  }
0x173: {  	_ =	swait.ge [sflag:s22], $0x4000  }
0x174: {  	[sflag:s22] =	ssyncset.done $0x0  }
0x175: {  	[sflag:s22] =	ssyncadd.s32 $0xFFFFC000  }
0x176: {  	[spmem:s2] =	stream.indirect.scatter.add.f32 [tilespmem:s17], [sflag:$0x6], $0x80, s7, s15, $0xb8;
	[tilespmem:$0x1D400] =	vst v63  }
0x177: {  	_ =	swait.ge [sflag:s24], $0x4000  }
0x178: {  	[sflag:s24] =	ssyncset.done $0x0  }
0x179: {  	[sflag:s24] =	ssyncadd.s32 $0xFFFFC000  }
0x17a: {  	[spmem:s2] =	stream.indirect.scatter.add.f32 [tilespmem:s18], [sflag:$0x7], $0x80, s8, s15, $0xb8;
	[tilespmem:$0x1D400] =	vst v63  }
0x17b: {  	_ =	swait.ge [sflag:s26], $0x4000  }
0x17c: {  	[sflag:s26] =	ssyncset.done $0x0  }
0x17d: {  	[sflag:s26] =	ssyncadd.s32 $0xFFFFC000  }
0x17e: {  	[spmem:s2] =	stream.indirect.scatter.add.f32 [tilespmem:s19], [sflag:$0x8], $0x80, s9, s15, $0xb8;
	[tilespmem:$0x1D400] =	vst v63  }
0x17f: {  	_ =	swait.ge [sflag:s21], $0x4000  }
0x180: {  	[sflag:s21] =	ssyncset.done $0x0  }
0x181: {  	[sflag:s21] =	ssyncadd.s32 $0xFFFFC000  }
0x182: {  	_ =	swait.ge [sflag:s23], $0x4000  }
0x183: {  	[sflag:s23] =	ssyncset.done $0x0  }
0x184: {  	p0 =	sne.s32 s10, $0x400;
	[sflag:s23] =	ssyncadd.s32 $0xFFFFC000  }
.Ltmp1:
0x185: {  	_ =	swait.ge [sflag:s25], $0x4000;
	(pc) =	sbr.rel @p0 .LBB2_4-.Ltmp1, $4  }
0x186: {  	[sflag:s25] =	ssyncset.done $0x0  }
0x187: {  	[sflag:s25] =	ssyncadd.s32 $0xFFFFC000  }
0x188: {  	_ =	swait.ge [sflag:s28], $0x4000  }
0x189: {  	s10 =	sadd.s32 $0x100, s10;
	s12 =	rddreg [dreg:$0x6];
	[sflag:s28] =	ssyncset.done $0x0  }
0x18a: {  	[sflag:s28] =	ssyncadd.s32 $0xFFFFC000;
	s10 =	sadd.s32 s11, s12  }
0x18b: {  	[tilespmem:s3], [sflag:$0x9] =	stream.linear.gather [hbm4b:s10+s3], $0x800, $0x38;
	[tilespmem:$0x1D400] =	vst v63  }
0x18c: {  	_ =	swait.ge [sflag:s13], $0x800  }
0x18d: {  	s12 =	rddreg [dreg:$0x5];
	[sflag:s13] =	ssyncset.done $0x0  }
0x18e: {  	[sflag:s13] =	ssyncadd.s32 $0xFFFFF800;
	s10 =	sadd.s32 s11, s12  }
0x18f: {  	[tilespmem:s14], [sflag:$0x9] =	stream.linear.gather [hbm4b:s10+s3], $0x800, $0x38;
	[tilespmem:$0x1D400] =	vst v63  }
0x190: {  	_ =	swait.ge [sflag:s13], $0x800  }
0x191: {  	[sflag:s13] =	ssyncset.done $0x0  }
0x192: {  	[sflag:s13] =	ssyncadd.s32 $0xFFFFF800  }
0x193: {  	[tilespmem:s16], [sflag:$0x1] =	stream.indirect.gather [hbm4b:s4+s15], $0x80, s3, s15, $0xb8;
	[tilespmem:$0x1D400] =	vst v63  }
0x194: {  	_ = 	snop  }
0x195: {  	[tilespmem:s17], [sflag:$0x2] =	stream.indirect.gather [hbm4b:s4+s15], $0x80, s15, s15, $0xb8;
	[tilespmem:$0x1D400] =	vst v63  }
0x196: {  	s11 =	rddreg [dreg:$0x7]  }
0x197: {  	[tilespmem:s18], [sflag:$0x3] =	stream.indirect.gather [hbm4b:s4+s15], $0x80, s11, s15, $0xb8;
	[tilespmem:$0x1D400] =	vst v63  }
0x198: {  	s12 =	rddreg [dreg:$0x8]  }
0x199: {  	[tilespmem:s19], [sflag:$0x4] =	stream.indirect.gather [hbm4b:s4+s15], $0x80, s12, s15, $0xb8;
	[tilespmem:$0x1D400] =	vst v63  }
0x19a: {  	_ =	swait.ge [sflag:s20], $0x4000  }
0x19b: {  	[sflag:s20] =	ssyncset.done $0x0  }
0x19c: {  	[sflag:s20] =	ssyncadd.s32 $0xFFFFC000  }
0x19d: {  	[spmem:s2] =	stream.indirect.scatter.add.f32 [tilespmem:s16], [sflag:$0x5], $0x80, s14, s15, $0xb8;
	[tilespmem:$0x1D400] =	vst v63  }
0x19e: {  	_ =	swait.ge [sflag:s21], $0x4000  }
0x19f: {  	[sflag:s21] =	ssyncset.done $0x0  }
0x1a0: {  	s12 =	rddreg [dreg:$0x9];
	[sflag:s21] =	ssyncadd.s32 $0xFFFFC000  }
0x1a1: {  	[tilespmem:s16], [sflag:$0x1] =	stream.indirect.gather [hbm4b:s4+s15], $0x80, s12, s15, $0xb8;
	[tilespmem:$0x1D400] =	vst v63  }
0x1a2: {  	_ =	swait.ge [sflag:s22], $0x4000  }
0x1a3: {  	[sflag:s22] =	ssyncset.done $0x0  }
0x1a4: {  	s11 =	rddreg [dreg:$0xa];
	[sflag:s22] =	ssyncadd.s32 $0xFFFFC000  }
0x1a5: {  	[spmem:s2] =	stream.indirect.scatter.add.f32 [tilespmem:s17], [sflag:$0x6], $0x80, s11, s15, $0xb8;
	[tilespmem:$0x1D400] =	vst v63  }
0x1a6: {  	_ =	swait.ge [sflag:s23], $0x4000  }
0x1a7: {  	[sflag:s23] =	ssyncset.done $0x0  }
0x1a8: {  	s12 =	rddreg [dreg:$0xb];
	[sflag:s23] =	ssyncadd.s32 $0xFFFFC000  }
0x1a9: {  	[tilespmem:s17], [sflag:$0x2] =	stream.indirect.gather [hbm4b:s4+s15], $0x80, s12, s15, $0xb8;
	[tilespmem:$0x1D400] =	vst v63  }
0x1aa: {  	_ =	swait.ge [sflag:s24], $0x4000  }
0x1ab: {  	[sflag:s24] =	ssyncset.done $0x0  }
0x1ac: {  	s11 =	rddreg [dreg:$0xc];
	[sflag:s24] =	ssyncadd.s32 $0xFFFFC000  }
0x1ad: {  	[spmem:s2] =	stream.indirect.scatter.add.f32 [tilespmem:s18], [sflag:$0x7], $0x80, s11, s15, $0xb8;
	[tilespmem:$0x1D400] =	vst v63  }
0x1ae: {  	_ =	swait.ge [sflag:s25], $0x4000  }
0x1af: {  	[sflag:s25] =	ssyncset.done $0x0  }
0x1b0: {  	s12 =	rddreg [dreg:$0xd];
	[sflag:s25] =	ssyncadd.s32 $0xFFFFC000  }
0x1b1: {  	[tilespmem:s18], [sflag:$0x3] =	stream.indirect.gather [hbm4b:s4+s15], $0x80, s12, s15, $0xb8;
	[tilespmem:$0x1D400] =	vst v63  }
0x1b2: {  	_ =	swait.ge [sflag:s26], $0x4000  }
0x1b3: {  	[sflag:s26] =	ssyncset.done $0x0  }
0x1b4: {  	s11 =	rddreg [dreg:$0xe];
	[sflag:s26] =	ssyncadd.s32 $0xFFFFC000  }
0x1b5: {  	[spmem:s2] =	stream.indirect.scatter.add.f32 [tilespmem:s19], [sflag:$0x8], $0x80, s11, s15, $0xb8;
	[tilespmem:$0x1D400] =	vst v63  }
0x1b6: {  	_ =	swait.ge [sflag:s28], $0x4000  }
0x1b7: {  	[sflag:s28] =	ssyncset.done $0x0  }
0x1b8: {  	s12 =	rddreg [dreg:$0xf];
	[sflag:s28] =	ssyncadd.s32 $0xFFFFC000  }
0x1b9: {  	[tilespmem:s19], [sflag:$0x4] =	stream.indirect.gather [hbm4b:s4+s15], $0x80, s12, s15, $0xb8;
	[tilespmem:$0x1D400] =	vst v63  }
0x1ba: {  	_ =	swait.ge [sflag:s20], $0x4000  }
0x1bb: {  	[sflag:s20] =	ssyncset.done $0x0  }
0x1bc: {  	s11 =	rddreg [dreg:$0x10];
	[sflag:s20] =	ssyncadd.s32 $0xFFFFC000  }
0x1bd: {  	[spmem:s2] =	stream.indirect.scatter.add.f32 [tilespmem:s16], [sflag:$0x5], $0x80, s11, s15, $0xb8;
	[tilespmem:$0x1D400] =	vst v63  }
0x1be: {  	_ =	swait.ge [sflag:s21], $0x4000  }
0x1bf: {  	[sflag:s21] =	ssyncset.done $0x0  }
0x1c0: {  	s12 =	rddreg [dreg:$0x11];
	[sflag:s21] =	ssyncadd.s32 $0xFFFFC000  }
0x1c1: {  	[tilespmem:s16], [sflag:$0x1] =	stream.indirect.gather [hbm4b:s4+s15], $0x80, s12, s15, $0xb8;
	[tilespmem:$0x1D400] =	vst v63  }
0x1c2: {  	_ =	swait.ge [sflag:s22], $0x4000  }
0x1c3: {  	[sflag:s22] =	ssyncset.done $0x0  }
0x1c4: {  	s11 =	rddreg [dreg:$0x12];
	[sflag:s22] =	ssyncadd.s32 $0xFFFFC000  }
0x1c5: {  	[spmem:s2] =	stream.indirect.scatter.add.f32 [tilespmem:s17], [sflag:$0x6], $0x80, s11, s15, $0xb8;
	[tilespmem:$0x1D400] =	vst v63  }
0x1c6: {  	_ =	swait.ge [sflag:s23], $0x4000  }
0x1c7: {  	[sflag:s23] =	ssyncset.done $0x0  }
0x1c8: {  	s12 =	rddreg [dreg:$0x13];
	[sflag:s23] =	ssyncadd.s32 $0xFFFFC000  }
0x1c9: {  	[tilespmem:s17], [sflag:$0x2] =	stream.indirect.gather [hbm4b:s4+s15], $0x80, s12, s15, $0xb8;
	[tilespmem:$0x1D400] =	vst v63  }
0x1ca: {  	_ =	swait.ge [sflag:s24], $0x4000  }
0x1cb: {  	[sflag:s24] =	ssyncset.done $0x0  }
0x1cc: {  	s11 =	rddreg [dreg:$0x14];
	[sflag:s24] =	ssyncadd.s32 $0xFFFFC000  }
0x1cd: {  	[spmem:s2] =	stream.indirect.scatter.add.f32 [tilespmem:s18], [sflag:$0x7], $0x80, s11, s15, $0xb8;
	[tilespmem:$0x1D400] =	vst v63  }
0x1ce: {  	_ =	swait.ge [sflag:s25], $0x4000  }
0x1cf: {  	[sflag:s25] =	ssyncset.done $0x0  }
0x1d0: {  	s12 =	rddreg [dreg:$0x15];
	[sflag:s25] =	ssyncadd.s32 $0xFFFFC000  }
0x1d1: {  	[tilespmem:s18], [sflag:$0x3] =	stream.indirect.gather [hbm4b:s4+s15], $0x80, s12, s15, $0xb8;
	[tilespmem:$0x1D400] =	vst v63  }
0x1d2: {  	_ =	swait.ge [sflag:s26], $0x4000  }
0x1d3: {  	[sflag:s26] =	ssyncset.done $0x0  }
0x1d4: {  	s11 =	rddreg [dreg:$0x16];
	[sflag:s26] =	ssyncadd.s32 $0xFFFFC000  }
0x1d5: {  	[spmem:s2] =	stream.indirect.scatter.add.f32 [tilespmem:s19], [sflag:$0x8], $0x80, s11, s15, $0xb8;
	[tilespmem:$0x1D400] =	vst v63  }
0x1d6: {  	_ =	swait.ge [sflag:s28], $0x4000  }
0x1d7: {  	[sflag:s28] =	ssyncset.done $0x0  }
0x1d8: {  	s12 =	rddreg [dreg:$0x17];
	[sflag:s28] =	ssyncadd.s32 $0xFFFFC000  }
0x1d9: {  	[tilespmem:s19], [sflag:$0x4] =	stream.indirect.gather [hbm4b:s4+s15], $0x80, s12, s15, $0xb8;
	[tilespmem:$0x1D400] =	vst v63  }
0x1da: {  	_ =	swait.ge [sflag:s20], $0x4000  }
0x1db: {  	[sflag:s20] =	ssyncset.done $0x0  }
0x1dc: {  	s11 =	rddreg [dreg:$0x18];
	[sflag:s20] =	ssyncadd.s32 $0xFFFFC000  }
0x1dd: {  	[spmem:s2] =	stream.indirect.scatter.add.f32 [tilespmem:s16], [sflag:$0x5], $0x80, s11, s15, $0xb8;
	[tilespmem:$0x1D400] =	vst v63  }
0x1de: {  	_ =	swait.ge [sflag:s21], $0x4000  }
0x1df: {  	[sflag:s21] =	ssyncset.done $0x0  }
0x1e0: {  	s12 =	rddreg [dreg:$0x19];
	[sflag:s21] =	ssyncadd.s32 $0xFFFFC000  }
0x1e1: {  	[tilespmem:s16], [sflag:$0x1] =	stream.indirect.gather [hbm4b:s4+s15], $0x80, s12, s15, $0xb8;
	[tilespmem:$0x1D400] =	vst v63  }
0x1e2: {  	_ =	swait.ge [sflag:s22], $0x4000  }
0x1e3: {  	[sflag:s22] =	ssyncset.done $0x0  }
0x1e4: {  	s11 =	rddreg [dreg:$0x1a];
	[sflag:s22] =	ssyncadd.s32 $0xFFFFC000  }
0x1e5: {  	[spmem:s2] =	stream.indirect.scatter.add.f32 [tilespmem:s17], [sflag:$0x6], $0x80, s11, s15, $0xb8;
	[tilespmem:$0x1D400] =	vst v63  }
0x1e6: {  	_ =	swait.ge [sflag:s23], $0x4000  }
0x1e7: {  	[sflag:s23] =	ssyncset.done $0x0  }
0x1e8: {  	[sflag:s23] =	ssyncadd.s32 $0xFFFFC000  }
0x1e9: {  	[tilespmem:s17], [sflag:$0x2] =	stream.indirect.gather [hbm4b:s4+s15], $0x80, s29, s15, $0xb8;
	[tilespmem:$0x1D400] =	vst v63  }
0x1ea: {  	_ =	swait.ge [sflag:s24], $0x4000  }
0x1eb: {  	[sflag:s24] =	ssyncset.done $0x0  }
0x1ec: {  	[sflag:s24] =	ssyncadd.s32 $0xFFFFC000  }
0x1ed: {  	[spmem:s2] =	stream.indirect.scatter.add.f32 [tilespmem:s18], [sflag:$0x7], $0x80, s30, s15, $0xb8;
	[tilespmem:$0x1D400] =	vst v63  }
0x1ee: {  	_ =	swait.ge [sflag:s25], $0x4000  }
0x1ef: {  	[sflag:s25] =	ssyncset.done $0x0  }
0x1f0: {  	[sflag:s25] =	ssyncadd.s32 $0xFFFFC000  }
0x1f1: {  	[tilespmem:s18], [sflag:$0x3] =	stream.indirect.gather [hbm4b:s4+s15], $0x80, s31, s15, $0xb8;
	[tilespmem:$0x1D400] =	vst v63  }
0x1f2: {  	_ =	swait.ge [sflag:s26], $0x4000  }
0x1f3: {  	[sflag:s26] =	ssyncset.done $0x0  }
0x1f4: {  	[sflag:s26] =	ssyncadd.s32 $0xFFFFC000  }
0x1f5: {  	[spmem:s2] =	stream.indirect.scatter.add.f32 [tilespmem:s19], [sflag:$0x8], $0x80, s1, s15, $0xb8;
	[tilespmem:$0x1D400] =	vst v63  }
0x1f6: {  	_ =	swait.ge [sflag:s28], $0x4000  }
0x1f7: {  	[sflag:s28] =	ssyncset.done $0x0  }
0x1f8: {  	[sflag:s28] =	ssyncadd.s32 $0xFFFFC000  }
0x1f9: {  	[tilespmem:s19], [sflag:$0x4] =	stream.indirect.gather [hbm4b:s4+s15], $0x80, s0, s15, $0xb8;
	[tilespmem:$0x1D400] =	vst v63  }
0x1fa: {  	_ =	swait.ge [sflag:s20], $0x4000  }
0x1fb: {  	[sflag:s20] =	ssyncset.done $0x0  }
0x1fc: {  	[sflag:s20] =	ssyncadd.s32 $0xFFFFC000  }
0x1fd: {  	[spmem:s2] =	stream.indirect.scatter.add.f32 [tilespmem:s16], [sflag:$0x5], $0x80, s6, s15, $0xb8;
	[tilespmem:$0x1D400] =	vst v63  }
0x1fe: {  	_ =	swait.ge [sflag:s22], $0x4000  }
0x1ff: {  	[sflag:s22] =	ssyncset.done $0x0  }
0x200: {  	[sflag:s22] =	ssyncadd.s32 $0xFFFFC000  }
0x201: {  	[spmem:s2] =	stream.indirect.scatter.add.f32 [tilespmem:s17], [sflag:$0x6], $0x80, s7, s15, $0xb8;
	[tilespmem:$0x1D400] =	vst v63  }
0x202: {  	_ =	swait.ge [sflag:s24], $0x4000  }
0x203: {  	[sflag:s24] =	ssyncset.done $0x0  }
0x204: {  	[sflag:s24] =	ssyncadd.s32 $0xFFFFC000  }
0x205: {  	[spmem:s2] =	stream.indirect.scatter.add.f32 [tilespmem:s18], [sflag:$0x7], $0x80, s8, s15, $0xb8;
	[tilespmem:$0x1D400] =	vst v63  }
0x206: {  	_ =	swait.ge [sflag:s26], $0x4000  }
0x207: {  	[sflag:s26] =	ssyncset.done $0x0  }
0x208: {  	[sflag:s26] =	ssyncadd.s32 $0xFFFFC000  }
0x209: {  	[spmem:s2] =	stream.indirect.scatter.add.f32 [tilespmem:s19], [sflag:$0x8], $0x80, s9, s15, $0xb8;
	[tilespmem:$0x1D400] =	vst v63  }
0x20a: {  	_ =	swait.ge [sflag:s21], $0x4000  }
0x20b: {  	[sflag:s21] =	ssyncset.done $0x0  }
0x20c: {  	[sflag:s21] =	ssyncadd.s32 $0xFFFFC000  }
0x20d: {  	_ =	swait.ge [sflag:s23], $0x4000  }
0x20e: {  	[sflag:s23] =	ssyncset.done $0x0  }
0x20f: {  	[sflag:s23] =	ssyncadd.s32 $0xFFFFC000  }
0x210: {  	_ =	swait.ge [sflag:s25], $0x4000  }
0x211: {  	[sflag:s25] =	ssyncset.done $0x0  }
0x212: {  	[sflag:s25] =	ssyncadd.s32 $0xFFFFC000  }
0x213: {  	_ =	swait.ge [sflag:s28], $0x4000  }
0x214: {  	[sflag:s28] =	ssyncset.done $0x0  }
0x215: {  	[sflag:s28] =	ssyncadd.s32 $0xFFFFC000  }
0x216: {  	[bflag:$0x0] =	sbarrier.arrive $0xFFFF  }
0x217: {  	[tilespmem:s16], [sflag:$0x9] =	stream.linear.gather [spmem:s5], $0x4000, $0x38;
	[tilespmem:$0x1D400] =	vst v63  }
0x218: {  	_ =	swait.ge [sflag:s13], $0x4000  }
0x219: {  	[sflag:s13] =	ssyncset.done $0x0  }
0x21a: {  	s12 =	rddreg [dreg:$0x1b];
	[sflag:s13] =	ssyncadd.s32 $0xFFFFC000  }
0x21b: {  	[hbm4b:s12+s3] =	stream.linear.scatter [tilespmem:s16], [sflag:$0x9], $0x4000, $0x38;
	[tilespmem:$0x1D400] =	vst v63  }
0x21c: {  	_ =	swait.ge [sflag:s13], $0x4000  }
0x21d: {  	[sflag:s13] =	ssyncset.done $0x0  }
0x21e: {  	s11 =	rddreg [dreg:$0x1c];
	[sflag:s13] =	ssyncadd.s32 $0xFFFFC000  }
0x21f: {  	[tilespmem:s17], [sflag:$0x9] =	stream.linear.gather [spmem:s11], $0x4000, $0x38;
	[tilespmem:$0x1D400] =	vst v63  }
0x220: {  	_ =	swait.ge [sflag:s13], $0x4000  }
0x221: {  	[sflag:s13] =	ssyncset.done $0x0  }
0x222: {  	s12 =	rddreg [dreg:$0x1d];
	[sflag:s13] =	ssyncadd.s32 $0xFFFFC000  }
0x223: {  	[hbm4b:s12+s3] =	stream.linear.scatter [tilespmem:s17], [sflag:$0x9], $0x4000, $0x38;
	[tilespmem:$0x1D400] =	vst v63  }
0x224: {  	_ =	swait.ge [sflag:s13], $0x4000  }
0x225: {  	[sflag:s13] =	ssyncset.done $0x0  }
0x226: {  	s11 =	rddreg [dreg:$0x1e];
	[sflag:s13] =	ssyncadd.s32 $0xFFFFC000  }
0x227: {  	[tilespmem:s18], [sflag:$0x9] =	stream.linear.gather [spmem:s11], $0x4000, $0x38;
	[tilespmem:$0x1D400] =	vst v63  }
0x228: {  	_ =	swait.ge [sflag:s13], $0x4000  }
0x229: {  	[sflag:s13] =	ssyncset.done $0x0  }
0x22a: {  	s12 =	rddreg [dreg:$0x1f];
	[sflag:s13] =	ssyncadd.s32 $0xFFFFC000  }
0x22b: {  	[hbm4b:s12+s3] =	stream.linear.scatter [tilespmem:s18], [sflag:$0x9], $0x4000, $0x38;
	[tilespmem:$0x1D400] =	vst v63  }
0x22c: {  	_ =	swait.ge [sflag:s13], $0x4000  }
0x22d: {  	s10 =	sld [smem:$0x7FC]  }
0x22e: {  	s12 =	sld [smem:$0x7FD];
	_ =	sdelay $0x1  }
0x22f: {  	s11 =	sadd.s32 $0x1, s10  }
0x230: {  	p0 =	sne.s32 s11, s12  }
.Ltmp2:
0x231: {  	_ = 	snop;
	(pc) =	sbr.rel @p0 .LBB2_1-.Ltmp2, $3  }
0x232: {  	_ =	sdelay $0x1  }
0x233: {  	[sflag:s13] =	ssyncset.done $0x0  }
0x234: {  	[sflag:s13] =	ssyncadd.s32 $0xFFFFC000;
	s12 =	simm.s32 $0x11000  }
0x235: {  	_ =	sfence.sel $0x180000  }
0x236: {  	[bflag:$0x0] =	sbarrier.arrive $0xFFFF  }
0x237: {  	_ =	strace $0x9000004A  }
0x238: {  	s0 =	stileid.u32;
	[bflag:$0x2] =	sbarrier.arrive $0xFFFF  }
0x239: {  	p0 =	sne.s32 s0, $0x0;
	s0 =	rddreg [dreg:$0x4]  }
0x23a: {  	s0 =	sadd.s32 @!p0 $0x100000, s0  }
0x23b: {  	[sflag:s0] =	ssyncadd.tile.s32 @!p0 $0x1;
	_ =	shalt  }
.Lfunc_end2:
_tile_overlayer_lowered:
.L_overlay_start_2:
0x23c: {  	(tag) =	ssettag $0x2  }
0x23d: {  	s0 =	rddreg [dreg:$0x0];
	s2 =	stileid.u32  }
0x23e: {  	s1 =	rddreg [dreg:$0x1];
	p0 =	sne.s32 s2, $0x0  }
0x23f: {  	s3 =	rddreg [dreg:$0x2];
	[bflag:$0x3] =	sbarrier.arrive $0xFFFF;
	s2 =	simm.s32 @!p0 $0x1C09  }
0x240: {  	[timem:s3], [sflag:s2] =	dma.local @!p0 [hbm:s0], s1  }
0x241: {  	s0 =	simm.s32 @!p0 $0x9  }
0x242: {  	_ =	swait.ge @!p0 [sflag:s0], s1  }
0x243: {  	s1 =	ssub.s32 @!p0 $0x0, s1;
	[sflag:s0] =	ssyncset.done @!p0 $0x0  }
0x244: {  	[sflag:s0] =	ssyncadd.s32 @!p0 s1  }
0x245: {  	[bflag:$0x3] =	sbarrier.arrive $0xFFFF  }
0x246: {  	_ =	shalt  }

// kernel: kernel.7.cloned.1.call-start
scs
__scs_entry_jumppad:
0x0: {  	(pc) =	sbr.rel $0x88, $3  }
0x1: {  	(tag) =	ssettag $0x0;
	lr =	simm.s32 $0x1  }
0x2: {  	[smem:$0x3F93] =	sst lr;
	_ =	strace $0xD0000000  }
0x3: {  	_ = 	snop  }
0x4: {  	_ = 	snop  }
0x5: {  	_ = 	snop  }
0x6: {  	_ = 	snop  }
0x7: {  	_ = 	snop  }
__scs_overlays_trampoline_lowered:
0x8: {  	[smem:$0x3FA2] =	sst s0  }
0x9: {  	[smem:$0x3FA3] =	sst s1  }
0xa: {  	[smem:$0x3FA4] =	sst s2  }
0xb: {  	[smem:$0x3FA5] =	sst s3  }
0xc: {  	[smem:$0x3FA6] =	sst s4  }
0xd: {  	[smem:$0x3FA7] =	sst s5  }
0xe: {  	[smem:$0x3FA8] =	sst s6  }
0xf: {  	[smem:$0x3FA9] =	sst s7  }
0x10: {  	[smem:$0x3FAA] =	sst s8  }
0x11: {  	[smem:$0x3FAB] =	sst s9;
	s0 =	simm.s32 @!p0 $0x0  }
0x12: {  	s1 =	sld [smem:$0x3F91];
	s0 =	simm.s32 @p0 $0x1  }
0x13: {  	[smem:$0x3FAC] =	sst s0;
	s0 =	simm.s32 @!p1 $0x0  }
0x14: {  	s2 =	sld [smem:$0x3F90];
	s0 =	simm.s32 @p1 $0x1  }
0x15: {  	[smem:$0x3FAD] =	sst s0;
	s0 =	simm.s32 @!p2 $0x0  }
0x16: {  	s3 =	sld [smem:$0x3FDB];
	s0 =	simm.s32 @p2 $0x1  }
0x17: {  	s4 =	simm.s32 $0x1BF5;
	[smem:$0x3FAF] =	sst s0  }
0x18: {  	s0 =	sld [smem:$0x3F92];
	_ =	swait.ge [sflag:s4], $0x0  }
0x19: {  	s7 =	sld [smem:$0x3F93]  }
0x1a: {  	s8 =	sadd.s32 $0xFFFFE003, lr  }
0x1b: {  	s9 =	sadd.s32 $0xFFFFFEF7, lr;
	s5 =	simm.s32 $0xFFFFFFFF;
	p2 =	slt.u32 s8, $0xFFFFF086  }
0x1c: {  	p1 =	slt.u32 s9, $0xF7A;
	s5 =	simm.s32 @!p2 $0x0  }
0x1d: {  	s5 =	simm.s32 @p1 $0x1;
	p0 =	seq.s32 s7, s2  }
0x1e: {  	s7 =	smul.u32 @!p0 $0xF7A, s2;
	p2 =	seq.s32 @!p0 s5, $0x0  }
0x1f: {  	s9 =	smul.u32 $0xF7A, s1;
	s8 =	simm.s32 @!p0 $0x1BF5;
	p2 =	por !p2, p0  }
0x20: {  	[sflag:s8] =	ssyncset.s32 @!p0 $0xFFFFF086;
	s6 =	sadd.s32 @!p0 s3, s7;
	s7 =	simm.s32 @!p0 $0x108  }
0x21: {  	s3 =	sadd.s32 s3, s9;
	s6 =	sadd.s32 @!p0 $0x88, s6;
	s7 =	simm.s32 @p2 $0x1082  }
0x22: {  	[simem:s7], [sflag:s8] =	dma.local @!p0 [hbm:s6], $0xF7A  }
0x23: {  	s9 =	sor.u32 $0xD0000000, s2;
	s6 =	simm.s32 $0x108;
	_ =	swait.ge @!p0 [sflag:s8], $0x0  }
0x24: {  	s3 =	sadd.s32 $0x88, s3;
	s6 =	simm.s32 @!p1 $0x1082;
	[sflag:s4] =	ssyncset.s32 $0xFFFFF086  }
0x25: {  	[simem:s6], [sflag:s4] =	dma.local [hbm:s3], $0xF7A  }
0x26: {  	[smem:$0x3F93] =	sst s1;
	(tag) =	ssettag s2;
	_ =	strace s9  }
0x27: {  	s1 =	sld [smem:$0x3FA3]  }
0x28: {  	s2 =	sld [smem:$0x3FA4]  }
0x29: {  	s4 =	sld [smem:$0x3FA6]  }
0x2a: {  	p0 =	seq.s32 s5, $0x0;
	s5 =	sld [smem:$0x3FA7]  }
0x2b: {  	s6 =	sld [smem:$0x3FA8]  }
0x2c: {  	s7 =	sld [smem:$0x3FA9]  }
0x2d: {  	s3 =	simm.s32 $0x108;
	s8 =	sld [smem:$0x3FAA]  }
0x2e: {  	s3 =	simm.s32 @!p0 $0x1082;
	s9 =	sld [smem:$0x3FAB]  }
0x2f: {  	lr =	sadd.s32 s0, s3;
	s0 =	sld [smem:$0x3FA2]  }
0x30: {  	s3 =	sld [smem:$0x3FA5]  }
0x31: {  	[smem:$0x3FAE] =	sst s10  }
0x32: {  	s10 =	sld [smem:$0x3FAC];
	_ =	sdelay $0x3  }
0x33: {  	p0 =	seq.s32 s10, $0x1;
	s10 =	sld [smem:$0x3FAE];
	_ =	sdelay $0x3  }
0x34: {  	[smem:$0x3FAE] =	sst s10  }
0x35: {  	s10 =	sld [smem:$0x3FAD];
	_ =	sdelay $0x3  }
0x36: {  	p1 =	seq.s32 s10, $0x1;
	s10 =	sld [smem:$0x3FAE];
	_ =	sdelay $0x3  }
0x37: {  	[smem:$0x3FAE] =	sst s10  }
0x38: {  	s10 =	sld [smem:$0x3FAF]  }
0x39: {  	_ = 	snop;
	(pc) =	sbr.ind lr, $3  }
0x3a: {  	_ = 	snop  }
0x3b: {  	_ = 	snop  }
0x3c: {  	p2 =	seq.s32 s10, $0x1;
	s10 =	sld [smem:$0x3FAE]  }
0x3d: {  	_ =	shalt  }
0x3e: {  	_ =	shalt  }
0x3f: {  	_ =	shalt  }
0x40: {  	_ =	shalt  }
0x41: {  	_ =	shalt  }
0x42: {  	_ =	shalt  }
0x43: {  	_ =	shalt  }
0x44: {  	_ =	shalt  }
0x45: {  	_ =	shalt  }
0x46: {  	_ =	shalt  }
0x47: {  	_ =	shalt  }
0x48: {  	_ =	shalt  }
0x49: {  	_ =	shalt  }
0x4a: {  	_ =	shalt  }
0x4b: {  	_ =	shalt  }
0x4c: {  	_ =	shalt  }
0x4d: {  	_ =	shalt  }
0x4e: {  	_ =	shalt  }
0x4f: {  	_ =	shalt  }
0x50: {  	_ =	shalt  }
0x51: {  	_ =	shalt  }
0x52: {  	_ =	shalt  }
0x53: {  	_ =	shalt  }
0x54: {  	_ =	shalt  }
0x55: {  	_ =	shalt  }
0x56: {  	_ =	shalt  }
0x57: {  	_ =	shalt  }
0x58: {  	_ =	shalt  }
0x59: {  	_ =	shalt  }
0x5a: {  	_ =	shalt  }
0x5b: {  	_ =	shalt  }
0x5c: {  	_ =	shalt  }
0x5d: {  	_ =	shalt  }
0x5e: {  	_ =	shalt  }
0x5f: {  	_ =	shalt  }
0x60: {  	_ =	shalt  }
0x61: {  	_ =	shalt  }
0x62: {  	_ =	shalt  }
0x63: {  	_ =	shalt  }
0x64: {  	_ =	shalt  }
0x65: {  	_ =	shalt  }
0x66: {  	_ =	shalt  }
0x67: {  	_ =	shalt  }
0x68: {  	_ =	shalt  }
0x69: {  	_ =	shalt  }
0x6a: {  	_ =	shalt  }
0x6b: {  	_ =	shalt  }
0x6c: {  	_ =	shalt  }
0x6d: {  	_ =	shalt  }
0x6e: {  	_ =	shalt  }
0x6f: {  	_ =	shalt  }
0x70: {  	_ =	shalt  }
0x71: {  	_ =	shalt  }
0x72: {  	_ =	shalt  }
0x73: {  	_ =	shalt  }
0x74: {  	_ =	shalt  }
0x75: {  	_ =	shalt  }
0x76: {  	_ =	shalt  }
0x77: {  	_ =	shalt  }
0x78: {  	_ =	shalt  }
0x79: {  	_ =	shalt  }
0x7a: {  	_ =	shalt  }
0x7b: {  	_ =	shalt  }
0x7c: {  	_ =	shalt  }
0x7d: {  	_ =	shalt  }
0x7e: {  	_ =	shalt  }
0x7f: {  	_ =	shalt  }
0x80: {  	_ =	shalt  }
0x81: {  	_ =	shalt  }
0x82: {  	_ =	shalt  }
0x83: {  	_ =	shalt  }
0x84: {  	_ =	shalt  }
0x85: {  	_ =	shalt  }
0x86: {  	_ =	shalt  }
0x87: {  	_ =	shalt  }
.Lfunc_end0:
.L_simem_size_0:
called_computation_lowered:
.L_overlay_start_0:
0x88: {  	s2 =	sld [smem:$0x3FD9]  }
0x89: {  	s3 =	sld [smem:$0x3FFE];
	_ =	sdelay $0x1  }
0x8a: {  	s1 =	srdreg.scid  }
0x8b: {  	s0 =	sand.u32 $0x1, s1  }
0x8c: {  	s14 =	sshll.u32 s0, $0xA;
	s2 =	sadd.s32 s3, s2  }
0x8d: {  	s2 =	sadd.s32 s2, s14  }
0x8e: {  	[smem:$0x3FBA] =	sst s2  }
0x8f: {  	_ = 	snop  }
0x90: {  	s2 =	sld [smem:$0x3FD0];
	_ =	sdelay $0x2  }
0x91: {  	s15 =	simm.s32 $0xA;
	s4 =	simm.s32 $0x10  }
0x92: {  	[smem:s4], [sflag:s15] =	dma.local [hbm:s2], $0x1  }
0x93: {  	_ =	swait.eq [sflag:s15], $0x1  }
0x94: {  	s16 =	sld [smem:$0x10];
	[sflag:s15] =	ssyncset.done $0x0  }
0x95: {  	s17 =	sld [smem:$0x11];
	[sflag:s15] =	ssyncadd.s32 $0xFFFFFFFF  }
0x96: {  	s18 =	sld [smem:$0x12];
	(tm) =	ssettm $0x1  }
0x97: {  	s5 =	sld [smem:$0x3FFB];
	_ =	sdelay $0x3  }
0x98: {  	_ =	strace s5  }
0x99: {  	s5 =	sld [smem:$0x3FFC];
	_ =	sdelay $0x3  }
0x9a: {  	_ =	strace s5  }
0x9b: {  	s5 =	sld [smem:$0x3FFD];
	_ =	sdelay $0x3  }
0x9c: {  	_ =	strace s5  }
0x9d: {  	_ =	strace $0x8FFFFFFF  }
0x9e: {  	s19 =	sld [smem:$0x3FDB];
	_ =	sdelay $0x1  }
0x9f: {  	s6 =	simm.s32 $_scs_section_size  }
0xa0: {  	s7 =	simm.s32 $_size__tile_overlayer_lowered;
	s8 =	simm.s32 $_tile_overlayer_lowered  }
0xa1: {  	s22 =	simm.s32 $0x1BFF;
	s21 =	sshll.u32 s8, $0x1;
	s5 =	sadd.s32 s6, s19  }
0xa2: {  	s9 =	simm.s32 $0x0;
	s20 =	sshll.u32 s7, $0x1;
	s7 =	sadd.s32 s21, s5  }
0xa3: {  	[timem:s9], [sflag:s22] =	dma.local [hbm:s7], s20  }
0xa4: {  	_ =	swait.ge [sflag:s22], s20  }
0xa5: {  	s6 =	ssub.s32 $0x0, s20;
	[sflag:s22] =	ssyncset.done $0x0  }
0xa6: {  	[sflag:s22] =	ssyncadd.s32 s6;
	_ =	sdelay $0x1  }
0xa7: {  	s23 =	simm.s32 $0x1B8B  }
0xa8: {  	_ =	swait.ge [sflag:s23], $0x1  }
0xa9: {  	[sflag:s23] =	ssyncset.done $0x0  }
0xaa: {  	s25 =	simm.s32 $0x1B8E;
	s24 =	sld [smem:$0x3FFE];
	[sflag:s23] =	ssyncadd.s32 $0xFFFFFFFF  }
0xab: {  	s26 =	simm.s32 $execute0_lowered;
	[smem:$0x3FD2] =	sst s25  }
0xac: {  	s7 =	sshll.u32 s26, $0x1;
	_ =	strace $0x80000046;
	[dreg:$0x1] =	wrdreg $0xFFFFFFFF  }
0xad: {  	s28 =	simm.s32 $_size_execute0_lowered;
	s5 =	sadd.s32 s5, s7;
	[dreg:$0x0] =	wrdreg $0x0  }
0xae: {  	s7 =	sshll.u32 s28, $0x1;
	[dreg:$0x2] =	wrdreg s5  }
0xaf: {  	[dreg:$0x3] =	wrdreg s7  }
0xb0: {  	[dreg:$0x4] =	wrdreg $0xC0  }
0xb1: {  	_ =	task [dreg:s9], $0x5FFFF  }
0xb2: {  	[dreg:$0x1] =	wrdreg $0xFFFFFFFF  }
0xb3: {  	[dreg:$0x0] =	wrdreg $0x60  }
0xb4: {  	[dreg:$0x2] =	wrdreg s24  }
0xb5: {  	[dreg:$0x3] =	wrdreg s16  }
0xb6: {  	[dreg:$0x4] =	wrdreg s17  }
0xb7: {  	[dreg:$0x5] =	wrdreg s18  }
0xb8: {  	[dreg:$0x6] =	wrdreg $0x114000  }
0xb9: {  	[dreg:$0x7] =	wrdreg $0x9  }
0xba: {  	_ =	task.clear_ibuf [dreg:s9], $0x8FFFF;
	_ =	strace $0x90000046  }
0xbb: {  	s29 =	simm.s32 $0x9;
	_ =	strace $0x80000048  }
0xbc: {  	_ =	swait.ge [sflag:s29], $0x1  }
0xbd: {  	[sflag:s29] =	ssyncadd.s32 $0xFFFFFFFF  }
0xbe: {  	_ =	strace $0x90000048  }
0xbf: {  	_ =	sfence  }
0xc0: {  	s30 =	sld [smem:$0x0];
	_ =	sdelay $0x2  }
0xc1: {  	s31 =	sshll.u32 s1, $0xD;
	s1 =	sshrl.u32 s1, $0x2  }
0xc2: {  	s3 =	sand.u32 $0x4000, s31;
	s1 =	sadd.s32 s1, s30  }
0xc3: {  	s0 =	sor.u32 s3, s0;
	s1 =	sshll.u32 s1, $0x11  }
0xc4: {  	s0 =	sor.u32 s1, s0  }
0xc5: {  	s0 =	sadd.s32 $0x8F2B, s0  }
0xc6: {  	[sflag:s0] =	ssyncadd.remote.s32 $0x1  }
0xc7: {  	_ =	sfence.sel $0xFFFF  }
0xc8: {  	[dreg:$0x0] =	wrdreg $0xFFFFFFFF;
	(pc) =	sbr.abs _section_cstart, $3  }
0xc9: {  	[dreg:$0x1] =	wrdreg $0xFFFFFFFF  }
0xca: {  	_ =	task.clear_ibuf [dreg:s9], $0x2FFFF;
	_ =	strace $0x9FFFFFFF  }
0xcb: {  	(tm) =	ssettm $0x7FFFFFFF  }
tec
execute0_lowered:
.L_overlay_start_1:
0x0: {  	(tag) =	ssettag $0x1  }
0x1: {  	s0 =	rddreg [dreg:$0x0]  }
0x2: {  	s2 =	rddreg [dreg:$0x1]  }
0x3: {  	s6 =	rddreg [dreg:$0x2]  }
0x4: {  	s7 =	rddreg [dreg:$0x3]  }
0x5: {  	s1 =	rddreg [dreg:$0x4]  }
0x6: {  	s3 =	simm.s32 $0x0;
	s4 =	srdreg.scid;
	s17 =	stileid.u32  }
0x7: {  	s21 =	simm.s32 $0x100;
	s22 =	simm.s32 $0x180;
	s5 =	smul.u32 $0x30000, s17  }
0x8: {  	s28 =	simm.s32 $0x7;
	s29 =	simm.s32 $0x4;
	s12 =	smul.u32 $0xC000, s17  }
0x9: {  	s30 =	simm.s32 $0x8;
	s8 =	sand.u32 $0x1, s4;
	s16 =	smul.u32 $0x2800, s17  }
0xa: {  	s31 =	simm.s32 $0xF80;
	[smem:$0x7FF] =	sst s3;
	s10 =	smul.u32 $0xC0000, s8  }
0xb: {  	s4 =	sadd.s32 $0x2400, s0;
	s0 =	sadd.s32 $0x2A400, s0;
	s14 =	smul.u32 $0x28000, s8  }
0xc: {  	s19 =	sshrl.u32 s17, $0x3;
	s9 =	ssub.s32 $0x2, s8;
	s8 =	smul.u32 $0x18000, s8  }
0xd: {  	_ =	strace $0x80000047;
	s20 =	smul.u32 $0xC000, s19;
	[dreg:$0x8] =	wrdreg s21  }
0xe: {  	[dreg:$0x9] =	wrdreg s22;
	s19 =	simm.s32 $0x500;
	s21 =	simm.s32 $0x580  }
0xf: {  	s22 =	simm.s32 $0xC00;
	s11 =	sshrl.u32 s9, $0x1;
	[dreg:$0x15] =	wrdreg s19  }
0x10: {  	s5 =	sshrl.u32 s5, $0x2;
	s13 =	sadd.s32 $0x4000, s12;
	[dreg:$0x17] =	wrdreg s21  }
0x11: {  	s19 =	simm.s32 $0x9000;
	s21 =	simm.s32 $0x1;
	[dreg:$0x18] =	wrdreg s22  }
0x12: {  	s22 =	simm.s32 $0x5;
	s9 =	ssub.s32 s9, s11;
	s24 =	sadd.s32 s12, s10  }
0x13: {  	s15 =	sadd.s32 s10, s13;
	s25 =	sadd.s32 s13, s1;
	s12 =	sadd.s32 $0x8000, s12  }
0x14: {  	s23 =	sadd.s32 s8, s20;
	s8 =	simm.s32 $0x280;
	[dreg:$0x1e] =	wrdreg s25  }
0x15: {  	s20 =	simm.s32 $0xB80;
	s26 =	sshrl.u32 s15, $0x3;
	[dreg:$0xc] =	wrdreg s8  }
0x16: {  	s15 =	sadd.s32 s16, s14;
	s16 =	sadd.s32 s12, s1;
	[dreg:$0x16] =	wrdreg s20  }
0x17: {  	s11 =	sshrl.u32 s24, $0x3;
	s24 =	simm.s32 $0x200;
	[smem:$0x7FA] =	sst s16  }
0x18: {  	s5 =	sadd.s32 s5, s1;
	s13 =	smax.u32 s9, $0x1;
	[dreg:$0xa] =	wrdreg s24  }
0x19: {  	s10 =	sadd.s32 s10, s12;
	s12 =	simm.s32 $0x980;
	[smem:$0x7FD] =	sst s13  }
0x1a: {  	s25 =	sshll.u32 s17, $0x7;
	s14 =	simm.s32 $0x380;
	[dreg:$0xf] =	wrdreg s12  }
0x1b: {  	s17 =	simm.s32 $0x480;
	s20 =	simm.s32 $0xD000;
	[dreg:$0x10] =	wrdreg s14  }
0x1c: {  	s8 =	simm.s32 $0xE00;
	s11 =	sadd.s32 s0, s11;
	[dreg:$0x13] =	wrdreg s17  }
0x1d: {  	s18 =	sshrl.u32 s15, $0x3;
	s15 =	simm.s32 $0xA00;
	[dreg:$0x1d] =	wrdreg s11  }
0x1e: {  	s9 =	simm.s32 $0xE80;
	s16 =	simm.s32 $0xA80;
	[dreg:$0x11] =	wrdreg s15  }
0x1f: {  	s10 =	sshrl.u32 s10, $0x3;
	s24 =	simm.s32 $0xC80;
	[dreg:$0x12] =	wrdreg s16  }
0x20: {  	s13 =	simm.s32 $0x11000;
	s11 =	sadd.s32 s0, s26;
	[dreg:$0x1a] =	wrdreg s24  }
0x21: {  	s14 =	simm.s32 $0x9;
	s6 =	sadd.s32 s18, s6;
	[dreg:$0x1f] =	wrdreg s11  }
0x22: {  	s17 =	simm.s32 $0x1000;
	s2 =	sadd.s32 s18, s2;
	[dreg:$0x6] =	wrdreg s6  }
0x23: {  	s0 =	sadd.s32 s0, s10;
	s26 =	simm.s32 $0x880;
	[dreg:$0x7] =	wrdreg s2  }
0x24: {  	s10 =	simm.s32 $0x900;
	s15 =	simm.s32 $0x800;
	[smem:$0x7FB] =	sst s0  }
0x25: {  	s16 =	simm.s32 $0x80;
	s18 =	simm.s32 $0xB00;
	[dreg:$0xb] =	wrdreg s26  }
0x26: {  	s24 =	simm.s32 $0x2;
	s6 =	sand.u32 $0x380, s25;
	[dreg:$0xd] =	wrdreg s10  }
0x27: {  	s11 =	simm.s32 $0x300;
	[dreg:$0x14] =	wrdreg s18;
	s18 =	simm.s32 $0x5000  }
0x28: {  	s25 =	simm.s32 $0x680;
	s26 =	simm.s32 $0xD00;
	[dreg:$0xe] =	wrdreg s11  }
0x29: {  	s10 =	simm.s32 $0xF00;
	s2 =	sor.u32 s6, s23;
	[dreg:$0x1b] =	wrdreg s25  }
0x2a: {  	s23 =	simm.s32 $0x600;
	[dreg:$0x1c] =	wrdreg s26;
	s25 =	simm.s32 $0x6  }
0x2b: {  	s26 =	simm.s32 $0x3;
	s6 =	simm.s32 $0xD80;
	s2 =	sshrl.u32 s2, $0x3  }
0x2c: {  	[dreg:$0x19] =	wrdreg s23;
	s23 =	simm.s32 $0x1D400;
	s2 =	sadd.s32 s7, s2  }
0x2d: {  	v0 =	vimm.f32 $0.0e+00;
	s7 =	simm.s32 $0x780;
	[smem:$0x7FC] =	sst s2;
	s2 =	simm.s32 $0x0  }
.LBB2_1:
0x2e: {  	[tilespmem:$0x11000] =	vst v0  }
0x2f: {  	[tilespmem:$0x11010] =	vst v0  }
0x30: {  	[tilespmem:$0x11020] =	vst v0  }
0x31: {  	[tilespmem:$0x11030] =	vst v0  }
0x32: {  	[tilespmem:$0x11040] =	vst v0  }
0x33: {  	[tilespmem:$0x11050] =	vst v0  }
0x34: {  	[tilespmem:$0x11060] =	vst v0  }
0x35: {  	[tilespmem:$0x11070] =	vst v0  }
0x36: {  	[tilespmem:$0x11080] =	vst v0  }
0x37: {  	[tilespmem:$0x11090] =	vst v0  }
0x38: {  	[tilespmem:$0x110A0] =	vst v0  }
0x39: {  	[tilespmem:$0x110B0] =	vst v0  }
0x3a: {  	[tilespmem:$0x110C0] =	vst v0  }
0x3b: {  	[tilespmem:$0x110D0] =	vst v0  }
0x3c: {  	[tilespmem:$0x110E0] =	vst v0  }
0x3d: {  	[tilespmem:$0x110F0] =	vst v0  }
0x3e: {  	[tilespmem:$0x11100] =	vst v0  }
0x3f: {  	[tilespmem:$0x11110] =	vst v0  }
0x40: {  	[tilespmem:$0x11120] =	vst v0  }
0x41: {  	[tilespmem:$0x11130] =	vst v0  }
0x42: {  	[tilespmem:$0x11140] =	vst v0  }
0x43: {  	[tilespmem:$0x11150] =	vst v0  }
0x44: {  	[tilespmem:$0x11160] =	vst v0  }
0x45: {  	[tilespmem:$0x11170] =	vst v0  }
0x46: {  	[tilespmem:$0x11180] =	vst v0  }
0x47: {  	[tilespmem:$0x11190] =	vst v0  }
0x48: {  	[tilespmem:$0x111A0] =	vst v0  }
0x49: {  	[tilespmem:$0x111B0] =	vst v0  }
0x4a: {  	[tilespmem:$0x111C0] =	vst v0  }
0x4b: {  	[tilespmem:$0x111D0] =	vst v0  }
0x4c: {  	[tilespmem:$0x111E0] =	vst v0  }
0x4d: {  	[tilespmem:$0x111F0] =	vst v0  }
0x4e: {  	[tilespmem:$0x11200] =	vst v0  }
0x4f: {  	[tilespmem:$0x11210] =	vst v0  }
0x50: {  	[tilespmem:$0x11220] =	vst v0  }
0x51: {  	[tilespmem:$0x11230] =	vst v0  }
0x52: {  	[tilespmem:$0x11240] =	vst v0  }
0x53: {  	[tilespmem:$0x11250] =	vst v0  }
0x54: {  	[tilespmem:$0x11260] =	vst v0  }
0x55: {  	[tilespmem:$0x11270] =	vst v0  }
0x56: {  	[tilespmem:$0x11280] =	vst v0  }
0x57: {  	[tilespmem:$0x11290] =	vst v0  }
0x58: {  	[tilespmem:$0x112A0] =	vst v0  }
0x59: {  	[tilespmem:$0x112B0] =	vst v0  }
0x5a: {  	[tilespmem:$0x112C0] =	vst v0  }
0x5b: {  	[tilespmem:$0x112D0] =	vst v0  }
0x5c: {  	[tilespmem:$0x112E0] =	vst v0  }
0x5d: {  	[tilespmem:$0x112F0] =	vst v0  }
0x5e: {  	[tilespmem:$0x11300] =	vst v0  }
0x5f: {  	[tilespmem:$0x11310] =	vst v0  }
0x60: {  	[tilespmem:$0x11320] =	vst v0  }
0x61: {  	[tilespmem:$0x11330] =	vst v0  }
0x62: {  	[tilespmem:$0x11340] =	vst v0  }
0x63: {  	[tilespmem:$0x11350] =	vst v0  }
0x64: {  	[tilespmem:$0x11360] =	vst v0  }
0x65: {  	[tilespmem:$0x11370] =	vst v0  }
0x66: {  	[tilespmem:$0x11380] =	vst v0  }
0x67: {  	[tilespmem:$0x11390] =	vst v0  }
0x68: {  	[tilespmem:$0x113A0] =	vst v0  }
0x69: {  	[tilespmem:$0x113B0] =	vst v0  }
0x6a: {  	[tilespmem:$0x113C0] =	vst v0  }
0x6b: {  	[tilespmem:$0x113D0] =	vst v0  }
0x6c: {  	[tilespmem:$0x113E0] =	vst v0  }
0x6d: {  	[tilespmem:$0x113F0] =	vst v0;
	s11 =	sadd.s32 $0x0, s5  }
0x6e: {  	[spmem:s11] =	stream.linear.scatter [tilespmem:s13], [sflag:$0x9], $0x400, $0x38;
	[tilespmem:$0x1EC00] =	vst v63  }
0x6f: {  	s12 =	simm.s32 $0x1000;
	_ =	swait.ge [sflag:s14], $0x400  }
.LBB2_2:
0x70: {  	s11 =	sshra.s32 s12, $0x2;
	[sflag:s14] =	ssyncset.done $0x0;
	p0 =	sne.s32 s12, $0x2F000  }
.Ltmp0:
0x71: {  	s11 =	sadd.s32 s11, s5;
	[sflag:s14] =	ssyncadd.s32 $0xFFFFFC00;
	(pc) =	sbr.rel @p0 .LBB2_2-.Ltmp0, $3  }
0x72: {  	[spmem:s11] =	stream.linear.scatter [tilespmem:s13], [sflag:$0x9], $0x400, $0x38;
	[tilespmem:$0x1EC00] =	vst v63  }
0x73: {  	s12 =	sadd.s32 $0x1000, s12;
	_ =	sdelay $0x1  }
0x74: {  	_ =	swait.ge [sflag:s14], $0x400  }
0x75: {  	[smem:$0x7F9] =	sst s2;
	[sflag:s14] =	ssyncset.done $0x0  }
0x76: {  	s12 =	simm.s32 $0x40;
	s11 =	simm.s32 $0x0;
	[sflag:s14] =	ssyncadd.s32 $0xFFFFFC00  }
.LBB2_4:
0x77: {  	p0 =	sne.s32 s12, $0x5FC0;
	[tilespmem:s11+$0x1D400] =	vst v0;
	s11 =	smov.u32 s12;
	s12 =	sadd.s32 $0x40, s12  }
.Ltmp1:
0x78: {  	(pc) =	sbr.rel @p0 .LBB2_4-.Ltmp1, $2  }
0x79: {  	_ =	sdelay $0x2  }
0x7a: {  	s11 =	sshra.s32 s11, $0x2  }
0x7b: {  	[tilespmem:s11+$0x1D400] =	vst v0  }
0x7c: {  	s12 =	simm.s32 $0x0;
	s2 =	simm.s32 $0x400;
	[bflag:$0x0] =	sbarrier.arrive $0xFFFF  }
.LBB2_6:
0x7d: {  	s11 =	rddreg [dreg:$0x7]  }
0x7e: {  	s11 =	sadd.s32 s12, s11  }
0x7f: {  	[tilespmem:s3], [sflag:$0x9] =	stream.linear.gather [hbm4b:s11+s3], $0x800, $0x38;
	[tilespmem:$0x1EC00] =	vst v63  }
0x80: {  	_ =	swait.ge [sflag:s14], $0x800  }
0x81: {  	s0 =	rddreg [dreg:$0x6];
	[sflag:s14] =	ssyncset.done $0x0  }
0x82: {  	[sflag:s14] =	ssyncadd.s32 $0xFFFFF800;
	s11 =	sadd.s32 s12, s0  }
0x83: {  	[tilespmem:s15], [sflag:$0x9] =	stream.linear.gather [hbm4b:s11+s3], $0x800, $0x38;
	[tilespmem:$0x1EC00] =	vst v63  }
0x84: {  	_ =	swait.ge [sflag:s14], $0x800  }
0x85: {  	[sflag:s14] =	ssyncset.done $0x0  }
0x86: {  	[sflag:s14] =	ssyncadd.s32 $0xFFFFF800  }
0x87: {  	[tilespmem:s17], [sflag:$0x1] =	stream.indirect.gather [hbm4b:s4+s16], $0x80, s3, s16, $0xb8;
	[tilespmem:$0x1EC00] =	vst v63  }
0x88: {  	_ = 	snop  }
0x89: {  	[tilespmem:s18], [sflag:$0x2] =	stream.indirect.gather [hbm4b:s4+s16], $0x80, s16, s16, $0xb8;
	[tilespmem:$0x1EC00] =	vst v63  }
0x8a: {  	s11 =	rddreg [dreg:$0x8]  }
0x8b: {  	[tilespmem:s19], [sflag:$0x3] =	stream.indirect.gather [hbm4b:s4+s16], $0x80, s11, s16, $0xb8;
	[tilespmem:$0x1EC00] =	vst v63  }
0x8c: {  	s0 =	rddreg [dreg:$0x9]  }
0x8d: {  	[tilespmem:s20], [sflag:$0x4] =	stream.indirect.gather [hbm4b:s4+s16], $0x80, s0, s16, $0xb8;
	[tilespmem:$0x1EC00] =	vst v63  }
0x8e: {  	_ =	swait.ge [sflag:s21], $0x4000  }
0x8f: {  	[sflag:s21] =	ssyncset.done $0x0  }
0x90: {  	[sflag:s21] =	ssyncadd.s32 $0xFFFFC000  }
0x91: {  	[spmem:s1] =	stream.indirect.scatter.add.f32 [tilespmem:s17], [sflag:$0x5], $0x80, s15, s16, $0xb8;
	[tilespmem:$0x1EC00] =	vst v63  }
0x92: {  	_ =	swait.ge [sflag:s22], $0x4000  }
0x93: {  	[sflag:s22] =	ssyncset.done $0x0  }
0x94: {  	s11 =	rddreg [dreg:$0xa];
	[sflag:s22] =	ssyncadd.s32 $0xFFFFC000  }
0x95: {  	[tilespmem:s17], [sflag:$0x1] =	stream.indirect.gather [hbm4b:s4+s16], $0x80, s11, s16, $0xb8;
	[tilespmem:$0x1EC00] =	vst v63  }
0x96: {  	v1 =	vld [tilespmem:$0x800];
	_ =	sdelay $0x4  }
0x97: {  	(xrf1) =	vunique.msk.u32 $0xffff, v1;
	_ =	sdelay $0xd  }
0x98: {  	_, v2, vm0 =	vpop (xrf1);
	_ =	sdelay $0x3  }
0x99: {  	v2 =	vcvt.s32.f32 v2;
	_ =	sdelay $0x1  }
0x9a: {  	[tilespmem:v1+s23+$0x0] =	vst.idx.add.f32.msk vm0, v2  }
0x9b: {  	v1 =	vld [tilespmem:$0x810];
	_ =	sdelay $0x4  }
0x9c: {  	(xrf1) =	vunique.msk.u32 $0xffff, v1;
	_ =	sdelay $0xd  }
0x9d: {  	_, v2, vm0 =	vpop (xrf1);
	_ =	sdelay $0x3  }
0x9e: {  	v2 =	vcvt.s32.f32 v2;
	_ =	sdelay $0x1  }
0x9f: {  	[tilespmem:v1+s23+$0x0] =	vst.idx.add.f32.msk vm0, v2  }
0xa0: {  	v1 =	vld [tilespmem:$0x820];
	_ =	sdelay $0x4  }
0xa1: {  	(xrf1) =	vunique.msk.u32 $0xffff, v1;
	_ =	sdelay $0xd  }
0xa2: {  	_, v2, vm0 =	vpop (xrf1);
	_ =	sdelay $0x3  }
0xa3: {  	v2 =	vcvt.s32.f32 v2;
	_ =	sdelay $0x1  }
0xa4: {  	[tilespmem:v1+s23+$0x0] =	vst.idx.add.f32.msk vm0, v2  }
0xa5: {  	v1 =	vld [tilespmem:$0x830];
	_ =	sdelay $0x4  }
0xa6: {  	(xrf1) =	vunique.msk.u32 $0xffff, v1;
	_ =	sdelay $0xd  }
0xa7: {  	_, v2, vm0 =	vpop (xrf1);
	_ =	sdelay $0x3  }
0xa8: {  	v2 =	vcvt.s32.f32 v2;
	_ =	sdelay $0x1  }
0xa9: {  	[tilespmem:v1+s23+$0x0] =	vst.idx.add.f32.msk vm0, v2  }
0xaa: {  	v1 =	vld [tilespmem:$0x840];
	_ =	sdelay $0x4  }
0xab: {  	(xrf1) =	vunique.msk.u32 $0xffff, v1;
	_ =	sdelay $0xd  }
0xac: {  	_, v2, vm0 =	vpop (xrf1);
	_ =	sdelay $0x3  }
0xad: {  	v2 =	vcvt.s32.f32 v2;
	_ =	sdelay $0x1  }
0xae: {  	[tilespmem:v1+s23+$0x0] =	vst.idx.add.f32.msk vm0, v2  }
0xaf: {  	v1 =	vld [tilespmem:$0x850];
	_ =	sdelay $0x4  }
0xb0: {  	(xrf1) =	vunique.msk.u32 $0xffff, v1;
	_ =	sdelay $0xd  }
0xb1: {  	_, v2, vm0 =	vpop (xrf1);
	_ =	sdelay $0x3  }
0xb2: {  	v2 =	vcvt.s32.f32 v2;
	_ =	sdelay $0x1  }
0xb3: {  	[tilespmem:v1+s23+$0x0] =	vst.idx.add.f32.msk vm0, v2  }
0xb4: {  	v1 =	vld [tilespmem:$0x860];
	_ =	sdelay $0x4  }
0xb5: {  	(xrf1) =	vunique.msk.u32 $0xffff, v1;
	_ =	sdelay $0xd  }
0xb6: {  	_, v2, vm0 =	vpop (xrf1);
	_ =	sdelay $0x3  }
0xb7: {  	v2 =	vcvt.s32.f32 v2;
	_ =	sdelay $0x1  }
0xb8: {  	[tilespmem:v1+s23+$0x0] =	vst.idx.add.f32.msk vm0, v2  }
0xb9: {  	v1 =	vld [tilespmem:$0x870];
	_ =	sdelay $0x4  }
0xba: {  	(xrf1) =	vunique.msk.u32 $0xffff, v1;
	_ =	sdelay $0xd  }
0xbb: {  	_, v2, vm0 =	vpop (xrf1);
	_ =	sdelay $0x3  }
0xbc: {  	v2 =	vcvt.s32.f32 v2;
	_ =	sdelay $0x1  }
0xbd: {  	[tilespmem:v1+s23+$0x0] =	vst.idx.add.f32.msk vm0, v2  }
0xbe: {  	_ =	swait.ge [sflag:s24], $0x4000  }
0xbf: {  	[sflag:s24] =	ssyncset.done $0x0  }
0xc0: {  	s11 =	rddreg [dreg:$0xb];
	[sflag:s24] =	ssyncadd.s32 $0xFFFFC000  }
0xc1: {  	[spmem:s1] =	stream.indirect.scatter.add.f32 [tilespmem:s18], [sflag:$0x6], $0x80, s11, s16, $0xb8;
	[tilespmem:$0x1EC00] =	vst v63  }
0xc2: {  	_ =	swait.ge [sflag:s25], $0x4000  }
0xc3: {  	[sflag:s25] =	ssyncset.done $0x0  }
0xc4: {  	s11 =	rddreg [dreg:$0xc];
	[sflag:s25] =	ssyncadd.s32 $0xFFFFC000  }
0xc5: {  	[tilespmem:s18], [sflag:$0x2] =	stream.indirect.gather [hbm4b:s4+s16], $0x80, s11, s16, $0xb8;
	[tilespmem:$0x1EC00] =	vst v63  }
0xc6: {  	v1 =	vld [tilespmem:$0x880];
	_ =	sdelay $0x4  }
0xc7: {  	(xrf1) =	vunique.msk.u32 $0xffff, v1;
	_ =	sdelay $0xd  }
0xc8: {  	_, v2, vm0 =	vpop (xrf1);
	_ =	sdelay $0x3  }
0xc9: {  	v2 =	vcvt.s32.f32 v2;
	_ =	sdelay $0x1  }
0xca: {  	[tilespmem:v1+s23+$0x0] =	vst.idx.add.f32.msk vm0, v2  }
0xcb: {  	v1 =	vld [tilespmem:$0x890];
	_ =	sdelay $0x4  }
0xcc: {  	(xrf1) =	vunique.msk.u32 $0xffff, v1;
	_ =	sdelay $0xd  }
0xcd: {  	_, v2, vm0 =	vpop (xrf1);
	_ =	sdelay $0x3  }
0xce: {  	v2 =	vcvt.s32.f32 v2;
	_ =	sdelay $0x1  }
0xcf: {  	[tilespmem:v1+s23+$0x0] =	vst.idx.add.f32.msk vm0, v2  }
0xd0: {  	v1 =	vld [tilespmem:$0x8A0];
	_ =	sdelay $0x4  }
0xd1: {  	(xrf1) =	vunique.msk.u32 $0xffff, v1;
	_ =	sdelay $0xd  }
0xd2: {  	_, v2, vm0 =	vpop (xrf1);
	_ =	sdelay $0x3  }
0xd3: {  	v2 =	vcvt.s32.f32 v2;
	_ =	sdelay $0x1  }
0xd4: {  	[tilespmem:v1+s23+$0x0] =	vst.idx.add.f32.msk vm0, v2  }
0xd5: {  	v1 =	vld [tilespmem:$0x8B0];
	_ =	sdelay $0x4  }
0xd6: {  	(xrf1) =	vunique.msk.u32 $0xffff, v1;
	_ =	sdelay $0xd  }
0xd7: {  	_, v2, vm0 =	vpop (xrf1);
	_ =	sdelay $0x3  }
0xd8: {  	v2 =	vcvt.s32.f32 v2;
	_ =	sdelay $0x1  }
0xd9: {  	[tilespmem:v1+s23+$0x0] =	vst.idx.add.f32.msk vm0, v2  }
0xda: {  	v1 =	vld [tilespmem:$0x8C0];
	_ =	sdelay $0x4  }
0xdb: {  	(xrf1) =	vunique.msk.u32 $0xffff, v1;
	_ =	sdelay $0xd  }
0xdc: {  	_, v2, vm0 =	vpop (xrf1);
	_ =	sdelay $0x3  }
0xdd: {  	v2 =	vcvt.s32.f32 v2;
	_ =	sdelay $0x1  }
0xde: {  	[tilespmem:v1+s23+$0x0] =	vst.idx.add.f32.msk vm0, v2  }
0xdf: {  	v1 =	vld [tilespmem:$0x8D0];
	_ =	sdelay $0x4  }
0xe0: {  	(xrf1) =	vunique.msk.u32 $0xffff, v1;
	_ =	sdelay $0xd  }
0xe1: {  	_, v2, vm0 =	vpop (xrf1);
	_ =	sdelay $0x3  }
0xe2: {  	v2 =	vcvt.s32.f32 v2;
	_ =	sdelay $0x1  }
0xe3: {  	[tilespmem:v1+s23+$0x0] =	vst.idx.add.f32.msk vm0, v2  }
0xe4: {  	v1 =	vld [tilespmem:$0x8E0];
	_ =	sdelay $0x4  }
0xe5: {  	(xrf1) =	vunique.msk.u32 $0xffff, v1;
	_ =	sdelay $0xd  }
0xe6: {  	_, v2, vm0 =	vpop (xrf1);
	_ =	sdelay $0x3  }
0xe7: {  	v2 =	vcvt.s32.f32 v2;
	_ =	sdelay $0x1  }
0xe8: {  	[tilespmem:v1+s23+$0x0] =	vst.idx.add.f32.msk vm0, v2  }
0xe9: {  	v1 =	vld [tilespmem:$0x8F0];
	_ =	sdelay $0x4  }
0xea: {  	(xrf1) =	vunique.msk.u32 $0xffff, v1;
	_ =	sdelay $0xd  }
0xeb: {  	_, v2, vm0 =	vpop (xrf1);
	_ =	sdelay $0x3  }
0xec: {  	v2 =	vcvt.s32.f32 v2;
	_ =	sdelay $0x1  }
0xed: {  	[tilespmem:v1+s23+$0x0] =	vst.idx.add.f32.msk vm0, v2  }
0xee: {  	_ =	swait.ge [sflag:s26], $0x4000  }
0xef: {  	[sflag:s26] =	ssyncset.done $0x0  }
0xf0: {  	s11 =	rddreg [dreg:$0xd];
	[sflag:s26] =	ssyncadd.s32 $0xFFFFC000  }
0xf1: {  	[spmem:s1] =	stream.indirect.scatter.add.f32 [tilespmem:s19], [sflag:$0x7], $0x80, s11, s16, $0xb8;
	[tilespmem:$0x1EC00] =	vst v63  }
0xf2: {  	_ =	swait.ge [sflag:s28], $0x4000  }
0xf3: {  	[sflag:s28] =	ssyncset.done $0x0  }
0xf4: {  	s11 =	rddreg [dreg:$0xe];
	[sflag:s28] =	ssyncadd.s32 $0xFFFFC000  }
0xf5: {  	[tilespmem:s19], [sflag:$0x3] =	stream.indirect.gather [hbm4b:s4+s16], $0x80, s11, s16, $0xb8;
	[tilespmem:$0x1EC00] =	vst v63  }
0xf6: {  	v1 =	vld [tilespmem:$0x900];
	_ =	sdelay $0x4  }
0xf7: {  	(xrf1) =	vunique.msk.u32 $0xffff, v1;
	_ =	sdelay $0xd  }
0xf8: {  	_, v2, vm0 =	vpop (xrf1);
	_ =	sdelay $0x3  }
0xf9: {  	v2 =	vcvt.s32.f32 v2;
	_ =	sdelay $0x1  }
0xfa: {  	[tilespmem:v1+s23+$0x0] =	vst.idx.add.f32.msk vm0, v2  }
0xfb: {  	v1 =	vld [tilespmem:$0x910];
	_ =	sdelay $0x4  }
0xfc: {  	(xrf1) =	vunique.msk.u32 $0xffff, v1;
	_ =	sdelay $0xd  }
0xfd: {  	_, v2, vm0 =	vpop (xrf1);
	_ =	sdelay $0x3  }
0xfe: {  	v2 =	vcvt.s32.f32 v2;
	_ =	sdelay $0x1  }
0xff: {  	[tilespmem:v1+s23+$0x0] =	vst.idx.add.f32.msk vm0, v2  }
0x100: {  	v1 =	vld [tilespmem:$0x920];
	_ =	sdelay $0x4  }
0x101: {  	(xrf1) =	vunique.msk.u32 $0xffff, v1;
	_ =	sdelay $0xd  }
0x102: {  	_, v2, vm0 =	vpop (xrf1);
	_ =	sdelay $0x3  }
0x103: {  	v2 =	vcvt.s32.f32 v2;
	_ =	sdelay $0x1  }
0x104: {  	[tilespmem:v1+s23+$0x0] =	vst.idx.add.f32.msk vm0, v2  }
0x105: {  	v1 =	vld [tilespmem:$0x930];
	_ =	sdelay $0x4  }
0x106: {  	(xrf1) =	vunique.msk.u32 $0xffff, v1;
	_ =	sdelay $0xd  }
0x107: {  	_, v2, vm0 =	vpop (xrf1);
	_ =	sdelay $0x3  }
0x108: {  	v2 =	vcvt.s32.f32 v2;
	_ =	sdelay $0x1  }
0x109: {  	[tilespmem:v1+s23+$0x0] =	vst.idx.add.f32.msk vm0, v2  }
0x10a: {  	v1 =	vld [tilespmem:$0x940];
	_ =	sdelay $0x4  }
0x10b: {  	(xrf1) =	vunique.msk.u32 $0xffff, v1;
	_ =	sdelay $0xd  }
0x10c: {  	_, v2, vm0 =	vpop (xrf1);
	_ =	sdelay $0x3  }
0x10d: {  	v2 =	vcvt.s32.f32 v2;
	_ =	sdelay $0x1  }
0x10e: {  	[tilespmem:v1+s23+$0x0] =	vst.idx.add.f32.msk vm0, v2  }
0x10f: {  	v1 =	vld [tilespmem:$0x950];
	_ =	sdelay $0x4  }
0x110: {  	(xrf1) =	vunique.msk.u32 $0xffff, v1;
	_ =	sdelay $0xd  }
0x111: {  	_, v2, vm0 =	vpop (xrf1);
	_ =	sdelay $0x3  }
0x112: {  	v2 =	vcvt.s32.f32 v2;
	_ =	sdelay $0x1  }
0x113: {  	[tilespmem:v1+s23+$0x0] =	vst.idx.add.f32.msk vm0, v2  }
0x114: {  	v1 =	vld [tilespmem:$0x960];
	_ =	sdelay $0x4  }
0x115: {  	(xrf1) =	vunique.msk.u32 $0xffff, v1;
	_ =	sdelay $0xd  }
0x116: {  	_, v2, vm0 =	vpop (xrf1);
	_ =	sdelay $0x3  }
0x117: {  	v2 =	vcvt.s32.f32 v2;
	_ =	sdelay $0x1  }
0x118: {  	[tilespmem:v1+s23+$0x0] =	vst.idx.add.f32.msk vm0, v2  }
0x119: {  	v1 =	vld [tilespmem:$0x970];
	_ =	sdelay $0x4  }
0x11a: {  	(xrf1) =	vunique.msk.u32 $0xffff, v1;
	_ =	sdelay $0xd  }
0x11b: {  	_, v2, vm0 =	vpop (xrf1);
	_ =	sdelay $0x3  }
0x11c: {  	v2 =	vcvt.s32.f32 v2;
	_ =	sdelay $0x1  }
0x11d: {  	[tilespmem:v1+s23+$0x0] =	vst.idx.add.f32.msk vm0, v2  }
0x11e: {  	_ =	swait.ge [sflag:s29], $0x4000  }
0x11f: {  	[sflag:s29] =	ssyncset.done $0x0  }
0x120: {  	s11 =	rddreg [dreg:$0xf];
	[sflag:s29] =	ssyncadd.s32 $0xFFFFC000  }
0x121: {  	[spmem:s1] =	stream.indirect.scatter.add.f32 [tilespmem:s20], [sflag:$0x8], $0x80, s11, s16, $0xb8;
	[tilespmem:$0x1EC00] =	vst v63  }
0x122: {  	_ =	swait.ge [sflag:s30], $0x4000  }
0x123: {  	[sflag:s30] =	ssyncset.done $0x0  }
0x124: {  	s11 =	rddreg [dreg:$0x10];
	[sflag:s30] =	ssyncadd.s32 $0xFFFFC000  }
0x125: {  	[tilespmem:s20], [sflag:$0x4] =	stream.indirect.gather [hbm4b:s4+s16], $0x80, s11, s16, $0xb8;
	[tilespmem:$0x1EC00] =	vst v63  }
0x126: {  	v1 =	vld [tilespmem:$0x980];
	_ =	sdelay $0x4  }
0x127: {  	(xrf1) =	vunique.msk.u32 $0xffff, v1;
	_ =	sdelay $0xd  }
0x128: {  	_, v2, vm0 =	vpop (xrf1);
	_ =	sdelay $0x3  }
0x129: {  	v2 =	vcvt.s32.f32 v2;
	_ =	sdelay $0x1  }
0x12a: {  	[tilespmem:v1+s23+$0x0] =	vst.idx.add.f32.msk vm0, v2  }
0x12b: {  	v1 =	vld [tilespmem:$0x990];
	_ =	sdelay $0x4  }
0x12c: {  	(xrf1) =	vunique.msk.u32 $0xffff, v1;
	_ =	sdelay $0xd  }
0x12d: {  	_, v2, vm0 =	vpop (xrf1);
	_ =	sdelay $0x3  }
0x12e: {  	v2 =	vcvt.s32.f32 v2;
	_ =	sdelay $0x1  }
0x12f: {  	[tilespmem:v1+s23+$0x0] =	vst.idx.add.f32.msk vm0, v2  }
0x130: {  	v1 =	vld [tilespmem:$0x9A0];
	_ =	sdelay $0x4  }
0x131: {  	(xrf1) =	vunique.msk.u32 $0xffff, v1;
	_ =	sdelay $0xd  }
0x132: {  	_, v2, vm0 =	vpop (xrf1);
	_ =	sdelay $0x3  }
0x133: {  	v2 =	vcvt.s32.f32 v2;
	_ =	sdelay $0x1  }
0x134: {  	[tilespmem:v1+s23+$0x0] =	vst.idx.add.f32.msk vm0, v2  }
0x135: {  	v1 =	vld [tilespmem:$0x9B0];
	_ =	sdelay $0x4  }
0x136: {  	(xrf1) =	vunique.msk.u32 $0xffff, v1;
	_ =	sdelay $0xd  }
0x137: {  	_, v2, vm0 =	vpop (xrf1);
	_ =	sdelay $0x3  }
0x138: {  	v2 =	vcvt.s32.f32 v2;
	_ =	sdelay $0x1  }
0x139: {  	[tilespmem:v1+s23+$0x0] =	vst.idx.add.f32.msk vm0, v2  }
0x13a: {  	v1 =	vld [tilespmem:$0x9C0];
	_ =	sdelay $0x4  }
0x13b: {  	(xrf1) =	vunique.msk.u32 $0xffff, v1;
	_ =	sdelay $0xd  }
0x13c: {  	_, v2, vm0 =	vpop (xrf1);
	_ =	sdelay $0x3  }
0x13d: {  	v2 =	vcvt.s32.f32 v2;
	_ =	sdelay $0x1  }
0x13e: {  	[tilespmem:v1+s23+$0x0] =	vst.idx.add.f32.msk vm0, v2  }
0x13f: {  	v1 =	vld [tilespmem:$0x9D0];
	_ =	sdelay $0x4  }
0x140: {  	(xrf1) =	vunique.msk.u32 $0xffff, v1;
	_ =	sdelay $0xd  }
0x141: {  	_, v2, vm0 =	vpop (xrf1);
	_ =	sdelay $0x3  }
0x142: {  	v2 =	vcvt.s32.f32 v2;
	_ =	sdelay $0x1  }
0x143: {  	[tilespmem:v1+s23+$0x0] =	vst.idx.add.f32.msk vm0, v2  }
0x144: {  	v1 =	vld [tilespmem:$0x9E0];
	_ =	sdelay $0x4  }
0x145: {  	(xrf1) =	vunique.msk.u32 $0xffff, v1;
	_ =	sdelay $0xd  }
0x146: {  	_, v2, vm0 =	vpop (xrf1);
	_ =	sdelay $0x3  }
0x147: {  	v2 =	vcvt.s32.f32 v2;
	_ =	sdelay $0x1  }
0x148: {  	[tilespmem:v1+s23+$0x0] =	vst.idx.add.f32.msk vm0, v2  }
0x149: {  	v1 =	vld [tilespmem:$0x9F0];
	_ =	sdelay $0x4  }
0x14a: {  	(xrf1) =	vunique.msk.u32 $0xffff, v1;
	_ =	sdelay $0xd  }
0x14b: {  	_, v2, vm0 =	vpop (xrf1);
	_ =	sdelay $0x3  }
0x14c: {  	v2 =	vcvt.s32.f32 v2;
	_ =	sdelay $0x1  }
0x14d: {  	[tilespmem:v1+s23+$0x0] =	vst.idx.add.f32.msk vm0, v2  }
0x14e: {  	_ =	swait.ge [sflag:s21], $0x4000  }
0x14f: {  	[sflag:s21] =	ssyncset.done $0x0  }
0x150: {  	s11 =	rddreg [dreg:$0x11];
	[sflag:s21] =	ssyncadd.s32 $0xFFFFC000  }
0x151: {  	[spmem:s1] =	stream.indirect.scatter.add.f32 [tilespmem:s17], [sflag:$0x5], $0x80, s11, s16, $0xb8;
	[tilespmem:$0x1EC00] =	vst v63  }
0x152: {  	_ =	swait.ge [sflag:s22], $0x4000  }
0x153: {  	[sflag:s22] =	ssyncset.done $0x0  }
0x154: {  	[sflag:s22] =	ssyncadd.s32 $0xFFFFC000  }
0x155: {  	[tilespmem:s17], [sflag:$0x1] =	stream.indirect.gather [hbm4b:s4+s16], $0x80, s2, s16, $0xb8;
	[tilespmem:$0x1EC00] =	vst v63  }
0x156: {  	v1 =	vld [tilespmem:$0xA00];
	_ =	sdelay $0x4  }
0x157: {  	(xrf1) =	vunique.msk.u32 $0xffff, v1;
	_ =	sdelay $0xd  }
0x158: {  	_, v2, vm0 =	vpop (xrf1);
	_ =	sdelay $0x3  }
0x159: {  	v2 =	vcvt.s32.f32 v2;
	_ =	sdelay $0x1  }
0x15a: {  	[tilespmem:v1+s23+$0x0] =	vst.idx.add.f32.msk vm0, v2  }
0x15b: {  	v1 =	vld [tilespmem:$0xA10];
	_ =	sdelay $0x4  }
0x15c: {  	(xrf1) =	vunique.msk.u32 $0xffff, v1;
	_ =	sdelay $0xd  }
0x15d: {  	_, v2, vm0 =	vpop (xrf1);
	_ =	sdelay $0x3  }
0x15e: {  	v2 =	vcvt.s32.f32 v2;
	_ =	sdelay $0x1  }
0x15f: {  	[tilespmem:v1+s23+$0x0] =	vst.idx.add.f32.msk vm0, v2  }
0x160: {  	v1 =	vld [tilespmem:$0xA20];
	_ =	sdelay $0x4  }
0x161: {  	(xrf1) =	vunique.msk.u32 $0xffff, v1;
	_ =	sdelay $0xd  }
0x162: {  	_, v2, vm0 =	vpop (xrf1);
	_ =	sdelay $0x3  }
0x163: {  	v2 =	vcvt.s32.f32 v2;
	_ =	sdelay $0x1  }
0x164: {  	[tilespmem:v1+s23+$0x0] =	vst.idx.add.f32.msk vm0, v2  }
0x165: {  	v1 =	vld [tilespmem:$0xA30];
	_ =	sdelay $0x4  }
0x166: {  	(xrf1) =	vunique.msk.u32 $0xffff, v1;
	_ =	sdelay $0xd  }
0x167: {  	_, v2, vm0 =	vpop (xrf1);
	_ =	sdelay $0x3  }
0x168: {  	v2 =	vcvt.s32.f32 v2;
	_ =	sdelay $0x1  }
0x169: {  	[tilespmem:v1+s23+$0x0] =	vst.idx.add.f32.msk vm0, v2  }
0x16a: {  	v1 =	vld [tilespmem:$0xA40];
	_ =	sdelay $0x4  }
0x16b: {  	(xrf1) =	vunique.msk.u32 $0xffff, v1;
	_ =	sdelay $0xd  }
0x16c: {  	_, v2, vm0 =	vpop (xrf1);
	_ =	sdelay $0x3  }
0x16d: {  	v2 =	vcvt.s32.f32 v2;
	_ =	sdelay $0x1  }
0x16e: {  	[tilespmem:v1+s23+$0x0] =	vst.idx.add.f32.msk vm0, v2  }
0x16f: {  	v1 =	vld [tilespmem:$0xA50];
	_ =	sdelay $0x4  }
0x170: {  	(xrf1) =	vunique.msk.u32 $0xffff, v1;
	_ =	sdelay $0xd  }
0x171: {  	_, v2, vm0 =	vpop (xrf1);
	_ =	sdelay $0x3  }
0x172: {  	v2 =	vcvt.s32.f32 v2;
	_ =	sdelay $0x1  }
0x173: {  	[tilespmem:v1+s23+$0x0] =	vst.idx.add.f32.msk vm0, v2  }
0x174: {  	v1 =	vld [tilespmem:$0xA60];
	_ =	sdelay $0x4  }
0x175: {  	(xrf1) =	vunique.msk.u32 $0xffff, v1;
	_ =	sdelay $0xd  }
0x176: {  	_, v2, vm0 =	vpop (xrf1);
	_ =	sdelay $0x3  }
0x177: {  	v2 =	vcvt.s32.f32 v2;
	_ =	sdelay $0x1  }
0x178: {  	[tilespmem:v1+s23+$0x0] =	vst.idx.add.f32.msk vm0, v2  }
0x179: {  	v1 =	vld [tilespmem:$0xA70];
	_ =	sdelay $0x4  }
0x17a: {  	(xrf1) =	vunique.msk.u32 $0xffff, v1;
	_ =	sdelay $0xd  }
0x17b: {  	_, v2, vm0 =	vpop (xrf1);
	_ =	sdelay $0x3  }
0x17c: {  	v2 =	vcvt.s32.f32 v2;
	_ =	sdelay $0x1  }
0x17d: {  	[tilespmem:v1+s23+$0x0] =	vst.idx.add.f32.msk vm0, v2  }
0x17e: {  	_ =	swait.ge [sflag:s24], $0x4000  }
0x17f: {  	[sflag:s24] =	ssyncset.done $0x0  }
0x180: {  	s11 =	rddreg [dreg:$0x12];
	[sflag:s24] =	ssyncadd.s32 $0xFFFFC000  }
0x181: {  	[spmem:s1] =	stream.indirect.scatter.add.f32 [tilespmem:s18], [sflag:$0x6], $0x80, s11, s16, $0xb8;
	[tilespmem:$0x1EC00] =	vst v63  }
0x182: {  	_ =	swait.ge [sflag:s25], $0x4000  }
0x183: {  	[sflag:s25] =	ssyncset.done $0x0  }
0x184: {  	s11 =	rddreg [dreg:$0x13];
	[sflag:s25] =	ssyncadd.s32 $0xFFFFC000  }
0x185: {  	[tilespmem:s18], [sflag:$0x2] =	stream.indirect.gather [hbm4b:s4+s16], $0x80, s11, s16, $0xb8;
	[tilespmem:$0x1EC00] =	vst v63  }
0x186: {  	v1 =	vld [tilespmem:$0xA80];
	_ =	sdelay $0x4  }
0x187: {  	(xrf1) =	vunique.msk.u32 $0xffff, v1;
	_ =	sdelay $0xd  }
0x188: {  	_, v2, vm0 =	vpop (xrf1);
	_ =	sdelay $0x3  }
0x189: {  	v2 =	vcvt.s32.f32 v2;
	_ =	sdelay $0x1  }
0x18a: {  	[tilespmem:v1+s23+$0x0] =	vst.idx.add.f32.msk vm0, v2  }
0x18b: {  	v1 =	vld [tilespmem:$0xA90];
	_ =	sdelay $0x4  }
0x18c: {  	(xrf1) =	vunique.msk.u32 $0xffff, v1;
	_ =	sdelay $0xd  }
0x18d: {  	_, v2, vm0 =	vpop (xrf1);
	_ =	sdelay $0x3  }
0x18e: {  	v2 =	vcvt.s32.f32 v2;
	_ =	sdelay $0x1  }
0x18f: {  	[tilespmem:v1+s23+$0x0] =	vst.idx.add.f32.msk vm0, v2  }
0x190: {  	v1 =	vld [tilespmem:$0xAA0];
	_ =	sdelay $0x4  }
0x191: {  	(xrf1) =	vunique.msk.u32 $0xffff, v1;
	_ =	sdelay $0xd  }
0x192: {  	_, v2, vm0 =	vpop (xrf1);
	_ =	sdelay $0x3  }
0x193: {  	v2 =	vcvt.s32.f32 v2;
	_ =	sdelay $0x1  }
0x194: {  	[tilespmem:v1+s23+$0x0] =	vst.idx.add.f32.msk vm0, v2  }
0x195: {  	v1 =	vld [tilespmem:$0xAB0];
	_ =	sdelay $0x4  }
0x196: {  	(xrf1) =	vunique.msk.u32 $0xffff, v1;
	_ =	sdelay $0xd  }
0x197: {  	_, v2, vm0 =	vpop (xrf1);
	_ =	sdelay $0x3  }
0x198: {  	v2 =	vcvt.s32.f32 v2;
	_ =	sdelay $0x1  }
0x199: {  	[tilespmem:v1+s23+$0x0] =	vst.idx.add.f32.msk vm0, v2  }
0x19a: {  	v1 =	vld [tilespmem:$0xAC0];
	_ =	sdelay $0x4  }
0x19b: {  	(xrf1) =	vunique.msk.u32 $0xffff, v1;
	_ =	sdelay $0xd  }
0x19c: {  	_, v2, vm0 =	vpop (xrf1);
	_ =	sdelay $0x3  }
0x19d: {  	v2 =	vcvt.s32.f32 v2;
	_ =	sdelay $0x1  }
0x19e: {  	[tilespmem:v1+s23+$0x0] =	vst.idx.add.f32.msk vm0, v2  }
0x19f: {  	v1 =	vld [tilespmem:$0xAD0];
	_ =	sdelay $0x4  }
0x1a0: {  	(xrf1) =	vunique.msk.u32 $0xffff, v1;
	_ =	sdelay $0xd  }
0x1a1: {  	_, v2, vm0 =	vpop (xrf1);
	_ =	sdelay $0x3  }
0x1a2: {  	v2 =	vcvt.s32.f32 v2;
	_ =	sdelay $0x1  }
0x1a3: {  	[tilespmem:v1+s23+$0x0] =	vst.idx.add.f32.msk vm0, v2  }
0x1a4: {  	v1 =	vld [tilespmem:$0xAE0];
	_ =	sdelay $0x4  }
0x1a5: {  	(xrf1) =	vunique.msk.u32 $0xffff, v1;
	_ =	sdelay $0xd  }
0x1a6: {  	_, v2, vm0 =	vpop (xrf1);
	_ =	sdelay $0x3  }
0x1a7: {  	v2 =	vcvt.s32.f32 v2;
	_ =	sdelay $0x1  }
0x1a8: {  	[tilespmem:v1+s23+$0x0] =	vst.idx.add.f32.msk vm0, v2  }
0x1a9: {  	v1 =	vld [tilespmem:$0xAF0];
	_ =	sdelay $0x4  }
0x1aa: {  	(xrf1) =	vunique.msk.u32 $0xffff, v1;
	_ =	sdelay $0xd  }
0x1ab: {  	_, v2, vm0 =	vpop (xrf1);
	_ =	sdelay $0x3  }
0x1ac: {  	v2 =	vcvt.s32.f32 v2;
	_ =	sdelay $0x1  }
0x1ad: {  	[tilespmem:v1+s23+$0x0] =	vst.idx.add.f32.msk vm0, v2  }
0x1ae: {  	_ =	swait.ge [sflag:s26], $0x4000  }
0x1af: {  	[sflag:s26] =	ssyncset.done $0x0  }
0x1b0: {  	s11 =	rddreg [dreg:$0x14];
	[sflag:s26] =	ssyncadd.s32 $0xFFFFC000  }
0x1b1: {  	[spmem:s1] =	stream.indirect.scatter.add.f32 [tilespmem:s19], [sflag:$0x7], $0x80, s11, s16, $0xb8;
	[tilespmem:$0x1EC00] =	vst v63  }
0x1b2: {  	_ =	swait.ge [sflag:s28], $0x4000  }
0x1b3: {  	[sflag:s28] =	ssyncset.done $0x0  }
0x1b4: {  	s11 =	rddreg [dreg:$0x15];
	[sflag:s28] =	ssyncadd.s32 $0xFFFFC000  }
0x1b5: {  	[tilespmem:s19], [sflag:$0x3] =	stream.indirect.gather [hbm4b:s4+s16], $0x80, s11, s16, $0xb8;
	[tilespmem:$0x1EC00] =	vst v63  }
0x1b6: {  	v1 =	vld [tilespmem:$0xB00];
	_ =	sdelay $0x4  }
0x1b7: {  	(xrf1) =	vunique.msk.u32 $0xffff, v1;
	_ =	sdelay $0xd  }
0x1b8: {  	_, v2, vm0 =	vpop (xrf1);
	_ =	sdelay $0x3  }
0x1b9: {  	v2 =	vcvt.s32.f32 v2;
	_ =	sdelay $0x1  }
0x1ba: {  	[tilespmem:v1+s23+$0x0] =	vst.idx.add.f32.msk vm0, v2  }
0x1bb: {  	v1 =	vld [tilespmem:$0xB10];
	_ =	sdelay $0x4  }
0x1bc: {  	(xrf1) =	vunique.msk.u32 $0xffff, v1;
	_ =	sdelay $0xd  }
0x1bd: {  	_, v2, vm0 =	vpop (xrf1);
	_ =	sdelay $0x3  }
0x1be: {  	v2 =	vcvt.s32.f32 v2;
	_ =	sdelay $0x1  }
0x1bf: {  	[tilespmem:v1+s23+$0x0] =	vst.idx.add.f32.msk vm0, v2  }
0x1c0: {  	v1 =	vld [tilespmem:$0xB20];
	_ =	sdelay $0x4  }
0x1c1: {  	(xrf1) =	vunique.msk.u32 $0xffff, v1;
	_ =	sdelay $0xd  }
0x1c2: {  	_, v2, vm0 =	vpop (xrf1);
	_ =	sdelay $0x3  }
0x1c3: {  	v2 =	vcvt.s32.f32 v2;
	_ =	sdelay $0x1  }
0x1c4: {  	[tilespmem:v1+s23+$0x0] =	vst.idx.add.f32.msk vm0, v2  }
0x1c5: {  	v1 =	vld [tilespmem:$0xB30];
	_ =	sdelay $0x4  }
0x1c6: {  	(xrf1) =	vunique.msk.u32 $0xffff, v1;
	_ =	sdelay $0xd  }
0x1c7: {  	_, v2, vm0 =	vpop (xrf1);
	_ =	sdelay $0x3  }
0x1c8: {  	v2 =	vcvt.s32.f32 v2;
	_ =	sdelay $0x1  }
0x1c9: {  	[tilespmem:v1+s23+$0x0] =	vst.idx.add.f32.msk vm0, v2  }
0x1ca: {  	v1 =	vld [tilespmem:$0xB40];
	_ =	sdelay $0x4  }
0x1cb: {  	(xrf1) =	vunique.msk.u32 $0xffff, v1;
	_ =	sdelay $0xd  }
0x1cc: {  	_, v2, vm0 =	vpop (xrf1);
	_ =	sdelay $0x3  }
0x1cd: {  	v2 =	vcvt.s32.f32 v2;
	_ =	sdelay $0x1  }
0x1ce: {  	[tilespmem:v1+s23+$0x0] =	vst.idx.add.f32.msk vm0, v2  }
0x1cf: {  	v1 =	vld [tilespmem:$0xB50];
	_ =	sdelay $0x4  }
0x1d0: {  	(xrf1) =	vunique.msk.u32 $0xffff, v1;
	_ =	sdelay $0xd  }
0x1d1: {  	_, v2, vm0 =	vpop (xrf1);
	_ =	sdelay $0x3  }
0x1d2: {  	v2 =	vcvt.s32.f32 v2;
	_ =	sdelay $0x1  }
0x1d3: {  	[tilespmem:v1+s23+$0x0] =	vst.idx.add.f32.msk vm0, v2  }
0x1d4: {  	v1 =	vld [tilespmem:$0xB60];
	_ =	sdelay $0x4  }
0x1d5: {  	(xrf1) =	vunique.msk.u32 $0xffff, v1;
	_ =	sdelay $0xd  }
0x1d6: {  	_, v2, vm0 =	vpop (xrf1);
	_ =	sdelay $0x3  }
0x1d7: {  	v2 =	vcvt.s32.f32 v2;
	_ =	sdelay $0x1  }
0x1d8: {  	[tilespmem:v1+s23+$0x0] =	vst.idx.add.f32.msk vm0, v2  }
0x1d9: {  	v1 =	vld [tilespmem:$0xB70];
	_ =	sdelay $0x4  }
0x1da: {  	(xrf1) =	vunique.msk.u32 $0xffff, v1;
	_ =	sdelay $0xd  }
0x1db: {  	_, v2, vm0 =	vpop (xrf1);
	_ =	sdelay $0x3  }
0x1dc: {  	v2 =	vcvt.s32.f32 v2;
	_ =	sdelay $0x1  }
0x1dd: {  	[tilespmem:v1+s23+$0x0] =	vst.idx.add.f32.msk vm0, v2  }
0x1de: {  	_ =	swait.ge [sflag:s29], $0x4000  }
0x1df: {  	[sflag:s29] =	ssyncset.done $0x0  }
0x1e0: {  	s11 =	rddreg [dreg:$0x16];
	[sflag:s29] =	ssyncadd.s32 $0xFFFFC000  }
0x1e1: {  	[spmem:s1] =	stream.indirect.scatter.add.f32 [tilespmem:s20], [sflag:$0x8], $0x80, s11, s16, $0xb8;
	[tilespmem:$0x1EC00] =	vst v63  }
0x1e2: {  	_ =	swait.ge [sflag:s30], $0x4000  }
0x1e3: {  	[sflag:s30] =	ssyncset.done $0x0  }
0x1e4: {  	s11 =	rddreg [dreg:$0x17];
	[sflag:s30] =	ssyncadd.s32 $0xFFFFC000  }
0x1e5: {  	[tilespmem:s20], [sflag:$0x4] =	stream.indirect.gather [hbm4b:s4+s16], $0x80, s11, s16, $0xb8;
	[tilespmem:$0x1EC00] =	vst v63  }
0x1e6: {  	v1 =	vld [tilespmem:$0xB80];
	_ =	sdelay $0x4  }
0x1e7: {  	(xrf1) =	vunique.msk.u32 $0xffff, v1;
	_ =	sdelay $0xd  }
0x1e8: {  	_, v2, vm0 =	vpop (xrf1);
	_ =	sdelay $0x3  }
0x1e9: {  	v2 =	vcvt.s32.f32 v2;
	_ =	sdelay $0x1  }
0x1ea: {  	[tilespmem:v1+s23+$0x0] =	vst.idx.add.f32.msk vm0, v2  }
0x1eb: {  	v1 =	vld [tilespmem:$0xB90];
	_ =	sdelay $0x4  }
0x1ec: {  	(xrf1) =	vunique.msk.u32 $0xffff, v1;
	_ =	sdelay $0xd  }
0x1ed: {  	_, v2, vm0 =	vpop (xrf1);
	_ =	sdelay $0x3  }
0x1ee: {  	v2 =	vcvt.s32.f32 v2;
	_ =	sdelay $0x1  }
0x1ef: {  	[tilespmem:v1+s23+$0x0] =	vst.idx.add.f32.msk vm0, v2  }
0x1f0: {  	v1 =	vld [tilespmem:$0xBA0];
	_ =	sdelay $0x4  }
0x1f1: {  	(xrf1) =	vunique.msk.u32 $0xffff, v1;
	_ =	sdelay $0xd  }
0x1f2: {  	_, v2, vm0 =	vpop (xrf1);
	_ =	sdelay $0x3  }
0x1f3: {  	v2 =	vcvt.s32.f32 v2;
	_ =	sdelay $0x1  }
0x1f4: {  	[tilespmem:v1+s23+$0x0] =	vst.idx.add.f32.msk vm0, v2  }
0x1f5: {  	v1 =	vld [tilespmem:$0xBB0];
	_ =	sdelay $0x4  }
0x1f6: {  	(xrf1) =	vunique.msk.u32 $0xffff, v1;
	_ =	sdelay $0xd  }
0x1f7: {  	_, v2, vm0 =	vpop (xrf1);
	_ =	sdelay $0x3  }
0x1f8: {  	v2 =	vcvt.s32.f32 v2;
	_ =	sdelay $0x1  }
0x1f9: {  	[tilespmem:v1+s23+$0x0] =	vst.idx.add.f32.msk vm0, v2  }
0x1fa: {  	v1 =	vld [tilespmem:$0xBC0];
	_ =	sdelay $0x4  }
0x1fb: {  	(xrf1) =	vunique.msk.u32 $0xffff, v1;
	_ =	sdelay $0xd  }
0x1fc: {  	_, v2, vm0 =	vpop (xrf1);
	_ =	sdelay $0x3  }
0x1fd: {  	v2 =	vcvt.s32.f32 v2;
	_ =	sdelay $0x1  }
0x1fe: {  	[tilespmem:v1+s23+$0x0] =	vst.idx.add.f32.msk vm0, v2  }
0x1ff: {  	v1 =	vld [tilespmem:$0xBD0];
	_ =	sdelay $0x4  }
0x200: {  	(xrf1) =	vunique.msk.u32 $0xffff, v1;
	_ =	sdelay $0xd  }
0x201: {  	_, v2, vm0 =	vpop (xrf1);
	_ =	sdelay $0x3  }
0x202: {  	v2 =	vcvt.s32.f32 v2;
	_ =	sdelay $0x1  }
0x203: {  	[tilespmem:v1+s23+$0x0] =	vst.idx.add.f32.msk vm0, v2  }
0x204: {  	v1 =	vld [tilespmem:$0xBE0];
	_ =	sdelay $0x4  }
0x205: {  	(xrf1) =	vunique.msk.u32 $0xffff, v1;
	_ =	sdelay $0xd  }
0x206: {  	_, v2, vm0 =	vpop (xrf1);
	_ =	sdelay $0x3  }
0x207: {  	v2 =	vcvt.s32.f32 v2;
	_ =	sdelay $0x1  }
0x208: {  	[tilespmem:v1+s23+$0x0] =	vst.idx.add.f32.msk vm0, v2  }
0x209: {  	v1 =	vld [tilespmem:$0xBF0];
	_ =	sdelay $0x4  }
0x20a: {  	(xrf1) =	vunique.msk.u32 $0xffff, v1;
	_ =	sdelay $0xd  }
0x20b: {  	_, v2, vm0 =	vpop (xrf1);
	_ =	sdelay $0x3  }
0x20c: {  	v2 =	vcvt.s32.f32 v2;
	_ =	sdelay $0x1  }
0x20d: {  	[tilespmem:v1+s23+$0x0] =	vst.idx.add.f32.msk vm0, v2  }
0x20e: {  	_ =	swait.ge [sflag:s21], $0x4000  }
0x20f: {  	[sflag:s21] =	ssyncset.done $0x0  }
0x210: {  	s11 =	rddreg [dreg:$0x18];
	[sflag:s21] =	ssyncadd.s32 $0xFFFFC000  }
0x211: {  	[spmem:s1] =	stream.indirect.scatter.add.f32 [tilespmem:s17], [sflag:$0x5], $0x80, s11, s16, $0xb8;
	[tilespmem:$0x1EC00] =	vst v63  }
0x212: {  	_ =	swait.ge [sflag:s22], $0x4000  }
0x213: {  	[sflag:s22] =	ssyncset.done $0x0  }
0x214: {  	s11 =	rddreg [dreg:$0x19];
	[sflag:s22] =	ssyncadd.s32 $0xFFFFC000  }
0x215: {  	[tilespmem:s17], [sflag:$0x1] =	stream.indirect.gather [hbm4b:s4+s16], $0x80, s11, s16, $0xb8;
	[tilespmem:$0x1EC00] =	vst v63  }
0x216: {  	v1 =	vld [tilespmem:$0xC00];
	_ =	sdelay $0x4  }
0x217: {  	(xrf1) =	vunique.msk.u32 $0xffff, v1;
	_ =	sdelay $0xd  }
0x218: {  	_, v2, vm0 =	vpop (xrf1);
	_ =	sdelay $0x3  }
0x219: {  	v2 =	vcvt.s32.f32 v2;
	_ =	sdelay $0x1  }
0x21a: {  	[tilespmem:v1+s23+$0x0] =	vst.idx.add.f32.msk vm0, v2  }
0x21b: {  	v1 =	vld [tilespmem:$0xC10];
	_ =	sdelay $0x4  }
0x21c: {  	(xrf1) =	vunique.msk.u32 $0xffff, v1;
	_ =	sdelay $0xd  }
0x21d: {  	_, v2, vm0 =	vpop (xrf1);
	_ =	sdelay $0x3  }
0x21e: {  	v2 =	vcvt.s32.f32 v2;
	_ =	sdelay $0x1  }
0x21f: {  	[tilespmem:v1+s23+$0x0] =	vst.idx.add.f32.msk vm0, v2  }
0x220: {  	v1 =	vld [tilespmem:$0xC20];
	_ =	sdelay $0x4  }
0x221: {  	(xrf1) =	vunique.msk.u32 $0xffff, v1;
	_ =	sdelay $0xd  }
0x222: {  	_, v2, vm0 =	vpop (xrf1);
	_ =	sdelay $0x3  }
0x223: {  	v2 =	vcvt.s32.f32 v2;
	_ =	sdelay $0x1  }
0x224: {  	[tilespmem:v1+s23+$0x0] =	vst.idx.add.f32.msk vm0, v2  }
0x225: {  	v1 =	vld [tilespmem:$0xC30];
	_ =	sdelay $0x4  }
0x226: {  	(xrf1) =	vunique.msk.u32 $0xffff, v1;
	_ =	sdelay $0xd  }
0x227: {  	_, v2, vm0 =	vpop (xrf1);
	_ =	sdelay $0x3  }
0x228: {  	v2 =	vcvt.s32.f32 v2;
	_ =	sdelay $0x1  }
0x229: {  	[tilespmem:v1+s23+$0x0] =	vst.idx.add.f32.msk vm0, v2  }
0x22a: {  	v1 =	vld [tilespmem:$0xC40];
	_ =	sdelay $0x4  }
0x22b: {  	(xrf1) =	vunique.msk.u32 $0xffff, v1;
	_ =	sdelay $0xd  }
0x22c: {  	_, v2, vm0 =	vpop (xrf1);
	_ =	sdelay $0x3  }
0x22d: {  	v2 =	vcvt.s32.f32 v2;
	_ =	sdelay $0x1  }
0x22e: {  	[tilespmem:v1+s23+$0x0] =	vst.idx.add.f32.msk vm0, v2  }
0x22f: {  	v1 =	vld [tilespmem:$0xC50];
	_ =	sdelay $0x4  }
0x230: {  	(xrf1) =	vunique.msk.u32 $0xffff, v1;
	_ =	sdelay $0xd  }
0x231: {  	_, v2, vm0 =	vpop (xrf1);
	_ =	sdelay $0x3  }
0x232: {  	v2 =	vcvt.s32.f32 v2;
	_ =	sdelay $0x1  }
0x233: {  	[tilespmem:v1+s23+$0x0] =	vst.idx.add.f32.msk vm0, v2  }
0x234: {  	v1 =	vld [tilespmem:$0xC60];
	_ =	sdelay $0x4  }
0x235: {  	(xrf1) =	vunique.msk.u32 $0xffff, v1;
	_ =	sdelay $0xd  }
0x236: {  	_, v2, vm0 =	vpop (xrf1);
	_ =	sdelay $0x3  }
0x237: {  	v2 =	vcvt.s32.f32 v2;
	_ =	sdelay $0x1  }
0x238: {  	[tilespmem:v1+s23+$0x0] =	vst.idx.add.f32.msk vm0, v2  }
0x239: {  	v1 =	vld [tilespmem:$0xC70];
	_ =	sdelay $0x4  }
0x23a: {  	(xrf1) =	vunique.msk.u32 $0xffff, v1;
	_ =	sdelay $0xd  }
0x23b: {  	_, v2, vm0 =	vpop (xrf1);
	_ =	sdelay $0x3  }
0x23c: {  	v2 =	vcvt.s32.f32 v2;
	_ =	sdelay $0x1  }
0x23d: {  	[tilespmem:v1+s23+$0x0] =	vst.idx.add.f32.msk vm0, v2  }
0x23e: {  	_ =	swait.ge [sflag:s24], $0x4000  }
0x23f: {  	[sflag:s24] =	ssyncset.done $0x0  }
0x240: {  	s11 =	rddreg [dreg:$0x1a];
	[sflag:s24] =	ssyncadd.s32 $0xFFFFC000  }
0x241: {  	[spmem:s1] =	stream.indirect.scatter.add.f32 [tilespmem:s18], [sflag:$0x6], $0x80, s11, s16, $0xb8;
	[tilespmem:$0x1EC00] =	vst v63  }
0x242: {  	_ =	swait.ge [sflag:s25], $0x4000  }
0x243: {  	[sflag:s25] =	ssyncset.done $0x0  }
0x244: {  	s11 =	rddreg [dreg:$0x1b];
	[sflag:s25] =	ssyncadd.s32 $0xFFFFC000  }
0x245: {  	[tilespmem:s18], [sflag:$0x2] =	stream.indirect.gather [hbm4b:s4+s16], $0x80, s11, s16, $0xb8;
	[tilespmem:$0x1EC00] =	vst v63  }
0x246: {  	v1 =	vld [tilespmem:$0xC80];
	_ =	sdelay $0x4  }
0x247: {  	(xrf1) =	vunique.msk.u32 $0xffff, v1;
	_ =	sdelay $0xd  }
0x248: {  	_, v2, vm0 =	vpop (xrf1);
	_ =	sdelay $0x3  }
0x249: {  	v2 =	vcvt.s32.f32 v2;
	_ =	sdelay $0x1  }
0x24a: {  	[tilespmem:v1+s23+$0x0] =	vst.idx.add.f32.msk vm0, v2  }
0x24b: {  	v1 =	vld [tilespmem:$0xC90];
	_ =	sdelay $0x4  }
0x24c: {  	(xrf1) =	vunique.msk.u32 $0xffff, v1;
	_ =	sdelay $0xd  }
0x24d: {  	_, v2, vm0 =	vpop (xrf1);
	_ =	sdelay $0x3  }
0x24e: {  	v2 =	vcvt.s32.f32 v2;
	_ =	sdelay $0x1  }
0x24f: {  	[tilespmem:v1+s23+$0x0] =	vst.idx.add.f32.msk vm0, v2  }
0x250: {  	v1 =	vld [tilespmem:$0xCA0];
	_ =	sdelay $0x4  }
0x251: {  	(xrf1) =	vunique.msk.u32 $0xffff, v1;
	_ =	sdelay $0xd  }
0x252: {  	_, v2, vm0 =	vpop (xrf1);
	_ =	sdelay $0x3  }
0x253: {  	v2 =	vcvt.s32.f32 v2;
	_ =	sdelay $0x1  }
0x254: {  	[tilespmem:v1+s23+$0x0] =	vst.idx.add.f32.msk vm0, v2  }
0x255: {  	v1 =	vld [tilespmem:$0xCB0];
	_ =	sdelay $0x4  }
0x256: {  	(xrf1) =	vunique.msk.u32 $0xffff, v1;
	_ =	sdelay $0xd  }
0x257: {  	_, v2, vm0 =	vpop (xrf1);
	_ =	sdelay $0x3  }
0x258: {  	v2 =	vcvt.s32.f32 v2;
	_ =	sdelay $0x1  }
0x259: {  	[tilespmem:v1+s23+$0x0] =	vst.idx.add.f32.msk vm0, v2  }
0x25a: {  	v1 =	vld [tilespmem:$0xCC0];
	_ =	sdelay $0x4  }
0x25b: {  	(xrf1) =	vunique.msk.u32 $0xffff, v1;
	_ =	sdelay $0xd  }
0x25c: {  	_, v2, vm0 =	vpop (xrf1);
	_ =	sdelay $0x3  }
0x25d: {  	v2 =	vcvt.s32.f32 v2;
	_ =	sdelay $0x1  }
0x25e: {  	[tilespmem:v1+s23+$0x0] =	vst.idx.add.f32.msk vm0, v2  }
0x25f: {  	v1 =	vld [tilespmem:$0xCD0];
	_ =	sdelay $0x4  }
0x260: {  	(xrf1) =	vunique.msk.u32 $0xffff, v1;
	_ =	sdelay $0xd  }
0x261: {  	_, v2, vm0 =	vpop (xrf1);
	_ =	sdelay $0x3  }
0x262: {  	v2 =	vcvt.s32.f32 v2;
	_ =	sdelay $0x1  }
0x263: {  	[tilespmem:v1+s23+$0x0] =	vst.idx.add.f32.msk vm0, v2  }
0x264: {  	v1 =	vld [tilespmem:$0xCE0];
	_ =	sdelay $0x4  }
0x265: {  	(xrf1) =	vunique.msk.u32 $0xffff, v1;
	_ =	sdelay $0xd  }
0x266: {  	_, v2, vm0 =	vpop (xrf1);
	_ =	sdelay $0x3  }
0x267: {  	v2 =	vcvt.s32.f32 v2;
	_ =	sdelay $0x1  }
0x268: {  	[tilespmem:v1+s23+$0x0] =	vst.idx.add.f32.msk vm0, v2  }
0x269: {  	v1 =	vld [tilespmem:$0xCF0];
	_ =	sdelay $0x4  }
0x26a: {  	(xrf1) =	vunique.msk.u32 $0xffff, v1;
	_ =	sdelay $0xd  }
0x26b: {  	_, v2, vm0 =	vpop (xrf1);
	_ =	sdelay $0x3  }
0x26c: {  	v2 =	vcvt.s32.f32 v2;
	_ =	sdelay $0x1  }
0x26d: {  	[tilespmem:v1+s23+$0x0] =	vst.idx.add.f32.msk vm0, v2  }
0x26e: {  	_ =	swait.ge [sflag:s26], $0x4000  }
0x26f: {  	[sflag:s26] =	ssyncset.done $0x0  }
0x270: {  	s11 =	rddreg [dreg:$0x1c];
	[sflag:s26] =	ssyncadd.s32 $0xFFFFC000  }
0x271: {  	[spmem:s1] =	stream.indirect.scatter.add.f32 [tilespmem:s19], [sflag:$0x7], $0x80, s11, s16, $0xb8;
	[tilespmem:$0x1EC00] =	vst v63  }
0x272: {  	_ =	swait.ge [sflag:s28], $0x4000  }
0x273: {  	[sflag:s28] =	ssyncset.done $0x0  }
0x274: {  	s11 =	simm.s32 $0x700;
	[sflag:s28] =	ssyncadd.s32 $0xFFFFC000  }
0x275: {  	[tilespmem:s19], [sflag:$0x3] =	stream.indirect.gather [hbm4b:s4+s16], $0x80, s11, s16, $0xb8;
	[tilespmem:$0x1EC00] =	vst v63  }
0x276: {  	v1 =	vld [tilespmem:$0xD00];
	_ =	sdelay $0x4  }
0x277: {  	(xrf1) =	vunique.msk.u32 $0xffff, v1;
	_ =	sdelay $0xd  }
0x278: {  	_, v2, vm0 =	vpop (xrf1);
	_ =	sdelay $0x3  }
0x279: {  	v2 =	vcvt.s32.f32 v2;
	_ =	sdelay $0x1  }
0x27a: {  	[tilespmem:v1+s23+$0x0] =	vst.idx.add.f32.msk vm0, v2  }
0x27b: {  	v1 =	vld [tilespmem:$0xD10];
	_ =	sdelay $0x4  }
0x27c: {  	(xrf1) =	vunique.msk.u32 $0xffff, v1;
	_ =	sdelay $0xd  }
0x27d: {  	_, v2, vm0 =	vpop (xrf1);
	_ =	sdelay $0x3  }
0x27e: {  	v2 =	vcvt.s32.f32 v2;
	_ =	sdelay $0x1  }
0x27f: {  	[tilespmem:v1+s23+$0x0] =	vst.idx.add.f32.msk vm0, v2  }
0x280: {  	v1 =	vld [tilespmem:$0xD20];
	_ =	sdelay $0x4  }
0x281: {  	(xrf1) =	vunique.msk.u32 $0xffff, v1;
	_ =	sdelay $0xd  }
0x282: {  	_, v2, vm0 =	vpop (xrf1);
	_ =	sdelay $0x3  }
0x283: {  	v2 =	vcvt.s32.f32 v2;
	_ =	sdelay $0x1  }
0x284: {  	[tilespmem:v1+s23+$0x0] =	vst.idx.add.f32.msk vm0, v2  }
0x285: {  	v1 =	vld [tilespmem:$0xD30];
	_ =	sdelay $0x4  }
0x286: {  	(xrf1) =	vunique.msk.u32 $0xffff, v1;
	_ =	sdelay $0xd  }
0x287: {  	_, v2, vm0 =	vpop (xrf1);
	_ =	sdelay $0x3  }
0x288: {  	v2 =	vcvt.s32.f32 v2;
	_ =	sdelay $0x1  }
0x289: {  	[tilespmem:v1+s23+$0x0] =	vst.idx.add.f32.msk vm0, v2  }
0x28a: {  	v1 =	vld [tilespmem:$0xD40];
	_ =	sdelay $0x4  }
0x28b: {  	(xrf1) =	vunique.msk.u32 $0xffff, v1;
	_ =	sdelay $0xd  }
0x28c: {  	_, v2, vm0 =	vpop (xrf1);
	_ =	sdelay $0x3  }
0x28d: {  	v2 =	vcvt.s32.f32 v2;
	_ =	sdelay $0x1  }
0x28e: {  	[tilespmem:v1+s23+$0x0] =	vst.idx.add.f32.msk vm0, v2  }
0x28f: {  	v1 =	vld [tilespmem:$0xD50];
	_ =	sdelay $0x4  }
0x290: {  	(xrf1) =	vunique.msk.u32 $0xffff, v1;
	_ =	sdelay $0xd  }
0x291: {  	_, v2, vm0 =	vpop (xrf1);
	_ =	sdelay $0x3  }
0x292: {  	v2 =	vcvt.s32.f32 v2;
	_ =	sdelay $0x1  }
0x293: {  	[tilespmem:v1+s23+$0x0] =	vst.idx.add.f32.msk vm0, v2  }
0x294: {  	v1 =	vld [tilespmem:$0xD60];
	_ =	sdelay $0x4  }
0x295: {  	(xrf1) =	vunique.msk.u32 $0xffff, v1;
	_ =	sdelay $0xd  }
0x296: {  	_, v2, vm0 =	vpop (xrf1);
	_ =	sdelay $0x3  }
0x297: {  	v2 =	vcvt.s32.f32 v2;
	_ =	sdelay $0x1  }
0x298: {  	[tilespmem:v1+s23+$0x0] =	vst.idx.add.f32.msk vm0, v2  }
0x299: {  	v1 =	vld [tilespmem:$0xD70];
	_ =	sdelay $0x4  }
0x29a: {  	(xrf1) =	vunique.msk.u32 $0xffff, v1;
	_ =	sdelay $0xd  }
0x29b: {  	_, v2, vm0 =	vpop (xrf1);
	_ =	sdelay $0x3  }
0x29c: {  	v2 =	vcvt.s32.f32 v2;
	_ =	sdelay $0x1  }
0x29d: {  	[tilespmem:v1+s23+$0x0] =	vst.idx.add.f32.msk vm0, v2  }
0x29e: {  	_ =	swait.ge [sflag:s29], $0x4000  }
0x29f: {  	[sflag:s29] =	ssyncset.done $0x0  }
0x2a0: {  	[sflag:s29] =	ssyncadd.s32 $0xFFFFC000  }
0x2a1: {  	[spmem:s1] =	stream.indirect.scatter.add.f32 [tilespmem:s20], [sflag:$0x8], $0x80, s6, s16, $0xb8;
	[tilespmem:$0x1EC00] =	vst v63  }
0x2a2: {  	_ =	swait.ge [sflag:s30], $0x4000  }
0x2a3: {  	[sflag:s30] =	ssyncset.done $0x0  }
0x2a4: {  	[sflag:s30] =	ssyncadd.s32 $0xFFFFC000  }
0x2a5: {  	[tilespmem:s20], [sflag:$0x4] =	stream.indirect.gather [hbm4b:s4+s16], $0x80, s7, s16, $0xb8;
	[tilespmem:$0x1EC00] =	vst v63  }
0x2a6: {  	v1 =	vld [tilespmem:$0xD80];
	_ =	sdelay $0x4  }
0x2a7: {  	(xrf1) =	vunique.msk.u32 $0xffff, v1;
	_ =	sdelay $0xd  }
0x2a8: {  	_, v2, vm0 =	vpop (xrf1);
	_ =	sdelay $0x3  }
0x2a9: {  	v2 =	vcvt.s32.f32 v2;
	_ =	sdelay $0x1  }
0x2aa: {  	[tilespmem:v1+s23+$0x0] =	vst.idx.add.f32.msk vm0, v2  }
0x2ab: {  	v1 =	vld [tilespmem:$0xD90];
	_ =	sdelay $0x4  }
0x2ac: {  	(xrf1) =	vunique.msk.u32 $0xffff, v1;
	_ =	sdelay $0xd  }
0x2ad: {  	_, v2, vm0 =	vpop (xrf1);
	_ =	sdelay $0x3  }
0x2ae: {  	v2 =	vcvt.s32.f32 v2;
	_ =	sdelay $0x1  }
0x2af: {  	[tilespmem:v1+s23+$0x0] =	vst.idx.add.f32.msk vm0, v2  }
0x2b0: {  	v1 =	vld [tilespmem:$0xDA0];
	_ =	sdelay $0x4  }
0x2b1: {  	(xrf1) =	vunique.msk.u32 $0xffff, v1;
	_ =	sdelay $0xd  }
0x2b2: {  	_, v2, vm0 =	vpop (xrf1);
	_ =	sdelay $0x3  }
0x2b3: {  	v2 =	vcvt.s32.f32 v2;
	_ =	sdelay $0x1  }
0x2b4: {  	[tilespmem:v1+s23+$0x0] =	vst.idx.add.f32.msk vm0, v2  }
0x2b5: {  	v1 =	vld [tilespmem:$0xDB0];
	_ =	sdelay $0x4  }
0x2b6: {  	(xrf1) =	vunique.msk.u32 $0xffff, v1;
	_ =	sdelay $0xd  }
0x2b7: {  	_, v2, vm0 =	vpop (xrf1);
	_ =	sdelay $0x3  }
0x2b8: {  	v2 =	vcvt.s32.f32 v2;
	_ =	sdelay $0x1  }
0x2b9: {  	[tilespmem:v1+s23+$0x0] =	vst.idx.add.f32.msk vm0, v2  }
0x2ba: {  	v1 =	vld [tilespmem:$0xDC0];
	_ =	sdelay $0x4  }
0x2bb: {  	(xrf1) =	vunique.msk.u32 $0xffff, v1;
	_ =	sdelay $0xd  }
0x2bc: {  	_, v2, vm0 =	vpop (xrf1);
	_ =	sdelay $0x3  }
0x2bd: {  	v2 =	vcvt.s32.f32 v2;
	_ =	sdelay $0x1  }
0x2be: {  	[tilespmem:v1+s23+$0x0] =	vst.idx.add.f32.msk vm0, v2  }
0x2bf: {  	v1 =	vld [tilespmem:$0xDD0];
	_ =	sdelay $0x4  }
0x2c0: {  	(xrf1) =	vunique.msk.u32 $0xffff, v1;
	_ =	sdelay $0xd  }
0x2c1: {  	_, v2, vm0 =	vpop (xrf1);
	_ =	sdelay $0x3  }
0x2c2: {  	v2 =	vcvt.s32.f32 v2;
	_ =	sdelay $0x1  }
0x2c3: {  	[tilespmem:v1+s23+$0x0] =	vst.idx.add.f32.msk vm0, v2  }
0x2c4: {  	v1 =	vld [tilespmem:$0xDE0];
	_ =	sdelay $0x4  }
0x2c5: {  	(xrf1) =	vunique.msk.u32 $0xffff, v1;
	_ =	sdelay $0xd  }
0x2c6: {  	_, v2, vm0 =	vpop (xrf1);
	_ =	sdelay $0x3  }
0x2c7: {  	v2 =	vcvt.s32.f32 v2;
	_ =	sdelay $0x1  }
0x2c8: {  	[tilespmem:v1+s23+$0x0] =	vst.idx.add.f32.msk vm0, v2  }
0x2c9: {  	v1 =	vld [tilespmem:$0xDF0];
	_ =	sdelay $0x4  }
0x2ca: {  	(xrf1) =	vunique.msk.u32 $0xffff, v1;
	_ =	sdelay $0xd  }
0x2cb: {  	_, v2, vm0 =	vpop (xrf1);
	_ =	sdelay $0x3  }
0x2cc: {  	v2 =	vcvt.s32.f32 v2;
	_ =	sdelay $0x1  }
0x2cd: {  	[tilespmem:v1+s23+$0x0] =	vst.idx.add.f32.msk vm0, v2  }
0x2ce: {  	_ =	swait.ge [sflag:s21], $0x4000  }
0x2cf: {  	[sflag:s21] =	ssyncset.done $0x0  }
0x2d0: {  	[sflag:s21] =	ssyncadd.s32 $0xFFFFC000  }
0x2d1: {  	[spmem:s1] =	stream.indirect.scatter.add.f32 [tilespmem:s17], [sflag:$0x5], $0x80, s8, s16, $0xb8;
	[tilespmem:$0x1EC00] =	vst v63  }
0x2d2: {  	v1 =	vld [tilespmem:$0xE00];
	_ =	sdelay $0x4  }
0x2d3: {  	(xrf1) =	vunique.msk.u32 $0xffff, v1;
	_ =	sdelay $0xd  }
0x2d4: {  	_, v2, vm0 =	vpop (xrf1);
	_ =	sdelay $0x3  }
0x2d5: {  	v2 =	vcvt.s32.f32 v2;
	_ =	sdelay $0x1  }
0x2d6: {  	[tilespmem:v1+s23+$0x0] =	vst.idx.add.f32.msk vm0, v2  }
0x2d7: {  	v1 =	vld [tilespmem:$0xE10];
	_ =	sdelay $0x4  }
0x2d8: {  	(xrf1) =	vunique.msk.u32 $0xffff, v1;
	_ =	sdelay $0xd  }
0x2d9: {  	_, v2, vm0 =	vpop (xrf1);
	_ =	sdelay $0x3  }
0x2da: {  	v2 =	vcvt.s32.f32 v2;
	_ =	sdelay $0x1  }
0x2db: {  	[tilespmem:v1+s23+$0x0] =	vst.idx.add.f32.msk vm0, v2  }
0x2dc: {  	v1 =	vld [tilespmem:$0xE20];
	_ =	sdelay $0x4  }
0x2dd: {  	(xrf1) =	vunique.msk.u32 $0xffff, v1;
	_ =	sdelay $0xd  }
0x2de: {  	_, v2, vm0 =	vpop (xrf1);
	_ =	sdelay $0x3  }
0x2df: {  	v2 =	vcvt.s32.f32 v2;
	_ =	sdelay $0x1  }
0x2e0: {  	[tilespmem:v1+s23+$0x0] =	vst.idx.add.f32.msk vm0, v2  }
0x2e1: {  	v1 =	vld [tilespmem:$0xE30];
	_ =	sdelay $0x4  }
0x2e2: {  	(xrf1) =	vunique.msk.u32 $0xffff, v1;
	_ =	sdelay $0xd  }
0x2e3: {  	_, v2, vm0 =	vpop (xrf1);
	_ =	sdelay $0x3  }
0x2e4: {  	v2 =	vcvt.s32.f32 v2;
	_ =	sdelay $0x1  }
0x2e5: {  	[tilespmem:v1+s23+$0x0] =	vst.idx.add.f32.msk vm0, v2  }
0x2e6: {  	v1 =	vld [tilespmem:$0xE40];
	_ =	sdelay $0x4  }
0x2e7: {  	(xrf1) =	vunique.msk.u32 $0xffff, v1;
	_ =	sdelay $0xd  }
0x2e8: {  	_, v2, vm0 =	vpop (xrf1);
	_ =	sdelay $0x3  }
0x2e9: {  	v2 =	vcvt.s32.f32 v2;
	_ =	sdelay $0x1  }
0x2ea: {  	[tilespmem:v1+s23+$0x0] =	vst.idx.add.f32.msk vm0, v2  }
0x2eb: {  	v1 =	vld [tilespmem:$0xE50];
	_ =	sdelay $0x4  }
0x2ec: {  	(xrf1) =	vunique.msk.u32 $0xffff, v1;
	_ =	sdelay $0xd  }
0x2ed: {  	_, v2, vm0 =	vpop (xrf1);
	_ =	sdelay $0x3  }
0x2ee: {  	v2 =	vcvt.s32.f32 v2;
	_ =	sdelay $0x1  }
0x2ef: {  	[tilespmem:v1+s23+$0x0] =	vst.idx.add.f32.msk vm0, v2  }
0x2f0: {  	v1 =	vld [tilespmem:$0xE60];
	_ =	sdelay $0x4  }
0x2f1: {  	(xrf1) =	vunique.msk.u32 $0xffff, v1;
	_ =	sdelay $0xd  }
0x2f2: {  	_, v2, vm0 =	vpop (xrf1);
	_ =	sdelay $0x3  }
0x2f3: {  	v2 =	vcvt.s32.f32 v2;
	_ =	sdelay $0x1  }
0x2f4: {  	[tilespmem:v1+s23+$0x0] =	vst.idx.add.f32.msk vm0, v2  }
0x2f5: {  	v1 =	vld [tilespmem:$0xE70];
	_ =	sdelay $0x4  }
0x2f6: {  	(xrf1) =	vunique.msk.u32 $0xffff, v1;
	_ =	sdelay $0xd  }
0x2f7: {  	_, v2, vm0 =	vpop (xrf1);
	_ =	sdelay $0x3  }
0x2f8: {  	v2 =	vcvt.s32.f32 v2;
	_ =	sdelay $0x1  }
0x2f9: {  	[tilespmem:v1+s23+$0x0] =	vst.idx.add.f32.msk vm0, v2  }
0x2fa: {  	_ =	swait.ge [sflag:s24], $0x4000  }
0x2fb: {  	[sflag:s24] =	ssyncset.done $0x0  }
0x2fc: {  	[sflag:s24] =	ssyncadd.s32 $0xFFFFC000  }
0x2fd: {  	[spmem:s1] =	stream.indirect.scatter.add.f32 [tilespmem:s18], [sflag:$0x6], $0x80, s9, s16, $0xb8;
	[tilespmem:$0x1EC00] =	vst v63  }
0x2fe: {  	v1 =	vld [tilespmem:$0xE80];
	_ =	sdelay $0x4  }
0x2ff: {  	(xrf1) =	vunique.msk.u32 $0xffff, v1;
	_ =	sdelay $0xd  }
0x300: {  	_, v2, vm0 =	vpop (xrf1);
	_ =	sdelay $0x3  }
0x301: {  	v2 =	vcvt.s32.f32 v2;
	_ =	sdelay $0x1  }
0x302: {  	[tilespmem:v1+s23+$0x0] =	vst.idx.add.f32.msk vm0, v2  }
0x303: {  	v1 =	vld [tilespmem:$0xE90];
	_ =	sdelay $0x4  }
0x304: {  	(xrf1) =	vunique.msk.u32 $0xffff, v1;
	_ =	sdelay $0xd  }
0x305: {  	_, v2, vm0 =	vpop (xrf1);
	_ =	sdelay $0x3  }
0x306: {  	v2 =	vcvt.s32.f32 v2;
	_ =	sdelay $0x1  }
0x307: {  	[tilespmem:v1+s23+$0x0] =	vst.idx.add.f32.msk vm0, v2  }
0x308: {  	v1 =	vld [tilespmem:$0xEA0];
	_ =	sdelay $0x4  }
0x309: {  	(xrf1) =	vunique.msk.u32 $0xffff, v1;
	_ =	sdelay $0xd  }
0x30a: {  	_, v2, vm0 =	vpop (xrf1);
	_ =	sdelay $0x3  }
0x30b: {  	v2 =	vcvt.s32.f32 v2;
	_ =	sdelay $0x1  }
0x30c: {  	[tilespmem:v1+s23+$0x0] =	vst.idx.add.f32.msk vm0, v2  }
0x30d: {  	v1 =	vld [tilespmem:$0xEB0];
	_ =	sdelay $0x4  }
0x30e: {  	(xrf1) =	vunique.msk.u32 $0xffff, v1;
	_ =	sdelay $0xd  }
0x30f: {  	_, v2, vm0 =	vpop (xrf1);
	_ =	sdelay $0x3  }
0x310: {  	v2 =	vcvt.s32.f32 v2;
	_ =	sdelay $0x1  }
0x311: {  	[tilespmem:v1+s23+$0x0] =	vst.idx.add.f32.msk vm0, v2  }
0x312: {  	v1 =	vld [tilespmem:$0xEC0];
	_ =	sdelay $0x4  }
0x313: {  	(xrf1) =	vunique.msk.u32 $0xffff, v1;
	_ =	sdelay $0xd  }
0x314: {  	_, v2, vm0 =	vpop (xrf1);
	_ =	sdelay $0x3  }
0x315: {  	v2 =	vcvt.s32.f32 v2;
	_ =	sdelay $0x1  }
0x316: {  	[tilespmem:v1+s23+$0x0] =	vst.idx.add.f32.msk vm0, v2  }
0x317: {  	v1 =	vld [tilespmem:$0xED0];
	_ =	sdelay $0x4  }
0x318: {  	(xrf1) =	vunique.msk.u32 $0xffff, v1;
	_ =	sdelay $0xd  }
0x319: {  	_, v2, vm0 =	vpop (xrf1);
	_ =	sdelay $0x3  }
0x31a: {  	v2 =	vcvt.s32.f32 v2;
	_ =	sdelay $0x1  }
0x31b: {  	[tilespmem:v1+s23+$0x0] =	vst.idx.add.f32.msk vm0, v2  }
0x31c: {  	v1 =	vld [tilespmem:$0xEE0];
	_ =	sdelay $0x4  }
0x31d: {  	(xrf1) =	vunique.msk.u32 $0xffff, v1;
	_ =	sdelay $0xd  }
0x31e: {  	_, v2, vm0 =	vpop (xrf1);
	_ =	sdelay $0x3  }
0x31f: {  	v2 =	vcvt.s32.f32 v2;
	_ =	sdelay $0x1  }
0x320: {  	[tilespmem:v1+s23+$0x0] =	vst.idx.add.f32.msk vm0, v2  }
0x321: {  	v1 =	vld [tilespmem:$0xEF0];
	_ =	sdelay $0x4  }
0x322: {  	(xrf1) =	vunique.msk.u32 $0xffff, v1;
	_ =	sdelay $0xd  }
0x323: {  	_, v2, vm0 =	vpop (xrf1);
	_ =	sdelay $0x3  }
0x324: {  	v2 =	vcvt.s32.f32 v2;
	_ =	sdelay $0x1  }
0x325: {  	[tilespmem:v1+s23+$0x0] =	vst.idx.add.f32.msk vm0, v2  }
0x326: {  	_ =	swait.ge [sflag:s26], $0x4000  }
0x327: {  	[sflag:s26] =	ssyncset.done $0x0  }
0x328: {  	[sflag:s26] =	ssyncadd.s32 $0xFFFFC000  }
0x329: {  	[spmem:s1] =	stream.indirect.scatter.add.f32 [tilespmem:s19], [sflag:$0x7], $0x80, s10, s16, $0xb8;
	[tilespmem:$0x1EC00] =	vst v63  }
0x32a: {  	v1 =	vld [tilespmem:$0xF00];
	_ =	sdelay $0x4  }
0x32b: {  	(xrf1) =	vunique.msk.u32 $0xffff, v1;
	_ =	sdelay $0xd  }
0x32c: {  	_, v2, vm0 =	vpop (xrf1);
	_ =	sdelay $0x3  }
0x32d: {  	v2 =	vcvt.s32.f32 v2;
	_ =	sdelay $0x1  }
0x32e: {  	[tilespmem:v1+s23+$0x0] =	vst.idx.add.f32.msk vm0, v2  }
0x32f: {  	v1 =	vld [tilespmem:$0xF10];
	_ =	sdelay $0x4  }
0x330: {  	(xrf1) =	vunique.msk.u32 $0xffff, v1;
	_ =	sdelay $0xd  }
0x331: {  	_, v2, vm0 =	vpop (xrf1);
	_ =	sdelay $0x3  }
0x332: {  	v2 =	vcvt.s32.f32 v2;
	_ =	sdelay $0x1  }
0x333: {  	[tilespmem:v1+s23+$0x0] =	vst.idx.add.f32.msk vm0, v2  }
0x334: {  	v1 =	vld [tilespmem:$0xF20];
	_ =	sdelay $0x4  }
0x335: {  	(xrf1) =	vunique.msk.u32 $0xffff, v1;
	_ =	sdelay $0xd  }
0x336: {  	_, v2, vm0 =	vpop (xrf1);
	_ =	sdelay $0x3  }
0x337: {  	v2 =	vcvt.s32.f32 v2;
	_ =	sdelay $0x1  }
0x338: {  	[tilespmem:v1+s23+$0x0] =	vst.idx.add.f32.msk vm0, v2  }
0x339: {  	v1 =	vld [tilespmem:$0xF30];
	_ =	sdelay $0x4  }
0x33a: {  	(xrf1) =	vunique.msk.u32 $0xffff, v1;
	_ =	sdelay $0xd  }
0x33b: {  	_, v2, vm0 =	vpop (xrf1);
	_ =	sdelay $0x3  }
0x33c: {  	v2 =	vcvt.s32.f32 v2;
	_ =	sdelay $0x1  }
0x33d: {  	[tilespmem:v1+s23+$0x0] =	vst.idx.add.f32.msk vm0, v2  }
0x33e: {  	v1 =	vld [tilespmem:$0xF40];
	_ =	sdelay $0x4  }
0x33f: {  	(xrf1) =	vunique.msk.u32 $0xffff, v1;
	_ =	sdelay $0xd  }
0x340: {  	_, v2, vm0 =	vpop (xrf1);
	_ =	sdelay $0x3  }
0x341: {  	v2 =	vcvt.s32.f32 v2;
	_ =	sdelay $0x1  }
0x342: {  	[tilespmem:v1+s23+$0x0] =	vst.idx.add.f32.msk vm0, v2  }
0x343: {  	v1 =	vld [tilespmem:$0xF50];
	_ =	sdelay $0x4  }
0x344: {  	(xrf1) =	vunique.msk.u32 $0xffff, v1;
	_ =	sdelay $0xd  }
0x345: {  	_, v2, vm0 =	vpop (xrf1);
	_ =	sdelay $0x3  }
0x346: {  	v2 =	vcvt.s32.f32 v2;
	_ =	sdelay $0x1  }
0x347: {  	[tilespmem:v1+s23+$0x0] =	vst.idx.add.f32.msk vm0, v2  }
0x348: {  	v1 =	vld [tilespmem:$0xF60];
	_ =	sdelay $0x4  }
0x349: {  	(xrf1) =	vunique.msk.u32 $0xffff, v1;
	_ =	sdelay $0xd  }
0x34a: {  	_, v2, vm0 =	vpop (xrf1);
	_ =	sdelay $0x3  }
0x34b: {  	v2 =	vcvt.s32.f32 v2;
	_ =	sdelay $0x1  }
0x34c: {  	[tilespmem:v1+s23+$0x0] =	vst.idx.add.f32.msk vm0, v2  }
0x34d: {  	v1 =	vld [tilespmem:$0xF70];
	_ =	sdelay $0x4  }
0x34e: {  	(xrf1) =	vunique.msk.u32 $0xffff, v1;
	_ =	sdelay $0xd  }
0x34f: {  	_, v2, vm0 =	vpop (xrf1);
	_ =	sdelay $0x3  }
0x350: {  	v2 =	vcvt.s32.f32 v2;
	_ =	sdelay $0x1  }
0x351: {  	[tilespmem:v1+s23+$0x0] =	vst.idx.add.f32.msk vm0, v2  }
0x352: {  	_ =	swait.ge [sflag:s29], $0x4000  }
0x353: {  	[sflag:s29] =	ssyncset.done $0x0  }
0x354: {  	[sflag:s29] =	ssyncadd.s32 $0xFFFFC000  }
0x355: {  	[spmem:s1] =	stream.indirect.scatter.add.f32 [tilespmem:s20], [sflag:$0x8], $0x80, s31, s16, $0xb8;
	[tilespmem:$0x1EC00] =	vst v63  }
0x356: {  	v1 =	vld [tilespmem:$0xF80];
	_ =	sdelay $0x4  }
0x357: {  	(xrf1) =	vunique.msk.u32 $0xffff, v1;
	_ =	sdelay $0xd  }
0x358: {  	_, v2, vm0 =	vpop (xrf1);
	_ =	sdelay $0x3  }
0x359: {  	v2 =	vcvt.s32.f32 v2;
	_ =	sdelay $0x1  }
0x35a: {  	[tilespmem:v1+s23+$0x0] =	vst.idx.add.f32.msk vm0, v2  }
0x35b: {  	v1 =	vld [tilespmem:$0xF90];
	_ =	sdelay $0x4  }
0x35c: {  	(xrf1) =	vunique.msk.u32 $0xffff, v1;
	_ =	sdelay $0xd  }
0x35d: {  	_, v2, vm0 =	vpop (xrf1);
	_ =	sdelay $0x3  }
0x35e: {  	v2 =	vcvt.s32.f32 v2;
	_ =	sdelay $0x1  }
0x35f: {  	[tilespmem:v1+s23+$0x0] =	vst.idx.add.f32.msk vm0, v2  }
0x360: {  	v1 =	vld [tilespmem:$0xFA0];
	_ =	sdelay $0x4  }
0x361: {  	(xrf1) =	vunique.msk.u32 $0xffff, v1;
	_ =	sdelay $0xd  }
0x362: {  	_, v2, vm0 =	vpop (xrf1);
	_ =	sdelay $0x3  }
0x363: {  	v2 =	vcvt.s32.f32 v2;
	_ =	sdelay $0x1  }
0x364: {  	[tilespmem:v1+s23+$0x0] =	vst.idx.add.f32.msk vm0, v2  }
0x365: {  	v1 =	vld [tilespmem:$0xFB0];
	_ =	sdelay $0x4  }
0x366: {  	(xrf1) =	vunique.msk.u32 $0xffff, v1;
	_ =	sdelay $0xd  }
0x367: {  	_, v2, vm0 =	vpop (xrf1);
	_ =	sdelay $0x3  }
0x368: {  	v2 =	vcvt.s32.f32 v2;
	_ =	sdelay $0x1  }
0x369: {  	[tilespmem:v1+s23+$0x0] =	vst.idx.add.f32.msk vm0, v2  }
0x36a: {  	v1 =	vld [tilespmem:$0xFC0];
	_ =	sdelay $0x4  }
0x36b: {  	(xrf1) =	vunique.msk.u32 $0xffff, v1;
	_ =	sdelay $0xd  }
0x36c: {  	_, v2, vm0 =	vpop (xrf1);
	_ =	sdelay $0x3  }
0x36d: {  	v2 =	vcvt.s32.f32 v2;
	_ =	sdelay $0x1  }
0x36e: {  	[tilespmem:v1+s23+$0x0] =	vst.idx.add.f32.msk vm0, v2  }
0x36f: {  	v1 =	vld [tilespmem:$0xFD0];
	_ =	sdelay $0x4  }
0x370: {  	(xrf1) =	vunique.msk.u32 $0xffff, v1;
	_ =	sdelay $0xd  }
0x371: {  	_, v2, vm0 =	vpop (xrf1);
	_ =	sdelay $0x3  }
0x372: {  	v2 =	vcvt.s32.f32 v2;
	_ =	sdelay $0x1  }
0x373: {  	[tilespmem:v1+s23+$0x0] =	vst.idx.add.f32.msk vm0, v2  }
0x374: {  	v1 =	vld [tilespmem:$0xFE0];
	_ =	sdelay $0x4  }
0x375: {  	(xrf1) =	vunique.msk.u32 $0xffff, v1;
	_ =	sdelay $0xd  }
0x376: {  	_, v2, vm0 =	vpop (xrf1);
	_ =	sdelay $0x3  }
0x377: {  	v2 =	vcvt.s32.f32 v2;
	_ =	sdelay $0x1  }
0x378: {  	[tilespmem:v1+s23+$0x0] =	vst.idx.add.f32.msk vm0, v2  }
0x379: {  	v1 =	vld [tilespmem:$0xFF0];
	_ =	sdelay $0x4  }
0x37a: {  	(xrf1) =	vunique.msk.u32 $0xffff, v1;
	_ =	sdelay $0xd  }
0x37b: {  	_, v2, vm0 =	vpop (xrf1);
	_ =	sdelay $0x3  }
0x37c: {  	v2 =	vcvt.s32.f32 v2;
	_ =	sdelay $0x1  }
0x37d: {  	[tilespmem:v1+s23+$0x0] =	vst.idx.add.f32.msk vm0, v2  }
0x37e: {  	_ =	swait.ge [sflag:s22], $0x4000  }
0x37f: {  	[sflag:s22] =	ssyncset.done $0x0  }
0x380: {  	[sflag:s22] =	ssyncadd.s32 $0xFFFFC000  }
0x381: {  	_ =	swait.ge [sflag:s25], $0x4000  }
0x382: {  	[sflag:s25] =	ssyncset.done $0x0  }
0x383: {  	[sflag:s25] =	ssyncadd.s32 $0xFFFFC000  }
0x384: {  	p0 =	sne.s32 s12, $0x400;
	_ =	swait.ge [sflag:s28], $0x4000  }
.Ltmp2:
0x385: {  	[sflag:s28] =	ssyncset.done $0x0;
	(pc) =	sbr.rel @p0 .LBB2_6-.Ltmp2, $4  }
0x386: {  	[sflag:s28] =	ssyncadd.s32 $0xFFFFC000  }
0x387: {  	_ =	swait.ge [sflag:s30], $0x4000  }
0x388: {  	[sflag:s30] =	ssyncset.done $0x0  }
0x389: {  	s12 =	sadd.s32 $0x100, s12;
	[sflag:s30] =	ssyncadd.s32 $0xFFFFC000  }
0x38a: {  	[bflag:$0x0] =	sbarrier.arrive $0xFFFF  }
0x38b: {  	[tilespmem:s17], [sflag:$0x9] =	stream.linear.gather [spmem:s5], $0x4000, $0x38;
	[tilespmem:$0x1EC00] =	vst v63  }
0x38c: {  	_ =	swait.ge [sflag:s14], $0x4000  }
0x38d: {  	[sflag:s14] =	ssyncset.done $0x0  }
0x38e: {  	s0 =	rddreg [dreg:$0x1d];
	[sflag:s14] =	ssyncadd.s32 $0xFFFFC000  }
0x38f: {  	[hbm4b:s0+s3] =	stream.linear.scatter [tilespmem:s17], [sflag:$0x9], $0x4000, $0x38;
	[tilespmem:$0x1EC00] =	vst v63  }
0x390: {  	_ =	swait.ge [sflag:s14], $0x4000  }
0x391: {  	[sflag:s14] =	ssyncset.done $0x0  }
0x392: {  	s12 =	rddreg [dreg:$0x1e];
	[sflag:s14] =	ssyncadd.s32 $0xFFFFC000  }
0x393: {  	[tilespmem:s18], [sflag:$0x9] =	stream.linear.gather [spmem:s12], $0x4000, $0x38;
	[tilespmem:$0x1EC00] =	vst v63  }
0x394: {  	_ =	swait.ge [sflag:s14], $0x4000  }
0x395: {  	[sflag:s14] =	ssyncset.done $0x0  }
0x396: {  	s11 =	rddreg [dreg:$0x1f];
	[sflag:s14] =	ssyncadd.s32 $0xFFFFC000  }
0x397: {  	[hbm4b:s11+s3] =	stream.linear.scatter [tilespmem:s18], [sflag:$0x9], $0x4000, $0x38;
	[tilespmem:$0x1EC00] =	vst v63  }
0x398: {  	_ =	swait.ge [sflag:s14], $0x4000  }
0x399: {  	s12 =	sld [smem:$0x7FA]  }
0x39a: {  	[sflag:s14] =	ssyncset.done $0x0  }
0x39b: {  	[sflag:s14] =	ssyncadd.s32 $0xFFFFC000  }
0x39c: {  	[tilespmem:s19], [sflag:$0x9] =	stream.linear.gather [spmem:s12], $0x4000, $0x38;
	[tilespmem:$0x1EC00] =	vst v63  }
0x39d: {  	_ =	swait.ge [sflag:s14], $0x4000  }
0x39e: {  	s11 =	sld [smem:$0x7FB]  }
0x39f: {  	[sflag:s14] =	ssyncset.done $0x0  }
0x3a0: {  	[sflag:s14] =	ssyncadd.s32 $0xFFFFC000  }
0x3a1: {  	[hbm4b:s11+s3] =	stream.linear.scatter [tilespmem:s19], [sflag:$0x9], $0x4000, $0x38;
	[tilespmem:$0x1EC00] =	vst v63  }
0x3a2: {  	_ =	swait.ge [sflag:s14], $0x4000  }
0x3a3: {  	s12 =	sld [smem:$0x7FC]  }
0x3a4: {  	[sflag:s14] =	ssyncset.done $0x0  }
0x3a5: {  	[sflag:s14] =	ssyncadd.s32 $0xFFFFC000  }
0x3a6: {  	[hbm4b:s12+s16] =	stream.strided.scatter [tilespmem:s23], [sflag:$0x9], $0x1800, s2, s16, $0x38;
	[tilespmem:$0x1EC00] =	vst v63  }
0x3a7: {  	_ =	swait.ge [sflag:s14], $0x1800  }
0x3a8: {  	s11 =	sld [smem:$0x7F9]  }
0x3a9: {  	s12 =	sld [smem:$0x7FD];
	_ =	sdelay $0x1  }
0x3aa: {  	s2 =	sadd.s32 $0x1, s11  }
0x3ab: {  	p0 =	sne.s32 s2, s12  }
.Ltmp3:
0x3ac: {  	_ = 	snop;
	(pc) =	sbr.rel @p0 .LBB2_1-.Ltmp3, $3  }
0x3ad: {  	_ =	sdelay $0x1  }
0x3ae: {  	[sflag:s14] =	ssyncset.done $0x0  }
0x3af: {  	[sflag:s14] =	ssyncadd.s32 $0xFFFFE800  }
0x3b0: {  	_ =	sfence.sel $0x180000  }
0x3b1: {  	[bflag:$0x0] =	sbarrier.arrive $0xFFFF  }
0x3b2: {  	_ =	strace $0x90000047  }
0x3b3: {  	s0 =	stileid.u32;
	[bflag:$0x2] =	sbarrier.arrive $0xFFFF  }
0x3b4: {  	p0 =	sne.s32 s0, $0x0;
	s0 =	rddreg [dreg:$0x5]  }
0x3b5: {  	s0 =	sadd.s32 @!p0 $0x100000, s0  }
0x3b6: {  	[sflag:s0] =	ssyncadd.tile.s32 @!p0 $0x1;
	_ =	shalt  }
.Lfunc_end2:
_tile_overlayer_lowered:
.L_overlay_start_2:
0x3b7: {  	(tag) =	ssettag $0x2  }
0x3b8: {  	s0 =	rddreg [dreg:$0x0];
	s2 =	stileid.u32  }
0x3b9: {  	s1 =	rddreg [dreg:$0x1];
	p0 =	sne.s32 s2, $0x0  }
0x3ba: {  	s3 =	rddreg [dreg:$0x2];
	[bflag:$0x3] =	sbarrier.arrive $0xFFFF;
	s2 =	simm.s32 @!p0 $0x1C09  }
0x3bb: {  	[timem:s3], [sflag:s2] =	dma.local @!p0 [hbm:s0], s1  }
0x3bc: {  	s0 =	simm.s32 @!p0 $0x9  }
0x3bd: {  	_ =	swait.ge @!p0 [sflag:s0], s1  }
0x3be: {  	s1 =	ssub.s32 @!p0 $0x0, s1;
	[sflag:s0] =	ssyncset.done @!p0 $0x0  }
0x3bf: {  	[sflag:s0] =	ssyncadd.s32 @!p0 s1  }
0x3c0: {  	[bflag:$0x3] =	sbarrier.arrive $0xFFFF  }
0x3c1: {  	_ =	shalt  }

</sc_bundles>
